<compile_context>
chip_gen: v7x
topology: tpu7x:2x2x1
jax: 0.10.2.dev20260603
libtpu: 0.0.44.dev20260713+nightly
codegen_flags: <defaults>
</compile_context>

<pallas_src>
import jax
import jax.numpy as jnp
from jax import lax
from jax.experimental import pallas as pl
from jax.experimental.pallas import tpu as pltpu
from jax.experimental.pallas import tpu_sc as plsc

_B, _S, _D = 256, 4096, 64
_NC, _NS = 2, 16
_NW = _NC * _NS
_SG = 8
_RG = _NW // _SG
_SB = _S // _SG
_RB = _B // _RG
_L = 16


def _sc_body(x_hbm, embx_hbm, ids_hbm, copy_hbm, typed_hbm,
             ids_v, embx_v, fbuf, xb0, xb1,
             si0, si1, sc0, sc1, st0, st1):
    wid = lax.axis_index("s") * _NC + lax.axis_index("c")
    s0 = (wid % _SG) * _SB
    r0 = (wid // _SG) * _RB

    pltpu.sync_copy(ids_hbm.at[pl.ds(s0, _SB)], ids_v)
    pltpu.sync_copy(embx_hbm, embx_v)

    def pat_body(d, _):
        for g in range(_SB // _L):
            sl = pl.ds(g * _L, _L)
            tv = ids_v[sl]
            fbuf[d, sl] = jnp.where(
                tv == 0, embx_v[d, pl.ds(0, _L)],
                jnp.where(tv == 1, embx_v[d, pl.ds(_L, _L)],
                          embx_v[d, pl.ds(2 * _L, _L)]))
        return 0

    lax.fori_loop(0, _D, pat_body, 0)

    mn = ids_v[pl.ds(0, _L)]
    mx = mn
    for g in range(1, _SB // _L):
        tv = ids_v[pl.ds(g * _L, _L)]
        mn = jnp.minimum(mn, tv)
        mx = jnp.maximum(mx, tv)
    t0 = mn[0]
    uniform = mx[0] == t0
    for k in range(1, _L):
        uniform = jnp.logical_and(
            uniform, jnp.logical_and(mn[k] == t0, mx[k] == t0))

    def xsl(r):
        return x_hbm.at[r, :, pl.ds(s0, _SB)]

    def add_chunk(xb):
        @pl.when(uniform)
        def _():
            def fast_body(d, _):
                pv = fbuf[d, pl.ds(0, _L)]
                for g in range(_SB // _L):
                    sl = pl.ds(g * _L, _L)
                    xb[d, sl] = xb[d, sl] + pv
                return 0
            lax.fori_loop(0, _D, fast_body, 0)

        @pl.when(jnp.logical_not(uniform))
        def _():
            def add_body(d, _):
                for g in range(_SB // _L):
                    sl = pl.ds(g * _L, _L)
                    xb[d, sl] = xb[d, sl] + fbuf[d, sl]
                return 0
            lax.fori_loop(0, _D, add_body, 0)

    pltpu.async_copy(xsl(r0), xb0, si0)

    def pair_body(i, _):
        a = r0 + 2 * i
        b = a + 1

        @pl.when(i > 0)
        def _():
            pltpu.make_async_copy(xsl(b), xb1, st1).wait()
        pltpu.async_copy(xsl(b), xb1, si1)

        pltpu.make_async_copy(xsl(a), xb0, si0).wait()
        d_co0 = pltpu.async_copy(xb0, copy_hbm.at[a, :, pl.ds(s0, _SB)], sc0)
        d_co0.wait()
        add_chunk(xb0)
        pltpu.async_copy(xb0, typed_hbm.at[a, :, pl.ds(s0, _SB)], st0)

        pltpu.make_async_copy(xsl(b), xb1, si1).wait()
        d_co1 = pltpu.async_copy(xb1, copy_hbm.at[b, :, pl.ds(s0, _SB)], sc1)

        pltpu.make_async_copy(xsl(a), xb0, st0).wait()
        @pl.when(i < _RB // 2 - 1)
        def _():
            pltpu.async_copy(xsl(a + 2), xb0, si0)

        d_co1.wait()
        add_chunk(xb1)
        pltpu.async_copy(xb1, typed_hbm.at[b, :, pl.ds(s0, _SB)], st1)
        return 0

    lax.fori_loop(0, _RB // 2, pair_body, 0)

    pltpu.make_async_copy(xsl(r0), xb1, st1).wait()


def _tc_feat_body(ids_ref, embt_ref, feat_ref, pat_ref):
    @pl.when(pl.program_id(0) == 0)
    def _():
        tb = jnp.broadcast_to(ids_ref[...], (_D, _S))
        p = jnp.broadcast_to(embt_ref[:, 2:3], (_D, _S))
        for tt in (1, 0):
            p = jnp.where(tb == tt,
                          jnp.broadcast_to(embt_ref[:, tt:tt + 1], (_D, _S)),
                          p)
        pat_ref[...] = p
    feat_ref[0] = pat_ref[...]


def kernel(slot_states, type_emb, slot_type_ids):
    B, S, D = slot_states.shape
    ids = slot_type_ids.astype(jnp.int32)
    xt = jnp.swapaxes(slot_states, 1, 2)
    embx = jnp.repeat(type_emb.T[:, :, None], _L, axis=2).reshape(D, 3 * _L)

    sc = pl.kernel(
        _sc_body,
        out_type=[jax.ShapeDtypeStruct((B, D, S), jnp.float32)] * 2,
        mesh=plsc.VectorSubcoreMesh(
            core_axis_name="c", subcore_axis_name="s",
            num_cores=_NC, num_subcores=_NS),
        scratch_types=[
            pltpu.VMEM((_SB,), jnp.int32),
            pltpu.VMEM((_D, 3 * _L), jnp.float32),
            pltpu.VMEM((_D, _SB), jnp.float32),
            pltpu.VMEM((_D, _SB), jnp.float32),
            pltpu.VMEM((_D, _SB), jnp.float32),
        ] + [pltpu.SemaphoreType.DMA] * 6,
    )
    copy_t, typed_t = sc(xt, embx, ids)

    embt8 = jnp.concatenate(
        [type_emb.T, jnp.zeros((D, 8 - type_emb.shape[0]), type_emb.dtype)],
        axis=1)
    feat_t = pl.pallas_call(
        _tc_feat_body,
        grid=(B,),
        in_specs=[
            pl.BlockSpec((1, S), lambda b: (0, 0)),
            pl.BlockSpec((D, 8), lambda b: (0, 0)),
        ],
        out_specs=pl.BlockSpec((1, D, S), lambda b: (b, 0, 0)),
        out_shape=jax.ShapeDtypeStruct((B, D, S), jnp.float32),
        scratch_shapes=[pltpu.VMEM((_D, _S), jnp.float32)],
    )(ids.reshape(1, S), embt8)

    type_ids = jnp.broadcast_to(slot_type_ids[None, :], (B, S))
    slot_mask = jnp.ones((B, S), dtype=jnp.bool_)
    return (jnp.swapaxes(copy_t, 1, 2), jnp.swapaxes(typed_t, 1, 2),
            type_ids, jnp.swapaxes(feat_t, 1, 2), slot_mask)

# --- scband reference (transcript-rebuilt; emitter-appended) ---
"""Pipeline reference for scband-slot-bank-3332894621795 (READ-ONLY COPY).

The authoritative reference and input builder live on the scoring server;
editing this copy changes nothing except your own understanding.
"""

import jax, jax.numpy as jnp
import numpy as np

SLOT_LAYOUT = {"entity": 2048, "relation": 1024, "scratch": 1024}
SLOT_DIM = 64
BATCH = 256


def _slot_type_ids():
    ids = []
    for tid, (name, cnt) in enumerate(SLOT_LAYOUT.items()):
        ids.extend([tid] * cnt)
    return jnp.asarray(np.array(ids, dtype=np.int64))


def setup_inputs(seed: int = 0) -> dict:
    key = jax.random.key(seed)
    k1, k2 = jax.random.split(key)
    num_slots = sum(SLOT_LAYOUT.values())
    slot_states = jax.random.normal(k1, (BATCH, num_slots, SLOT_DIM), dtype=jnp.float32)
    # learned type embedding table, init std = init_scale (0.02)
    type_emb = jax.random.normal(k2, (len(SLOT_LAYOUT), SLOT_DIM), dtype=jnp.float32) * 0.02
    return {"slot_states": slot_states, "type_emb": type_emb, "slot_type_ids": _slot_type_ids()}


def reference(slot_states, type_emb, slot_type_ids):
    # Faithful translation of SlotBank.forward(slot_states=...) -> compose(slot_states)
    batch = slot_states.shape[0]
    num_slots = slot_states.shape[1]
    type_ids = jnp.broadcast_to(slot_type_ids[None, :], (batch, num_slots))
    # embedding lookup: type_embeddings(type_ids)
    type_features = jnp.take(type_emb, type_ids, axis=0)
    typed_states = slot_states + type_features
    slot_mask = jnp.ones((batch, num_slots), dtype=jnp.bool_)
    return (slot_states, typed_states, type_ids, type_features, slot_mask)

if __name__ == "__main__":
    import jax
    _d = setup_inputs()
    print(jax.jit(kernel)(*tuple(_d.values())))

</pallas_src>

<mosaic_0001>
#map = affine_map<(d0, d1) -> (0, 0, 0)>
#map1 = affine_map<(d0, d1) -> (0, 0)>
#map2 = affine_map<(d0, d1) -> (0)>
module attributes {stable_mosaic.version = 14 : i64} {
  func.func @_sc_body(%arg0: i32, %arg1: i32, %arg2: memref<256x64x4096xf32, #tpu.memory_space<hbm>>, %arg3: memref<64x48xf32, #tpu.memory_space<hbm>>, %arg4: memref<4096xi32, #tpu.memory_space<hbm>>, %arg5: memref<256x64x4096xf32, #tpu.memory_space<hbm>>, %arg6: memref<256x64x4096xf32, #tpu.memory_space<hbm>>, %arg7: memref<512xi32, #tpu.memory_space<vmem>>, %arg8: memref<64x48xf32, #tpu.memory_space<vmem>>, %arg9: memref<64x512xf32, #tpu.memory_space<vmem>>, %arg10: memref<64x512xf32, #tpu.memory_space<vmem>>, %arg11: memref<64x512xf32, #tpu.memory_space<vmem>>, %arg12: memref<!tpu.dma_semaphore, #tpu.memory_space<semaphore_mem>>, %arg13: memref<!tpu.dma_semaphore, #tpu.memory_space<semaphore_mem>>, %arg14: memref<!tpu.dma_semaphore, #tpu.memory_space<semaphore_mem>>, %arg15: memref<!tpu.dma_semaphore, #tpu.memory_space<semaphore_mem>>, %arg16: memref<!tpu.dma_semaphore, #tpu.memory_space<semaphore_mem>>, %arg17: memref<!tpu.dma_semaphore, #tpu.memory_space<semaphore_mem>>) attributes {dimension_semantics = [#tpu.dimension_semantics<core_parallel>, #tpu.dimension_semantics<subcore_parallel>], iteration_bounds = array<i64: 2, 16>, scalar_prefetch = 0 : i64, scratch_operands = 11 : i64, tpu.core_type = #tpu.core_type<sc_vector_subcore>, window_params = [{transform_indices = #map}, {transform_indices = #map1}, {transform_indices = #map2}, {transform_indices = #map}, {transform_indices = #map}]} {
    %mul3A = arith.constant 2 : i32
    %mul3A_0 = arith.muli %arg1, %mul3A : i32
    %add3A = arith.addi %mul3A_0, %arg0 : i32
    %jit3A = arith.constant 8 : i32
    %eq3A = arith.constant 0 : i32
    %eq3A_1 = arith.cmpi eq, %jit3A, %eq3A : i32
    %jit3A_2 = arith.constant 1 : i32
    %select_n3A = arith.select %eq3A_1, %jit3A_2, %jit3A : i32
    %rem3A = arith.remsi %add3A, %select_n3A : i32
    %ne3A = arith.constant 0 : i32
    %ne3A_3 = arith.cmpi ne, %rem3A, %ne3A : i32
    %lt3A = arith.constant 0 : i32
    %lt3A_4 = arith.cmpi slt, %rem3A, %lt3A : i32
    %lt3A_5 = arith.constant 0 : i32
    %lt3A_6 = arith.cmpi slt, %select_n3A, %lt3A_5 : i32
    %ne3A_7 = arith.xori %lt3A_4, %lt3A_6 : i1
    %and3A = arith.andi %ne3A_7, %ne3A_3 : i1
    %add3A_8 = arith.addi %rem3A, %select_n3A : i32
    %select_n3A_9 = arith.select %and3A, %add3A_8, %rem3A : i32
    %mul3A_10 = arith.constant 512 : i32
    %mul3A_11 = arith.muli %select_n3A_9, %mul3A_10 : i32
    %jit3A_12 = arith.constant 8 : i32
    %div3A = arith.divsi %add3A, %jit3A_12 : i32
    %sign3A = arith.constant 0 : i32
    %sign3A_13 = arith.cmpi sgt, %add3A, %sign3A : i32
    %sign3A_14 = arith.extui %sign3A_13 : i1 to i32
    %sign3A_15 = arith.constant 0 : i32
    %sign3A_16 = arith.cmpi slt, %add3A, %sign3A_15 : i32
    %sign3A_17 = arith.extui %sign3A_16 : i1 to i32
    %sign3A_18 = arith.subi %sign3A_14, %sign3A_17 : i32
    %sign3A_19 = arith.constant 0 : i32
    %sign3A_20 = arith.cmpi sgt, %jit3A_12, %sign3A_19 : i32
    %sign3A_21 = arith.extui %sign3A_20 : i1 to i32
    %sign3A_22 = arith.constant 0 : i32
    %sign3A_23 = arith.cmpi slt, %jit3A_12, %sign3A_22 : i32
    %sign3A_24 = arith.extui %sign3A_23 : i1 to i32
    %sign3A_25 = arith.subi %sign3A_21, %sign3A_24 : i32
    %ne3A_26 = arith.cmpi ne, %sign3A_18, %sign3A_25 : i32
    %rem3A_27 = arith.remsi %add3A, %jit3A_12 : i32
    %ne3A_28 = arith.constant 0 : i32
    %ne3A_29 = arith.cmpi ne, %rem3A_27, %ne3A_28 : i32
    %and3A_30 = arith.andi %ne3A_26, %ne3A_29 : i1
    %sub3A = arith.constant 1 : i32
    %sub3A_31 = arith.subi %div3A, %sub3A : i32
    %select_n3A_32 = arith.select %and3A_30, %sub3A_31, %div3A : i32
    %mul3A_33 = arith.constant 64 : i32
    %mul3A_34 = arith.muli %select_n3A_32, %mul3A_33 : i32
    "tpu.region"() ({
      %run_scoped3A = tpu.sem_alloc : memref<!tpu.dma_semaphore, #tpu.memory_space<semaphore_mem>>
      %dma_start3A_336 = tpu.memref_slice %arg4[%mul3A_11] : memref<4096xi32, #tpu.memory_space<hbm>> -> memref<512xi32, #tpu.memory_space<hbm>>
      %dma_start3A_337 = tpu.memref_slice %arg4[%mul3A_11] : memref<4096xi32, #tpu.memory_space<hbm>> -> memref<512xi32, #tpu.memory_space<hbm>>
      tpu.enqueue_dma source(%dma_start3A_337 : memref<512xi32, #tpu.memory_space<hbm>>) target(%arg7 : memref<512xi32, #tpu.memory_space<vmem>>) target_semaphore(%run_scoped3A : memref<!tpu.dma_semaphore, #tpu.memory_space<semaphore_mem>>)
      %dma_wait3A_338 = tpu.memref_slice %arg4[%mul3A_11] : memref<4096xi32, #tpu.memory_space<hbm>> -> memref<512xi32, #tpu.memory_space<hbm>>
      %dma_wait3A_339 = tpu.memref_slice %arg4[%mul3A_11] : memref<4096xi32, #tpu.memory_space<hbm>> -> memref<512xi32, #tpu.memory_space<hbm>>
      tpu.wait_dma2 semaphore(%run_scoped3A : memref<!tpu.dma_semaphore, #tpu.memory_space<semaphore_mem>>) src(%dma_wait3A_339 : memref<512xi32, #tpu.memory_space<hbm>>) dst(%arg7 : memref<512xi32, #tpu.memory_space<vmem>>)
      tpu.yield
    }) : () -> ()
    "tpu.region"() ({
      %run_scoped3A = tpu.sem_alloc : memref<!tpu.dma_semaphore, #tpu.memory_space<semaphore_mem>>
      tpu.enqueue_dma source(%arg3 : memref<64x48xf32, #tpu.memory_space<hbm>>) target(%arg8 : memref<64x48xf32, #tpu.memory_space<vmem>>) target_semaphore(%run_scoped3A : memref<!tpu.dma_semaphore, #tpu.memory_space<semaphore_mem>>)
      tpu.wait_dma2 semaphore(%run_scoped3A : memref<!tpu.dma_semaphore, #tpu.memory_space<semaphore_mem>>) src(%arg3 : memref<64x48xf32, #tpu.memory_space<hbm>>) dst(%arg8 : memref<64x48xf32, #tpu.memory_space<vmem>>)
      tpu.yield
    }) : () -> ()
    %scan3A = arith.constant 0 : i32
    %scan3A_35 = arith.constant 0 : i32
    %scan3A_36 = arith.constant 64 : i32
    %scan3A_37 = arith.addi %scan3A_35, %scan3A_36 : i32
    %scan3A_38 = arith.constant 1 : i32
    %scan3A_39 = scf.for %scan3A_336 = %scan3A_35 to %scan3A_37 step %scan3A_38 iter_args(%scan3A_337 = %scan3A) -> (i32)  : i32 {
      %get3A_338 = arith.constant 0 : index
      %get3A_339 = tpu.vector_load %arg7[%get3A_338] {strides = array<i32>} : memref<512xi32, #tpu.memory_space<vmem>>, vector<16xi32>,
      %get3A_340 = vector.shape_cast %get3A_339 : vector<16xi32> to vector<16xi32>
      %eq3A_341 = arith.constant 0 : i32
      %eq3A_342 = vector.broadcast %eq3A_341 : i32 to vector<16xi32>
      %eq3A_343 = arith.cmpi eq, %get3A_340, %eq3A_342 : vector<16xi32>
      %get3A_344 = arith.index_cast %scan3A_336 : i32 to index
      %get3A_345 = arith.constant 0 : index
      %get3A_346 = tpu.vector_load %arg8[%get3A_344, %get3A_345] {strides = array<i32>} : memref<64x48xf32, #tpu.memory_space<vmem>>, vector<1x16xf32>,
      %get3A_347 = vector.shape_cast %get3A_346 : vector<1x16xf32> to vector<16xf32>
      %eq3A_348 = arith.constant 1 : i32
      %eq3A_349 = vector.broadcast %eq3A_348 : i32 to vector<16xi32>
      %eq3A_350 = arith.cmpi eq, %get3A_340, %eq3A_349 : vector<16xi32>
      %get3A_351 = arith.index_cast %scan3A_336 : i32 to index
      %get3A_352 = arith.constant 16 : index
      %get3A_353 = tpu.vector_load %arg8[%get3A_351, %get3A_352] {strides = array<i32>} : memref<64x48xf32, #tpu.memory_space<vmem>>, vector<1x16xf32>,
      %get3A_354 = vector.shape_cast %get3A_353 : vector<1x16xf32> to vector<16xf32>
      %get3A_355 = arith.index_cast %scan3A_336 : i32 to index
      %get3A_356 = arith.constant 32 : index
      %get3A_357 = tpu.vector_load %arg8[%get3A_355, %get3A_356] {strides = array<i32>} : memref<64x48xf32, #tpu.memory_space<vmem>>, vector<1x16xf32>,
      %get3A_358 = vector.shape_cast %get3A_357 : vector<1x16xf32> to vector<16xf32>
      %select_n3A_359 = arith.select %eq3A_350, %get3A_354, %get3A_358 : vector<16xi1>, vector<16xf32>
      %select_n3A_360 = arith.select %eq3A_343, %get3A_347, %select_n3A_359 : vector<16xi1>, vector<16xf32>
      %swap3A = arith.index_cast %scan3A_336 : i32 to index
      %swap3A_361 = arith.constant 0 : index
      %swap3A_362 = tpu.vector_load %arg9[%swap3A, %swap3A_361] {strides = array<i32>} : memref<64x512xf32, #tpu.memory_space<vmem>>, vector<1x16xf32>,
      %swap3A_363 = vector.shape_cast %swap3A_362 : vector<1x16xf32> to vector<16xf32>
      %swap3A_364 = vector.shape_cast %select_n3A_360 : vector<16xf32> to vector<1x16xf32>
      tpu.vector_store %arg9[%swap3A, %swap3A_361], %swap3A_364 {strides = array<i32>} : memref<64x512xf32, #tpu.memory_space<vmem>>, vector<1x16xf32>,
      %get3A_365 = arith.constant 16 : index
      %get3A_366 = tpu.vector_load %arg7[%get3A_365] {strides = array<i32>} : memref<512xi32, #tpu.memory_space<vmem>>, vector<16xi32>,
      %get3A_367 = vector.shape_cast %get3A_366 : vector<16xi32> to vector<16xi32>
      %eq3A_368 = arith.constant 0 : i32
      %eq3A_369 = vector.broadcast %eq3A_368 : i32 to vector<16xi32>
      %eq3A_370 = arith.cmpi eq, %get3A_367, %eq3A_369 : vector<16xi32>
      %get3A_371 = arith.index_cast %scan3A_336 : i32 to index
      %get3A_372 = arith.constant 0 : index
      %get3A_373 = tpu.vector_load %arg8[%get3A_371, %get3A_372] {strides = array<i32>} : memref<64x48xf32, #tpu.memory_space<vmem>>, vector<1x16xf32>,
      %get3A_374 = vector.shape_cast %get3A_373 : vector<1x16xf32> to vector<16xf32>
      %eq3A_375 = arith.constant 1 : i32
      %eq3A_376 = vector.broadcast %eq3A_375 : i32 to vector<16xi32>
      %eq3A_377 = arith.cmpi eq, %get3A_367, %eq3A_376 : vector<16xi32>
      %get3A_378 = arith.index_cast %scan3A_336 : i32 to index
      %get3A_379 = arith.constant 16 : index
      %get3A_380 = tpu.vector_load %arg8[%get3A_378, %get3A_379] {strides = array<i32>} : memref<64x48xf32, #tpu.memory_space<vmem>>, vector<1x16xf32>,
      %get3A_381 = vector.shape_cast %get3A_380 : vector<1x16xf32> to vector<16xf32>
      %get3A_382 = arith.index_cast %scan3A_336 : i32 to index
      %get3A_383 = arith.constant 32 : index
      %get3A_384 = tpu.vector_load %arg8[%get3A_382, %get3A_383] {strides = array<i32>} : memref<64x48xf32, #tpu.memory_space<vmem>>, vector<1x16xf32>,
      %get3A_385 = vector.shape_cast %get3A_384 : vector<1x16xf32> to vector<16xf32>
      %select_n3A_386 = arith.select %eq3A_377, %get3A_381, %get3A_385 : vector<16xi1>, vector<16xf32>
      %select_n3A_387 = arith.select %eq3A_370, %get3A_374, %select_n3A_386 : vector<16xi1>, vector<16xf32>
      %swap3A_388 = arith.index_cast %scan3A_336 : i32 to index
      %swap3A_389 = arith.constant 16 : index
      %swap3A_390 = tpu.vector_load %arg9[%swap3A_388, %swap3A_389] {strides = array<i32>} : memref<64x512xf32, #tpu.memory_space<vmem>>, vector<1x16xf32>,
      %swap3A_391 = vector.shape_cast %swap3A_390 : vector<1x16xf32> to vector<16xf32>
      %swap3A_392 = vector.shape_cast %select_n3A_387 : vector<16xf32> to vector<1x16xf32>
      tpu.vector_store %arg9[%swap3A_388, %swap3A_389], %swap3A_392 {strides = array<i32>} : memref<64x512xf32, #tpu.memory_space<vmem>>, vector<1x16xf32>,
      %get3A_393 = arith.constant 32 : index
      %get3A_394 = tpu.vector_load %arg7[%get3A_393] {strides = array<i32>} : memref<512xi32, #tpu.memory_space<vmem>>, vector<16xi32>,
      %get3A_395 = vector.shape_cast %get3A_394 : vector<16xi32> to vector<16xi32>
      %eq3A_396 = arith.constant 0 : i32
      %eq3A_397 = vector.broadcast %eq3A_396 : i32 to vector<16xi32>
      %eq3A_398 = arith.cmpi eq, %get3A_395, %eq3A_397 : vector<16xi32>
      %get3A_399 = arith.index_cast %scan3A_336 : i32 to index
      %get3A_400 = arith.constant 0 : index
      %get3A_401 = tpu.vector_load %arg8[%get3A_399, %get3A_400] {strides = array<i32>} : memref<64x48xf32, #tpu.memory_space<vmem>>, vector<1x16xf32>,
      %get3A_402 = vector.shape_cast %get3A_401 : vector<1x16xf32> to vector<16xf32>
      %eq3A_403 = arith.constant 1 : i32
      %eq3A_404 = vector.broadcast %eq3A_403 : i32 to vector<16xi32>
      %eq3A_405 = arith.cmpi eq, %get3A_395, %eq3A_404 : vector<16xi32>
      %get3A_406 = arith.index_cast %scan3A_336 : i32 to index
      %get3A_407 = arith.constant 16 : index
      %get3A_408 = tpu.vector_load %arg8[%get3A_406, %get3A_407] {strides = array<i32>} : memref<64x48xf32, #tpu.memory_space<vmem>>, vector<1x16xf32>,
      %get3A_409 = vector.shape_cast %get3A_408 : vector<1x16xf32> to vector<16xf32>
      %get3A_410 = arith.index_cast %scan3A_336 : i32 to index
      %get3A_411 = arith.constant 32 : index
      %get3A_412 = tpu.vector_load %arg8[%get3A_410, %get3A_411] {strides = array<i32>} : memref<64x48xf32, #tpu.memory_space<vmem>>, vector<1x16xf32>,
      %get3A_413 = vector.shape_cast %get3A_412 : vector<1x16xf32> to vector<16xf32>
      %select_n3A_414 = arith.select %eq3A_405, %get3A_409, %get3A_413 : vector<16xi1>, vector<16xf32>
      %select_n3A_415 = arith.select %eq3A_398, %get3A_402, %select_n3A_414 : vector<16xi1>, vector<16xf32>
      %swap3A_416 = arith.index_cast %scan3A_336 : i32 to index
      %swap3A_417 = arith.constant 32 : index
      %swap3A_418 = tpu.vector_load %arg9[%swap3A_416, %swap3A_417] {strides = array<i32>} : memref<64x512xf32, #tpu.memory_space<vmem>>, vector<1x16xf32>,
      %swap3A_419 = vector.shape_cast %swap3A_418 : vector<1x16xf32> to vector<16xf32>
      %swap3A_420 = vector.shape_cast %select_n3A_415 : vector<16xf32> to vector<1x16xf32>
      tpu.vector_store %arg9[%swap3A_416, %swap3A_417], %swap3A_420 {strides = array<i32>} : memref<64x512xf32, #tpu.memory_space<vmem>>, vector<1x16xf32>,
      %get3A_421 = arith.constant 48 : index
      %get3A_422 = tpu.vector_load %arg7[%get3A_421] {strides = array<i32>} : memref<512xi32, #tpu.memory_space<vmem>>, vector<16xi32>,
      %get3A_423 = vector.shape_cast %get3A_422 : vector<16xi32> to vector<16xi32>
      %eq3A_424 = arith.constant 0 : i32
      %eq3A_425 = vector.broadcast %eq3A_424 : i32 to vector<16xi32>
      %eq3A_426 = arith.cmpi eq, %get3A_423, %eq3A_425 : vector<16xi32>
      %get3A_427 = arith.index_cast %scan3A_336 : i32 to index
      %get3A_428 = arith.constant 0 : index
      %get3A_429 = tpu.vector_load %arg8[%get3A_427, %get3A_428] {strides = array<i32>} : memref<64x48xf32, #tpu.memory_space<vmem>>, vector<1x16xf32>,
      %get3A_430 = vector.shape_cast %get3A_429 : vector<1x16xf32> to vector<16xf32>
      %eq3A_431 = arith.constant 1 : i32
      %eq3A_432 = vector.broadcast %eq3A_431 : i32 to vector<16xi32>
      %eq3A_433 = arith.cmpi eq, %get3A_423, %eq3A_432 : vector<16xi32>
      %get3A_434 = arith.index_cast %scan3A_336 : i32 to index
      %get3A_435 = arith.constant 16 : index
      %get3A_436 = tpu.vector_load %arg8[%get3A_434, %get3A_435] {strides = array<i32>} : memref<64x48xf32, #tpu.memory_space<vmem>>, vector<1x16xf32>,
      %get3A_437 = vector.shape_cast %get3A_436 : vector<1x16xf32> to vector<16xf32>
      %get3A_438 = arith.index_cast %scan3A_336 : i32 to index
      %get3A_439 = arith.constant 32 : index
      %get3A_440 = tpu.vector_load %arg8[%get3A_438, %get3A_439] {strides = array<i32>} : memref<64x48xf32, #tpu.memory_space<vmem>>, vector<1x16xf32>,
      %get3A_441 = vector.shape_cast %get3A_440 : vector<1x16xf32> to vector<16xf32>
      %select_n3A_442 = arith.select %eq3A_433, %get3A_437, %get3A_441 : vector<16xi1>, vector<16xf32>
      %select_n3A_443 = arith.select %eq3A_426, %get3A_430, %select_n3A_442 : vector<16xi1>, vector<16xf32>
      %swap3A_444 = arith.index_cast %scan3A_336 : i32 to index
      %swap3A_445 = arith.constant 48 : index
      %swap3A_446 = tpu.vector_load %arg9[%swap3A_444, %swap3A_445] {strides = array<i32>} : memref<64x512xf32, #tpu.memory_space<vmem>>, vector<1x16xf32>,
      %swap3A_447 = vector.shape_cast %swap3A_446 : vector<1x16xf32> to vector<16xf32>
      %swap3A_448 = vector.shape_cast %select_n3A_443 : vector<16xf32> to vector<1x16xf32>
      tpu.vector_store %arg9[%swap3A_444, %swap3A_445], %swap3A_448 {strides = array<i32>} : memref<64x512xf32, #tpu.memory_space<vmem>>, vector<1x16xf32>,
      %get3A_449 = arith.constant 64 : index
      %get3A_450 = tpu.vector_load %arg7[%get3A_449] {strides = array<i32>} : memref<512xi32, #tpu.memory_space<vmem>>, vector<16xi32>,
      %get3A_451 = vector.shape_cast %get3A_450 : vector<16xi32> to vector<16xi32>
      %eq3A_452 = arith.constant 0 : i32
      %eq3A_453 = vector.broadcast %eq3A_452 : i32 to vector<16xi32>
      %eq3A_454 = arith.cmpi eq, %get3A_451, %eq3A_453 : vector<16xi32>
      %get3A_455 = arith.index_cast %scan3A_336 : i32 to index
      %get3A_456 = arith.constant 0 : index
      %get3A_457 = tpu.vector_load %arg8[%get3A_455, %get3A_456] {strides = array<i32>} : memref<64x48xf32, #tpu.memory_space<vmem>>, vector<1x16xf32>,
      %get3A_458 = vector.shape_cast %get3A_457 : vector<1x16xf32> to vector<16xf32>
      %eq3A_459 = arith.constant 1 : i32
      %eq3A_460 = vector.broadcast %eq3A_459 : i32 to vector<16xi32>
      %eq3A_461 = arith.cmpi eq, %get3A_451, %eq3A_460 : vector<16xi32>
      %get3A_462 = arith.index_cast %scan3A_336 : i32 to index
      %get3A_463 = arith.constant 16 : index
      %get3A_464 = tpu.vector_load %arg8[%get3A_462, %get3A_463] {strides = array<i32>} : memref<64x48xf32, #tpu.memory_space<vmem>>, vector<1x16xf32>,
      %get3A_465 = vector.shape_cast %get3A_464 : vector<1x16xf32> to vector<16xf32>
      %get3A_466 = arith.index_cast %scan3A_336 : i32 to index
      %get3A_467 = arith.constant 32 : index
      %get3A_468 = tpu.vector_load %arg8[%get3A_466, %get3A_467] {strides = array<i32>} : memref<64x48xf32, #tpu.memory_space<vmem>>, vector<1x16xf32>,
      %get3A_469 = vector.shape_cast %get3A_468 : vector<1x16xf32> to vector<16xf32>
      %select_n3A_470 = arith.select %eq3A_461, %get3A_465, %get3A_469 : vector<16xi1>, vector<16xf32>
      %select_n3A_471 = arith.select %eq3A_454, %get3A_458, %select_n3A_470 : vector<16xi1>, vector<16xf32>
      %swap3A_472 = arith.index_cast %scan3A_336 : i32 to index
      %swap3A_473 = arith.constant 64 : index
      %swap3A_474 = tpu.vector_load %arg9[%swap3A_472, %swap3A_473] {strides = array<i32>} : memref<64x512xf32, #tpu.memory_space<vmem>>, vector<1x16xf32>,
      %swap3A_475 = vector.shape_cast %swap3A_474 : vector<1x16xf32> to vector<16xf32>
      %swap3A_476 = vector.shape_cast %select_n3A_471 : vector<16xf32> to vector<1x16xf32>
      tpu.vector_store %arg9[%swap3A_472, %swap3A_473], %swap3A_476 {strides = array<i32>} : memref<64x512xf32, #tpu.memory_space<vmem>>, vector<1x16xf32>,
      %get3A_477 = arith.constant 80 : index
      %get3A_478 = tpu.vector_load %arg7[%get3A_477] {strides = array<i32>} : memref<512xi32, #tpu.memory_space<vmem>>, vector<16xi32>,
      %get3A_479 = vector.shape_cast %get3A_478 : vector<16xi32> to vector<16xi32>
      %eq3A_480 = arith.constant 0 : i32
      %eq3A_481 = vector.broadcast %eq3A_480 : i32 to vector<16xi32>
      %eq3A_482 = arith.cmpi eq, %get3A_479, %eq3A_481 : vector<16xi32>
      %get3A_483 = arith.index_cast %scan3A_336 : i32 to index
      %get3A_484 = arith.constant 0 : index
      %get3A_485 = tpu.vector_load %arg8[%get3A_483, %get3A_484] {strides = array<i32>} : memref<64x48xf32, #tpu.memory_space<vmem>>, vector<1x16xf32>,
      %get3A_486 = vector.shape_cast %get3A_485 : vector<1x16xf32> to vector<16xf32>
      %eq3A_487 = arith.constant 1 : i32
      %eq3A_488 = vector.broadcast %eq3A_487 : i32 to vector<16xi32>
      %eq3A_489 = arith.cmpi eq, %get3A_479, %eq3A_488 : vector<16xi32>
      %get3A_490 = arith.index_cast %scan3A_336 : i32 to index
      %get3A_491 = arith.constant 16 : index
      %get3A_492 = tpu.vector_load %arg8[%get3A_490, %get3A_491] {strides = array<i32>} : memref<64x48xf32, #tpu.memory_space<vmem>>, vector<1x16xf32>,
      %get3A_493 = vector.shape_cast %get3A_492 : vector<1x16xf32> to vector<16xf32>
      %get3A_494 = arith.index_cast %scan3A_336 : i32 to index
      %get3A_495 = arith.constant 32 : index
      %get3A_496 = tpu.vector_load %arg8[%get3A_494, %get3A_495] {strides = array<i32>} : memref<64x48xf32, #tpu.memory_space<vmem>>, vector<1x16xf32>,
      %get3A_497 = vector.shape_cast %get3A_496 : vector<1x16xf32> to vector<16xf32>
      %select_n3A_498 = arith.select %eq3A_489, %get3A_493, %get3A_497 : vector<16xi1>, vector<16xf32>
      %select_n3A_499 = arith.select %eq3A_482, %get3A_486, %select_n3A_498 : vector<16xi1>, vector<16xf32>
      %swap3A_500 = arith.index_cast %scan3A_336 : i32 to index
      %swap3A_501 = arith.constant 80 : index
      %swap3A_502 = tpu.vector_load %arg9[%swap3A_500, %swap3A_501] {strides = array<i32>} : memref<64x512xf32, #tpu.memory_space<vmem>>, vector<1x16xf32>,
      %swap3A_503 = vector.shape_cast %swap3A_502 : vector<1x16xf32> to vector<16xf32>
      %swap3A_504 = vector.shape_cast %select_n3A_499 : vector<16xf32> to vector<1x16xf32>
      tpu.vector_store %arg9[%swap3A_500, %swap3A_501], %swap3A_504 {strides = array<i32>} : memref<64x512xf32, #tpu.memory_space<vmem>>, vector<1x16xf32>,
      %get3A_505 = arith.constant 96 : index
      %get3A_506 = tpu.vector_load %arg7[%get3A_505] {strides = array<i32>} : memref<512xi32, #tpu.memory_space<vmem>>, vector<16xi32>,
      %get3A_507 = vector.shape_cast %get3A_506 : vector<16xi32> to vector<16xi32>
      %eq3A_508 = arith.constant 0 : i32
      %eq3A_509 = vector.broadcast %eq3A_508 : i32 to vector<16xi32>
      %eq3A_510 = arith.cmpi eq, %get3A_507, %eq3A_509 : vector<16xi32>
      %get3A_511 = arith.index_cast %scan3A_336 : i32 to index
      %get3A_512 = arith.constant 0 : index
      %get3A_513 = tpu.vector_load %arg8[%get3A_511, %get3A_512] {strides = array<i32>} : memref<64x48xf32, #tpu.memory_space<vmem>>, vector<1x16xf32>,
      %get3A_514 = vector.shape_cast %get3A_513 : vector<1x16xf32> to vector<16xf32>
      %eq3A_515 = arith.constant 1 : i32
      %eq3A_516 = vector.broadcast %eq3A_515 : i32 to vector<16xi32>
      %eq3A_517 = arith.cmpi eq, %get3A_507, %eq3A_516 : vector<16xi32>
      %get3A_518 = arith.index_cast %scan3A_336 : i32 to index
      %get3A_519 = arith.constant 16 : index
      %get3A_520 = tpu.vector_load %arg8[%get3A_518, %get3A_519] {strides = array<i32>} : memref<64x48xf32, #tpu.memory_space<vmem>>, vector<1x16xf32>,
      %get3A_521 = vector.shape_cast %get3A_520 : vector<1x16xf32> to vector<16xf32>
      %get3A_522 = arith.index_cast %scan3A_336 : i32 to index
      %get3A_523 = arith.constant 32 : index
      %get3A_524 = tpu.vector_load %arg8[%get3A_522, %get3A_523] {strides = array<i32>} : memref<64x48xf32, #tpu.memory_space<vmem>>, vector<1x16xf32>,
      %get3A_525 = vector.shape_cast %get3A_524 : vector<1x16xf32> to vector<16xf32>
      %select_n3A_526 = arith.select %eq3A_517, %get3A_521, %get3A_525 : vector<16xi1>, vector<16xf32>
      %select_n3A_527 = arith.select %eq3A_510, %get3A_514, %select_n3A_526 : vector<16xi1>, vector<16xf32>
      %swap3A_528 = arith.index_cast %scan3A_336 : i32 to index
      %swap3A_529 = arith.constant 96 : index
      %swap3A_530 = tpu.vector_load %arg9[%swap3A_528, %swap3A_529] {strides = array<i32>} : memref<64x512xf32, #tpu.memory_space<vmem>>, vector<1x16xf32>,
      %swap3A_531 = vector.shape_cast %swap3A_530 : vector<1x16xf32> to vector<16xf32>
      %swap3A_532 = vector.shape_cast %select_n3A_527 : vector<16xf32> to vector<1x16xf32>
      tpu.vector_store %arg9[%swap3A_528, %swap3A_529], %swap3A_532 {strides = array<i32>} : memref<64x512xf32, #tpu.memory_space<vmem>>, vector<1x16xf32>,
      %get3A_533 = arith.constant 112 : index
      %get3A_534 = tpu.vector_load %arg7[%get3A_533] {strides = array<i32>} : memref<512xi32, #tpu.memory_space<vmem>>, vector<16xi32>,
      %get3A_535 = vector.shape_cast %get3A_534 : vector<16xi32> to vector<16xi32>
      %eq3A_536 = arith.constant 0 : i32
      %eq3A_537 = vector.broadcast %eq3A_536 : i32 to vector<16xi32>
      %eq3A_538 = arith.cmpi eq, %get3A_535, %eq3A_537 : vector<16xi32>
      %get3A_539 = arith.index_cast %scan3A_336 : i32 to index
      %get3A_540 = arith.constant 0 : index
      %get3A_541 = tpu.vector_load %arg8[%get3A_539, %get3A_540] {strides = array<i32>} : memref<64x48xf32, #tpu.memory_space<vmem>>, vector<1x16xf32>,
      %get3A_542 = vector.shape_cast %get3A_541 : vector<1x16xf32> to vector<16xf32>
      %eq3A_543 = arith.constant 1 : i32
      %eq3A_544 = vector.broadcast %eq3A_543 : i32 to vector<16xi32>
      %eq3A_545 = arith.cmpi eq, %get3A_535, %eq3A_544 : vector<16xi32>
      %get3A_546 = arith.index_cast %scan3A_336 : i32 to index
      %get3A_547 = arith.constant 16 : index
      %get3A_548 = tpu.vector_load %arg8[%get3A_546, %get3A_547] {strides = array<i32>} : memref<64x48xf32, #tpu.memory_space<vmem>>, vector<1x16xf32>,
      %get3A_549 = vector.shape_cast %get3A_548 : vector<1x16xf32> to vector<16xf32>
      %get3A_550 = arith.index_cast %scan3A_336 : i32 to index
      %get3A_551 = arith.constant 32 : index
      %get3A_552 = tpu.vector_load %arg8[%get3A_550, %get3A_551] {strides = array<i32>} : memref<64x48xf32, #tpu.memory_space<vmem>>, vector<1x16xf32>,
      %get3A_553 = vector.shape_cast %get3A_552 : vector<1x16xf32> to vector<16xf32>
      %select_n3A_554 = arith.select %eq3A_545, %get3A_549, %get3A_553 : vector<16xi1>, vector<16xf32>
      %select_n3A_555 = arith.select %eq3A_538, %get3A_542, %select_n3A_554 : vector<16xi1>, vector<16xf32>
      %swap3A_556 = arith.index_cast %scan3A_336 : i32 to index
      %swap3A_557 = arith.constant 112 : index
      %swap3A_558 = tpu.vector_load %arg9[%swap3A_556, %swap3A_557] {strides = array<i32>} : memref<64x512xf32, #tpu.memory_space<vmem>>, vector<1x16xf32>,
      %swap3A_559 = vector.shape_cast %swap3A_558 : vector<1x16xf32> to vector<16xf32>
      %swap3A_560 = vector.shape_cast %select_n3A_555 : vector<16xf32> to vector<1x16xf32>
      tpu.vector_store %arg9[%swap3A_556, %swap3A_557], %swap3A_560 {strides = array<i32>} : memref<64x512xf32, #tpu.memory_space<vmem>>, vector<1x16xf32>,
      %get3A_561 = arith.constant 128 : index
      %get3A_562 = tpu.vector_load %arg7[%get3A_561] {strides = array<i32>} : memref<512xi32, #tpu.memory_space<vmem>>, vector<16xi32>,
      %get3A_563 = vector.shape_cast %get3A_562 : vector<16xi32> to vector<16xi32>
      %eq3A_564 = arith.constant 0 : i32
      %eq3A_565 = vector.broadcast %eq3A_564 : i32 to vector<16xi32>
      %eq3A_566 = arith.cmpi eq, %get3A_563, %eq3A_565 : vector<16xi32>
      %get3A_567 = arith.index_cast %scan3A_336 : i32 to index
      %get3A_568 = arith.constant 0 : index
      %get3A_569 = tpu.vector_load %arg8[%get3A_567, %get3A_568] {strides = array<i32>} : memref<64x48xf32, #tpu.memory_space<vmem>>, vector<1x16xf32>,
      %get3A_570 = vector.shape_cast %get3A_569 : vector<1x16xf32> to vector<16xf32>
      %eq3A_571 = arith.constant 1 : i32
      %eq3A_572 = vector.broadcast %eq3A_571 : i32 to vector<16xi32>
      %eq3A_573 = arith.cmpi eq, %get3A_563, %eq3A_572 : vector<16xi32>
      %get3A_574 = arith.index_cast %scan3A_336 : i32 to index
      %get3A_575 = arith.constant 16 : index
      %get3A_576 = tpu.vector_load %arg8[%get3A_574, %get3A_575] {strides = array<i32>} : memref<64x48xf32, #tpu.memory_space<vmem>>, vector<1x16xf32>,
      %get3A_577 = vector.shape_cast %get3A_576 : vector<1x16xf32> to vector<16xf32>
      %get3A_578 = arith.index_cast %scan3A_336 : i32 to index
      %get3A_579 = arith.constant 32 : index
      %get3A_580 = tpu.vector_load %arg8[%get3A_578, %get3A_579] {strides = array<i32>} : memref<64x48xf32, #tpu.memory_space<vmem>>, vector<1x16xf32>,
      %get3A_581 = vector.shape_cast %get3A_580 : vector<1x16xf32> to vector<16xf32>
      %select_n3A_582 = arith.select %eq3A_573, %get3A_577, %get3A_581 : vector<16xi1>, vector<16xf32>
      %select_n3A_583 = arith.select %eq3A_566, %get3A_570, %select_n3A_582 : vector<16xi1>, vector<16xf32>
      %swap3A_584 = arith.index_cast %scan3A_336 : i32 to index
      %swap3A_585 = arith.constant 128 : index
      %swap3A_586 = tpu.vector_load %arg9[%swap3A_584, %swap3A_585] {strides = array<i32>} : memref<64x512xf32, #tpu.memory_space<vmem>>, vector<1x16xf32>,
      %swap3A_587 = vector.shape_cast %swap3A_586 : vector<1x16xf32> to vector<16xf32>
      %swap3A_588 = vector.shape_cast %select_n3A_583 : vector<16xf32> to vector<1x16xf32>
      tpu.vector_store %arg9[%swap3A_584, %swap3A_585], %swap3A_588 {strides = array<i32>} : memref<64x512xf32, #tpu.memory_space<vmem>>, vector<1x16xf32>,
      %get3A_589 = arith.constant 144 : index
      %get3A_590 = tpu.vector_load %arg7[%get3A_589] {strides = array<i32>} : memref<512xi32, #tpu.memory_space<vmem>>, vector<16xi32>,
      %get3A_591 = vector.shape_cast %get3A_590 : vector<16xi32> to vector<16xi32>
      %eq3A_592 = arith.constant 0 : i32
      %eq3A_593 = vector.broadcast %eq3A_592 : i32 to vector<16xi32>
      %eq3A_594 = arith.cmpi eq, %get3A_591, %eq3A_593 : vector<16xi32>
      %get3A_595 = arith.index_cast %scan3A_336 : i32 to index
      %get3A_596 = arith.constant 0 : index
      %get3A_597 = tpu.vector_load %arg8[%get3A_595, %get3A_596] {strides = array<i32>} : memref<64x48xf32, #tpu.memory_space<vmem>>, vector<1x16xf32>,
      %get3A_598 = vector.shape_cast %get3A_597 : vector<1x16xf32> to vector<16xf32>
      %eq3A_599 = arith.constant 1 : i32
      %eq3A_600 = vector.broadcast %eq3A_599 : i32 to vector<16xi32>
      %eq3A_601 = arith.cmpi eq, %get3A_591, %eq3A_600 : vector<16xi32>
      %get3A_602 = arith.index_cast %scan3A_336 : i32 to index
      %get3A_603 = arith.constant 16 : index
      %get3A_604 = tpu.vector_load %arg8[%get3A_602, %get3A_603] {strides = array<i32>} : memref<64x48xf32, #tpu.memory_space<vmem>>, vector<1x16xf32>,
      %get3A_605 = vector.shape_cast %get3A_604 : vector<1x16xf32> to vector<16xf32>
      %get3A_606 = arith.index_cast %scan3A_336 : i32 to index
      %get3A_607 = arith.constant 32 : index
      %get3A_608 = tpu.vector_load %arg8[%get3A_606, %get3A_607] {strides = array<i32>} : memref<64x48xf32, #tpu.memory_space<vmem>>, vector<1x16xf32>,
      %get3A_609 = vector.shape_cast %get3A_608 : vector<1x16xf32> to vector<16xf32>
      %select_n3A_610 = arith.select %eq3A_601, %get3A_605, %get3A_609 : vector<16xi1>, vector<16xf32>
      %select_n3A_611 = arith.select %eq3A_594, %get3A_598, %select_n3A_610 : vector<16xi1>, vector<16xf32>
      %swap3A_612 = arith.index_cast %scan3A_336 : i32 to index
      %swap3A_613 = arith.constant 144 : index
      %swap3A_614 = tpu.vector_load %arg9[%swap3A_612, %swap3A_613] {strides = array<i32>} : memref<64x512xf32, #tpu.memory_space<vmem>>, vector<1x16xf32>,
      %swap3A_615 = vector.shape_cast %swap3A_614 : vector<1x16xf32> to vector<16xf32>
      %swap3A_616 = vector.shape_cast %select_n3A_611 : vector<16xf32> to vector<1x16xf32>
      tpu.vector_store %arg9[%swap3A_612, %swap3A_613], %swap3A_616 {strides = array<i32>} : memref<64x512xf32, #tpu.memory_space<vmem>>, vector<1x16xf32>,
      %get3A_617 = arith.constant 160 : index
      %get3A_618 = tpu.vector_load %arg7[%get3A_617] {strides = array<i32>} : memref<512xi32, #tpu.memory_space<vmem>>, vector<16xi32>,
      %get3A_619 = vector.shape_cast %get3A_618 : vector<16xi32> to vector<16xi32>
      %eq3A_620 = arith.constant 0 : i32
      %eq3A_621 = vector.broadcast %eq3A_620 : i32 to vector<16xi32>
      %eq3A_622 = arith.cmpi eq, %get3A_619, %eq3A_621 : vector<16xi32>
      %get3A_623 = arith.index_cast %scan3A_336 : i32 to index
      %get3A_624 = arith.constant 0 : index
      %get3A_625 = tpu.vector_load %arg8[%get3A_623, %get3A_624] {strides = array<i32>} : memref<64x48xf32, #tpu.memory_space<vmem>>, vector<1x16xf32>,
      %get3A_626 = vector.shape_cast %get3A_625 : vector<1x16xf32> to vector<16xf32>
      %eq3A_627 = arith.constant 1 : i32
      %eq3A_628 = vector.broadcast %eq3A_627 : i32 to vector<16xi32>
      %eq3A_629 = arith.cmpi eq, %get3A_619, %eq3A_628 : vector<16xi32>
      %get3A_630 = arith.index_cast %scan3A_336 : i32 to index
      %get3A_631 = arith.constant 16 : index
      %get3A_632 = tpu.vector_load %arg8[%get3A_630, %get3A_631] {strides = array<i32>} : memref<64x48xf32, #tpu.memory_space<vmem>>, vector<1x16xf32>,
      %get3A_633 = vector.shape_cast %get3A_632 : vector<1x16xf32> to vector<16xf32>
      %get3A_634 = arith.index_cast %scan3A_336 : i32 to index
      %get3A_635 = arith.constant 32 : index
      %get3A_636 = tpu.vector_load %arg8[%get3A_634, %get3A_635] {strides = array<i32>} : memref<64x48xf32, #tpu.memory_space<vmem>>, vector<1x16xf32>,
      %get3A_637 = vector.shape_cast %get3A_636 : vector<1x16xf32> to vector<16xf32>
      %select_n3A_638 = arith.select %eq3A_629, %get3A_633, %get3A_637 : vector<16xi1>, vector<16xf32>
      %select_n3A_639 = arith.select %eq3A_622, %get3A_626, %select_n3A_638 : vector<16xi1>, vector<16xf32>
      %swap3A_640 = arith.index_cast %scan3A_336 : i32 to index
      %swap3A_641 = arith.constant 160 : index
      %swap3A_642 = tpu.vector_load %arg9[%swap3A_640, %swap3A_641] {strides = array<i32>} : memref<64x512xf32, #tpu.memory_space<vmem>>, vector<1x16xf32>,
      %swap3A_643 = vector.shape_cast %swap3A_642 : vector<1x16xf32> to vector<16xf32>
      %swap3A_644 = vector.shape_cast %select_n3A_639 : vector<16xf32> to vector<1x16xf32>
      tpu.vector_store %arg9[%swap3A_640, %swap3A_641], %swap3A_644 {strides = array<i32>} : memref<64x512xf32, #tpu.memory_space<vmem>>, vector<1x16xf32>,
      %get3A_645 = arith.constant 176 : index
      %get3A_646 = tpu.vector_load %arg7[%get3A_645] {strides = array<i32>} : memref<512xi32, #tpu.memory_space<vmem>>, vector<16xi32>,
      %get3A_647 = vector.shape_cast %get3A_646 : vector<16xi32> to vector<16xi32>
      %eq3A_648 = arith.constant 0 : i32
      %eq3A_649 = vector.broadcast %eq3A_648 : i32 to vector<16xi32>
      %eq3A_650 = arith.cmpi eq, %get3A_647, %eq3A_649 : vector<16xi32>
      %get3A_651 = arith.index_cast %scan3A_336 : i32 to index
      %get3A_652 = arith.constant 0 : index
      %get3A_653 = tpu.vector_load %arg8[%get3A_651, %get3A_652] {strides = array<i32>} : memref<64x48xf32, #tpu.memory_space<vmem>>, vector<1x16xf32>,
      %get3A_654 = vector.shape_cast %get3A_653 : vector<1x16xf32> to vector<16xf32>
      %eq3A_655 = arith.constant 1 : i32
      %eq3A_656 = vector.broadcast %eq3A_655 : i32 to vector<16xi32>
      %eq3A_657 = arith.cmpi eq, %get3A_647, %eq3A_656 : vector<16xi32>
      %get3A_658 = arith.index_cast %scan3A_336 : i32 to index
      %get3A_659 = arith.constant 16 : index
      %get3A_660 = tpu.vector_load %arg8[%get3A_658, %get3A_659] {strides = array<i32>} : memref<64x48xf32, #tpu.memory_space<vmem>>, vector<1x16xf32>,
      %get3A_661 = vector.shape_cast %get3A_660 : vector<1x16xf32> to vector<16xf32>
      %get3A_662 = arith.index_cast %scan3A_336 : i32 to index
      %get3A_663 = arith.constant 32 : index
      %get3A_664 = tpu.vector_load %arg8[%get3A_662, %get3A_663] {strides = array<i32>} : memref<64x48xf32, #tpu.memory_space<vmem>>, vector<1x16xf32>,
      %get3A_665 = vector.shape_cast %get3A_664 : vector<1x16xf32> to vector<16xf32>
      %select_n3A_666 = arith.select %eq3A_657, %get3A_661, %get3A_665 : vector<16xi1>, vector<16xf32>
      %select_n3A_667 = arith.select %eq3A_650, %get3A_654, %select_n3A_666 : vector<16xi1>, vector<16xf32>
      %swap3A_668 = arith.index_cast %scan3A_336 : i32 to index
      %swap3A_669 = arith.constant 176 : index
      %swap3A_670 = tpu.vector_load %arg9[%swap3A_668, %swap3A_669] {strides = array<i32>} : memref<64x512xf32, #tpu.memory_space<vmem>>, vector<1x16xf32>,
      %swap3A_671 = vector.shape_cast %swap3A_670 : vector<1x16xf32> to vector<16xf32>
      %swap3A_672 = vector.shape_cast %select_n3A_667 : vector<16xf32> to vector<1x16xf32>
      tpu.vector_store %arg9[%swap3A_668, %swap3A_669], %swap3A_672 {strides = array<i32>} : memref<64x512xf32, #tpu.memory_space<vmem>>, vector<1x16xf32>,
      %get3A_673 = arith.constant 192 : index
      %get3A_674 = tpu.vector_load %arg7[%get3A_673] {strides = array<i32>} : memref<512xi32, #tpu.memory_space<vmem>>, vector<16xi32>,
      %get3A_675 = vector.shape_cast %get3A_674 : vector<16xi32> to vector<16xi32>
      %eq3A_676 = arith.constant 0 : i32
      %eq3A_677 = vector.broadcast %eq3A_676 : i32 to vector<16xi32>
      %eq3A_678 = arith.cmpi eq, %get3A_675, %eq3A_677 : vector<16xi32>
      %get3A_679 = arith.index_cast %scan3A_336 : i32 to index
      %get3A_680 = arith.constant 0 : index
      %get3A_681 = tpu.vector_load %arg8[%get3A_679, %get3A_680] {strides = array<i32>} : memref<64x48xf32, #tpu.memory_space<vmem>>, vector<1x16xf32>,
      %get3A_682 = vector.shape_cast %get3A_681 : vector<1x16xf32> to vector<16xf32>
      %eq3A_683 = arith.constant 1 : i32
      %eq3A_684 = vector.broadcast %eq3A_683 : i32 to vector<16xi32>
      %eq3A_685 = arith.cmpi eq, %get3A_675, %eq3A_684 : vector<16xi32>
      %get3A_686 = arith.index_cast %scan3A_336 : i32 to index
      %get3A_687 = arith.constant 16 : index
      %get3A_688 = tpu.vector_load %arg8[%get3A_686, %get3A_687] {strides = array<i32>} : memref<64x48xf32, #tpu.memory_space<vmem>>, vector<1x16xf32>,
      %get3A_689 = vector.shape_cast %get3A_688 : vector<1x16xf32> to vector<16xf32>
      %get3A_690 = arith.index_cast %scan3A_336 : i32 to index
      %get3A_691 = arith.constant 32 : index
      %get3A_692 = tpu.vector_load %arg8[%get3A_690, %get3A_691] {strides = array<i32>} : memref<64x48xf32, #tpu.memory_space<vmem>>, vector<1x16xf32>,
      %get3A_693 = vector.shape_cast %get3A_692 : vector<1x16xf32> to vector<16xf32>
      %select_n3A_694 = arith.select %eq3A_685, %get3A_689, %get3A_693 : vector<16xi1>, vector<16xf32>
      %select_n3A_695 = arith.select %eq3A_678, %get3A_682, %select_n3A_694 : vector<16xi1>, vector<16xf32>
      %swap3A_696 = arith.index_cast %scan3A_336 : i32 to index
      %swap3A_697 = arith.constant 192 : index
      %swap3A_698 = tpu.vector_load %arg9[%swap3A_696, %swap3A_697] {strides = array<i32>} : memref<64x512xf32, #tpu.memory_space<vmem>>, vector<1x16xf32>,
      %swap3A_699 = vector.shape_cast %swap3A_698 : vector<1x16xf32> to vector<16xf32>
      %swap3A_700 = vector.shape_cast %select_n3A_695 : vector<16xf32> to vector<1x16xf32>
      tpu.vector_store %arg9[%swap3A_696, %swap3A_697], %swap3A_700 {strides = array<i32>} : memref<64x512xf32, #tpu.memory_space<vmem>>, vector<1x16xf32>,
      %get3A_701 = arith.constant 208 : index
      %get3A_702 = tpu.vector_load %arg7[%get3A_701] {strides = array<i32>} : memref<512xi32, #tpu.memory_space<vmem>>, vector<16xi32>,
      %get3A_703 = vector.shape_cast %get3A_702 : vector<16xi32> to vector<16xi32>
      %eq3A_704 = arith.constant 0 : i32
      %eq3A_705 = vector.broadcast %eq3A_704 : i32 to vector<16xi32>
      %eq3A_706 = arith.cmpi eq, %get3A_703, %eq3A_705 : vector<16xi32>
      %get3A_707 = arith.index_cast %scan3A_336 : i32 to index
      %get3A_708 = arith.constant 0 : index
      %get3A_709 = tpu.vector_load %arg8[%get3A_707, %get3A_708] {strides = array<i32>} : memref<64x48xf32, #tpu.memory_space<vmem>>, vector<1x16xf32>,
      %get3A_710 = vector.shape_cast %get3A_709 : vector<1x16xf32> to vector<16xf32>
      %eq3A_711 = arith.constant 1 : i32
      %eq3A_712 = vector.broadcast %eq3A_711 : i32 to vector<16xi32>
      %eq3A_713 = arith.cmpi eq, %get3A_703, %eq3A_712 : vector<16xi32>
      %get3A_714 = arith.index_cast %scan3A_336 : i32 to index
      %get3A_715 = arith.constant 16 : index
      %get3A_716 = tpu.vector_load %arg8[%get3A_714, %get3A_715] {strides = array<i32>} : memref<64x48xf32, #tpu.memory_space<vmem>>, vector<1x16xf32>,
      %get3A_717 = vector.shape_cast %get3A_716 : vector<1x16xf32> to vector<16xf32>
      %get3A_718 = arith.index_cast %scan3A_336 : i32 to index
      %get3A_719 = arith.constant 32 : index
      %get3A_720 = tpu.vector_load %arg8[%get3A_718, %get3A_719] {strides = array<i32>} : memref<64x48xf32, #tpu.memory_space<vmem>>, vector<1x16xf32>,
      %get3A_721 = vector.shape_cast %get3A_720 : vector<1x16xf32> to vector<16xf32>
      %select_n3A_722 = arith.select %eq3A_713, %get3A_717, %get3A_721 : vector<16xi1>, vector<16xf32>
      %select_n3A_723 = arith.select %eq3A_706, %get3A_710, %select_n3A_722 : vector<16xi1>, vector<16xf32>
      %swap3A_724 = arith.index_cast %scan3A_336 : i32 to index
      %swap3A_725 = arith.constant 208 : index
      %swap3A_726 = tpu.vector_load %arg9[%swap3A_724, %swap3A_725] {strides = array<i32>} : memref<64x512xf32, #tpu.memory_space<vmem>>, vector<1x16xf32>,
      %swap3A_727 = vector.shape_cast %swap3A_726 : vector<1x16xf32> to vector<16xf32>
      %swap3A_728 = vector.shape_cast %select_n3A_723 : vector<16xf32> to vector<1x16xf32>
      tpu.vector_store %arg9[%swap3A_724, %swap3A_725], %swap3A_728 {strides = array<i32>} : memref<64x512xf32, #tpu.memory_space<vmem>>, vector<1x16xf32>,
      %get3A_729 = arith.constant 224 : index
      %get3A_730 = tpu.vector_load %arg7[%get3A_729] {strides = array<i32>} : memref<512xi32, #tpu.memory_space<vmem>>, vector<16xi32>,
      %get3A_731 = vector.shape_cast %get3A_730 : vector<16xi32> to vector<16xi32>
      %eq3A_732 = arith.constant 0 : i32
      %eq3A_733 = vector.broadcast %eq3A_732 : i32 to vector<16xi32>
      %eq3A_734 = arith.cmpi eq, %get3A_731, %eq3A_733 : vector<16xi32>
      %get3A_735 = arith.index_cast %scan3A_336 : i32 to index
      %get3A_736 = arith.constant 0 : index
      %get3A_737 = tpu.vector_load %arg8[%get3A_735, %get3A_736] {strides = array<i32>} : memref<64x48xf32, #tpu.memory_space<vmem>>, vector<1x16xf32>,
      %get3A_738 = vector.shape_cast %get3A_737 : vector<1x16xf32> to vector<16xf32>
      %eq3A_739 = arith.constant 1 : i32
      %eq3A_740 = vector.broadcast %eq3A_739 : i32 to vector<16xi32>
      %eq3A_741 = arith.cmpi eq, %get3A_731, %eq3A_740 : vector<16xi32>
      %get3A_742 = arith.index_cast %scan3A_336 : i32 to index
      %get3A_743 = arith.constant 16 : index
      %get3A_744 = tpu.vector_load %arg8[%get3A_742, %get3A_743] {strides = array<i32>} : memref<64x48xf32, #tpu.memory_space<vmem>>, vector<1x16xf32>,
      %get3A_745 = vector.shape_cast %get3A_744 : vector<1x16xf32> to vector<16xf32>
      %get3A_746 = arith.index_cast %scan3A_336 : i32 to index
      %get3A_747 = arith.constant 32 : index
      %get3A_748 = tpu.vector_load %arg8[%get3A_746, %get3A_747] {strides = array<i32>} : memref<64x48xf32, #tpu.memory_space<vmem>>, vector<1x16xf32>,
      %get3A_749 = vector.shape_cast %get3A_748 : vector<1x16xf32> to vector<16xf32>
      %select_n3A_750 = arith.select %eq3A_741, %get3A_745, %get3A_749 : vector<16xi1>, vector<16xf32>
      %select_n3A_751 = arith.select %eq3A_734, %get3A_738, %select_n3A_750 : vector<16xi1>, vector<16xf32>
      %swap3A_752 = arith.index_cast %scan3A_336 : i32 to index
      %swap3A_753 = arith.constant 224 : index
      %swap3A_754 = tpu.vector_load %arg9[%swap3A_752, %swap3A_753] {strides = array<i32>} : memref<64x512xf32, #tpu.memory_space<vmem>>, vector<1x16xf32>,
      %swap3A_755 = vector.shape_cast %swap3A_754 : vector<1x16xf32> to vector<16xf32>
      %swap3A_756 = vector.shape_cast %select_n3A_751 : vector<16xf32> to vector<1x16xf32>
      tpu.vector_store %arg9[%swap3A_752, %swap3A_753], %swap3A_756 {strides = array<i32>} : memref<64x512xf32, #tpu.memory_space<vmem>>, vector<1x16xf32>,
      %get3A_757 = arith.constant 240 : index
      %get3A_758 = tpu.vector_load %arg7[%get3A_757] {strides = array<i32>} : memref<512xi32, #tpu.memory_space<vmem>>, vector<16xi32>,
      %get3A_759 = vector.shape_cast %get3A_758 : vector<16xi32> to vector<16xi32>
      %eq3A_760 = arith.constant 0 : i32
      %eq3A_761 = vector.broadcast %eq3A_760 : i32 to vector<16xi32>
      %eq3A_762 = arith.cmpi eq, %get3A_759, %eq3A_761 : vector<16xi32>
      %get3A_763 = arith.index_cast %scan3A_336 : i32 to index
      %get3A_764 = arith.constant 0 : index
      %get3A_765 = tpu.vector_load %arg8[%get3A_763, %get3A_764] {strides = array<i32>} : memref<64x48xf32, #tpu.memory_space<vmem>>, vector<1x16xf32>,
      %get3A_766 = vector.shape_cast %get3A_765 : vector<1x16xf32> to vector<16xf32>
      %eq3A_767 = arith.constant 1 : i32
      %eq3A_768 = vector.broadcast %eq3A_767 : i32 to vector<16xi32>
      %eq3A_769 = arith.cmpi eq, %get3A_759, %eq3A_768 : vector<16xi32>
      %get3A_770 = arith.index_cast %scan3A_336 : i32 to index
      %get3A_771 = arith.constant 16 : index
      %get3A_772 = tpu.vector_load %arg8[%get3A_770, %get3A_771] {strides = array<i32>} : memref<64x48xf32, #tpu.memory_space<vmem>>, vector<1x16xf32>,
      %get3A_773 = vector.shape_cast %get3A_772 : vector<1x16xf32> to vector<16xf32>
      %get3A_774 = arith.index_cast %scan3A_336 : i32 to index
      %get3A_775 = arith.constant 32 : index
      %get3A_776 = tpu.vector_load %arg8[%get3A_774, %get3A_775] {strides = array<i32>} : memref<64x48xf32, #tpu.memory_space<vmem>>, vector<1x16xf32>,
      %get3A_777 = vector.shape_cast %get3A_776 : vector<1x16xf32> to vector<16xf32>
      %select_n3A_778 = arith.select %eq3A_769, %get3A_773, %get3A_777 : vector<16xi1>, vector<16xf32>
      %select_n3A_779 = arith.select %eq3A_762, %get3A_766, %select_n3A_778 : vector<16xi1>, vector<16xf32>
      %swap3A_780 = arith.index_cast %scan3A_336 : i32 to index
      %swap3A_781 = arith.constant 240 : index
      %swap3A_782 = tpu.vector_load %arg9[%swap3A_780, %swap3A_781] {strides = array<i32>} : memref<64x512xf32, #tpu.memory_space<vmem>>, vector<1x16xf32>,
      %swap3A_783 = vector.shape_cast %swap3A_782 : vector<1x16xf32> to vector<16xf32>
      %swap3A_784 = vector.shape_cast %select_n3A_779 : vector<16xf32> to vector<1x16xf32>
      tpu.vector_store %arg9[%swap3A_780, %swap3A_781], %swap3A_784 {strides = array<i32>} : memref<64x512xf32, #tpu.memory_space<vmem>>, vector<1x16xf32>,
      %get3A_785 = arith.constant 256 : index
      %get3A_786 = tpu.vector_load %arg7[%get3A_785] {strides = array<i32>} : memref<512xi32, #tpu.memory_space<vmem>>, vector<16xi32>,
      %get3A_787 = vector.shape_cast %get3A_786 : vector<16xi32> to vector<16xi32>
      %eq3A_788 = arith.constant 0 : i32
      %eq3A_789 = vector.broadcast %eq3A_788 : i32 to vector<16xi32>
      %eq3A_790 = arith.cmpi eq, %get3A_787, %eq3A_789 : vector<16xi32>
      %get3A_791 = arith.index_cast %scan3A_336 : i32 to index
      %get3A_792 = arith.constant 0 : index
      %get3A_793 = tpu.vector_load %arg8[%get3A_791, %get3A_792] {strides = array<i32>} : memref<64x48xf32, #tpu.memory_space<vmem>>, vector<1x16xf32>,
      %get3A_794 = vector.shape_cast %get3A_793 : vector<1x16xf32> to vector<16xf32>
      %eq3A_795 = arith.constant 1 : i32
      %eq3A_796 = vector.broadcast %eq3A_795 : i32 to vector<16xi32>
      %eq3A_797 = arith.cmpi eq, %get3A_787, %eq3A_796 : vector<16xi32>
      %get3A_798 = arith.index_cast %scan3A_336 : i32 to index
      %get3A_799 = arith.constant 16 : index
      %get3A_800 = tpu.vector_load %arg8[%get3A_798, %get3A_799] {strides = array<i32>} : memref<64x48xf32, #tpu.memory_space<vmem>>, vector<1x16xf32>,
      %get3A_801 = vector.shape_cast %get3A_800 : vector<1x16xf32> to vector<16xf32>
      %get3A_802 = arith.index_cast %scan3A_336 : i32 to index
      %get3A_803 = arith.constant 32 : index
      %get3A_804 = tpu.vector_load %arg8[%get3A_802, %get3A_803] {strides = array<i32>} : memref<64x48xf32, #tpu.memory_space<vmem>>, vector<1x16xf32>,
      %get3A_805 = vector.shape_cast %get3A_804 : vector<1x16xf32> to vector<16xf32>
      %select_n3A_806 = arith.select %eq3A_797, %get3A_801, %get3A_805 : vector<16xi1>, vector<16xf32>
      %select_n3A_807 = arith.select %eq3A_790, %get3A_794, %select_n3A_806 : vector<16xi1>, vector<16xf32>
      %swap3A_808 = arith.index_cast %scan3A_336 : i32 to index
      %swap3A_809 = arith.constant 256 : index
      %swap3A_810 = tpu.vector_load %arg9[%swap3A_808, %swap3A_809] {strides = array<i32>} : memref<64x512xf32, #tpu.memory_space<vmem>>, vector<1x16xf32>,
      %swap3A_811 = vector.shape_cast %swap3A_810 : vector<1x16xf32> to vector<16xf32>
      %swap3A_812 = vector.shape_cast %select_n3A_807 : vector<16xf32> to vector<1x16xf32>
      tpu.vector_store %arg9[%swap3A_808, %swap3A_809], %swap3A_812 {strides = array<i32>} : memref<64x512xf32, #tpu.memory_space<vmem>>, vector<1x16xf32>,
      %get3A_813 = arith.constant 272 : index
      %get3A_814 = tpu.vector_load %arg7[%get3A_813] {strides = array<i32>} : memref<512xi32, #tpu.memory_space<vmem>>, vector<16xi32>,
      %get3A_815 = vector.shape_cast %get3A_814 : vector<16xi32> to vector<16xi32>
      %eq3A_816 = arith.constant 0 : i32
      %eq3A_817 = vector.broadcast %eq3A_816 : i32 to vector<16xi32>
      %eq3A_818 = arith.cmpi eq, %get3A_815, %eq3A_817 : vector<16xi32>
      %get3A_819 = arith.index_cast %scan3A_336 : i32 to index
      %get3A_820 = arith.constant 0 : index
      %get3A_821 = tpu.vector_load %arg8[%get3A_819, %get3A_820] {strides = array<i32>} : memref<64x48xf32, #tpu.memory_space<vmem>>, vector<1x16xf32>,
      %get3A_822 = vector.shape_cast %get3A_821 : vector<1x16xf32> to vector<16xf32>
      %eq3A_823 = arith.constant 1 : i32
      %eq3A_824 = vector.broadcast %eq3A_823 : i32 to vector<16xi32>
      %eq3A_825 = arith.cmpi eq, %get3A_815, %eq3A_824 : vector<16xi32>
      %get3A_826 = arith.index_cast %scan3A_336 : i32 to index
      %get3A_827 = arith.constant 16 : index
      %get3A_828 = tpu.vector_load %arg8[%get3A_826, %get3A_827] {strides = array<i32>} : memref<64x48xf32, #tpu.memory_space<vmem>>, vector<1x16xf32>,
      %get3A_829 = vector.shape_cast %get3A_828 : vector<1x16xf32> to vector<16xf32>
      %get3A_830 = arith.index_cast %scan3A_336 : i32 to index
      %get3A_831 = arith.constant 32 : index
      %get3A_832 = tpu.vector_load %arg8[%get3A_830, %get3A_831] {strides = array<i32>} : memref<64x48xf32, #tpu.memory_space<vmem>>, vector<1x16xf32>,
      %get3A_833 = vector.shape_cast %get3A_832 : vector<1x16xf32> to vector<16xf32>
      %select_n3A_834 = arith.select %eq3A_825, %get3A_829, %get3A_833 : vector<16xi1>, vector<16xf32>
      %select_n3A_835 = arith.select %eq3A_818, %get3A_822, %select_n3A_834 : vector<16xi1>, vector<16xf32>
      %swap3A_836 = arith.index_cast %scan3A_336 : i32 to index
      %swap3A_837 = arith.constant 272 : index
      %swap3A_838 = tpu.vector_load %arg9[%swap3A_836, %swap3A_837] {strides = array<i32>} : memref<64x512xf32, #tpu.memory_space<vmem>>, vector<1x16xf32>,
      %swap3A_839 = vector.shape_cast %swap3A_838 : vector<1x16xf32> to vector<16xf32>
      %swap3A_840 = vector.shape_cast %select_n3A_835 : vector<16xf32> to vector<1x16xf32>
      tpu.vector_store %arg9[%swap3A_836, %swap3A_837], %swap3A_840 {strides = array<i32>} : memref<64x512xf32, #tpu.memory_space<vmem>>, vector<1x16xf32>,
      %get3A_841 = arith.constant 288 : index
      %get3A_842 = tpu.vector_load %arg7[%get3A_841] {strides = array<i32>} : memref<512xi32, #tpu.memory_space<vmem>>, vector<16xi32>,
      %get3A_843 = vector.shape_cast %get3A_842 : vector<16xi32> to vector<16xi32>
      %eq3A_844 = arith.constant 0 : i32
      %eq3A_845 = vector.broadcast %eq3A_844 : i32 to vector<16xi32>
      %eq3A_846 = arith.cmpi eq, %get3A_843, %eq3A_845 : vector<16xi32>
      %get3A_847 = arith.index_cast %scan3A_336 : i32 to index
      %get3A_848 = arith.constant 0 : index
      %get3A_849 = tpu.vector_load %arg8[%get3A_847, %get3A_848] {strides = array<i32>} : memref<64x48xf32, #tpu.memory_space<vmem>>, vector<1x16xf32>,
      %get3A_850 = vector.shape_cast %get3A_849 : vector<1x16xf32> to vector<16xf32>
      %eq3A_851 = arith.constant 1 : i32
      %eq3A_852 = vector.broadcast %eq3A_851 : i32 to vector<16xi32>
      %eq3A_853 = arith.cmpi eq, %get3A_843, %eq3A_852 : vector<16xi32>
      %get3A_854 = arith.index_cast %scan3A_336 : i32 to index
      %get3A_855 = arith.constant 16 : index
      %get3A_856 = tpu.vector_load %arg8[%get3A_854, %get3A_855] {strides = array<i32>} : memref<64x48xf32, #tpu.memory_space<vmem>>, vector<1x16xf32>,
      %get3A_857 = vector.shape_cast %get3A_856 : vector<1x16xf32> to vector<16xf32>
      %get3A_858 = arith.index_cast %scan3A_336 : i32 to index
      %get3A_859 = arith.constant 32 : index
      %get3A_860 = tpu.vector_load %arg8[%get3A_858, %get3A_859] {strides = array<i32>} : memref<64x48xf32, #tpu.memory_space<vmem>>, vector<1x16xf32>,
      %get3A_861 = vector.shape_cast %get3A_860 : vector<1x16xf32> to vector<16xf32>
      %select_n3A_862 = arith.select %eq3A_853, %get3A_857, %get3A_861 : vector<16xi1>, vector<16xf32>
      %select_n3A_863 = arith.select %eq3A_846, %get3A_850, %select_n3A_862 : vector<16xi1>, vector<16xf32>
      %swap3A_864 = arith.index_cast %scan3A_336 : i32 to index
      %swap3A_865 = arith.constant 288 : index
      %swap3A_866 = tpu.vector_load %arg9[%swap3A_864, %swap3A_865] {strides = array<i32>} : memref<64x512xf32, #tpu.memory_space<vmem>>, vector<1x16xf32>,
      %swap3A_867 = vector.shape_cast %swap3A_866 : vector<1x16xf32> to vector<16xf32>
      %swap3A_868 = vector.shape_cast %select_n3A_863 : vector<16xf32> to vector<1x16xf32>
      tpu.vector_store %arg9[%swap3A_864, %swap3A_865], %swap3A_868 {strides = array<i32>} : memref<64x512xf32, #tpu.memory_space<vmem>>, vector<1x16xf32>,
      %get3A_869 = arith.constant 304 : index
      %get3A_870 = tpu.vector_load %arg7[%get3A_869] {strides = array<i32>} : memref<512xi32, #tpu.memory_space<vmem>>, vector<16xi32>,
      %get3A_871 = vector.shape_cast %get3A_870 : vector<16xi32> to vector<16xi32>
      %eq3A_872 = arith.constant 0 : i32
      %eq3A_873 = vector.broadcast %eq3A_872 : i32 to vector<16xi32>
      %eq3A_874 = arith.cmpi eq, %get3A_871, %eq3A_873 : vector<16xi32>
      %get3A_875 = arith.index_cast %scan3A_336 : i32 to index
      %get3A_876 = arith.constant 0 : index
      %get3A_877 = tpu.vector_load %arg8[%get3A_875, %get3A_876] {strides = array<i32>} : memref<64x48xf32, #tpu.memory_space<vmem>>, vector<1x16xf32>,
      %get3A_878 = vector.shape_cast %get3A_877 : vector<1x16xf32> to vector<16xf32>
      %eq3A_879 = arith.constant 1 : i32
      %eq3A_880 = vector.broadcast %eq3A_879 : i32 to vector<16xi32>
      %eq3A_881 = arith.cmpi eq, %get3A_871, %eq3A_880 : vector<16xi32>
      %get3A_882 = arith.index_cast %scan3A_336 : i32 to index
      %get3A_883 = arith.constant 16 : index
      %get3A_884 = tpu.vector_load %arg8[%get3A_882, %get3A_883] {strides = array<i32>} : memref<64x48xf32, #tpu.memory_space<vmem>>, vector<1x16xf32>,
      %get3A_885 = vector.shape_cast %get3A_884 : vector<1x16xf32> to vector<16xf32>
      %get3A_886 = arith.index_cast %scan3A_336 : i32 to index
      %get3A_887 = arith.constant 32 : index
      %get3A_888 = tpu.vector_load %arg8[%get3A_886, %get3A_887] {strides = array<i32>} : memref<64x48xf32, #tpu.memory_space<vmem>>, vector<1x16xf32>,
      %get3A_889 = vector.shape_cast %get3A_888 : vector<1x16xf32> to vector<16xf32>
      %select_n3A_890 = arith.select %eq3A_881, %get3A_885, %get3A_889 : vector<16xi1>, vector<16xf32>
      %select_n3A_891 = arith.select %eq3A_874, %get3A_878, %select_n3A_890 : vector<16xi1>, vector<16xf32>
      %swap3A_892 = arith.index_cast %scan3A_336 : i32 to index
      %swap3A_893 = arith.constant 304 : index
      %swap3A_894 = tpu.vector_load %arg9[%swap3A_892, %swap3A_893] {strides = array<i32>} : memref<64x512xf32, #tpu.memory_space<vmem>>, vector<1x16xf32>,
      %swap3A_895 = vector.shape_cast %swap3A_894 : vector<1x16xf32> to vector<16xf32>
      %swap3A_896 = vector.shape_cast %select_n3A_891 : vector<16xf32> to vector<1x16xf32>
      tpu.vector_store %arg9[%swap3A_892, %swap3A_893], %swap3A_896 {strides = array<i32>} : memref<64x512xf32, #tpu.memory_space<vmem>>, vector<1x16xf32>,
      %get3A_897 = arith.constant 320 : index
      %get3A_898 = tpu.vector_load %arg7[%get3A_897] {strides = array<i32>} : memref<512xi32, #tpu.memory_space<vmem>>, vector<16xi32>,
      %get3A_899 = vector.shape_cast %get3A_898 : vector<16xi32> to vector<16xi32>
      %eq3A_900 = arith.constant 0 : i32
      %eq3A_901 = vector.broadcast %eq3A_900 : i32 to vector<16xi32>
      %eq3A_902 = arith.cmpi eq, %get3A_899, %eq3A_901 : vector<16xi32>
      %get3A_903 = arith.index_cast %scan3A_336 : i32 to index
      %get3A_904 = arith.constant 0 : index
      %get3A_905 = tpu.vector_load %arg8[%get3A_903, %get3A_904] {strides = array<i32>} : memref<64x48xf32, #tpu.memory_space<vmem>>, vector<1x16xf32>,
      %get3A_906 = vector.shape_cast %get3A_905 : vector<1x16xf32> to vector<16xf32>
      %eq3A_907 = arith.constant 1 : i32
      %eq3A_908 = vector.broadcast %eq3A_907 : i32 to vector<16xi32>
      %eq3A_909 = arith.cmpi eq, %get3A_899, %eq3A_908 : vector<16xi32>
      %get3A_910 = arith.index_cast %scan3A_336 : i32 to index
      %get3A_911 = arith.constant 16 : index
      %get3A_912 = tpu.vector_load %arg8[%get3A_910, %get3A_911] {strides = array<i32>} : memref<64x48xf32, #tpu.memory_space<vmem>>, vector<1x16xf32>,
      %get3A_913 = vector.shape_cast %get3A_912 : vector<1x16xf32> to vector<16xf32>
      %get3A_914 = arith.index_cast %scan3A_336 : i32 to index
      %get3A_915 = arith.constant 32 : index
      %get3A_916 = tpu.vector_load %arg8[%get3A_914, %get3A_915] {strides = array<i32>} : memref<64x48xf32, #tpu.memory_space<vmem>>, vector<1x16xf32>,
      %get3A_917 = vector.shape_cast %get3A_916 : vector<1x16xf32> to vector<16xf32>
      %select_n3A_918 = arith.select %eq3A_909, %get3A_913, %get3A_917 : vector<16xi1>, vector<16xf32>
      %select_n3A_919 = arith.select %eq3A_902, %get3A_906, %select_n3A_918 : vector<16xi1>, vector<16xf32>
      %swap3A_920 = arith.index_cast %scan3A_336 : i32 to index
      %swap3A_921 = arith.constant 320 : index
      %swap3A_922 = tpu.vector_load %arg9[%swap3A_920, %swap3A_921] {strides = array<i32>} : memref<64x512xf32, #tpu.memory_space<vmem>>, vector<1x16xf32>,
      %swap3A_923 = vector.shape_cast %swap3A_922 : vector<1x16xf32> to vector<16xf32>
      %swap3A_924 = vector.shape_cast %select_n3A_919 : vector<16xf32> to vector<1x16xf32>
      tpu.vector_store %arg9[%swap3A_920, %swap3A_921], %swap3A_924 {strides = array<i32>} : memref<64x512xf32, #tpu.memory_space<vmem>>, vector<1x16xf32>,
      %get3A_925 = arith.constant 336 : index
      %get3A_926 = tpu.vector_load %arg7[%get3A_925] {strides = array<i32>} : memref<512xi32, #tpu.memory_space<vmem>>, vector<16xi32>,
      %get3A_927 = vector.shape_cast %get3A_926 : vector<16xi32> to vector<16xi32>
      %eq3A_928 = arith.constant 0 : i32
      %eq3A_929 = vector.broadcast %eq3A_928 : i32 to vector<16xi32>
      %eq3A_930 = arith.cmpi eq, %get3A_927, %eq3A_929 : vector<16xi32>
      %get3A_931 = arith.index_cast %scan3A_336 : i32 to index
      %get3A_932 = arith.constant 0 : index
      %get3A_933 = tpu.vector_load %arg8[%get3A_931, %get3A_932] {strides = array<i32>} : memref<64x48xf32, #tpu.memory_space<vmem>>, vector<1x16xf32>,
      %get3A_934 = vector.shape_cast %get3A_933 : vector<1x16xf32> to vector<16xf32>
      %eq3A_935 = arith.constant 1 : i32
      %eq3A_936 = vector.broadcast %eq3A_935 : i32 to vector<16xi32>
      %eq3A_937 = arith.cmpi eq, %get3A_927, %eq3A_936 : vector<16xi32>
      %get3A_938 = arith.index_cast %scan3A_336 : i32 to index
      %get3A_939 = arith.constant 16 : index
      %get3A_940 = tpu.vector_load %arg8[%get3A_938, %get3A_939] {strides = array<i32>} : memref<64x48xf32, #tpu.memory_space<vmem>>, vector<1x16xf32>,
      %get3A_941 = vector.shape_cast %get3A_940 : vector<1x16xf32> to vector<16xf32>
      %get3A_942 = arith.index_cast %scan3A_336 : i32 to index
      %get3A_943 = arith.constant 32 : index
      %get3A_944 = tpu.vector_load %arg8[%get3A_942, %get3A_943] {strides = array<i32>} : memref<64x48xf32, #tpu.memory_space<vmem>>, vector<1x16xf32>,
      %get3A_945 = vector.shape_cast %get3A_944 : vector<1x16xf32> to vector<16xf32>
      %select_n3A_946 = arith.select %eq3A_937, %get3A_941, %get3A_945 : vector<16xi1>, vector<16xf32>
      %select_n3A_947 = arith.select %eq3A_930, %get3A_934, %select_n3A_946 : vector<16xi1>, vector<16xf32>
      %swap3A_948 = arith.index_cast %scan3A_336 : i32 to index
      %swap3A_949 = arith.constant 336 : index
      %swap3A_950 = tpu.vector_load %arg9[%swap3A_948, %swap3A_949] {strides = array<i32>} : memref<64x512xf32, #tpu.memory_space<vmem>>, vector<1x16xf32>,
      %swap3A_951 = vector.shape_cast %swap3A_950 : vector<1x16xf32> to vector<16xf32>
      %swap3A_952 = vector.shape_cast %select_n3A_947 : vector<16xf32> to vector<1x16xf32>
      tpu.vector_store %arg9[%swap3A_948, %swap3A_949], %swap3A_952 {strides = array<i32>} : memref<64x512xf32, #tpu.memory_space<vmem>>, vector<1x16xf32>,
      %get3A_953 = arith.constant 352 : index
      %get3A_954 = tpu.vector_load %arg7[%get3A_953] {strides = array<i32>} : memref<512xi32, #tpu.memory_space<vmem>>, vector<16xi32>,
      %get3A_955 = vector.shape_cast %get3A_954 : vector<16xi32> to vector<16xi32>
      %eq3A_956 = arith.constant 0 : i32
      %eq3A_957 = vector.broadcast %eq3A_956 : i32 to vector<16xi32>
      %eq3A_958 = arith.cmpi eq, %get3A_955, %eq3A_957 : vector<16xi32>
      %get3A_959 = arith.index_cast %scan3A_336 : i32 to index
      %get3A_960 = arith.constant 0 : index
      %get3A_961 = tpu.vector_load %arg8[%get3A_959, %get3A_960] {strides = array<i32>} : memref<64x48xf32, #tpu.memory_space<vmem>>, vector<1x16xf32>,
      %get3A_962 = vector.shape_cast %get3A_961 : vector<1x16xf32> to vector<16xf32>
      %eq3A_963 = arith.constant 1 : i32
      %eq3A_964 = vector.broadcast %eq3A_963 : i32 to vector<16xi32>
      %eq3A_965 = arith.cmpi eq, %get3A_955, %eq3A_964 : vector<16xi32>
      %get3A_966 = arith.index_cast %scan3A_336 : i32 to index
      %get3A_967 = arith.constant 16 : index
      %get3A_968 = tpu.vector_load %arg8[%get3A_966, %get3A_967] {strides = array<i32>} : memref<64x48xf32, #tpu.memory_space<vmem>>, vector<1x16xf32>,
      %get3A_969 = vector.shape_cast %get3A_968 : vector<1x16xf32> to vector<16xf32>
      %get3A_970 = arith.index_cast %scan3A_336 : i32 to index
      %get3A_971 = arith.constant 32 : index
      %get3A_972 = tpu.vector_load %arg8[%get3A_970, %get3A_971] {strides = array<i32>} : memref<64x48xf32, #tpu.memory_space<vmem>>, vector<1x16xf32>,
      %get3A_973 = vector.shape_cast %get3A_972 : vector<1x16xf32> to vector<16xf32>
      %select_n3A_974 = arith.select %eq3A_965, %get3A_969, %get3A_973 : vector<16xi1>, vector<16xf32>
      %select_n3A_975 = arith.select %eq3A_958, %get3A_962, %select_n3A_974 : vector<16xi1>, vector<16xf32>
      %swap3A_976 = arith.index_cast %scan3A_336 : i32 to index
      %swap3A_977 = arith.constant 352 : index
      %swap3A_978 = tpu.vector_load %arg9[%swap3A_976, %swap3A_977] {strides = array<i32>} : memref<64x512xf32, #tpu.memory_space<vmem>>, vector<1x16xf32>,
      %swap3A_979 = vector.shape_cast %swap3A_978 : vector<1x16xf32> to vector<16xf32>
      %swap3A_980 = vector.shape_cast %select_n3A_975 : vector<16xf32> to vector<1x16xf32>
      tpu.vector_store %arg9[%swap3A_976, %swap3A_977], %swap3A_980 {strides = array<i32>} : memref<64x512xf32, #tpu.memory_space<vmem>>, vector<1x16xf32>,
      %get3A_981 = arith.constant 368 : index
      %get3A_982 = tpu.vector_load %arg7[%get3A_981] {strides = array<i32>} : memref<512xi32, #tpu.memory_space<vmem>>, vector<16xi32>,
      %get3A_983 = vector.shape_cast %get3A_982 : vector<16xi32> to vector<16xi32>
      %eq3A_984 = arith.constant 0 : i32
      %eq3A_985 = vector.broadcast %eq3A_984 : i32 to vector<16xi32>
      %eq3A_986 = arith.cmpi eq, %get3A_983, %eq3A_985 : vector<16xi32>
      %get3A_987 = arith.index_cast %scan3A_336 : i32 to index
      %get3A_988 = arith.constant 0 : index
      %get3A_989 = tpu.vector_load %arg8[%get3A_987, %get3A_988] {strides = array<i32>} : memref<64x48xf32, #tpu.memory_space<vmem>>, vector<1x16xf32>,
      %get3A_990 = vector.shape_cast %get3A_989 : vector<1x16xf32> to vector<16xf32>
      %eq3A_991 = arith.constant 1 : i32
      %eq3A_992 = vector.broadcast %eq3A_991 : i32 to vector<16xi32>
      %eq3A_993 = arith.cmpi eq, %get3A_983, %eq3A_992 : vector<16xi32>
      %get3A_994 = arith.index_cast %scan3A_336 : i32 to index
      %get3A_995 = arith.constant 16 : index
      %get3A_996 = tpu.vector_load %arg8[%get3A_994, %get3A_995] {strides = array<i32>} : memref<64x48xf32, #tpu.memory_space<vmem>>, vector<1x16xf32>,
      %get3A_997 = vector.shape_cast %get3A_996 : vector<1x16xf32> to vector<16xf32>
      %get3A_998 = arith.index_cast %scan3A_336 : i32 to index
      %get3A_999 = arith.constant 32 : index
      %get3A_1000 = tpu.vector_load %arg8[%get3A_998, %get3A_999] {strides = array<i32>} : memref<64x48xf32, #tpu.memory_space<vmem>>, vector<1x16xf32>,
      %get3A_1001 = vector.shape_cast %get3A_1000 : vector<1x16xf32> to vector<16xf32>
      %select_n3A_1002 = arith.select %eq3A_993, %get3A_997, %get3A_1001 : vector<16xi1>, vector<16xf32>
      %select_n3A_1003 = arith.select %eq3A_986, %get3A_990, %select_n3A_1002 : vector<16xi1>, vector<16xf32>
      %swap3A_1004 = arith.index_cast %scan3A_336 : i32 to index
      %swap3A_1005 = arith.constant 368 : index
      %swap3A_1006 = tpu.vector_load %arg9[%swap3A_1004, %swap3A_1005] {strides = array<i32>} : memref<64x512xf32, #tpu.memory_space<vmem>>, vector<1x16xf32>,
      %swap3A_1007 = vector.shape_cast %swap3A_1006 : vector<1x16xf32> to vector<16xf32>
      %swap3A_1008 = vector.shape_cast %select_n3A_1003 : vector<16xf32> to vector<1x16xf32>
      tpu.vector_store %arg9[%swap3A_1004, %swap3A_1005], %swap3A_1008 {strides = array<i32>} : memref<64x512xf32, #tpu.memory_space<vmem>>, vector<1x16xf32>,
      %get3A_1009 = arith.constant 384 : index
      %get3A_1010 = tpu.vector_load %arg7[%get3A_1009] {strides = array<i32>} : memref<512xi32, #tpu.memory_space<vmem>>, vector<16xi32>,
      %get3A_1011 = vector.shape_cast %get3A_1010 : vector<16xi32> to vector<16xi32>
      %eq3A_1012 = arith.constant 0 : i32
      %eq3A_1013 = vector.broadcast %eq3A_1012 : i32 to vector<16xi32>
      %eq3A_1014 = arith.cmpi eq, %get3A_1011, %eq3A_1013 : vector<16xi32>
      %get3A_1015 = arith.index_cast %scan3A_336 : i32 to index
      %get3A_1016 = arith.constant 0 : index
      %get3A_1017 = tpu.vector_load %arg8[%get3A_1015, %get3A_1016] {strides = array<i32>} : memref<64x48xf32, #tpu.memory_space<vmem>>, vector<1x16xf32>,
      %get3A_1018 = vector.shape_cast %get3A_1017 : vector<1x16xf32> to vector<16xf32>
      %eq3A_1019 = arith.constant 1 : i32
      %eq3A_1020 = vector.broadcast %eq3A_1019 : i32 to vector<16xi32>
      %eq3A_1021 = arith.cmpi eq, %get3A_1011, %eq3A_1020 : vector<16xi32>
      %get3A_1022 = arith.index_cast %scan3A_336 : i32 to index
      %get3A_1023 = arith.constant 16 : index
      %get3A_1024 = tpu.vector_load %arg8[%get3A_1022, %get3A_1023] {strides = array<i32>} : memref<64x48xf32, #tpu.memory_space<vmem>>, vector<1x16xf32>,
      %get3A_1025 = vector.shape_cast %get3A_1024 : vector<1x16xf32> to vector<16xf32>
      %get3A_1026 = arith.index_cast %scan3A_336 : i32 to index
      %get3A_1027 = arith.constant 32 : index
      %get3A_1028 = tpu.vector_load %arg8[%get3A_1026, %get3A_1027] {strides = array<i32>} : memref<64x48xf32, #tpu.memory_space<vmem>>, vector<1x16xf32>,
      %get3A_1029 = vector.shape_cast %get3A_1028 : vector<1x16xf32> to vector<16xf32>
      %select_n3A_1030 = arith.select %eq3A_1021, %get3A_1025, %get3A_1029 : vector<16xi1>, vector<16xf32>
      %select_n3A_1031 = arith.select %eq3A_1014, %get3A_1018, %select_n3A_1030 : vector<16xi1>, vector<16xf32>
      %swap3A_1032 = arith.index_cast %scan3A_336 : i32 to index
      %swap3A_1033 = arith.constant 384 : index
      %swap3A_1034 = tpu.vector_load %arg9[%swap3A_1032, %swap3A_1033] {strides = array<i32>} : memref<64x512xf32, #tpu.memory_space<vmem>>, vector<1x16xf32>,
      %swap3A_1035 = vector.shape_cast %swap3A_1034 : vector<1x16xf32> to vector<16xf32>
      %swap3A_1036 = vector.shape_cast %select_n3A_1031 : vector<16xf32> to vector<1x16xf32>
      tpu.vector_store %arg9[%swap3A_1032, %swap3A_1033], %swap3A_1036 {strides = array<i32>} : memref<64x512xf32, #tpu.memory_space<vmem>>, vector<1x16xf32>,
      %get3A_1037 = arith.constant 400 : index
      %get3A_1038 = tpu.vector_load %arg7[%get3A_1037] {strides = array<i32>} : memref<512xi32, #tpu.memory_space<vmem>>, vector<16xi32>,
      %get3A_1039 = vector.shape_cast %get3A_1038 : vector<16xi32> to vector<16xi32>
      %eq3A_1040 = arith.constant 0 : i32
      %eq3A_1041 = vector.broadcast %eq3A_1040 : i32 to vector<16xi32>
      %eq3A_1042 = arith.cmpi eq, %get3A_1039, %eq3A_1041 : vector<16xi32>
      %get3A_1043 = arith.index_cast %scan3A_336 : i32 to index
      %get3A_1044 = arith.constant 0 : index
      %get3A_1045 = tpu.vector_load %arg8[%get3A_1043, %get3A_1044] {strides = array<i32>} : memref<64x48xf32, #tpu.memory_space<vmem>>, vector<1x16xf32>,
      %get3A_1046 = vector.shape_cast %get3A_1045 : vector<1x16xf32> to vector<16xf32>
      %eq3A_1047 = arith.constant 1 : i32
      %eq3A_1048 = vector.broadcast %eq3A_1047 : i32 to vector<16xi32>
      %eq3A_1049 = arith.cmpi eq, %get3A_1039, %eq3A_1048 : vector<16xi32>
      %get3A_1050 = arith.index_cast %scan3A_336 : i32 to index
      %get3A_1051 = arith.constant 16 : index
      %get3A_1052 = tpu.vector_load %arg8[%get3A_1050, %get3A_1051] {strides = array<i32>} : memref<64x48xf32, #tpu.memory_space<vmem>>, vector<1x16xf32>,
      %get3A_1053 = vector.shape_cast %get3A_1052 : vector<1x16xf32> to vector<16xf32>
      %get3A_1054 = arith.index_cast %scan3A_336 : i32 to index
      %get3A_1055 = arith.constant 32 : index
      %get3A_1056 = tpu.vector_load %arg8[%get3A_1054, %get3A_1055] {strides = array<i32>} : memref<64x48xf32, #tpu.memory_space<vmem>>, vector<1x16xf32>,
      %get3A_1057 = vector.shape_cast %get3A_1056 : vector<1x16xf32> to vector<16xf32>
      %select_n3A_1058 = arith.select %eq3A_1049, %get3A_1053, %get3A_1057 : vector<16xi1>, vector<16xf32>
      %select_n3A_1059 = arith.select %eq3A_1042, %get3A_1046, %select_n3A_1058 : vector<16xi1>, vector<16xf32>
      %swap3A_1060 = arith.index_cast %scan3A_336 : i32 to index
      %swap3A_1061 = arith.constant 400 : index
      %swap3A_1062 = tpu.vector_load %arg9[%swap3A_1060, %swap3A_1061] {strides = array<i32>} : memref<64x512xf32, #tpu.memory_space<vmem>>, vector<1x16xf32>,
      %swap3A_1063 = vector.shape_cast %swap3A_1062 : vector<1x16xf32> to vector<16xf32>
      %swap3A_1064 = vector.shape_cast %select_n3A_1059 : vector<16xf32> to vector<1x16xf32>
      tpu.vector_store %arg9[%swap3A_1060, %swap3A_1061], %swap3A_1064 {strides = array<i32>} : memref<64x512xf32, #tpu.memory_space<vmem>>, vector<1x16xf32>,
      %get3A_1065 = arith.constant 416 : index
      %get3A_1066 = tpu.vector_load %arg7[%get3A_1065] {strides = array<i32>} : memref<512xi32, #tpu.memory_space<vmem>>, vector<16xi32>,
      %get3A_1067 = vector.shape_cast %get3A_1066 : vector<16xi32> to vector<16xi32>
      %eq3A_1068 = arith.constant 0 : i32
      %eq3A_1069 = vector.broadcast %eq3A_1068 : i32 to vector<16xi32>
      %eq3A_1070 = arith.cmpi eq, %get3A_1067, %eq3A_1069 : vector<16xi32>
      %get3A_1071 = arith.index_cast %scan3A_336 : i32 to index
      %get3A_1072 = arith.constant 0 : index
      %get3A_1073 = tpu.vector_load %arg8[%get3A_1071, %get3A_1072] {strides = array<i32>} : memref<64x48xf32, #tpu.memory_space<vmem>>, vector<1x16xf32>,
      %get3A_1074 = vector.shape_cast %get3A_1073 : vector<1x16xf32> to vector<16xf32>
      %eq3A_1075 = arith.constant 1 : i32
      %eq3A_1076 = vector.broadcast %eq3A_1075 : i32 to vector<16xi32>
      %eq3A_1077 = arith.cmpi eq, %get3A_1067, %eq3A_1076 : vector<16xi32>
      %get3A_1078 = arith.index_cast %scan3A_336 : i32 to index
      %get3A_1079 = arith.constant 16 : index
      %get3A_1080 = tpu.vector_load %arg8[%get3A_1078, %get3A_1079] {strides = array<i32>} : memref<64x48xf32, #tpu.memory_space<vmem>>, vector<1x16xf32>,
      %get3A_1081 = vector.shape_cast %get3A_1080 : vector<1x16xf32> to vector<16xf32>
      %get3A_1082 = arith.index_cast %scan3A_336 : i32 to index
      %get3A_1083 = arith.constant 32 : index
      %get3A_1084 = tpu.vector_load %arg8[%get3A_1082, %get3A_1083] {strides = array<i32>} : memref<64x48xf32, #tpu.memory_space<vmem>>, vector<1x16xf32>,
      %get3A_1085 = vector.shape_cast %get3A_1084 : vector<1x16xf32> to vector<16xf32>
      %select_n3A_1086 = arith.select %eq3A_1077, %get3A_1081, %get3A_1085 : vector<16xi1>, vector<16xf32>
      %select_n3A_1087 = arith.select %eq3A_1070, %get3A_1074, %select_n3A_1086 : vector<16xi1>, vector<16xf32>
      %swap3A_1088 = arith.index_cast %scan3A_336 : i32 to index
      %swap3A_1089 = arith.constant 416 : index
      %swap3A_1090 = tpu.vector_load %arg9[%swap3A_1088, %swap3A_1089] {strides = array<i32>} : memref<64x512xf32, #tpu.memory_space<vmem>>, vector<1x16xf32>,
      %swap3A_1091 = vector.shape_cast %swap3A_1090 : vector<1x16xf32> to vector<16xf32>
      %swap3A_1092 = vector.shape_cast %select_n3A_1087 : vector<16xf32> to vector<1x16xf32>
      tpu.vector_store %arg9[%swap3A_1088, %swap3A_1089], %swap3A_1092 {strides = array<i32>} : memref<64x512xf32, #tpu.memory_space<vmem>>, vector<1x16xf32>,
      %get3A_1093 = arith.constant 432 : index
      %get3A_1094 = tpu.vector_load %arg7[%get3A_1093] {strides = array<i32>} : memref<512xi32, #tpu.memory_space<vmem>>, vector<16xi32>,
      %get3A_1095 = vector.shape_cast %get3A_1094 : vector<16xi32> to vector<16xi32>
      %eq3A_1096 = arith.constant 0 : i32
      %eq3A_1097 = vector.broadcast %eq3A_1096 : i32 to vector<16xi32>
      %eq3A_1098 = arith.cmpi eq, %get3A_1095, %eq3A_1097 : vector<16xi32>
      %get3A_1099 = arith.index_cast %scan3A_336 : i32 to index
      %get3A_1100 = arith.constant 0 : index
      %get3A_1101 = tpu.vector_load %arg8[%get3A_1099, %get3A_1100] {strides = array<i32>} : memref<64x48xf32, #tpu.memory_space<vmem>>, vector<1x16xf32>,
      %get3A_1102 = vector.shape_cast %get3A_1101 : vector<1x16xf32> to vector<16xf32>
      %eq3A_1103 = arith.constant 1 : i32
      %eq3A_1104 = vector.broadcast %eq3A_1103 : i32 to vector<16xi32>
      %eq3A_1105 = arith.cmpi eq, %get3A_1095, %eq3A_1104 : vector<16xi32>
      %get3A_1106 = arith.index_cast %scan3A_336 : i32 to index
      %get3A_1107 = arith.constant 16 : index
      %get3A_1108 = tpu.vector_load %arg8[%get3A_1106, %get3A_1107] {strides = array<i32>} : memref<64x48xf32, #tpu.memory_space<vmem>>, vector<1x16xf32>,
      %get3A_1109 = vector.shape_cast %get3A_1108 : vector<1x16xf32> to vector<16xf32>
      %get3A_1110 = arith.index_cast %scan3A_336 : i32 to index
      %get3A_1111 = arith.constant 32 : index
      %get3A_1112 = tpu.vector_load %arg8[%get3A_1110, %get3A_1111] {strides = array<i32>} : memref<64x48xf32, #tpu.memory_space<vmem>>, vector<1x16xf32>,
      %get3A_1113 = vector.shape_cast %get3A_1112 : vector<1x16xf32> to vector<16xf32>
      %select_n3A_1114 = arith.select %eq3A_1105, %get3A_1109, %get3A_1113 : vector<16xi1>, vector<16xf32>
      %select_n3A_1115 = arith.select %eq3A_1098, %get3A_1102, %select_n3A_1114 : vector<16xi1>, vector<16xf32>
      %swap3A_1116 = arith.index_cast %scan3A_336 : i32 to index
      %swap3A_1117 = arith.constant 432 : index
      %swap3A_1118 = tpu.vector_load %arg9[%swap3A_1116, %swap3A_1117] {strides = array<i32>} : memref<64x512xf32, #tpu.memory_space<vmem>>, vector<1x16xf32>,
      %swap3A_1119 = vector.shape_cast %swap3A_1118 : vector<1x16xf32> to vector<16xf32>
      %swap3A_1120 = vector.shape_cast %select_n3A_1115 : vector<16xf32> to vector<1x16xf32>
      tpu.vector_store %arg9[%swap3A_1116, %swap3A_1117], %swap3A_1120 {strides = array<i32>} : memref<64x512xf32, #tpu.memory_space<vmem>>, vector<1x16xf32>,
      %get3A_1121 = arith.constant 448 : index
      %get3A_1122 = tpu.vector_load %arg7[%get3A_1121] {strides = array<i32>} : memref<512xi32, #tpu.memory_space<vmem>>, vector<16xi32>,
      %get3A_1123 = vector.shape_cast %get3A_1122 : vector<16xi32> to vector<16xi32>
      %eq3A_1124 = arith.constant 0 : i32
      %eq3A_1125 = vector.broadcast %eq3A_1124 : i32 to vector<16xi32>
      %eq3A_1126 = arith.cmpi eq, %get3A_1123, %eq3A_1125 : vector<16xi32>
      %get3A_1127 = arith.index_cast %scan3A_336 : i32 to index
      %get3A_1128 = arith.constant 0 : index
      %get3A_1129 = tpu.vector_load %arg8[%get3A_1127, %get3A_1128] {strides = array<i32>} : memref<64x48xf32, #tpu.memory_space<vmem>>, vector<1x16xf32>,
      %get3A_1130 = vector.shape_cast %get3A_1129 : vector<1x16xf32> to vector<16xf32>
      %eq3A_1131 = arith.constant 1 : i32
      %eq3A_1132 = vector.broadcast %eq3A_1131 : i32 to vector<16xi32>
      %eq3A_1133 = arith.cmpi eq, %get3A_1123, %eq3A_1132 : vector<16xi32>
      %get3A_1134 = arith.index_cast %scan3A_336 : i32 to index
      %get3A_1135 = arith.constant 16 : index
      %get3A_1136 = tpu.vector_load %arg8[%get3A_1134, %get3A_1135] {strides = array<i32>} : memref<64x48xf32, #tpu.memory_space<vmem>>, vector<1x16xf32>,
      %get3A_1137 = vector.shape_cast %get3A_1136 : vector<1x16xf32> to vector<16xf32>
      %get3A_1138 = arith.index_cast %scan3A_336 : i32 to index
      %get3A_1139 = arith.constant 32 : index
      %get3A_1140 = tpu.vector_load %arg8[%get3A_1138, %get3A_1139] {strides = array<i32>} : memref<64x48xf32, #tpu.memory_space<vmem>>, vector<1x16xf32>,
      %get3A_1141 = vector.shape_cast %get3A_1140 : vector<1x16xf32> to vector<16xf32>
      %select_n3A_1142 = arith.select %eq3A_1133, %get3A_1137, %get3A_1141 : vector<16xi1>, vector<16xf32>
      %select_n3A_1143 = arith.select %eq3A_1126, %get3A_1130, %select_n3A_1142 : vector<16xi1>, vector<16xf32>
      %swap3A_1144 = arith.index_cast %scan3A_336 : i32 to index
      %swap3A_1145 = arith.constant 448 : index
      %swap3A_1146 = tpu.vector_load %arg9[%swap3A_1144, %swap3A_1145] {strides = array<i32>} : memref<64x512xf32, #tpu.memory_space<vmem>>, vector<1x16xf32>,
      %swap3A_1147 = vector.shape_cast %swap3A_1146 : vector<1x16xf32> to vector<16xf32>
      %swap3A_1148 = vector.shape_cast %select_n3A_1143 : vector<16xf32> to vector<1x16xf32>
      tpu.vector_store %arg9[%swap3A_1144, %swap3A_1145], %swap3A_1148 {strides = array<i32>} : memref<64x512xf32, #tpu.memory_space<vmem>>, vector<1x16xf32>,
      %get3A_1149 = arith.constant 464 : index
      %get3A_1150 = tpu.vector_load %arg7[%get3A_1149] {strides = array<i32>} : memref<512xi32, #tpu.memory_space<vmem>>, vector<16xi32>,
      %get3A_1151 = vector.shape_cast %get3A_1150 : vector<16xi32> to vector<16xi32>
      %eq3A_1152 = arith.constant 0 : i32
      %eq3A_1153 = vector.broadcast %eq3A_1152 : i32 to vector<16xi32>
      %eq3A_1154 = arith.cmpi eq, %get3A_1151, %eq3A_1153 : vector<16xi32>
      %get3A_1155 = arith.index_cast %scan3A_336 : i32 to index
      %get3A_1156 = arith.constant 0 : index
      %get3A_1157 = tpu.vector_load %arg8[%get3A_1155, %get3A_1156] {strides = array<i32>} : memref<64x48xf32, #tpu.memory_space<vmem>>, vector<1x16xf32>,
      %get3A_1158 = vector.shape_cast %get3A_1157 : vector<1x16xf32> to vector<16xf32>
      %eq3A_1159 = arith.constant 1 : i32
      %eq3A_1160 = vector.broadcast %eq3A_1159 : i32 to vector<16xi32>
      %eq3A_1161 = arith.cmpi eq, %get3A_1151, %eq3A_1160 : vector<16xi32>
      %get3A_1162 = arith.index_cast %scan3A_336 : i32 to index
      %get3A_1163 = arith.constant 16 : index
      %get3A_1164 = tpu.vector_load %arg8[%get3A_1162, %get3A_1163] {strides = array<i32>} : memref<64x48xf32, #tpu.memory_space<vmem>>, vector<1x16xf32>,
      %get3A_1165 = vector.shape_cast %get3A_1164 : vector<1x16xf32> to vector<16xf32>
      %get3A_1166 = arith.index_cast %scan3A_336 : i32 to index
      %get3A_1167 = arith.constant 32 : index
      %get3A_1168 = tpu.vector_load %arg8[%get3A_1166, %get3A_1167] {strides = array<i32>} : memref<64x48xf32, #tpu.memory_space<vmem>>, vector<1x16xf32>,
      %get3A_1169 = vector.shape_cast %get3A_1168 : vector<1x16xf32> to vector<16xf32>
      %select_n3A_1170 = arith.select %eq3A_1161, %get3A_1165, %get3A_1169 : vector<16xi1>, vector<16xf32>
      %select_n3A_1171 = arith.select %eq3A_1154, %get3A_1158, %select_n3A_1170 : vector<16xi1>, vector<16xf32>
      %swap3A_1172 = arith.index_cast %scan3A_336 : i32 to index
      %swap3A_1173 = arith.constant 464 : index
      %swap3A_1174 = tpu.vector_load %arg9[%swap3A_1172, %swap3A_1173] {strides = array<i32>} : memref<64x512xf32, #tpu.memory_space<vmem>>, vector<1x16xf32>,
      %swap3A_1175 = vector.shape_cast %swap3A_1174 : vector<1x16xf32> to vector<16xf32>
      %swap3A_1176 = vector.shape_cast %select_n3A_1171 : vector<16xf32> to vector<1x16xf32>
      tpu.vector_store %arg9[%swap3A_1172, %swap3A_1173], %swap3A_1176 {strides = array<i32>} : memref<64x512xf32, #tpu.memory_space<vmem>>, vector<1x16xf32>,
      %get3A_1177 = arith.constant 480 : index
      %get3A_1178 = tpu.vector_load %arg7[%get3A_1177] {strides = array<i32>} : memref<512xi32, #tpu.memory_space<vmem>>, vector<16xi32>,
      %get3A_1179 = vector.shape_cast %get3A_1178 : vector<16xi32> to vector<16xi32>
      %eq3A_1180 = arith.constant 0 : i32
      %eq3A_1181 = vector.broadcast %eq3A_1180 : i32 to vector<16xi32>
      %eq3A_1182 = arith.cmpi eq, %get3A_1179, %eq3A_1181 : vector<16xi32>
      %get3A_1183 = arith.index_cast %scan3A_336 : i32 to index
      %get3A_1184 = arith.constant 0 : index
      %get3A_1185 = tpu.vector_load %arg8[%get3A_1183, %get3A_1184] {strides = array<i32>} : memref<64x48xf32, #tpu.memory_space<vmem>>, vector<1x16xf32>,
      %get3A_1186 = vector.shape_cast %get3A_1185 : vector<1x16xf32> to vector<16xf32>
      %eq3A_1187 = arith.constant 1 : i32
      %eq3A_1188 = vector.broadcast %eq3A_1187 : i32 to vector<16xi32>
      %eq3A_1189 = arith.cmpi eq, %get3A_1179, %eq3A_1188 : vector<16xi32>
      %get3A_1190 = arith.index_cast %scan3A_336 : i32 to index
      %get3A_1191 = arith.constant 16 : index
      %get3A_1192 = tpu.vector_load %arg8[%get3A_1190, %get3A_1191] {strides = array<i32>} : memref<64x48xf32, #tpu.memory_space<vmem>>, vector<1x16xf32>,
      %get3A_1193 = vector.shape_cast %get3A_1192 : vector<1x16xf32> to vector<16xf32>
      %get3A_1194 = arith.index_cast %scan3A_336 : i32 to index
      %get3A_1195 = arith.constant 32 : index
      %get3A_1196 = tpu.vector_load %arg8[%get3A_1194, %get3A_1195] {strides = array<i32>} : memref<64x48xf32, #tpu.memory_space<vmem>>, vector<1x16xf32>,
      %get3A_1197 = vector.shape_cast %get3A_1196 : vector<1x16xf32> to vector<16xf32>
      %select_n3A_1198 = arith.select %eq3A_1189, %get3A_1193, %get3A_1197 : vector<16xi1>, vector<16xf32>
      %select_n3A_1199 = arith.select %eq3A_1182, %get3A_1186, %select_n3A_1198 : vector<16xi1>, vector<16xf32>
      %swap3A_1200 = arith.index_cast %scan3A_336 : i32 to index
      %swap3A_1201 = arith.constant 480 : index
      %swap3A_1202 = tpu.vector_load %arg9[%swap3A_1200, %swap3A_1201] {strides = array<i32>} : memref<64x512xf32, #tpu.memory_space<vmem>>, vector<1x16xf32>,
      %swap3A_1203 = vector.shape_cast %swap3A_1202 : vector<1x16xf32> to vector<16xf32>
      %swap3A_1204 = vector.shape_cast %select_n3A_1199 : vector<16xf32> to vector<1x16xf32>
      tpu.vector_store %arg9[%swap3A_1200, %swap3A_1201], %swap3A_1204 {strides = array<i32>} : memref<64x512xf32, #tpu.memory_space<vmem>>, vector<1x16xf32>,
      %get3A_1205 = arith.constant 496 : index
      %get3A_1206 = tpu.vector_load %arg7[%get3A_1205] {strides = array<i32>} : memref<512xi32, #tpu.memory_space<vmem>>, vector<16xi32>,
      %get3A_1207 = vector.shape_cast %get3A_1206 : vector<16xi32> to vector<16xi32>
      %eq3A_1208 = arith.constant 0 : i32
      %eq3A_1209 = vector.broadcast %eq3A_1208 : i32 to vector<16xi32>
      %eq3A_1210 = arith.cmpi eq, %get3A_1207, %eq3A_1209 : vector<16xi32>
      %get3A_1211 = arith.index_cast %scan3A_336 : i32 to index
      %get3A_1212 = arith.constant 0 : index
      %get3A_1213 = tpu.vector_load %arg8[%get3A_1211, %get3A_1212] {strides = array<i32>} : memref<64x48xf32, #tpu.memory_space<vmem>>, vector<1x16xf32>,
      %get3A_1214 = vector.shape_cast %get3A_1213 : vector<1x16xf32> to vector<16xf32>
      %eq3A_1215 = arith.constant 1 : i32
      %eq3A_1216 = vector.broadcast %eq3A_1215 : i32 to vector<16xi32>
      %eq3A_1217 = arith.cmpi eq, %get3A_1207, %eq3A_1216 : vector<16xi32>
      %get3A_1218 = arith.index_cast %scan3A_336 : i32 to index
      %get3A_1219 = arith.constant 16 : index
      %get3A_1220 = tpu.vector_load %arg8[%get3A_1218, %get3A_1219] {strides = array<i32>} : memref<64x48xf32, #tpu.memory_space<vmem>>, vector<1x16xf32>,
      %get3A_1221 = vector.shape_cast %get3A_1220 : vector<1x16xf32> to vector<16xf32>
      %get3A_1222 = arith.index_cast %scan3A_336 : i32 to index
      %get3A_1223 = arith.constant 32 : index
      %get3A_1224 = tpu.vector_load %arg8[%get3A_1222, %get3A_1223] {strides = array<i32>} : memref<64x48xf32, #tpu.memory_space<vmem>>, vector<1x16xf32>,
      %get3A_1225 = vector.shape_cast %get3A_1224 : vector<1x16xf32> to vector<16xf32>
      %select_n3A_1226 = arith.select %eq3A_1217, %get3A_1221, %get3A_1225 : vector<16xi1>, vector<16xf32>
      %select_n3A_1227 = arith.select %eq3A_1210, %get3A_1214, %select_n3A_1226 : vector<16xi1>, vector<16xf32>
      %swap3A_1228 = arith.index_cast %scan3A_336 : i32 to index
      %swap3A_1229 = arith.constant 496 : index
      %swap3A_1230 = tpu.vector_load %arg9[%swap3A_1228, %swap3A_1229] {strides = array<i32>} : memref<64x512xf32, #tpu.memory_space<vmem>>, vector<1x16xf32>,
      %swap3A_1231 = vector.shape_cast %swap3A_1230 : vector<1x16xf32> to vector<16xf32>
      %swap3A_1232 = vector.shape_cast %select_n3A_1227 : vector<16xf32> to vector<1x16xf32>
      tpu.vector_store %arg9[%swap3A_1228, %swap3A_1229], %swap3A_1232 {strides = array<i32>} : memref<64x512xf32, #tpu.memory_space<vmem>>, vector<1x16xf32>,
      %scan3A_1233 = arith.constant 0 : i32
      scf.yield %scan3A_1233 : i32
    }
    %scan3A_40 = arith.constant 64 : i32
    %get3A = arith.constant 0 : index
    %get3A_41 = tpu.vector_load %arg7[%get3A] {strides = array<i32>} : memref<512xi32, #tpu.memory_space<vmem>>, vector<16xi32>,
    %get3A_42 = vector.shape_cast %get3A_41 : vector<16xi32> to vector<16xi32>
    %get3A_43 = arith.constant 16 : index
    %get3A_44 = tpu.vector_load %arg7[%get3A_43] {strides = array<i32>} : memref<512xi32, #tpu.memory_space<vmem>>, vector<16xi32>,
    %get3A_45 = vector.shape_cast %get3A_44 : vector<16xi32> to vector<16xi32>
    %min3A = arith.minsi %get3A_42, %get3A_45 : vector<16xi32>
    %max3A = arith.maxsi %get3A_42, %get3A_45 : vector<16xi32>
    %get3A_46 = arith.constant 32 : index
    %get3A_47 = tpu.vector_load %arg7[%get3A_46] {strides = array<i32>} : memref<512xi32, #tpu.memory_space<vmem>>, vector<16xi32>,
    %get3A_48 = vector.shape_cast %get3A_47 : vector<16xi32> to vector<16xi32>
    %min3A_49 = arith.minsi %min3A, %get3A_48 : vector<16xi32>
    %max3A_50 = arith.maxsi %max3A, %get3A_48 : vector<16xi32>
    %get3A_51 = arith.constant 48 : index
    %get3A_52 = tpu.vector_load %arg7[%get3A_51] {strides = array<i32>} : memref<512xi32, #tpu.memory_space<vmem>>, vector<16xi32>,
    %get3A_53 = vector.shape_cast %get3A_52 : vector<16xi32> to vector<16xi32>
    %min3A_54 = arith.minsi %min3A_49, %get3A_53 : vector<16xi32>
    %max3A_55 = arith.maxsi %max3A_50, %get3A_53 : vector<16xi32>
    %get3A_56 = arith.constant 64 : index
    %get3A_57 = tpu.vector_load %arg7[%get3A_56] {strides = array<i32>} : memref<512xi32, #tpu.memory_space<vmem>>, vector<16xi32>,
    %get3A_58 = vector.shape_cast %get3A_57 : vector<16xi32> to vector<16xi32>
    %min3A_59 = arith.minsi %min3A_54, %get3A_58 : vector<16xi32>
    %max3A_60 = arith.maxsi %max3A_55, %get3A_58 : vector<16xi32>
    %get3A_61 = arith.constant 80 : index
    %get3A_62 = tpu.vector_load %arg7[%get3A_61] {strides = array<i32>} : memref<512xi32, #tpu.memory_space<vmem>>, vector<16xi32>,
    %get3A_63 = vector.shape_cast %get3A_62 : vector<16xi32> to vector<16xi32>
    %min3A_64 = arith.minsi %min3A_59, %get3A_63 : vector<16xi32>
    %max3A_65 = arith.maxsi %max3A_60, %get3A_63 : vector<16xi32>
    %get3A_66 = arith.constant 96 : index
    %get3A_67 = tpu.vector_load %arg7[%get3A_66] {strides = array<i32>} : memref<512xi32, #tpu.memory_space<vmem>>, vector<16xi32>,
    %get3A_68 = vector.shape_cast %get3A_67 : vector<16xi32> to vector<16xi32>
    %min3A_69 = arith.minsi %min3A_64, %get3A_68 : vector<16xi32>
    %max3A_70 = arith.maxsi %max3A_65, %get3A_68 : vector<16xi32>
    %get3A_71 = arith.constant 112 : index
    %get3A_72 = tpu.vector_load %arg7[%get3A_71] {strides = array<i32>} : memref<512xi32, #tpu.memory_space<vmem>>, vector<16xi32>,
    %get3A_73 = vector.shape_cast %get3A_72 : vector<16xi32> to vector<16xi32>
    %min3A_74 = arith.minsi %min3A_69, %get3A_73 : vector<16xi32>
    %max3A_75 = arith.maxsi %max3A_70, %get3A_73 : vector<16xi32>
    %get3A_76 = arith.constant 128 : index
    %get3A_77 = tpu.vector_load %arg7[%get3A_76] {strides = array<i32>} : memref<512xi32, #tpu.memory_space<vmem>>, vector<16xi32>,
    %get3A_78 = vector.shape_cast %get3A_77 : vector<16xi32> to vector<16xi32>
    %min3A_79 = arith.minsi %min3A_74, %get3A_78 : vector<16xi32>
    %max3A_80 = arith.maxsi %max3A_75, %get3A_78 : vector<16xi32>
    %get3A_81 = arith.constant 144 : index
    %get3A_82 = tpu.vector_load %arg7[%get3A_81] {strides = array<i32>} : memref<512xi32, #tpu.memory_space<vmem>>, vector<16xi32>,
    %get3A_83 = vector.shape_cast %get3A_82 : vector<16xi32> to vector<16xi32>
    %min3A_84 = arith.minsi %min3A_79, %get3A_83 : vector<16xi32>
    %max3A_85 = arith.maxsi %max3A_80, %get3A_83 : vector<16xi32>
    %get3A_86 = arith.constant 160 : index
    %get3A_87 = tpu.vector_load %arg7[%get3A_86] {strides = array<i32>} : memref<512xi32, #tpu.memory_space<vmem>>, vector<16xi32>,
    %get3A_88 = vector.shape_cast %get3A_87 : vector<16xi32> to vector<16xi32>
    %min3A_89 = arith.minsi %min3A_84, %get3A_88 : vector<16xi32>
    %max3A_90 = arith.maxsi %max3A_85, %get3A_88 : vector<16xi32>
    %get3A_91 = arith.constant 176 : index
    %get3A_92 = tpu.vector_load %arg7[%get3A_91] {strides = array<i32>} : memref<512xi32, #tpu.memory_space<vmem>>, vector<16xi32>,
    %get3A_93 = vector.shape_cast %get3A_92 : vector<16xi32> to vector<16xi32>
    %min3A_94 = arith.minsi %min3A_89, %get3A_93 : vector<16xi32>
    %max3A_95 = arith.maxsi %max3A_90, %get3A_93 : vector<16xi32>
    %get3A_96 = arith.constant 192 : index
    %get3A_97 = tpu.vector_load %arg7[%get3A_96] {strides = array<i32>} : memref<512xi32, #tpu.memory_space<vmem>>, vector<16xi32>,
    %get3A_98 = vector.shape_cast %get3A_97 : vector<16xi32> to vector<16xi32>
    %min3A_99 = arith.minsi %min3A_94, %get3A_98 : vector<16xi32>
    %max3A_100 = arith.maxsi %max3A_95, %get3A_98 : vector<16xi32>
    %get3A_101 = arith.constant 208 : index
    %get3A_102 = tpu.vector_load %arg7[%get3A_101] {strides = array<i32>} : memref<512xi32, #tpu.memory_space<vmem>>, vector<16xi32>,
    %get3A_103 = vector.shape_cast %get3A_102 : vector<16xi32> to vector<16xi32>
    %min3A_104 = arith.minsi %min3A_99, %get3A_103 : vector<16xi32>
    %max3A_105 = arith.maxsi %max3A_100, %get3A_103 : vector<16xi32>
    %get3A_106 = arith.constant 224 : index
    %get3A_107 = tpu.vector_load %arg7[%get3A_106] {strides = array<i32>} : memref<512xi32, #tpu.memory_space<vmem>>, vector<16xi32>,
    %get3A_108 = vector.shape_cast %get3A_107 : vector<16xi32> to vector<16xi32>
    %min3A_109 = arith.minsi %min3A_104, %get3A_108 : vector<16xi32>
    %max3A_110 = arith.maxsi %max3A_105, %get3A_108 : vector<16xi32>
    %get3A_111 = arith.constant 240 : index
    %get3A_112 = tpu.vector_load %arg7[%get3A_111] {strides = array<i32>} : memref<512xi32, #tpu.memory_space<vmem>>, vector<16xi32>,
    %get3A_113 = vector.shape_cast %get3A_112 : vector<16xi32> to vector<16xi32>
    %min3A_114 = arith.minsi %min3A_109, %get3A_113 : vector<16xi32>
    %max3A_115 = arith.maxsi %max3A_110, %get3A_113 : vector<16xi32>
    %get3A_116 = arith.constant 256 : index
    %get3A_117 = tpu.vector_load %arg7[%get3A_116] {strides = array<i32>} : memref<512xi32, #tpu.memory_space<vmem>>, vector<16xi32>,
    %get3A_118 = vector.shape_cast %get3A_117 : vector<16xi32> to vector<16xi32>
    %min3A_119 = arith.minsi %min3A_114, %get3A_118 : vector<16xi32>
    %max3A_120 = arith.maxsi %max3A_115, %get3A_118 : vector<16xi32>
    %get3A_121 = arith.constant 272 : index
    %get3A_122 = tpu.vector_load %arg7[%get3A_121] {strides = array<i32>} : memref<512xi32, #tpu.memory_space<vmem>>, vector<16xi32>,
    %get3A_123 = vector.shape_cast %get3A_122 : vector<16xi32> to vector<16xi32>
    %min3A_124 = arith.minsi %min3A_119, %get3A_123 : vector<16xi32>
    %max3A_125 = arith.maxsi %max3A_120, %get3A_123 : vector<16xi32>
    %get3A_126 = arith.constant 288 : index
    %get3A_127 = tpu.vector_load %arg7[%get3A_126] {strides = array<i32>} : memref<512xi32, #tpu.memory_space<vmem>>, vector<16xi32>,
    %get3A_128 = vector.shape_cast %get3A_127 : vector<16xi32> to vector<16xi32>
    %min3A_129 = arith.minsi %min3A_124, %get3A_128 : vector<16xi32>
    %max3A_130 = arith.maxsi %max3A_125, %get3A_128 : vector<16xi32>
    %get3A_131 = arith.constant 304 : index
    %get3A_132 = tpu.vector_load %arg7[%get3A_131] {strides = array<i32>} : memref<512xi32, #tpu.memory_space<vmem>>, vector<16xi32>,
    %get3A_133 = vector.shape_cast %get3A_132 : vector<16xi32> to vector<16xi32>
    %min3A_134 = arith.minsi %min3A_129, %get3A_133 : vector<16xi32>
    %max3A_135 = arith.maxsi %max3A_130, %get3A_133 : vector<16xi32>
    %get3A_136 = arith.constant 320 : index
    %get3A_137 = tpu.vector_load %arg7[%get3A_136] {strides = array<i32>} : memref<512xi32, #tpu.memory_space<vmem>>, vector<16xi32>,
    %get3A_138 = vector.shape_cast %get3A_137 : vector<16xi32> to vector<16xi32>
    %min3A_139 = arith.minsi %min3A_134, %get3A_138 : vector<16xi32>
    %max3A_140 = arith.maxsi %max3A_135, %get3A_138 : vector<16xi32>
    %get3A_141 = arith.constant 336 : index
    %get3A_142 = tpu.vector_load %arg7[%get3A_141] {strides = array<i32>} : memref<512xi32, #tpu.memory_space<vmem>>, vector<16xi32>,
    %get3A_143 = vector.shape_cast %get3A_142 : vector<16xi32> to vector<16xi32>
    %min3A_144 = arith.minsi %min3A_139, %get3A_143 : vector<16xi32>
    %max3A_145 = arith.maxsi %max3A_140, %get3A_143 : vector<16xi32>
    %get3A_146 = arith.constant 352 : index
    %get3A_147 = tpu.vector_load %arg7[%get3A_146] {strides = array<i32>} : memref<512xi32, #tpu.memory_space<vmem>>, vector<16xi32>,
    %get3A_148 = vector.shape_cast %get3A_147 : vector<16xi32> to vector<16xi32>
    %min3A_149 = arith.minsi %min3A_144, %get3A_148 : vector<16xi32>
    %max3A_150 = arith.maxsi %max3A_145, %get3A_148 : vector<16xi32>
    %get3A_151 = arith.constant 368 : index
    %get3A_152 = tpu.vector_load %arg7[%get3A_151] {strides = array<i32>} : memref<512xi32, #tpu.memory_space<vmem>>, vector<16xi32>,
    %get3A_153 = vector.shape_cast %get3A_152 : vector<16xi32> to vector<16xi32>
    %min3A_154 = arith.minsi %min3A_149, %get3A_153 : vector<16xi32>
    %max3A_155 = arith.maxsi %max3A_150, %get3A_153 : vector<16xi32>
    %get3A_156 = arith.constant 384 : index
    %get3A_157 = tpu.vector_load %arg7[%get3A_156] {strides = array<i32>} : memref<512xi32, #tpu.memory_space<vmem>>, vector<16xi32>,
    %get3A_158 = vector.shape_cast %get3A_157 : vector<16xi32> to vector<16xi32>
    %min3A_159 = arith.minsi %min3A_154, %get3A_158 : vector<16xi32>
    %max3A_160 = arith.maxsi %max3A_155, %get3A_158 : vector<16xi32>
    %get3A_161 = arith.constant 400 : index
    %get3A_162 = tpu.vector_load %arg7[%get3A_161] {strides = array<i32>} : memref<512xi32, #tpu.memory_space<vmem>>, vector<16xi32>,
    %get3A_163 = vector.shape_cast %get3A_162 : vector<16xi32> to vector<16xi32>
    %min3A_164 = arith.minsi %min3A_159, %get3A_163 : vector<16xi32>
    %max3A_165 = arith.maxsi %max3A_160, %get3A_163 : vector<16xi32>
    %get3A_166 = arith.constant 416 : index
    %get3A_167 = tpu.vector_load %arg7[%get3A_166] {strides = array<i32>} : memref<512xi32, #tpu.memory_space<vmem>>, vector<16xi32>,
    %get3A_168 = vector.shape_cast %get3A_167 : vector<16xi32> to vector<16xi32>
    %min3A_169 = arith.minsi %min3A_164, %get3A_168 : vector<16xi32>
    %max3A_170 = arith.maxsi %max3A_165, %get3A_168 : vector<16xi32>
    %get3A_171 = arith.constant 432 : index
    %get3A_172 = tpu.vector_load %arg7[%get3A_171] {strides = array<i32>} : memref<512xi32, #tpu.memory_space<vmem>>, vector<16xi32>,
    %get3A_173 = vector.shape_cast %get3A_172 : vector<16xi32> to vector<16xi32>
    %min3A_174 = arith.minsi %min3A_169, %get3A_173 : vector<16xi32>
    %max3A_175 = arith.maxsi %max3A_170, %get3A_173 : vector<16xi32>
    %get3A_176 = arith.constant 448 : index
    %get3A_177 = tpu.vector_load %arg7[%get3A_176] {strides = array<i32>} : memref<512xi32, #tpu.memory_space<vmem>>, vector<16xi32>,
    %get3A_178 = vector.shape_cast %get3A_177 : vector<16xi32> to vector<16xi32>
    %min3A_179 = arith.minsi %min3A_174, %get3A_178 : vector<16xi32>
    %max3A_180 = arith.maxsi %max3A_175, %get3A_178 : vector<16xi32>
    %get3A_181 = arith.constant 464 : index
    %get3A_182 = tpu.vector_load %arg7[%get3A_181] {strides = array<i32>} : memref<512xi32, #tpu.memory_space<vmem>>, vector<16xi32>,
    %get3A_183 = vector.shape_cast %get3A_182 : vector<16xi32> to vector<16xi32>
    %min3A_184 = arith.minsi %min3A_179, %get3A_183 : vector<16xi32>
    %max3A_185 = arith.maxsi %max3A_180, %get3A_183 : vector<16xi32>
    %get3A_186 = arith.constant 480 : index
    %get3A_187 = tpu.vector_load %arg7[%get3A_186] {strides = array<i32>} : memref<512xi32, #tpu.memory_space<vmem>>, vector<16xi32>,
    %get3A_188 = vector.shape_cast %get3A_187 : vector<16xi32> to vector<16xi32>
    %min3A_189 = arith.minsi %min3A_184, %get3A_188 : vector<16xi32>
    %max3A_190 = arith.maxsi %max3A_185, %get3A_188 : vector<16xi32>
    %get3A_191 = arith.constant 496 : index
    %get3A_192 = tpu.vector_load %arg7[%get3A_191] {strides = array<i32>} : memref<512xi32, #tpu.memory_space<vmem>>, vector<16xi32>,
    %get3A_193 = vector.shape_cast %get3A_192 : vector<16xi32> to vector<16xi32>
    %min3A_194 = arith.minsi %min3A_189, %get3A_193 : vector<16xi32>
    %max3A_195 = arith.maxsi %max3A_190, %get3A_193 : vector<16xi32>
    %slice3A = vector.extract_strided_slice %min3A_194 {offsets = [0], sizes = [1], strides = [1]} : vector<16xi32> to vector<1xi32>
    %squeeze3A = vector.extract %slice3A[0] : i32 from vector<1xi32>
    %slice3A_196 = vector.extract_strided_slice %max3A_195 {offsets = [0], sizes = [1], strides = [1]} : vector<16xi32> to vector<1xi32>
    %squeeze3A_197 = vector.extract %slice3A_196[0] : i32 from vector<1xi32>
    %eq3A_198 = arith.cmpi eq, %squeeze3A_197, %squeeze3A : i32
    %slice3A_199 = vector.extract_strided_slice %min3A_194 {offsets = [1], sizes = [1], strides = [1]} : vector<16xi32> to vector<1xi32>
    %squeeze3A_200 = vector.extract %slice3A_199[0] : i32 from vector<1xi32>
    %eq3A_201 = arith.cmpi eq, %squeeze3A_200, %squeeze3A : i32
    %slice3A_202 = vector.extract_strided_slice %max3A_195 {offsets = [1], sizes = [1], strides = [1]} : vector<16xi32> to vector<1xi32>
    %squeeze3A_203 = vector.extract %slice3A_202[0] : i32 from vector<1xi32>
    %eq3A_204 = arith.cmpi eq, %squeeze3A_203, %squeeze3A : i32
    %and3A_205 = arith.andi %eq3A_201, %eq3A_204 : i1
    %and3A_206 = arith.andi %eq3A_198, %and3A_205 : i1
    %slice3A_207 = vector.extract_strided_slice %min3A_194 {offsets = [2], sizes = [1], strides = [1]} : vector<16xi32> to vector<1xi32>
    %squeeze3A_208 = vector.extract %slice3A_207[0] : i32 from vector<1xi32>
    %eq3A_209 = arith.cmpi eq, %squeeze3A_208, %squeeze3A : i32
    %slice3A_210 = vector.extract_strided_slice %max3A_195 {offsets = [2], sizes = [1], strides = [1]} : vector<16xi32> to vector<1xi32>
    %squeeze3A_211 = vector.extract %slice3A_210[0] : i32 from vector<1xi32>
    %eq3A_212 = arith.cmpi eq, %squeeze3A_211, %squeeze3A : i32
    %and3A_213 = arith.andi %eq3A_209, %eq3A_212 : i1
    %and3A_214 = arith.andi %and3A_206, %and3A_213 : i1
    %slice3A_215 = vector.extract_strided_slice %min3A_194 {offsets = [3], sizes = [1], strides = [1]} : vector<16xi32> to vector<1xi32>
    %squeeze3A_216 = vector.extract %slice3A_215[0] : i32 from vector<1xi32>
    %eq3A_217 = arith.cmpi eq, %squeeze3A_216, %squeeze3A : i32
    %slice3A_218 = vector.extract_strided_slice %max3A_195 {offsets = [3], sizes = [1], strides = [1]} : vector<16xi32> to vector<1xi32>
    %squeeze3A_219 = vector.extract %slice3A_218[0] : i32 from vector<1xi32>
    %eq3A_220 = arith.cmpi eq, %squeeze3A_219, %squeeze3A : i32
    %and3A_221 = arith.andi %eq3A_217, %eq3A_220 : i1
    %and3A_222 = arith.andi %and3A_214, %and3A_221 : i1
    %slice3A_223 = vector.extract_strided_slice %min3A_194 {offsets = [4], sizes = [1], strides = [1]} : vector<16xi32> to vector<1xi32>
    %squeeze3A_224 = vector.extract %slice3A_223[0] : i32 from vector<1xi32>
    %eq3A_225 = arith.cmpi eq, %squeeze3A_224, %squeeze3A : i32
    %slice3A_226 = vector.extract_strided_slice %max3A_195 {offsets = [4], sizes = [1], strides = [1]} : vector<16xi32> to vector<1xi32>
    %squeeze3A_227 = vector.extract %slice3A_226[0] : i32 from vector<1xi32>
    %eq3A_228 = arith.cmpi eq, %squeeze3A_227, %squeeze3A : i32
    %and3A_229 = arith.andi %eq3A_225, %eq3A_228 : i1
    %and3A_230 = arith.andi %and3A_222, %and3A_229 : i1
    %slice3A_231 = vector.extract_strided_slice %min3A_194 {offsets = [5], sizes = [1], strides = [1]} : vector<16xi32> to vector<1xi32>
    %squeeze3A_232 = vector.extract %slice3A_231[0] : i32 from vector<1xi32>
    %eq3A_233 = arith.cmpi eq, %squeeze3A_232, %squeeze3A : i32
    %slice3A_234 = vector.extract_strided_slice %max3A_195 {offsets = [5], sizes = [1], strides = [1]} : vector<16xi32> to vector<1xi32>
    %squeeze3A_235 = vector.extract %slice3A_234[0] : i32 from vector<1xi32>
    %eq3A_236 = arith.cmpi eq, %squeeze3A_235, %squeeze3A : i32
    %and3A_237 = arith.andi %eq3A_233, %eq3A_236 : i1
    %and3A_238 = arith.andi %and3A_230, %and3A_237 : i1
    %slice3A_239 = vector.extract_strided_slice %min3A_194 {offsets = [6], sizes = [1], strides = [1]} : vector<16xi32> to vector<1xi32>
    %squeeze3A_240 = vector.extract %slice3A_239[0] : i32 from vector<1xi32>
    %eq3A_241 = arith.cmpi eq, %squeeze3A_240, %squeeze3A : i32
    %slice3A_242 = vector.extract_strided_slice %max3A_195 {offsets = [6], sizes = [1], strides = [1]} : vector<16xi32> to vector<1xi32>
    %squeeze3A_243 = vector.extract %slice3A_242[0] : i32 from vector<1xi32>
    %eq3A_244 = arith.cmpi eq, %squeeze3A_243, %squeeze3A : i32
    %and3A_245 = arith.andi %eq3A_241, %eq3A_244 : i1
    %and3A_246 = arith.andi %and3A_238, %and3A_245 : i1
    %slice3A_247 = vector.extract_strided_slice %min3A_194 {offsets = [7], sizes = [1], strides = [1]} : vector<16xi32> to vector<1xi32>
    %squeeze3A_248 = vector.extract %slice3A_247[0] : i32 from vector<1xi32>
    %eq3A_249 = arith.cmpi eq, %squeeze3A_248, %squeeze3A : i32
    %slice3A_250 = vector.extract_strided_slice %max3A_195 {offsets = [7], sizes = [1], strides = [1]} : vector<16xi32> to vector<1xi32>
    %squeeze3A_251 = vector.extract %slice3A_250[0] : i32 from vector<1xi32>
    %eq3A_252 = arith.cmpi eq, %squeeze3A_251, %squeeze3A : i32
    %and3A_253 = arith.andi %eq3A_249, %eq3A_252 : i1
    %and3A_254 = arith.andi %and3A_246, %and3A_253 : i1
    %slice3A_255 = vector.extract_strided_slice %min3A_194 {offsets = [8], sizes = [1], strides = [1]} : vector<16xi32> to vector<1xi32>
    %squeeze3A_256 = vector.extract %slice3A_255[0] : i32 from vector<1xi32>
    %eq3A_257 = arith.cmpi eq, %squeeze3A_256, %squeeze3A : i32
    %slice3A_258 = vector.extract_strided_slice %max3A_195 {offsets = [8], sizes = [1], strides = [1]} : vector<16xi32> to vector<1xi32>
    %squeeze3A_259 = vector.extract %slice3A_258[0] : i32 from vector<1xi32>
    %eq3A_260 = arith.cmpi eq, %squeeze3A_259, %squeeze3A : i32
    %and3A_261 = arith.andi %eq3A_257, %eq3A_260 : i1
    %and3A_262 = arith.andi %and3A_254, %and3A_261 : i1
    %slice3A_263 = vector.extract_strided_slice %min3A_194 {offsets = [9], sizes = [1], strides = [1]} : vector<16xi32> to vector<1xi32>
    %squeeze3A_264 = vector.extract %slice3A_263[0] : i32 from vector<1xi32>
    %eq3A_265 = arith.cmpi eq, %squeeze3A_264, %squeeze3A : i32
    %slice3A_266 = vector.extract_strided_slice %max3A_195 {offsets = [9], sizes = [1], strides = [1]} : vector<16xi32> to vector<1xi32>
    %squeeze3A_267 = vector.extract %slice3A_266[0] : i32 from vector<1xi32>
    %eq3A_268 = arith.cmpi eq, %squeeze3A_267, %squeeze3A : i32
    %and3A_269 = arith.andi %eq3A_265, %eq3A_268 : i1
    %and3A_270 = arith.andi %and3A_262, %and3A_269 : i1
    %slice3A_271 = vector.extract_strided_slice %min3A_194 {offsets = [10], sizes = [1], strides = [1]} : vector<16xi32> to vector<1xi32>
    %squeeze3A_272 = vector.extract %slice3A_271[0] : i32 from vector<1xi32>
    %eq3A_273 = arith.cmpi eq, %squeeze3A_272, %squeeze3A : i32
    %slice3A_274 = vector.extract_strided_slice %max3A_195 {offsets = [10], sizes = [1], strides = [1]} : vector<16xi32> to vector<1xi32>
    %squeeze3A_275 = vector.extract %slice3A_274[0] : i32 from vector<1xi32>
    %eq3A_276 = arith.cmpi eq, %squeeze3A_275, %squeeze3A : i32
    %and3A_277 = arith.andi %eq3A_273, %eq3A_276 : i1
    %and3A_278 = arith.andi %and3A_270, %and3A_277 : i1
    %slice3A_279 = vector.extract_strided_slice %min3A_194 {offsets = [11], sizes = [1], strides = [1]} : vector<16xi32> to vector<1xi32>
    %squeeze3A_280 = vector.extract %slice3A_279[0] : i32 from vector<1xi32>
    %eq3A_281 = arith.cmpi eq, %squeeze3A_280, %squeeze3A : i32
    %slice3A_282 = vector.extract_strided_slice %max3A_195 {offsets = [11], sizes = [1], strides = [1]} : vector<16xi32> to vector<1xi32>
    %squeeze3A_283 = vector.extract %slice3A_282[0] : i32 from vector<1xi32>
    %eq3A_284 = arith.cmpi eq, %squeeze3A_283, %squeeze3A : i32
    %and3A_285 = arith.andi %eq3A_281, %eq3A_284 : i1
    %and3A_286 = arith.andi %and3A_278, %and3A_285 : i1
    %slice3A_287 = vector.extract_strided_slice %min3A_194 {offsets = [12], sizes = [1], strides = [1]} : vector<16xi32> to vector<1xi32>
    %squeeze3A_288 = vector.extract %slice3A_287[0] : i32 from vector<1xi32>
    %eq3A_289 = arith.cmpi eq, %squeeze3A_288, %squeeze3A : i32
    %slice3A_290 = vector.extract_strided_slice %max3A_195 {offsets = [12], sizes = [1], strides = [1]} : vector<16xi32> to vector<1xi32>
    %squeeze3A_291 = vector.extract %slice3A_290[0] : i32 from vector<1xi32>
    %eq3A_292 = arith.cmpi eq, %squeeze3A_291, %squeeze3A : i32
    %and3A_293 = arith.andi %eq3A_289, %eq3A_292 : i1
    %and3A_294 = arith.andi %and3A_286, %and3A_293 : i1
    %slice3A_295 = vector.extract_strided_slice %min3A_194 {offsets = [13], sizes = [1], strides = [1]} : vector<16xi32> to vector<1xi32>
    %squeeze3A_296 = vector.extract %slice3A_295[0] : i32 from vector<1xi32>
    %eq3A_297 = arith.cmpi eq, %squeeze3A_296, %squeeze3A : i32
    %slice3A_298 = vector.extract_strided_slice %max3A_195 {offsets = [13], sizes = [1], strides = [1]} : vector<16xi32> to vector<1xi32>
    %squeeze3A_299 = vector.extract %slice3A_298[0] : i32 from vector<1xi32>
    %eq3A_300 = arith.cmpi eq, %squeeze3A_299, %squeeze3A : i32
    %and3A_301 = arith.andi %eq3A_297, %eq3A_300 : i1
    %and3A_302 = arith.andi %and3A_294, %and3A_301 : i1
    %slice3A_303 = vector.extract_strided_slice %min3A_194 {offsets = [14], sizes = [1], strides = [1]} : vector<16xi32> to vector<1xi32>
    %squeeze3A_304 = vector.extract %slice3A_303[0] : i32 from vector<1xi32>
    %eq3A_305 = arith.cmpi eq, %squeeze3A_304, %squeeze3A : i32
    %slice3A_306 = vector.extract_strided_slice %max3A_195 {offsets = [14], sizes = [1], strides = [1]} : vector<16xi32> to vector<1xi32>
    %squeeze3A_307 = vector.extract %slice3A_306[0] : i32 from vector<1xi32>
    %eq3A_308 = arith.cmpi eq, %squeeze3A_307, %squeeze3A : i32
    %and3A_309 = arith.andi %eq3A_305, %eq3A_308 : i1
    %and3A_310 = arith.andi %and3A_302, %and3A_309 : i1
    %slice3A_311 = vector.extract_strided_slice %min3A_194 {offsets = [15], sizes = [1], strides = [1]} : vector<16xi32> to vector<1xi32>
    %squeeze3A_312 = vector.extract %slice3A_311[0] : i32 from vector<1xi32>
    %eq3A_313 = arith.cmpi eq, %squeeze3A_312, %squeeze3A : i32
    %slice3A_314 = vector.extract_strided_slice %max3A_195 {offsets = [15], sizes = [1], strides = [1]} : vector<16xi32> to vector<1xi32>
    %squeeze3A_315 = vector.extract %slice3A_314[0] : i32 from vector<1xi32>
    %eq3A_316 = arith.cmpi eq, %squeeze3A_315, %squeeze3A : i32
    %and3A_317 = arith.andi %eq3A_313, %eq3A_316 : i1
    %and3A_318 = arith.andi %and3A_310, %and3A_317 : i1
    %dma_start3A = arith.constant 0 : i32
    %dma_start3A_319 = tpu.memref_slice %arg2[%mul3A_34, %dma_start3A, %mul3A_11] : memref<256x64x4096xf32, #tpu.memory_space<hbm>> -> memref<1x64x512xf32, #tpu.memory_space<hbm>>
    %dma_start3A_320 = tpu.memref_squeeze %dma_start3A_319 : memref<1x64x512xf32, #tpu.memory_space<hbm>> -> memref<64x512xf32, #tpu.memory_space<hbm>>
    %dma_start3A_321 = arith.constant 0 : i32
    %dma_start3A_322 = tpu.memref_slice %arg2[%mul3A_34, %dma_start3A_321, %mul3A_11] : memref<256x64x4096xf32, #tpu.memory_space<hbm>> -> memref<1x64x512xf32, #tpu.memory_space<hbm>>
    %dma_start3A_323 = tpu.memref_squeeze %dma_start3A_322 : memref<1x64x512xf32, #tpu.memory_space<hbm>> -> memref<64x512xf32, #tpu.memory_space<hbm>>
    tpu.enqueue_dma source(%dma_start3A_323 : memref<64x512xf32, #tpu.memory_space<hbm>>) target(%arg10 : memref<64x512xf32, #tpu.memory_space<vmem>>) target_semaphore(%arg12 : memref<!tpu.dma_semaphore, #tpu.memory_space<semaphore_mem>>)
    %scan3A_324 = arith.constant 0 : i32
    %scan3A_325 = arith.constant 0 : i32
    %scan3A_326 = arith.constant 32 : i32
    %scan3A_327 = arith.addi %scan3A_325, %scan3A_326 : i32
    %scan3A_328 = arith.constant 1 : i32
    %scan3A_329 = scf.for %scan3A_336 = %scan3A_325 to %scan3A_327 step %scan3A_328 iter_args(%scan3A_337 = %scan3A_324) -> (i32)  : i32 {
      %mul3A_338 = arith.constant 2 : i32
      %mul3A_339 = arith.muli %mul3A_338, %scan3A_336 : i32
      %add3A_340 = arith.addi %mul3A_34, %mul3A_339 : i32
      %add3A_341 = arith.constant 1 : i32
      %add3A_342 = arith.addi %add3A_340, %add3A_341 : i32
      %gt3A = arith.constant 0 : i32
      %gt3A_343 = arith.cmpi sgt, %scan3A_336, %gt3A : i32
      %convert_element_type3A = arith.extui %gt3A_343 : i1 to i32
      %cond3A = arith.constant 0 : i32
      %cond3A_344 = arith.cmpi ne, %convert_element_type3A, %cond3A : i32
      scf.if %cond3A_344 {
        %dma_wait3A_426 = arith.constant 0 : i32
        %dma_wait3A_427 = tpu.memref_slice %arg2[%add3A_342, %dma_wait3A_426, %mul3A_11] : memref<256x64x4096xf32, #tpu.memory_space<hbm>> -> memref<1x64x512xf32, #tpu.memory_space<hbm>>
        %dma_wait3A_428 = tpu.memref_squeeze %dma_wait3A_427 : memref<1x64x512xf32, #tpu.memory_space<hbm>> -> memref<64x512xf32, #tpu.memory_space<hbm>>
        %dma_wait3A_429 = arith.constant 0 : i32
        %dma_wait3A_430 = tpu.memref_slice %arg2[%add3A_342, %dma_wait3A_429, %mul3A_11] : memref<256x64x4096xf32, #tpu.memory_space<hbm>> -> memref<1x64x512xf32, #tpu.memory_space<hbm>>
        %dma_wait3A_431 = tpu.memref_squeeze %dma_wait3A_430 : memref<1x64x512xf32, #tpu.memory_space<hbm>> -> memref<64x512xf32, #tpu.memory_space<hbm>>
        tpu.wait_dma2 semaphore(%arg17 : memref<!tpu.dma_semaphore, #tpu.memory_space<semaphore_mem>>) src(%dma_wait3A_431 : memref<64x512xf32, #tpu.memory_space<hbm>>) dst(%arg11 : memref<64x512xf32, #tpu.memory_space<vmem>>)
      } else {
      }
      %dma_start3A_345 = arith.constant 0 : i32
      %dma_start3A_346 = tpu.memref_slice %arg2[%add3A_342, %dma_start3A_345, %mul3A_11] : memref<256x64x4096xf32, #tpu.memory_space<hbm>> -> memref<1x64x512xf32, #tpu.memory_space<hbm>>
      %dma_start3A_347 = tpu.memref_squeeze %dma_start3A_346 : memref<1x64x512xf32, #tpu.memory_space<hbm>> -> memref<64x512xf32, #tpu.memory_space<hbm>>
      %dma_start3A_348 = arith.constant 0 : i32
      %dma_start3A_349 = tpu.memref_slice %arg2[%add3A_342, %dma_start3A_348, %mul3A_11] : memref<256x64x4096xf32, #tpu.memory_space<hbm>> -> memref<1x64x512xf32, #tpu.memory_space<hbm>>
      %dma_start3A_350 = tpu.memref_squeeze %dma_start3A_349 : memref<1x64x512xf32, #tpu.memory_space<hbm>> -> memref<64x512xf32, #tpu.memory_space<hbm>>
      tpu.enqueue_dma source(%dma_start3A_350 : memref<64x512xf32, #tpu.memory_space<hbm>>) target(%arg11 : memref<64x512xf32, #tpu.memory_space<vmem>>) target_semaphore(%arg13 : memref<!tpu.dma_semaphore, #tpu.memory_space<semaphore_mem>>)
      %dma_wait3A_351 = arith.constant 0 : i32
      %dma_wait3A_352 = tpu.memref_slice %arg2[%add3A_340, %dma_wait3A_351, %mul3A_11] : memref<256x64x4096xf32, #tpu.memory_space<hbm>> -> memref<1x64x512xf32, #tpu.memory_space<hbm>>
      %dma_wait3A_353 = tpu.memref_squeeze %dma_wait3A_352 : memref<1x64x512xf32, #tpu.memory_space<hbm>> -> memref<64x512xf32, #tpu.memory_space<hbm>>
      %dma_wait3A_354 = arith.constant 0 : i32
      %dma_wait3A_355 = tpu.memref_slice %arg2[%add3A_340, %dma_wait3A_354, %mul3A_11] : memref<256x64x4096xf32, #tpu.memory_space<hbm>> -> memref<1x64x512xf32, #tpu.memory_space<hbm>>
      %dma_wait3A_356 = tpu.memref_squeeze %dma_wait3A_355 : memref<1x64x512xf32, #tpu.memory_space<hbm>> -> memref<64x512xf32, #tpu.memory_space<hbm>>
      tpu.wait_dma2 semaphore(%arg12 : memref<!tpu.dma_semaphore, #tpu.memory_space<semaphore_mem>>) src(%dma_wait3A_356 : memref<64x512xf32, #tpu.memory_space<hbm>>) dst(%arg10 : memref<64x512xf32, #tpu.memory_space<vmem>>)
      %dma_start3A_357 = arith.constant 0 : i32
      %dma_start3A_358 = tpu.memref_slice %arg5[%add3A_340, %dma_start3A_357, %mul3A_11] : memref<256x64x4096xf32, #tpu.memory_space<hbm>> -> memref<1x64x512xf32, #tpu.memory_space<hbm>>
      %dma_start3A_359 = tpu.memref_squeeze %dma_start3A_358 : memref<1x64x512xf32, #tpu.memory_space<hbm>> -> memref<64x512xf32, #tpu.memory_space<hbm>>
      %dma_start3A_360 = arith.constant 0 : i32
      %dma_start3A_361 = tpu.memref_slice %arg5[%add3A_340, %dma_start3A_360, %mul3A_11] : memref<256x64x4096xf32, #tpu.memory_space<hbm>> -> memref<1x64x512xf32, #tpu.memory_space<hbm>>
      %dma_start3A_362 = tpu.memref_squeeze %dma_start3A_361 : memref<1x64x512xf32, #tpu.memory_space<hbm>> -> memref<64x512xf32, #tpu.memory_space<hbm>>
      tpu.enqueue_dma source(%arg10 : memref<64x512xf32, #tpu.memory_space<vmem>>) target(%dma_start3A_362 : memref<64x512xf32, #tpu.memory_space<hbm>>) target_semaphore(%arg14 : memref<!tpu.dma_semaphore, #tpu.memory_space<semaphore_mem>>)
      %dma_wait3A_363 = arith.constant 0 : i32
      %dma_wait3A_364 = tpu.memref_slice %arg5[%add3A_340, %dma_wait3A_363, %mul3A_11] : memref<256x64x4096xf32, #tpu.memory_space<hbm>> -> memref<1x64x512xf32, #tpu.memory_space<hbm>>
      %dma_wait3A_365 = tpu.memref_squeeze %dma_wait3A_364 : memref<1x64x512xf32, #tpu.memory_space<hbm>> -> memref<64x512xf32, #tpu.memory_space<hbm>>
      %dma_wait3A_366 = arith.constant 0 : i32
      %dma_wait3A_367 = tpu.memref_slice %arg5[%add3A_340, %dma_wait3A_366, %mul3A_11] : memref<256x64x4096xf32, #tpu.memory_space<hbm>> -> memref<1x64x512xf32, #tpu.memory_space<hbm>>
      %dma_wait3A_368 = tpu.memref_squeeze %dma_wait3A_367 : memref<1x64x512xf32, #tpu.memory_space<hbm>> -> memref<64x512xf32, #tpu.memory_space<hbm>>
      tpu.wait_dma2 semaphore(%arg14 : memref<!tpu.dma_semaphore, #tpu.memory_space<semaphore_mem>>) src(%arg10 : memref<64x512xf32, #tpu.memory_space<vmem>>) dst(%dma_wait3A_368 : memref<64x512xf32, #tpu.memory_space<hbm>>)
      %convert_element_type3A_369 = arith.extui %and3A_318 : i1 to i32
      %cond3A_370 = arith.constant 0 : i32
      %cond3A_371 = arith.cmpi ne, %convert_element_type3A_369, %cond3A_370 : i32
      scf.if %cond3A_371 {
        %scan3A_426 = arith.constant 0 : i32
        %scan3A_427 = arith.constant 0 : i32
        %scan3A_428 = arith.constant 64 : i32
        %scan3A_429 = arith.addi %scan3A_427, %scan3A_428 : i32
        %scan3A_430 = arith.constant 1 : i32
        %scan3A_431 = scf.for %scan3A_433 = %scan3A_427 to %scan3A_429 step %scan3A_430 iter_args(%scan3A_434 = %scan3A_426) -> (i32)  : i32 {
          %get3A_435 = arith.index_cast %scan3A_433 : i32 to index
          %get3A_436 = arith.constant 0 : index
          %get3A_437 = tpu.vector_load %arg9[%get3A_435, %get3A_436] {strides = array<i32>} : memref<64x512xf32, #tpu.memory_space<vmem>>, vector<1x16xf32>,
          %get3A_438 = vector.shape_cast %get3A_437 : vector<1x16xf32> to vector<16xf32>
          %get3A_439 = arith.index_cast %scan3A_433 : i32 to index
          %get3A_440 = arith.constant 0 : index
          %get3A_441 = tpu.vector_load %arg10[%get3A_439, %get3A_440] {strides = array<i32>} : memref<64x512xf32, #tpu.memory_space<vmem>>, vector<1x16xf32>,
          %get3A_442 = vector.shape_cast %get3A_441 : vector<1x16xf32> to vector<16xf32>
          %add3A_443 = arith.addf %get3A_442, %get3A_438 : vector<16xf32>
          %swap3A = arith.index_cast %scan3A_433 : i32 to index
          %swap3A_444 = arith.constant 0 : index
          %swap3A_445 = tpu.vector_load %arg10[%swap3A, %swap3A_444] {strides = array<i32>} : memref<64x512xf32, #tpu.memory_space<vmem>>, vector<1x16xf32>,
          %swap3A_446 = vector.shape_cast %swap3A_445 : vector<1x16xf32> to vector<16xf32>
          %swap3A_447 = vector.shape_cast %add3A_443 : vector<16xf32> to vector<1x16xf32>
          tpu.vector_store %arg10[%swap3A, %swap3A_444], %swap3A_447 {strides = array<i32>} : memref<64x512xf32, #tpu.memory_space<vmem>>, vector<1x16xf32>,
          %get3A_448 = arith.index_cast %scan3A_433 : i32 to index
          %get3A_449 = arith.constant 16 : index
          %get3A_450 = tpu.vector_load %arg10[%get3A_448, %get3A_449] {strides = array<i32>} : memref<64x512xf32, #tpu.memory_space<vmem>>, vector<1x16xf32>,
          %get3A_451 = vector.shape_cast %get3A_450 : vector<1x16xf32> to vector<16xf32>
          %add3A_452 = arith.addf %get3A_451, %get3A_438 : vector<16xf32>
          %swap3A_453 = arith.index_cast %scan3A_433 : i32 to index
          %swap3A_454 = arith.constant 16 : index
          %swap3A_455 = tpu.vector_load %arg10[%swap3A_453, %swap3A_454] {strides = array<i32>} : memref<64x512xf32, #tpu.memory_space<vmem>>, vector<1x16xf32>,
          %swap3A_456 = vector.shape_cast %swap3A_455 : vector<1x16xf32> to vector<16xf32>
          %swap3A_457 = vector.shape_cast %add3A_452 : vector<16xf32> to vector<1x16xf32>
          tpu.vector_store %arg10[%swap3A_453, %swap3A_454], %swap3A_457 {strides = array<i32>} : memref<64x512xf32, #tpu.memory_space<vmem>>, vector<1x16xf32>,
          %get3A_458 = arith.index_cast %scan3A_433 : i32 to index
          %get3A_459 = arith.constant 32 : index
          %get3A_460 = tpu.vector_load %arg10[%get3A_458, %get3A_459] {strides = array<i32>} : memref<64x512xf32, #tpu.memory_space<vmem>>, vector<1x16xf32>,
          %get3A_461 = vector.shape_cast %get3A_460 : vector<1x16xf32> to vector<16xf32>
          %add3A_462 = arith.addf %get3A_461, %get3A_438 : vector<16xf32>
          %swap3A_463 = arith.index_cast %scan3A_433 : i32 to index
          %swap3A_464 = arith.constant 32 : index
          %swap3A_465 = tpu.vector_load %arg10[%swap3A_463, %swap3A_464] {strides = array<i32>} : memref<64x512xf32, #tpu.memory_space<vmem>>, vector<1x16xf32>,
          %swap3A_466 = vector.shape_cast %swap3A_465 : vector<1x16xf32> to vector<16xf32>
          %swap3A_467 = vector.shape_cast %add3A_462 : vector<16xf32> to vector<1x16xf32>
          tpu.vector_store %arg10[%swap3A_463, %swap3A_464], %swap3A_467 {strides = array<i32>} : memref<64x512xf32, #tpu.memory_space<vmem>>, vector<1x16xf32>,
          %get3A_468 = arith.index_cast %scan3A_433 : i32 to index
          %get3A_469 = arith.constant 48 : index
          %get3A_470 = tpu.vector_load %arg10[%get3A_468, %get3A_469] {strides = array<i32>} : memref<64x512xf32, #tpu.memory_space<vmem>>, vector<1x16xf32>,
          %get3A_471 = vector.shape_cast %get3A_470 : vector<1x16xf32> to vector<16xf32>
          %add3A_472 = arith.addf %get3A_471, %get3A_438 : vector<16xf32>
          %swap3A_473 = arith.index_cast %scan3A_433 : i32 to index
          %swap3A_474 = arith.constant 48 : index
          %swap3A_475 = tpu.vector_load %arg10[%swap3A_473, %swap3A_474] {strides = array<i32>} : memref<64x512xf32, #tpu.memory_space<vmem>>, vector<1x16xf32>,
          %swap3A_476 = vector.shape_cast %swap3A_475 : vector<1x16xf32> to vector<16xf32>
          %swap3A_477 = vector.shape_cast %add3A_472 : vector<16xf32> to vector<1x16xf32>
          tpu.vector_store %arg10[%swap3A_473, %swap3A_474], %swap3A_477 {strides = array<i32>} : memref<64x512xf32, #tpu.memory_space<vmem>>, vector<1x16xf32>,
          %get3A_478 = arith.index_cast %scan3A_433 : i32 to index
          %get3A_479 = arith.constant 64 : index
          %get3A_480 = tpu.vector_load %arg10[%get3A_478, %get3A_479] {strides = array<i32>} : memref<64x512xf32, #tpu.memory_space<vmem>>, vector<1x16xf32>,
          %get3A_481 = vector.shape_cast %get3A_480 : vector<1x16xf32> to vector<16xf32>
          %add3A_482 = arith.addf %get3A_481, %get3A_438 : vector<16xf32>
          %swap3A_483 = arith.index_cast %scan3A_433 : i32 to index
          %swap3A_484 = arith.constant 64 : index
          %swap3A_485 = tpu.vector_load %arg10[%swap3A_483, %swap3A_484] {strides = array<i32>} : memref<64x512xf32, #tpu.memory_space<vmem>>, vector<1x16xf32>,
          %swap3A_486 = vector.shape_cast %swap3A_485 : vector<1x16xf32> to vector<16xf32>
          %swap3A_487 = vector.shape_cast %add3A_482 : vector<16xf32> to vector<1x16xf32>
          tpu.vector_store %arg10[%swap3A_483, %swap3A_484], %swap3A_487 {strides = array<i32>} : memref<64x512xf32, #tpu.memory_space<vmem>>, vector<1x16xf32>,
          %get3A_488 = arith.index_cast %scan3A_433 : i32 to index
          %get3A_489 = arith.constant 80 : index
          %get3A_490 = tpu.vector_load %arg10[%get3A_488, %get3A_489] {strides = array<i32>} : memref<64x512xf32, #tpu.memory_space<vmem>>, vector<1x16xf32>,
          %get3A_491 = vector.shape_cast %get3A_490 : vector<1x16xf32> to vector<16xf32>
          %add3A_492 = arith.addf %get3A_491, %get3A_438 : vector<16xf32>
          %swap3A_493 = arith.index_cast %scan3A_433 : i32 to index
          %swap3A_494 = arith.constant 80 : index
          %swap3A_495 = tpu.vector_load %arg10[%swap3A_493, %swap3A_494] {strides = array<i32>} : memref<64x512xf32, #tpu.memory_space<vmem>>, vector<1x16xf32>,
          %swap3A_496 = vector.shape_cast %swap3A_495 : vector<1x16xf32> to vector<16xf32>
          %swap3A_497 = vector.shape_cast %add3A_492 : vector<16xf32> to vector<1x16xf32>
          tpu.vector_store %arg10[%swap3A_493, %swap3A_494], %swap3A_497 {strides = array<i32>} : memref<64x512xf32, #tpu.memory_space<vmem>>, vector<1x16xf32>,
          %get3A_498 = arith.index_cast %scan3A_433 : i32 to index
          %get3A_499 = arith.constant 96 : index
          %get3A_500 = tpu.vector_load %arg10[%get3A_498, %get3A_499] {strides = array<i32>} : memref<64x512xf32, #tpu.memory_space<vmem>>, vector<1x16xf32>,
          %get3A_501 = vector.shape_cast %get3A_500 : vector<1x16xf32> to vector<16xf32>
          %add3A_502 = arith.addf %get3A_501, %get3A_438 : vector<16xf32>
          %swap3A_503 = arith.index_cast %scan3A_433 : i32 to index
          %swap3A_504 = arith.constant 96 : index
          %swap3A_505 = tpu.vector_load %arg10[%swap3A_503, %swap3A_504] {strides = array<i32>} : memref<64x512xf32, #tpu.memory_space<vmem>>, vector<1x16xf32>,
          %swap3A_506 = vector.shape_cast %swap3A_505 : vector<1x16xf32> to vector<16xf32>
          %swap3A_507 = vector.shape_cast %add3A_502 : vector<16xf32> to vector<1x16xf32>
          tpu.vector_store %arg10[%swap3A_503, %swap3A_504], %swap3A_507 {strides = array<i32>} : memref<64x512xf32, #tpu.memory_space<vmem>>, vector<1x16xf32>,
          %get3A_508 = arith.index_cast %scan3A_433 : i32 to index
          %get3A_509 = arith.constant 112 : index
          %get3A_510 = tpu.vector_load %arg10[%get3A_508, %get3A_509] {strides = array<i32>} : memref<64x512xf32, #tpu.memory_space<vmem>>, vector<1x16xf32>,
          %get3A_511 = vector.shape_cast %get3A_510 : vector<1x16xf32> to vector<16xf32>
          %add3A_512 = arith.addf %get3A_511, %get3A_438 : vector<16xf32>
          %swap3A_513 = arith.index_cast %scan3A_433 : i32 to index
          %swap3A_514 = arith.constant 112 : index
          %swap3A_515 = tpu.vector_load %arg10[%swap3A_513, %swap3A_514] {strides = array<i32>} : memref<64x512xf32, #tpu.memory_space<vmem>>, vector<1x16xf32>,
          %swap3A_516 = vector.shape_cast %swap3A_515 : vector<1x16xf32> to vector<16xf32>
          %swap3A_517 = vector.shape_cast %add3A_512 : vector<16xf32> to vector<1x16xf32>
          tpu.vector_store %arg10[%swap3A_513, %swap3A_514], %swap3A_517 {strides = array<i32>} : memref<64x512xf32, #tpu.memory_space<vmem>>, vector<1x16xf32>,
          %get3A_518 = arith.index_cast %scan3A_433 : i32 to index
          %get3A_519 = arith.constant 128 : index
          %get3A_520 = tpu.vector_load %arg10[%get3A_518, %get3A_519] {strides = array<i32>} : memref<64x512xf32, #tpu.memory_space<vmem>>, vector<1x16xf32>,
          %get3A_521 = vector.shape_cast %get3A_520 : vector<1x16xf32> to vector<16xf32>
          %add3A_522 = arith.addf %get3A_521, %get3A_438 : vector<16xf32>
          %swap3A_523 = arith.index_cast %scan3A_433 : i32 to index
          %swap3A_524 = arith.constant 128 : index
          %swap3A_525 = tpu.vector_load %arg10[%swap3A_523, %swap3A_524] {strides = array<i32>} : memref<64x512xf32, #tpu.memory_space<vmem>>, vector<1x16xf32>,
          %swap3A_526 = vector.shape_cast %swap3A_525 : vector<1x16xf32> to vector<16xf32>
          %swap3A_527 = vector.shape_cast %add3A_522 : vector<16xf32> to vector<1x16xf32>
          tpu.vector_store %arg10[%swap3A_523, %swap3A_524], %swap3A_527 {strides = array<i32>} : memref<64x512xf32, #tpu.memory_space<vmem>>, vector<1x16xf32>,
          %get3A_528 = arith.index_cast %scan3A_433 : i32 to index
          %get3A_529 = arith.constant 144 : index
          %get3A_530 = tpu.vector_load %arg10[%get3A_528, %get3A_529] {strides = array<i32>} : memref<64x512xf32, #tpu.memory_space<vmem>>, vector<1x16xf32>,
          %get3A_531 = vector.shape_cast %get3A_530 : vector<1x16xf32> to vector<16xf32>
          %add3A_532 = arith.addf %get3A_531, %get3A_438 : vector<16xf32>
          %swap3A_533 = arith.index_cast %scan3A_433 : i32 to index
          %swap3A_534 = arith.constant 144 : index
          %swap3A_535 = tpu.vector_load %arg10[%swap3A_533, %swap3A_534] {strides = array<i32>} : memref<64x512xf32, #tpu.memory_space<vmem>>, vector<1x16xf32>,
          %swap3A_536 = vector.shape_cast %swap3A_535 : vector<1x16xf32> to vector<16xf32>
          %swap3A_537 = vector.shape_cast %add3A_532 : vector<16xf32> to vector<1x16xf32>
          tpu.vector_store %arg10[%swap3A_533, %swap3A_534], %swap3A_537 {strides = array<i32>} : memref<64x512xf32, #tpu.memory_space<vmem>>, vector<1x16xf32>,
          %get3A_538 = arith.index_cast %scan3A_433 : i32 to index
          %get3A_539 = arith.constant 160 : index
          %get3A_540 = tpu.vector_load %arg10[%get3A_538, %get3A_539] {strides = array<i32>} : memref<64x512xf32, #tpu.memory_space<vmem>>, vector<1x16xf32>,
          %get3A_541 = vector.shape_cast %get3A_540 : vector<1x16xf32> to vector<16xf32>
          %add3A_542 = arith.addf %get3A_541, %get3A_438 : vector<16xf32>
          %swap3A_543 = arith.index_cast %scan3A_433 : i32 to index
          %swap3A_544 = arith.constant 160 : index
          %swap3A_545 = tpu.vector_load %arg10[%swap3A_543, %swap3A_544] {strides = array<i32>} : memref<64x512xf32, #tpu.memory_space<vmem>>, vector<1x16xf32>,
          %swap3A_546 = vector.shape_cast %swap3A_545 : vector<1x16xf32> to vector<16xf32>
          %swap3A_547 = vector.shape_cast %add3A_542 : vector<16xf32> to vector<1x16xf32>
          tpu.vector_store %arg10[%swap3A_543, %swap3A_544], %swap3A_547 {strides = array<i32>} : memref<64x512xf32, #tpu.memory_space<vmem>>, vector<1x16xf32>,
          %get3A_548 = arith.index_cast %scan3A_433 : i32 to index
          %get3A_549 = arith.constant 176 : index
          %get3A_550 = tpu.vector_load %arg10[%get3A_548, %get3A_549] {strides = array<i32>} : memref<64x512xf32, #tpu.memory_space<vmem>>, vector<1x16xf32>,
          %get3A_551 = vector.shape_cast %get3A_550 : vector<1x16xf32> to vector<16xf32>
          %add3A_552 = arith.addf %get3A_551, %get3A_438 : vector<16xf32>
          %swap3A_553 = arith.index_cast %scan3A_433 : i32 to index
          %swap3A_554 = arith.constant 176 : index
          %swap3A_555 = tpu.vector_load %arg10[%swap3A_553, %swap3A_554] {strides = array<i32>} : memref<64x512xf32, #tpu.memory_space<vmem>>, vector<1x16xf32>,
          %swap3A_556 = vector.shape_cast %swap3A_555 : vector<1x16xf32> to vector<16xf32>
          %swap3A_557 = vector.shape_cast %add3A_552 : vector<16xf32> to vector<1x16xf32>
          tpu.vector_store %arg10[%swap3A_553, %swap3A_554], %swap3A_557 {strides = array<i32>} : memref<64x512xf32, #tpu.memory_space<vmem>>, vector<1x16xf32>,
          %get3A_558 = arith.index_cast %scan3A_433 : i32 to index
          %get3A_559 = arith.constant 192 : index
          %get3A_560 = tpu.vector_load %arg10[%get3A_558, %get3A_559] {strides = array<i32>} : memref<64x512xf32, #tpu.memory_space<vmem>>, vector<1x16xf32>,
          %get3A_561 = vector.shape_cast %get3A_560 : vector<1x16xf32> to vector<16xf32>
          %add3A_562 = arith.addf %get3A_561, %get3A_438 : vector<16xf32>
          %swap3A_563 = arith.index_cast %scan3A_433 : i32 to index
          %swap3A_564 = arith.constant 192 : index
          %swap3A_565 = tpu.vector_load %arg10[%swap3A_563, %swap3A_564] {strides = array<i32>} : memref<64x512xf32, #tpu.memory_space<vmem>>, vector<1x16xf32>,
          %swap3A_566 = vector.shape_cast %swap3A_565 : vector<1x16xf32> to vector<16xf32>
          %swap3A_567 = vector.shape_cast %add3A_562 : vector<16xf32> to vector<1x16xf32>
          tpu.vector_store %arg10[%swap3A_563, %swap3A_564], %swap3A_567 {strides = array<i32>} : memref<64x512xf32, #tpu.memory_space<vmem>>, vector<1x16xf32>,
          %get3A_568 = arith.index_cast %scan3A_433 : i32 to index
          %get3A_569 = arith.constant 208 : index
          %get3A_570 = tpu.vector_load %arg10[%get3A_568, %get3A_569] {strides = array<i32>} : memref<64x512xf32, #tpu.memory_space<vmem>>, vector<1x16xf32>,
          %get3A_571 = vector.shape_cast %get3A_570 : vector<1x16xf32> to vector<16xf32>
          %add3A_572 = arith.addf %get3A_571, %get3A_438 : vector<16xf32>
          %swap3A_573 = arith.index_cast %scan3A_433 : i32 to index
          %swap3A_574 = arith.constant 208 : index
          %swap3A_575 = tpu.vector_load %arg10[%swap3A_573, %swap3A_574] {strides = array<i32>} : memref<64x512xf32, #tpu.memory_space<vmem>>, vector<1x16xf32>,
          %swap3A_576 = vector.shape_cast %swap3A_575 : vector<1x16xf32> to vector<16xf32>
          %swap3A_577 = vector.shape_cast %add3A_572 : vector<16xf32> to vector<1x16xf32>
          tpu.vector_store %arg10[%swap3A_573, %swap3A_574], %swap3A_577 {strides = array<i32>} : memref<64x512xf32, #tpu.memory_space<vmem>>, vector<1x16xf32>,
          %get3A_578 = arith.index_cast %scan3A_433 : i32 to index
          %get3A_579 = arith.constant 224 : index
          %get3A_580 = tpu.vector_load %arg10[%get3A_578, %get3A_579] {strides = array<i32>} : memref<64x512xf32, #tpu.memory_space<vmem>>, vector<1x16xf32>,
          %get3A_581 = vector.shape_cast %get3A_580 : vector<1x16xf32> to vector<16xf32>
          %add3A_582 = arith.addf %get3A_581, %get3A_438 : vector<16xf32>
          %swap3A_583 = arith.index_cast %scan3A_433 : i32 to index
          %swap3A_584 = arith.constant 224 : index
          %swap3A_585 = tpu.vector_load %arg10[%swap3A_583, %swap3A_584] {strides = array<i32>} : memref<64x512xf32, #tpu.memory_space<vmem>>, vector<1x16xf32>,
          %swap3A_586 = vector.shape_cast %swap3A_585 : vector<1x16xf32> to vector<16xf32>
          %swap3A_587 = vector.shape_cast %add3A_582 : vector<16xf32> to vector<1x16xf32>
          tpu.vector_store %arg10[%swap3A_583, %swap3A_584], %swap3A_587 {strides = array<i32>} : memref<64x512xf32, #tpu.memory_space<vmem>>, vector<1x16xf32>,
          %get3A_588 = arith.index_cast %scan3A_433 : i32 to index
          %get3A_589 = arith.constant 240 : index
          %get3A_590 = tpu.vector_load %arg10[%get3A_588, %get3A_589] {strides = array<i32>} : memref<64x512xf32, #tpu.memory_space<vmem>>, vector<1x16xf32>,
          %get3A_591 = vector.shape_cast %get3A_590 : vector<1x16xf32> to vector<16xf32>
          %add3A_592 = arith.addf %get3A_591, %get3A_438 : vector<16xf32>
          %swap3A_593 = arith.index_cast %scan3A_433 : i32 to index
          %swap3A_594 = arith.constant 240 : index
          %swap3A_595 = tpu.vector_load %arg10[%swap3A_593, %swap3A_594] {strides = array<i32>} : memref<64x512xf32, #tpu.memory_space<vmem>>, vector<1x16xf32>,
          %swap3A_596 = vector.shape_cast %swap3A_595 : vector<1x16xf32> to vector<16xf32>
          %swap3A_597 = vector.shape_cast %add3A_592 : vector<16xf32> to vector<1x16xf32>
          tpu.vector_store %arg10[%swap3A_593, %swap3A_594], %swap3A_597 {strides = array<i32>} : memref<64x512xf32, #tpu.memory_space<vmem>>, vector<1x16xf32>,
          %get3A_598 = arith.index_cast %scan3A_433 : i32 to index
          %get3A_599 = arith.constant 256 : index
          %get3A_600 = tpu.vector_load %arg10[%get3A_598, %get3A_599] {strides = array<i32>} : memref<64x512xf32, #tpu.memory_space<vmem>>, vector<1x16xf32>,
          %get3A_601 = vector.shape_cast %get3A_600 : vector<1x16xf32> to vector<16xf32>
          %add3A_602 = arith.addf %get3A_601, %get3A_438 : vector<16xf32>
          %swap3A_603 = arith.index_cast %scan3A_433 : i32 to index
          %swap3A_604 = arith.constant 256 : index
          %swap3A_605 = tpu.vector_load %arg10[%swap3A_603, %swap3A_604] {strides = array<i32>} : memref<64x512xf32, #tpu.memory_space<vmem>>, vector<1x16xf32>,
          %swap3A_606 = vector.shape_cast %swap3A_605 : vector<1x16xf32> to vector<16xf32>
          %swap3A_607 = vector.shape_cast %add3A_602 : vector<16xf32> to vector<1x16xf32>
          tpu.vector_store %arg10[%swap3A_603, %swap3A_604], %swap3A_607 {strides = array<i32>} : memref<64x512xf32, #tpu.memory_space<vmem>>, vector<1x16xf32>,
          %get3A_608 = arith.index_cast %scan3A_433 : i32 to index
          %get3A_609 = arith.constant 272 : index
          %get3A_610 = tpu.vector_load %arg10[%get3A_608, %get3A_609] {strides = array<i32>} : memref<64x512xf32, #tpu.memory_space<vmem>>, vector<1x16xf32>,
          %get3A_611 = vector.shape_cast %get3A_610 : vector<1x16xf32> to vector<16xf32>
          %add3A_612 = arith.addf %get3A_611, %get3A_438 : vector<16xf32>
          %swap3A_613 = arith.index_cast %scan3A_433 : i32 to index
          %swap3A_614 = arith.constant 272 : index
          %swap3A_615 = tpu.vector_load %arg10[%swap3A_613, %swap3A_614] {strides = array<i32>} : memref<64x512xf32, #tpu.memory_space<vmem>>, vector<1x16xf32>,
          %swap3A_616 = vector.shape_cast %swap3A_615 : vector<1x16xf32> to vector<16xf32>
          %swap3A_617 = vector.shape_cast %add3A_612 : vector<16xf32> to vector<1x16xf32>
          tpu.vector_store %arg10[%swap3A_613, %swap3A_614], %swap3A_617 {strides = array<i32>} : memref<64x512xf32, #tpu.memory_space<vmem>>, vector<1x16xf32>,
          %get3A_618 = arith.index_cast %scan3A_433 : i32 to index
          %get3A_619 = arith.constant 288 : index
          %get3A_620 = tpu.vector_load %arg10[%get3A_618, %get3A_619] {strides = array<i32>} : memref<64x512xf32, #tpu.memory_space<vmem>>, vector<1x16xf32>,
          %get3A_621 = vector.shape_cast %get3A_620 : vector<1x16xf32> to vector<16xf32>
          %add3A_622 = arith.addf %get3A_621, %get3A_438 : vector<16xf32>
          %swap3A_623 = arith.index_cast %scan3A_433 : i32 to index
          %swap3A_624 = arith.constant 288 : index
          %swap3A_625 = tpu.vector_load %arg10[%swap3A_623, %swap3A_624] {strides = array<i32>} : memref<64x512xf32, #tpu.memory_space<vmem>>, vector<1x16xf32>,
          %swap3A_626 = vector.shape_cast %swap3A_625 : vector<1x16xf32> to vector<16xf32>
          %swap3A_627 = vector.shape_cast %add3A_622 : vector<16xf32> to vector<1x16xf32>
          tpu.vector_store %arg10[%swap3A_623, %swap3A_624], %swap3A_627 {strides = array<i32>} : memref<64x512xf32, #tpu.memory_space<vmem>>, vector<1x16xf32>,
          %get3A_628 = arith.index_cast %scan3A_433 : i32 to index
          %get3A_629 = arith.constant 304 : index
          %get3A_630 = tpu.vector_load %arg10[%get3A_628, %get3A_629] {strides = array<i32>} : memref<64x512xf32, #tpu.memory_space<vmem>>, vector<1x16xf32>,
          %get3A_631 = vector.shape_cast %get3A_630 : vector<1x16xf32> to vector<16xf32>
          %add3A_632 = arith.addf %get3A_631, %get3A_438 : vector<16xf32>
          %swap3A_633 = arith.index_cast %scan3A_433 : i32 to index
          %swap3A_634 = arith.constant 304 : index
          %swap3A_635 = tpu.vector_load %arg10[%swap3A_633, %swap3A_634] {strides = array<i32>} : memref<64x512xf32, #tpu.memory_space<vmem>>, vector<1x16xf32>,
          %swap3A_636 = vector.shape_cast %swap3A_635 : vector<1x16xf32> to vector<16xf32>
          %swap3A_637 = vector.shape_cast %add3A_632 : vector<16xf32> to vector<1x16xf32>
          tpu.vector_store %arg10[%swap3A_633, %swap3A_634], %swap3A_637 {strides = array<i32>} : memref<64x512xf32, #tpu.memory_space<vmem>>, vector<1x16xf32>,
          %get3A_638 = arith.index_cast %scan3A_433 : i32 to index
          %get3A_639 = arith.constant 320 : index
          %get3A_640 = tpu.vector_load %arg10[%get3A_638, %get3A_639] {strides = array<i32>} : memref<64x512xf32, #tpu.memory_space<vmem>>, vector<1x16xf32>,
          %get3A_641 = vector.shape_cast %get3A_640 : vector<1x16xf32> to vector<16xf32>
          %add3A_642 = arith.addf %get3A_641, %get3A_438 : vector<16xf32>
          %swap3A_643 = arith.index_cast %scan3A_433 : i32 to index
          %swap3A_644 = arith.constant 320 : index
          %swap3A_645 = tpu.vector_load %arg10[%swap3A_643, %swap3A_644] {strides = array<i32>} : memref<64x512xf32, #tpu.memory_space<vmem>>, vector<1x16xf32>,
          %swap3A_646 = vector.shape_cast %swap3A_645 : vector<1x16xf32> to vector<16xf32>
          %swap3A_647 = vector.shape_cast %add3A_642 : vector<16xf32> to vector<1x16xf32>
          tpu.vector_store %arg10[%swap3A_643, %swap3A_644], %swap3A_647 {strides = array<i32>} : memref<64x512xf32, #tpu.memory_space<vmem>>, vector<1x16xf32>,
          %get3A_648 = arith.index_cast %scan3A_433 : i32 to index
          %get3A_649 = arith.constant 336 : index
          %get3A_650 = tpu.vector_load %arg10[%get3A_648, %get3A_649] {strides = array<i32>} : memref<64x512xf32, #tpu.memory_space<vmem>>, vector<1x16xf32>,
          %get3A_651 = vector.shape_cast %get3A_650 : vector<1x16xf32> to vector<16xf32>
          %add3A_652 = arith.addf %get3A_651, %get3A_438 : vector<16xf32>
          %swap3A_653 = arith.index_cast %scan3A_433 : i32 to index
          %swap3A_654 = arith.constant 336 : index
          %swap3A_655 = tpu.vector_load %arg10[%swap3A_653, %swap3A_654] {strides = array<i32>} : memref<64x512xf32, #tpu.memory_space<vmem>>, vector<1x16xf32>,
          %swap3A_656 = vector.shape_cast %swap3A_655 : vector<1x16xf32> to vector<16xf32>
          %swap3A_657 = vector.shape_cast %add3A_652 : vector<16xf32> to vector<1x16xf32>
          tpu.vector_store %arg10[%swap3A_653, %swap3A_654], %swap3A_657 {strides = array<i32>} : memref<64x512xf32, #tpu.memory_space<vmem>>, vector<1x16xf32>,
          %get3A_658 = arith.index_cast %scan3A_433 : i32 to index
          %get3A_659 = arith.constant 352 : index
          %get3A_660 = tpu.vector_load %arg10[%get3A_658, %get3A_659] {strides = array<i32>} : memref<64x512xf32, #tpu.memory_space<vmem>>, vector<1x16xf32>,
          %get3A_661 = vector.shape_cast %get3A_660 : vector<1x16xf32> to vector<16xf32>
          %add3A_662 = arith.addf %get3A_661, %get3A_438 : vector<16xf32>
          %swap3A_663 = arith.index_cast %scan3A_433 : i32 to index
          %swap3A_664 = arith.constant 352 : index
          %swap3A_665 = tpu.vector_load %arg10[%swap3A_663, %swap3A_664] {strides = array<i32>} : memref<64x512xf32, #tpu.memory_space<vmem>>, vector<1x16xf32>,
          %swap3A_666 = vector.shape_cast %swap3A_665 : vector<1x16xf32> to vector<16xf32>
          %swap3A_667 = vector.shape_cast %add3A_662 : vector<16xf32> to vector<1x16xf32>
          tpu.vector_store %arg10[%swap3A_663, %swap3A_664], %swap3A_667 {strides = array<i32>} : memref<64x512xf32, #tpu.memory_space<vmem>>, vector<1x16xf32>,
          %get3A_668 = arith.index_cast %scan3A_433 : i32 to index
          %get3A_669 = arith.constant 368 : index
          %get3A_670 = tpu.vector_load %arg10[%get3A_668, %get3A_669] {strides = array<i32>} : memref<64x512xf32, #tpu.memory_space<vmem>>, vector<1x16xf32>,
          %get3A_671 = vector.shape_cast %get3A_670 : vector<1x16xf32> to vector<16xf32>
          %add3A_672 = arith.addf %get3A_671, %get3A_438 : vector<16xf32>
          %swap3A_673 = arith.index_cast %scan3A_433 : i32 to index
          %swap3A_674 = arith.constant 368 : index
          %swap3A_675 = tpu.vector_load %arg10[%swap3A_673, %swap3A_674] {strides = array<i32>} : memref<64x512xf32, #tpu.memory_space<vmem>>, vector<1x16xf32>,
          %swap3A_676 = vector.shape_cast %swap3A_675 : vector<1x16xf32> to vector<16xf32>
          %swap3A_677 = vector.shape_cast %add3A_672 : vector<16xf32> to vector<1x16xf32>
          tpu.vector_store %arg10[%swap3A_673, %swap3A_674], %swap3A_677 {strides = array<i32>} : memref<64x512xf32, #tpu.memory_space<vmem>>, vector<1x16xf32>,
          %get3A_678 = arith.index_cast %scan3A_433 : i32 to index
          %get3A_679 = arith.constant 384 : index
          %get3A_680 = tpu.vector_load %arg10[%get3A_678, %get3A_679] {strides = array<i32>} : memref<64x512xf32, #tpu.memory_space<vmem>>, vector<1x16xf32>,
          %get3A_681 = vector.shape_cast %get3A_680 : vector<1x16xf32> to vector<16xf32>
          %add3A_682 = arith.addf %get3A_681, %get3A_438 : vector<16xf32>
          %swap3A_683 = arith.index_cast %scan3A_433 : i32 to index
          %swap3A_684 = arith.constant 384 : index
          %swap3A_685 = tpu.vector_load %arg10[%swap3A_683, %swap3A_684] {strides = array<i32>} : memref<64x512xf32, #tpu.memory_space<vmem>>, vector<1x16xf32>,
          %swap3A_686 = vector.shape_cast %swap3A_685 : vector<1x16xf32> to vector<16xf32>
          %swap3A_687 = vector.shape_cast %add3A_682 : vector<16xf32> to vector<1x16xf32>
          tpu.vector_store %arg10[%swap3A_683, %swap3A_684], %swap3A_687 {strides = array<i32>} : memref<64x512xf32, #tpu.memory_space<vmem>>, vector<1x16xf32>,
          %get3A_688 = arith.index_cast %scan3A_433 : i32 to index
          %get3A_689 = arith.constant 400 : index
          %get3A_690 = tpu.vector_load %arg10[%get3A_688, %get3A_689] {strides = array<i32>} : memref<64x512xf32, #tpu.memory_space<vmem>>, vector<1x16xf32>,
          %get3A_691 = vector.shape_cast %get3A_690 : vector<1x16xf32> to vector<16xf32>
          %add3A_692 = arith.addf %get3A_691, %get3A_438 : vector<16xf32>
          %swap3A_693 = arith.index_cast %scan3A_433 : i32 to index
          %swap3A_694 = arith.constant 400 : index
          %swap3A_695 = tpu.vector_load %arg10[%swap3A_693, %swap3A_694] {strides = array<i32>} : memref<64x512xf32, #tpu.memory_space<vmem>>, vector<1x16xf32>,
          %swap3A_696 = vector.shape_cast %swap3A_695 : vector<1x16xf32> to vector<16xf32>
          %swap3A_697 = vector.shape_cast %add3A_692 : vector<16xf32> to vector<1x16xf32>
          tpu.vector_store %arg10[%swap3A_693, %swap3A_694], %swap3A_697 {strides = array<i32>} : memref<64x512xf32, #tpu.memory_space<vmem>>, vector<1x16xf32>,
          %get3A_698 = arith.index_cast %scan3A_433 : i32 to index
          %get3A_699 = arith.constant 416 : index
          %get3A_700 = tpu.vector_load %arg10[%get3A_698, %get3A_699] {strides = array<i32>} : memref<64x512xf32, #tpu.memory_space<vmem>>, vector<1x16xf32>,
          %get3A_701 = vector.shape_cast %get3A_700 : vector<1x16xf32> to vector<16xf32>
          %add3A_702 = arith.addf %get3A_701, %get3A_438 : vector<16xf32>
          %swap3A_703 = arith.index_cast %scan3A_433 : i32 to index
          %swap3A_704 = arith.constant 416 : index
          %swap3A_705 = tpu.vector_load %arg10[%swap3A_703, %swap3A_704] {strides = array<i32>} : memref<64x512xf32, #tpu.memory_space<vmem>>, vector<1x16xf32>,
          %swap3A_706 = vector.shape_cast %swap3A_705 : vector<1x16xf32> to vector<16xf32>
          %swap3A_707 = vector.shape_cast %add3A_702 : vector<16xf32> to vector<1x16xf32>
          tpu.vector_store %arg10[%swap3A_703, %swap3A_704], %swap3A_707 {strides = array<i32>} : memref<64x512xf32, #tpu.memory_space<vmem>>, vector<1x16xf32>,
          %get3A_708 = arith.index_cast %scan3A_433 : i32 to index
          %get3A_709 = arith.constant 432 : index
          %get3A_710 = tpu.vector_load %arg10[%get3A_708, %get3A_709] {strides = array<i32>} : memref<64x512xf32, #tpu.memory_space<vmem>>, vector<1x16xf32>,
          %get3A_711 = vector.shape_cast %get3A_710 : vector<1x16xf32> to vector<16xf32>
          %add3A_712 = arith.addf %get3A_711, %get3A_438 : vector<16xf32>
          %swap3A_713 = arith.index_cast %scan3A_433 : i32 to index
          %swap3A_714 = arith.constant 432 : index
          %swap3A_715 = tpu.vector_load %arg10[%swap3A_713, %swap3A_714] {strides = array<i32>} : memref<64x512xf32, #tpu.memory_space<vmem>>, vector<1x16xf32>,
          %swap3A_716 = vector.shape_cast %swap3A_715 : vector<1x16xf32> to vector<16xf32>
          %swap3A_717 = vector.shape_cast %add3A_712 : vector<16xf32> to vector<1x16xf32>
          tpu.vector_store %arg10[%swap3A_713, %swap3A_714], %swap3A_717 {strides = array<i32>} : memref<64x512xf32, #tpu.memory_space<vmem>>, vector<1x16xf32>,
          %get3A_718 = arith.index_cast %scan3A_433 : i32 to index
          %get3A_719 = arith.constant 448 : index
          %get3A_720 = tpu.vector_load %arg10[%get3A_718, %get3A_719] {strides = array<i32>} : memref<64x512xf32, #tpu.memory_space<vmem>>, vector<1x16xf32>,
          %get3A_721 = vector.shape_cast %get3A_720 : vector<1x16xf32> to vector<16xf32>
          %add3A_722 = arith.addf %get3A_721, %get3A_438 : vector<16xf32>
          %swap3A_723 = arith.index_cast %scan3A_433 : i32 to index
          %swap3A_724 = arith.constant 448 : index
          %swap3A_725 = tpu.vector_load %arg10[%swap3A_723, %swap3A_724] {strides = array<i32>} : memref<64x512xf32, #tpu.memory_space<vmem>>, vector<1x16xf32>,
          %swap3A_726 = vector.shape_cast %swap3A_725 : vector<1x16xf32> to vector<16xf32>
          %swap3A_727 = vector.shape_cast %add3A_722 : vector<16xf32> to vector<1x16xf32>
          tpu.vector_store %arg10[%swap3A_723, %swap3A_724], %swap3A_727 {strides = array<i32>} : memref<64x512xf32, #tpu.memory_space<vmem>>, vector<1x16xf32>,
          %get3A_728 = arith.index_cast %scan3A_433 : i32 to index
          %get3A_729 = arith.constant 464 : index
          %get3A_730 = tpu.vector_load %arg10[%get3A_728, %get3A_729] {strides = array<i32>} : memref<64x512xf32, #tpu.memory_space<vmem>>, vector<1x16xf32>,
          %get3A_731 = vector.shape_cast %get3A_730 : vector<1x16xf32> to vector<16xf32>
          %add3A_732 = arith.addf %get3A_731, %get3A_438 : vector<16xf32>
          %swap3A_733 = arith.index_cast %scan3A_433 : i32 to index
          %swap3A_734 = arith.constant 464 : index
          %swap3A_735 = tpu.vector_load %arg10[%swap3A_733, %swap3A_734] {strides = array<i32>} : memref<64x512xf32, #tpu.memory_space<vmem>>, vector<1x16xf32>,
          %swap3A_736 = vector.shape_cast %swap3A_735 : vector<1x16xf32> to vector<16xf32>
          %swap3A_737 = vector.shape_cast %add3A_732 : vector<16xf32> to vector<1x16xf32>
          tpu.vector_store %arg10[%swap3A_733, %swap3A_734], %swap3A_737 {strides = array<i32>} : memref<64x512xf32, #tpu.memory_space<vmem>>, vector<1x16xf32>,
          %get3A_738 = arith.index_cast %scan3A_433 : i32 to index
          %get3A_739 = arith.constant 480 : index
          %get3A_740 = tpu.vector_load %arg10[%get3A_738, %get3A_739] {strides = array<i32>} : memref<64x512xf32, #tpu.memory_space<vmem>>, vector<1x16xf32>,
          %get3A_741 = vector.shape_cast %get3A_740 : vector<1x16xf32> to vector<16xf32>
          %add3A_742 = arith.addf %get3A_741, %get3A_438 : vector<16xf32>
          %swap3A_743 = arith.index_cast %scan3A_433 : i32 to index
          %swap3A_744 = arith.constant 480 : index
          %swap3A_745 = tpu.vector_load %arg10[%swap3A_743, %swap3A_744] {strides = array<i32>} : memref<64x512xf32, #tpu.memory_space<vmem>>, vector<1x16xf32>,
          %swap3A_746 = vector.shape_cast %swap3A_745 : vector<1x16xf32> to vector<16xf32>
          %swap3A_747 = vector.shape_cast %add3A_742 : vector<16xf32> to vector<1x16xf32>
          tpu.vector_store %arg10[%swap3A_743, %swap3A_744], %swap3A_747 {strides = array<i32>} : memref<64x512xf32, #tpu.memory_space<vmem>>, vector<1x16xf32>,
          %get3A_748 = arith.index_cast %scan3A_433 : i32 to index
          %get3A_749 = arith.constant 496 : index
          %get3A_750 = tpu.vector_load %arg10[%get3A_748, %get3A_749] {strides = array<i32>} : memref<64x512xf32, #tpu.memory_space<vmem>>, vector<1x16xf32>,
          %get3A_751 = vector.shape_cast %get3A_750 : vector<1x16xf32> to vector<16xf32>
          %add3A_752 = arith.addf %get3A_751, %get3A_438 : vector<16xf32>
          %swap3A_753 = arith.index_cast %scan3A_433 : i32 to index
          %swap3A_754 = arith.constant 496 : index
          %swap3A_755 = tpu.vector_load %arg10[%swap3A_753, %swap3A_754] {strides = array<i32>} : memref<64x512xf32, #tpu.memory_space<vmem>>, vector<1x16xf32>,
          %swap3A_756 = vector.shape_cast %swap3A_755 : vector<1x16xf32> to vector<16xf32>
          %swap3A_757 = vector.shape_cast %add3A_752 : vector<16xf32> to vector<1x16xf32>
          tpu.vector_store %arg10[%swap3A_753, %swap3A_754], %swap3A_757 {strides = array<i32>} : memref<64x512xf32, #tpu.memory_space<vmem>>, vector<1x16xf32>,
          %scan3A_758 = arith.constant 0 : i32
          scf.yield %scan3A_758 : i32
        }
        %scan3A_432 = arith.constant 64 : i32
      } else {
      }
      %not3A = arith.constant true
      %not3A_372 = arith.xori %and3A_318, %not3A : i1
      %convert_element_type3A_373 = arith.extui %not3A_372 : i1 to i32
      %cond3A_374 = arith.constant 0 : i32
      %cond3A_375 = arith.cmpi ne, %convert_element_type3A_373, %cond3A_374 : i32
      scf.if %cond3A_375 {
        %scan3A_426 = arith.constant 0 : i32
        %scan3A_427 = arith.constant 0 : i32
        %scan3A_428 = arith.constant 64 : i32
        %scan3A_429 = arith.addi %scan3A_427, %scan3A_428 : i32
        %scan3A_430 = arith.constant 1 : i32
        %scan3A_431 = scf.for %scan3A_433 = %scan3A_427 to %scan3A_429 step %scan3A_430 iter_args(%scan3A_434 = %scan3A_426) -> (i32)  : i32 {
          %get3A_435 = arith.index_cast %scan3A_433 : i32 to index
          %get3A_436 = arith.constant 0 : index
          %get3A_437 = tpu.vector_load %arg10[%get3A_435, %get3A_436] {strides = array<i32>} : memref<64x512xf32, #tpu.memory_space<vmem>>, vector<1x16xf32>,
          %get3A_438 = vector.shape_cast %get3A_437 : vector<1x16xf32> to vector<16xf32>
          %get3A_439 = arith.index_cast %scan3A_433 : i32 to index
          %get3A_440 = arith.constant 0 : index
          %get3A_441 = tpu.vector_load %arg9[%get3A_439, %get3A_440] {strides = array<i32>} : memref<64x512xf32, #tpu.memory_space<vmem>>, vector<1x16xf32>,
          %get3A_442 = vector.shape_cast %get3A_441 : vector<1x16xf32> to vector<16xf32>
          %add3A_443 = arith.addf %get3A_438, %get3A_442 : vector<16xf32>
          %swap3A = arith.index_cast %scan3A_433 : i32 to index
          %swap3A_444 = arith.constant 0 : index
          %swap3A_445 = tpu.vector_load %arg10[%swap3A, %swap3A_444] {strides = array<i32>} : memref<64x512xf32, #tpu.memory_space<vmem>>, vector<1x16xf32>,
          %swap3A_446 = vector.shape_cast %swap3A_445 : vector<1x16xf32> to vector<16xf32>
          %swap3A_447 = vector.shape_cast %add3A_443 : vector<16xf32> to vector<1x16xf32>
          tpu.vector_store %arg10[%swap3A, %swap3A_444], %swap3A_447 {strides = array<i32>} : memref<64x512xf32, #tpu.memory_space<vmem>>, vector<1x16xf32>,
          %get3A_448 = arith.index_cast %scan3A_433 : i32 to index
          %get3A_449 = arith.constant 16 : index
          %get3A_450 = tpu.vector_load %arg10[%get3A_448, %get3A_449] {strides = array<i32>} : memref<64x512xf32, #tpu.memory_space<vmem>>, vector<1x16xf32>,
          %get3A_451 = vector.shape_cast %get3A_450 : vector<1x16xf32> to vector<16xf32>
          %get3A_452 = arith.index_cast %scan3A_433 : i32 to index
          %get3A_453 = arith.constant 16 : index
          %get3A_454 = tpu.vector_load %arg9[%get3A_452, %get3A_453] {strides = array<i32>} : memref<64x512xf32, #tpu.memory_space<vmem>>, vector<1x16xf32>,
          %get3A_455 = vector.shape_cast %get3A_454 : vector<1x16xf32> to vector<16xf32>
          %add3A_456 = arith.addf %get3A_451, %get3A_455 : vector<16xf32>
          %swap3A_457 = arith.index_cast %scan3A_433 : i32 to index
          %swap3A_458 = arith.constant 16 : index
          %swap3A_459 = tpu.vector_load %arg10[%swap3A_457, %swap3A_458] {strides = array<i32>} : memref<64x512xf32, #tpu.memory_space<vmem>>, vector<1x16xf32>,
          %swap3A_460 = vector.shape_cast %swap3A_459 : vector<1x16xf32> to vector<16xf32>
          %swap3A_461 = vector.shape_cast %add3A_456 : vector<16xf32> to vector<1x16xf32>
          tpu.vector_store %arg10[%swap3A_457, %swap3A_458], %swap3A_461 {strides = array<i32>} : memref<64x512xf32, #tpu.memory_space<vmem>>, vector<1x16xf32>,
          %get3A_462 = arith.index_cast %scan3A_433 : i32 to index
          %get3A_463 = arith.constant 32 : index
          %get3A_464 = tpu.vector_load %arg10[%get3A_462, %get3A_463] {strides = array<i32>} : memref<64x512xf32, #tpu.memory_space<vmem>>, vector<1x16xf32>,
          %get3A_465 = vector.shape_cast %get3A_464 : vector<1x16xf32> to vector<16xf32>
          %get3A_466 = arith.index_cast %scan3A_433 : i32 to index
          %get3A_467 = arith.constant 32 : index
          %get3A_468 = tpu.vector_load %arg9[%get3A_466, %get3A_467] {strides = array<i32>} : memref<64x512xf32, #tpu.memory_space<vmem>>, vector<1x16xf32>,
          %get3A_469 = vector.shape_cast %get3A_468 : vector<1x16xf32> to vector<16xf32>
          %add3A_470 = arith.addf %get3A_465, %get3A_469 : vector<16xf32>
          %swap3A_471 = arith.index_cast %scan3A_433 : i32 to index
          %swap3A_472 = arith.constant 32 : index
          %swap3A_473 = tpu.vector_load %arg10[%swap3A_471, %swap3A_472] {strides = array<i32>} : memref<64x512xf32, #tpu.memory_space<vmem>>, vector<1x16xf32>,
          %swap3A_474 = vector.shape_cast %swap3A_473 : vector<1x16xf32> to vector<16xf32>
          %swap3A_475 = vector.shape_cast %add3A_470 : vector<16xf32> to vector<1x16xf32>
          tpu.vector_store %arg10[%swap3A_471, %swap3A_472], %swap3A_475 {strides = array<i32>} : memref<64x512xf32, #tpu.memory_space<vmem>>, vector<1x16xf32>,
          %get3A_476 = arith.index_cast %scan3A_433 : i32 to index
          %get3A_477 = arith.constant 48 : index
          %get3A_478 = tpu.vector_load %arg10[%get3A_476, %get3A_477] {strides = array<i32>} : memref<64x512xf32, #tpu.memory_space<vmem>>, vector<1x16xf32>,
          %get3A_479 = vector.shape_cast %get3A_478 : vector<1x16xf32> to vector<16xf32>
          %get3A_480 = arith.index_cast %scan3A_433 : i32 to index
          %get3A_481 = arith.constant 48 : index
          %get3A_482 = tpu.vector_load %arg9[%get3A_480, %get3A_481] {strides = array<i32>} : memref<64x512xf32, #tpu.memory_space<vmem>>, vector<1x16xf32>,
          %get3A_483 = vector.shape_cast %get3A_482 : vector<1x16xf32> to vector<16xf32>
          %add3A_484 = arith.addf %get3A_479, %get3A_483 : vector<16xf32>
          %swap3A_485 = arith.index_cast %scan3A_433 : i32 to index
          %swap3A_486 = arith.constant 48 : index
          %swap3A_487 = tpu.vector_load %arg10[%swap3A_485, %swap3A_486] {strides = array<i32>} : memref<64x512xf32, #tpu.memory_space<vmem>>, vector<1x16xf32>,
          %swap3A_488 = vector.shape_cast %swap3A_487 : vector<1x16xf32> to vector<16xf32>
          %swap3A_489 = vector.shape_cast %add3A_484 : vector<16xf32> to vector<1x16xf32>
          tpu.vector_store %arg10[%swap3A_485, %swap3A_486], %swap3A_489 {strides = array<i32>} : memref<64x512xf32, #tpu.memory_space<vmem>>, vector<1x16xf32>,
          %get3A_490 = arith.index_cast %scan3A_433 : i32 to index
          %get3A_491 = arith.constant 64 : index
          %get3A_492 = tpu.vector_load %arg10[%get3A_490, %get3A_491] {strides = array<i32>} : memref<64x512xf32, #tpu.memory_space<vmem>>, vector<1x16xf32>,
          %get3A_493 = vector.shape_cast %get3A_492 : vector<1x16xf32> to vector<16xf32>
          %get3A_494 = arith.index_cast %scan3A_433 : i32 to index
          %get3A_495 = arith.constant 64 : index
          %get3A_496 = tpu.vector_load %arg9[%get3A_494, %get3A_495] {strides = array<i32>} : memref<64x512xf32, #tpu.memory_space<vmem>>, vector<1x16xf32>,
          %get3A_497 = vector.shape_cast %get3A_496 : vector<1x16xf32> to vector<16xf32>
          %add3A_498 = arith.addf %get3A_493, %get3A_497 : vector<16xf32>
          %swap3A_499 = arith.index_cast %scan3A_433 : i32 to index
          %swap3A_500 = arith.constant 64 : index
          %swap3A_501 = tpu.vector_load %arg10[%swap3A_499, %swap3A_500] {strides = array<i32>} : memref<64x512xf32, #tpu.memory_space<vmem>>, vector<1x16xf32>,
          %swap3A_502 = vector.shape_cast %swap3A_501 : vector<1x16xf32> to vector<16xf32>
          %swap3A_503 = vector.shape_cast %add3A_498 : vector<16xf32> to vector<1x16xf32>
          tpu.vector_store %arg10[%swap3A_499, %swap3A_500], %swap3A_503 {strides = array<i32>} : memref<64x512xf32, #tpu.memory_space<vmem>>, vector<1x16xf32>,
          %get3A_504 = arith.index_cast %scan3A_433 : i32 to index
          %get3A_505 = arith.constant 80 : index
          %get3A_506 = tpu.vector_load %arg10[%get3A_504, %get3A_505] {strides = array<i32>} : memref<64x512xf32, #tpu.memory_space<vmem>>, vector<1x16xf32>,
          %get3A_507 = vector.shape_cast %get3A_506 : vector<1x16xf32> to vector<16xf32>
          %get3A_508 = arith.index_cast %scan3A_433 : i32 to index
          %get3A_509 = arith.constant 80 : index
          %get3A_510 = tpu.vector_load %arg9[%get3A_508, %get3A_509] {strides = array<i32>} : memref<64x512xf32, #tpu.memory_space<vmem>>, vector<1x16xf32>,
          %get3A_511 = vector.shape_cast %get3A_510 : vector<1x16xf32> to vector<16xf32>
          %add3A_512 = arith.addf %get3A_507, %get3A_511 : vector<16xf32>
          %swap3A_513 = arith.index_cast %scan3A_433 : i32 to index
          %swap3A_514 = arith.constant 80 : index
          %swap3A_515 = tpu.vector_load %arg10[%swap3A_513, %swap3A_514] {strides = array<i32>} : memref<64x512xf32, #tpu.memory_space<vmem>>, vector<1x16xf32>,
          %swap3A_516 = vector.shape_cast %swap3A_515 : vector<1x16xf32> to vector<16xf32>
          %swap3A_517 = vector.shape_cast %add3A_512 : vector<16xf32> to vector<1x16xf32>
          tpu.vector_store %arg10[%swap3A_513, %swap3A_514], %swap3A_517 {strides = array<i32>} : memref<64x512xf32, #tpu.memory_space<vmem>>, vector<1x16xf32>,
          %get3A_518 = arith.index_cast %scan3A_433 : i32 to index
          %get3A_519 = arith.constant 96 : index
          %get3A_520 = tpu.vector_load %arg10[%get3A_518, %get3A_519] {strides = array<i32>} : memref<64x512xf32, #tpu.memory_space<vmem>>, vector<1x16xf32>,
          %get3A_521 = vector.shape_cast %get3A_520 : vector<1x16xf32> to vector<16xf32>
          %get3A_522 = arith.index_cast %scan3A_433 : i32 to index
          %get3A_523 = arith.constant 96 : index
          %get3A_524 = tpu.vector_load %arg9[%get3A_522, %get3A_523] {strides = array<i32>} : memref<64x512xf32, #tpu.memory_space<vmem>>, vector<1x16xf32>,
          %get3A_525 = vector.shape_cast %get3A_524 : vector<1x16xf32> to vector<16xf32>
          %add3A_526 = arith.addf %get3A_521, %get3A_525 : vector<16xf32>
          %swap3A_527 = arith.index_cast %scan3A_433 : i32 to index
          %swap3A_528 = arith.constant 96 : index
          %swap3A_529 = tpu.vector_load %arg10[%swap3A_527, %swap3A_528] {strides = array<i32>} : memref<64x512xf32, #tpu.memory_space<vmem>>, vector<1x16xf32>,
          %swap3A_530 = vector.shape_cast %swap3A_529 : vector<1x16xf32> to vector<16xf32>
          %swap3A_531 = vector.shape_cast %add3A_526 : vector<16xf32> to vector<1x16xf32>
          tpu.vector_store %arg10[%swap3A_527, %swap3A_528], %swap3A_531 {strides = array<i32>} : memref<64x512xf32, #tpu.memory_space<vmem>>, vector<1x16xf32>,
          %get3A_532 = arith.index_cast %scan3A_433 : i32 to index
          %get3A_533 = arith.constant 112 : index
          %get3A_534 = tpu.vector_load %arg10[%get3A_532, %get3A_533] {strides = array<i32>} : memref<64x512xf32, #tpu.memory_space<vmem>>, vector<1x16xf32>,
          %get3A_535 = vector.shape_cast %get3A_534 : vector<1x16xf32> to vector<16xf32>
          %get3A_536 = arith.index_cast %scan3A_433 : i32 to index
          %get3A_537 = arith.constant 112 : index
          %get3A_538 = tpu.vector_load %arg9[%get3A_536, %get3A_537] {strides = array<i32>} : memref<64x512xf32, #tpu.memory_space<vmem>>, vector<1x16xf32>,
          %get3A_539 = vector.shape_cast %get3A_538 : vector<1x16xf32> to vector<16xf32>
          %add3A_540 = arith.addf %get3A_535, %get3A_539 : vector<16xf32>
          %swap3A_541 = arith.index_cast %scan3A_433 : i32 to index
          %swap3A_542 = arith.constant 112 : index
          %swap3A_543 = tpu.vector_load %arg10[%swap3A_541, %swap3A_542] {strides = array<i32>} : memref<64x512xf32, #tpu.memory_space<vmem>>, vector<1x16xf32>,
          %swap3A_544 = vector.shape_cast %swap3A_543 : vector<1x16xf32> to vector<16xf32>
          %swap3A_545 = vector.shape_cast %add3A_540 : vector<16xf32> to vector<1x16xf32>
          tpu.vector_store %arg10[%swap3A_541, %swap3A_542], %swap3A_545 {strides = array<i32>} : memref<64x512xf32, #tpu.memory_space<vmem>>, vector<1x16xf32>,
          %get3A_546 = arith.index_cast %scan3A_433 : i32 to index
          %get3A_547 = arith.constant 128 : index
          %get3A_548 = tpu.vector_load %arg10[%get3A_546, %get3A_547] {strides = array<i32>} : memref<64x512xf32, #tpu.memory_space<vmem>>, vector<1x16xf32>,
          %get3A_549 = vector.shape_cast %get3A_548 : vector<1x16xf32> to vector<16xf32>
          %get3A_550 = arith.index_cast %scan3A_433 : i32 to index
          %get3A_551 = arith.constant 128 : index
          %get3A_552 = tpu.vector_load %arg9[%get3A_550, %get3A_551] {strides = array<i32>} : memref<64x512xf32, #tpu.memory_space<vmem>>, vector<1x16xf32>,
          %get3A_553 = vector.shape_cast %get3A_552 : vector<1x16xf32> to vector<16xf32>
          %add3A_554 = arith.addf %get3A_549, %get3A_553 : vector<16xf32>
          %swap3A_555 = arith.index_cast %scan3A_433 : i32 to index
          %swap3A_556 = arith.constant 128 : index
          %swap3A_557 = tpu.vector_load %arg10[%swap3A_555, %swap3A_556] {strides = array<i32>} : memref<64x512xf32, #tpu.memory_space<vmem>>, vector<1x16xf32>,
          %swap3A_558 = vector.shape_cast %swap3A_557 : vector<1x16xf32> to vector<16xf32>
          %swap3A_559 = vector.shape_cast %add3A_554 : vector<16xf32> to vector<1x16xf32>
          tpu.vector_store %arg10[%swap3A_555, %swap3A_556], %swap3A_559 {strides = array<i32>} : memref<64x512xf32, #tpu.memory_space<vmem>>, vector<1x16xf32>,
          %get3A_560 = arith.index_cast %scan3A_433 : i32 to index
          %get3A_561 = arith.constant 144 : index
          %get3A_562 = tpu.vector_load %arg10[%get3A_560, %get3A_561] {strides = array<i32>} : memref<64x512xf32, #tpu.memory_space<vmem>>, vector<1x16xf32>,
          %get3A_563 = vector.shape_cast %get3A_562 : vector<1x16xf32> to vector<16xf32>
          %get3A_564 = arith.index_cast %scan3A_433 : i32 to index
          %get3A_565 = arith.constant 144 : index
          %get3A_566 = tpu.vector_load %arg9[%get3A_564, %get3A_565] {strides = array<i32>} : memref<64x512xf32, #tpu.memory_space<vmem>>, vector<1x16xf32>,
          %get3A_567 = vector.shape_cast %get3A_566 : vector<1x16xf32> to vector<16xf32>
          %add3A_568 = arith.addf %get3A_563, %get3A_567 : vector<16xf32>
          %swap3A_569 = arith.index_cast %scan3A_433 : i32 to index
          %swap3A_570 = arith.constant 144 : index
          %swap3A_571 = tpu.vector_load %arg10[%swap3A_569, %swap3A_570] {strides = array<i32>} : memref<64x512xf32, #tpu.memory_space<vmem>>, vector<1x16xf32>,
          %swap3A_572 = vector.shape_cast %swap3A_571 : vector<1x16xf32> to vector<16xf32>
          %swap3A_573 = vector.shape_cast %add3A_568 : vector<16xf32> to vector<1x16xf32>
          tpu.vector_store %arg10[%swap3A_569, %swap3A_570], %swap3A_573 {strides = array<i32>} : memref<64x512xf32, #tpu.memory_space<vmem>>, vector<1x16xf32>,
          %get3A_574 = arith.index_cast %scan3A_433 : i32 to index
          %get3A_575 = arith.constant 160 : index
          %get3A_576 = tpu.vector_load %arg10[%get3A_574, %get3A_575] {strides = array<i32>} : memref<64x512xf32, #tpu.memory_space<vmem>>, vector<1x16xf32>,
          %get3A_577 = vector.shape_cast %get3A_576 : vector<1x16xf32> to vector<16xf32>
          %get3A_578 = arith.index_cast %scan3A_433 : i32 to index
          %get3A_579 = arith.constant 160 : index
          %get3A_580 = tpu.vector_load %arg9[%get3A_578, %get3A_579] {strides = array<i32>} : memref<64x512xf32, #tpu.memory_space<vmem>>, vector<1x16xf32>,
          %get3A_581 = vector.shape_cast %get3A_580 : vector<1x16xf32> to vector<16xf32>
          %add3A_582 = arith.addf %get3A_577, %get3A_581 : vector<16xf32>
          %swap3A_583 = arith.index_cast %scan3A_433 : i32 to index
          %swap3A_584 = arith.constant 160 : index
          %swap3A_585 = tpu.vector_load %arg10[%swap3A_583, %swap3A_584] {strides = array<i32>} : memref<64x512xf32, #tpu.memory_space<vmem>>, vector<1x16xf32>,
          %swap3A_586 = vector.shape_cast %swap3A_585 : vector<1x16xf32> to vector<16xf32>
          %swap3A_587 = vector.shape_cast %add3A_582 : vector<16xf32> to vector<1x16xf32>
          tpu.vector_store %arg10[%swap3A_583, %swap3A_584], %swap3A_587 {strides = array<i32>} : memref<64x512xf32, #tpu.memory_space<vmem>>, vector<1x16xf32>,
          %get3A_588 = arith.index_cast %scan3A_433 : i32 to index
          %get3A_589 = arith.constant 176 : index
          %get3A_590 = tpu.vector_load %arg10[%get3A_588, %get3A_589] {strides = array<i32>} : memref<64x512xf32, #tpu.memory_space<vmem>>, vector<1x16xf32>,
          %get3A_591 = vector.shape_cast %get3A_590 : vector<1x16xf32> to vector<16xf32>
          %get3A_592 = arith.index_cast %scan3A_433 : i32 to index
          %get3A_593 = arith.constant 176 : index
          %get3A_594 = tpu.vector_load %arg9[%get3A_592, %get3A_593] {strides = array<i32>} : memref<64x512xf32, #tpu.memory_space<vmem>>, vector<1x16xf32>,
          %get3A_595 = vector.shape_cast %get3A_594 : vector<1x16xf32> to vector<16xf32>
          %add3A_596 = arith.addf %get3A_591, %get3A_595 : vector<16xf32>
          %swap3A_597 = arith.index_cast %scan3A_433 : i32 to index
          %swap3A_598 = arith.constant 176 : index
          %swap3A_599 = tpu.vector_load %arg10[%swap3A_597, %swap3A_598] {strides = array<i32>} : memref<64x512xf32, #tpu.memory_space<vmem>>, vector<1x16xf32>,
          %swap3A_600 = vector.shape_cast %swap3A_599 : vector<1x16xf32> to vector<16xf32>
          %swap3A_601 = vector.shape_cast %add3A_596 : vector<16xf32> to vector<1x16xf32>
          tpu.vector_store %arg10[%swap3A_597, %swap3A_598], %swap3A_601 {strides = array<i32>} : memref<64x512xf32, #tpu.memory_space<vmem>>, vector<1x16xf32>,
          %get3A_602 = arith.index_cast %scan3A_433 : i32 to index
          %get3A_603 = arith.constant 192 : index
          %get3A_604 = tpu.vector_load %arg10[%get3A_602, %get3A_603] {strides = array<i32>} : memref<64x512xf32, #tpu.memory_space<vmem>>, vector<1x16xf32>,
          %get3A_605 = vector.shape_cast %get3A_604 : vector<1x16xf32> to vector<16xf32>
          %get3A_606 = arith.index_cast %scan3A_433 : i32 to index
          %get3A_607 = arith.constant 192 : index
          %get3A_608 = tpu.vector_load %arg9[%get3A_606, %get3A_607] {strides = array<i32>} : memref<64x512xf32, #tpu.memory_space<vmem>>, vector<1x16xf32>,
          %get3A_609 = vector.shape_cast %get3A_608 : vector<1x16xf32> to vector<16xf32>
          %add3A_610 = arith.addf %get3A_605, %get3A_609 : vector<16xf32>
          %swap3A_611 = arith.index_cast %scan3A_433 : i32 to index
          %swap3A_612 = arith.constant 192 : index
          %swap3A_613 = tpu.vector_load %arg10[%swap3A_611, %swap3A_612] {strides = array<i32>} : memref<64x512xf32, #tpu.memory_space<vmem>>, vector<1x16xf32>,
          %swap3A_614 = vector.shape_cast %swap3A_613 : vector<1x16xf32> to vector<16xf32>
          %swap3A_615 = vector.shape_cast %add3A_610 : vector<16xf32> to vector<1x16xf32>
          tpu.vector_store %arg10[%swap3A_611, %swap3A_612], %swap3A_615 {strides = array<i32>} : memref<64x512xf32, #tpu.memory_space<vmem>>, vector<1x16xf32>,
          %get3A_616 = arith.index_cast %scan3A_433 : i32 to index
          %get3A_617 = arith.constant 208 : index
          %get3A_618 = tpu.vector_load %arg10[%get3A_616, %get3A_617] {strides = array<i32>} : memref<64x512xf32, #tpu.memory_space<vmem>>, vector<1x16xf32>,
          %get3A_619 = vector.shape_cast %get3A_618 : vector<1x16xf32> to vector<16xf32>
          %get3A_620 = arith.index_cast %scan3A_433 : i32 to index
          %get3A_621 = arith.constant 208 : index
          %get3A_622 = tpu.vector_load %arg9[%get3A_620, %get3A_621] {strides = array<i32>} : memref<64x512xf32, #tpu.memory_space<vmem>>, vector<1x16xf32>,
          %get3A_623 = vector.shape_cast %get3A_622 : vector<1x16xf32> to vector<16xf32>
          %add3A_624 = arith.addf %get3A_619, %get3A_623 : vector<16xf32>
          %swap3A_625 = arith.index_cast %scan3A_433 : i32 to index
          %swap3A_626 = arith.constant 208 : index
          %swap3A_627 = tpu.vector_load %arg10[%swap3A_625, %swap3A_626] {strides = array<i32>} : memref<64x512xf32, #tpu.memory_space<vmem>>, vector<1x16xf32>,
          %swap3A_628 = vector.shape_cast %swap3A_627 : vector<1x16xf32> to vector<16xf32>
          %swap3A_629 = vector.shape_cast %add3A_624 : vector<16xf32> to vector<1x16xf32>
          tpu.vector_store %arg10[%swap3A_625, %swap3A_626], %swap3A_629 {strides = array<i32>} : memref<64x512xf32, #tpu.memory_space<vmem>>, vector<1x16xf32>,
          %get3A_630 = arith.index_cast %scan3A_433 : i32 to index
          %get3A_631 = arith.constant 224 : index
          %get3A_632 = tpu.vector_load %arg10[%get3A_630, %get3A_631] {strides = array<i32>} : memref<64x512xf32, #tpu.memory_space<vmem>>, vector<1x16xf32>,
          %get3A_633 = vector.shape_cast %get3A_632 : vector<1x16xf32> to vector<16xf32>
          %get3A_634 = arith.index_cast %scan3A_433 : i32 to index
          %get3A_635 = arith.constant 224 : index
          %get3A_636 = tpu.vector_load %arg9[%get3A_634, %get3A_635] {strides = array<i32>} : memref<64x512xf32, #tpu.memory_space<vmem>>, vector<1x16xf32>,
          %get3A_637 = vector.shape_cast %get3A_636 : vector<1x16xf32> to vector<16xf32>
          %add3A_638 = arith.addf %get3A_633, %get3A_637 : vector<16xf32>
          %swap3A_639 = arith.index_cast %scan3A_433 : i32 to index
          %swap3A_640 = arith.constant 224 : index
          %swap3A_641 = tpu.vector_load %arg10[%swap3A_639, %swap3A_640] {strides = array<i32>} : memref<64x512xf32, #tpu.memory_space<vmem>>, vector<1x16xf32>,
          %swap3A_642 = vector.shape_cast %swap3A_641 : vector<1x16xf32> to vector<16xf32>
          %swap3A_643 = vector.shape_cast %add3A_638 : vector<16xf32> to vector<1x16xf32>
          tpu.vector_store %arg10[%swap3A_639, %swap3A_640], %swap3A_643 {strides = array<i32>} : memref<64x512xf32, #tpu.memory_space<vmem>>, vector<1x16xf32>,
          %get3A_644 = arith.index_cast %scan3A_433 : i32 to index
          %get3A_645 = arith.constant 240 : index
          %get3A_646 = tpu.vector_load %arg10[%get3A_644, %get3A_645] {strides = array<i32>} : memref<64x512xf32, #tpu.memory_space<vmem>>, vector<1x16xf32>,
          %get3A_647 = vector.shape_cast %get3A_646 : vector<1x16xf32> to vector<16xf32>
          %get3A_648 = arith.index_cast %scan3A_433 : i32 to index
          %get3A_649 = arith.constant 240 : index
          %get3A_650 = tpu.vector_load %arg9[%get3A_648, %get3A_649] {strides = array<i32>} : memref<64x512xf32, #tpu.memory_space<vmem>>, vector<1x16xf32>,
          %get3A_651 = vector.shape_cast %get3A_650 : vector<1x16xf32> to vector<16xf32>
          %add3A_652 = arith.addf %get3A_647, %get3A_651 : vector<16xf32>
          %swap3A_653 = arith.index_cast %scan3A_433 : i32 to index
          %swap3A_654 = arith.constant 240 : index
          %swap3A_655 = tpu.vector_load %arg10[%swap3A_653, %swap3A_654] {strides = array<i32>} : memref<64x512xf32, #tpu.memory_space<vmem>>, vector<1x16xf32>,
          %swap3A_656 = vector.shape_cast %swap3A_655 : vector<1x16xf32> to vector<16xf32>
          %swap3A_657 = vector.shape_cast %add3A_652 : vector<16xf32> to vector<1x16xf32>
          tpu.vector_store %arg10[%swap3A_653, %swap3A_654], %swap3A_657 {strides = array<i32>} : memref<64x512xf32, #tpu.memory_space<vmem>>, vector<1x16xf32>,
          %get3A_658 = arith.index_cast %scan3A_433 : i32 to index
          %get3A_659 = arith.constant 256 : index
          %get3A_660 = tpu.vector_load %arg10[%get3A_658, %get3A_659] {strides = array<i32>} : memref<64x512xf32, #tpu.memory_space<vmem>>, vector<1x16xf32>,
          %get3A_661 = vector.shape_cast %get3A_660 : vector<1x16xf32> to vector<16xf32>
          %get3A_662 = arith.index_cast %scan3A_433 : i32 to index
          %get3A_663 = arith.constant 256 : index
          %get3A_664 = tpu.vector_load %arg9[%get3A_662, %get3A_663] {strides = array<i32>} : memref<64x512xf32, #tpu.memory_space<vmem>>, vector<1x16xf32>,
          %get3A_665 = vector.shape_cast %get3A_664 : vector<1x16xf32> to vector<16xf32>
          %add3A_666 = arith.addf %get3A_661, %get3A_665 : vector<16xf32>
          %swap3A_667 = arith.index_cast %scan3A_433 : i32 to index
          %swap3A_668 = arith.constant 256 : index
          %swap3A_669 = tpu.vector_load %arg10[%swap3A_667, %swap3A_668] {strides = array<i32>} : memref<64x512xf32, #tpu.memory_space<vmem>>, vector<1x16xf32>,
          %swap3A_670 = vector.shape_cast %swap3A_669 : vector<1x16xf32> to vector<16xf32>
          %swap3A_671 = vector.shape_cast %add3A_666 : vector<16xf32> to vector<1x16xf32>
          tpu.vector_store %arg10[%swap3A_667, %swap3A_668], %swap3A_671 {strides = array<i32>} : memref<64x512xf32, #tpu.memory_space<vmem>>, vector<1x16xf32>,
          %get3A_672 = arith.index_cast %scan3A_433 : i32 to index
          %get3A_673 = arith.constant 272 : index
          %get3A_674 = tpu.vector_load %arg10[%get3A_672, %get3A_673] {strides = array<i32>} : memref<64x512xf32, #tpu.memory_space<vmem>>, vector<1x16xf32>,
          %get3A_675 = vector.shape_cast %get3A_674 : vector<1x16xf32> to vector<16xf32>
          %get3A_676 = arith.index_cast %scan3A_433 : i32 to index
          %get3A_677 = arith.constant 272 : index
          %get3A_678 = tpu.vector_load %arg9[%get3A_676, %get3A_677] {strides = array<i32>} : memref<64x512xf32, #tpu.memory_space<vmem>>, vector<1x16xf32>,
          %get3A_679 = vector.shape_cast %get3A_678 : vector<1x16xf32> to vector<16xf32>
          %add3A_680 = arith.addf %get3A_675, %get3A_679 : vector<16xf32>
          %swap3A_681 = arith.index_cast %scan3A_433 : i32 to index
          %swap3A_682 = arith.constant 272 : index
          %swap3A_683 = tpu.vector_load %arg10[%swap3A_681, %swap3A_682] {strides = array<i32>} : memref<64x512xf32, #tpu.memory_space<vmem>>, vector<1x16xf32>,
          %swap3A_684 = vector.shape_cast %swap3A_683 : vector<1x16xf32> to vector<16xf32>
          %swap3A_685 = vector.shape_cast %add3A_680 : vector<16xf32> to vector<1x16xf32>
          tpu.vector_store %arg10[%swap3A_681, %swap3A_682], %swap3A_685 {strides = array<i32>} : memref<64x512xf32, #tpu.memory_space<vmem>>, vector<1x16xf32>,
          %get3A_686 = arith.index_cast %scan3A_433 : i32 to index
          %get3A_687 = arith.constant 288 : index
          %get3A_688 = tpu.vector_load %arg10[%get3A_686, %get3A_687] {strides = array<i32>} : memref<64x512xf32, #tpu.memory_space<vmem>>, vector<1x16xf32>,
          %get3A_689 = vector.shape_cast %get3A_688 : vector<1x16xf32> to vector<16xf32>
          %get3A_690 = arith.index_cast %scan3A_433 : i32 to index
          %get3A_691 = arith.constant 288 : index
          %get3A_692 = tpu.vector_load %arg9[%get3A_690, %get3A_691] {strides = array<i32>} : memref<64x512xf32, #tpu.memory_space<vmem>>, vector<1x16xf32>,
          %get3A_693 = vector.shape_cast %get3A_692 : vector<1x16xf32> to vector<16xf32>
          %add3A_694 = arith.addf %get3A_689, %get3A_693 : vector<16xf32>
          %swap3A_695 = arith.index_cast %scan3A_433 : i32 to index
          %swap3A_696 = arith.constant 288 : index
          %swap3A_697 = tpu.vector_load %arg10[%swap3A_695, %swap3A_696] {strides = array<i32>} : memref<64x512xf32, #tpu.memory_space<vmem>>, vector<1x16xf32>,
          %swap3A_698 = vector.shape_cast %swap3A_697 : vector<1x16xf32> to vector<16xf32>
          %swap3A_699 = vector.shape_cast %add3A_694 : vector<16xf32> to vector<1x16xf32>
          tpu.vector_store %arg10[%swap3A_695, %swap3A_696], %swap3A_699 {strides = array<i32>} : memref<64x512xf32, #tpu.memory_space<vmem>>, vector<1x16xf32>,
          %get3A_700 = arith.index_cast %scan3A_433 : i32 to index
          %get3A_701 = arith.constant 304 : index
          %get3A_702 = tpu.vector_load %arg10[%get3A_700, %get3A_701] {strides = array<i32>} : memref<64x512xf32, #tpu.memory_space<vmem>>, vector<1x16xf32>,
          %get3A_703 = vector.shape_cast %get3A_702 : vector<1x16xf32> to vector<16xf32>
          %get3A_704 = arith.index_cast %scan3A_433 : i32 to index
          %get3A_705 = arith.constant 304 : index
          %get3A_706 = tpu.vector_load %arg9[%get3A_704, %get3A_705] {strides = array<i32>} : memref<64x512xf32, #tpu.memory_space<vmem>>, vector<1x16xf32>,
          %get3A_707 = vector.shape_cast %get3A_706 : vector<1x16xf32> to vector<16xf32>
          %add3A_708 = arith.addf %get3A_703, %get3A_707 : vector<16xf32>
          %swap3A_709 = arith.index_cast %scan3A_433 : i32 to index
          %swap3A_710 = arith.constant 304 : index
          %swap3A_711 = tpu.vector_load %arg10[%swap3A_709, %swap3A_710] {strides = array<i32>} : memref<64x512xf32, #tpu.memory_space<vmem>>, vector<1x16xf32>,
          %swap3A_712 = vector.shape_cast %swap3A_711 : vector<1x16xf32> to vector<16xf32>
          %swap3A_713 = vector.shape_cast %add3A_708 : vector<16xf32> to vector<1x16xf32>
          tpu.vector_store %arg10[%swap3A_709, %swap3A_710], %swap3A_713 {strides = array<i32>} : memref<64x512xf32, #tpu.memory_space<vmem>>, vector<1x16xf32>,
          %get3A_714 = arith.index_cast %scan3A_433 : i32 to index
          %get3A_715 = arith.constant 320 : index
          %get3A_716 = tpu.vector_load %arg10[%get3A_714, %get3A_715] {strides = array<i32>} : memref<64x512xf32, #tpu.memory_space<vmem>>, vector<1x16xf32>,
          %get3A_717 = vector.shape_cast %get3A_716 : vector<1x16xf32> to vector<16xf32>
          %get3A_718 = arith.index_cast %scan3A_433 : i32 to index
          %get3A_719 = arith.constant 320 : index
          %get3A_720 = tpu.vector_load %arg9[%get3A_718, %get3A_719] {strides = array<i32>} : memref<64x512xf32, #tpu.memory_space<vmem>>, vector<1x16xf32>,
          %get3A_721 = vector.shape_cast %get3A_720 : vector<1x16xf32> to vector<16xf32>
          %add3A_722 = arith.addf %get3A_717, %get3A_721 : vector<16xf32>
          %swap3A_723 = arith.index_cast %scan3A_433 : i32 to index
          %swap3A_724 = arith.constant 320 : index
          %swap3A_725 = tpu.vector_load %arg10[%swap3A_723, %swap3A_724] {strides = array<i32>} : memref<64x512xf32, #tpu.memory_space<vmem>>, vector<1x16xf32>,
          %swap3A_726 = vector.shape_cast %swap3A_725 : vector<1x16xf32> to vector<16xf32>
          %swap3A_727 = vector.shape_cast %add3A_722 : vector<16xf32> to vector<1x16xf32>
          tpu.vector_store %arg10[%swap3A_723, %swap3A_724], %swap3A_727 {strides = array<i32>} : memref<64x512xf32, #tpu.memory_space<vmem>>, vector<1x16xf32>,
          %get3A_728 = arith.index_cast %scan3A_433 : i32 to index
          %get3A_729 = arith.constant 336 : index
          %get3A_730 = tpu.vector_load %arg10[%get3A_728, %get3A_729] {strides = array<i32>} : memref<64x512xf32, #tpu.memory_space<vmem>>, vector<1x16xf32>,
          %get3A_731 = vector.shape_cast %get3A_730 : vector<1x16xf32> to vector<16xf32>
          %get3A_732 = arith.index_cast %scan3A_433 : i32 to index
          %get3A_733 = arith.constant 336 : index
          %get3A_734 = tpu.vector_load %arg9[%get3A_732, %get3A_733] {strides = array<i32>} : memref<64x512xf32, #tpu.memory_space<vmem>>, vector<1x16xf32>,
          %get3A_735 = vector.shape_cast %get3A_734 : vector<1x16xf32> to vector<16xf32>
          %add3A_736 = arith.addf %get3A_731, %get3A_735 : vector<16xf32>
          %swap3A_737 = arith.index_cast %scan3A_433 : i32 to index
          %swap3A_738 = arith.constant 336 : index
          %swap3A_739 = tpu.vector_load %arg10[%swap3A_737, %swap3A_738] {strides = array<i32>} : memref<64x512xf32, #tpu.memory_space<vmem>>, vector<1x16xf32>,
          %swap3A_740 = vector.shape_cast %swap3A_739 : vector<1x16xf32> to vector<16xf32>
          %swap3A_741 = vector.shape_cast %add3A_736 : vector<16xf32> to vector<1x16xf32>
          tpu.vector_store %arg10[%swap3A_737, %swap3A_738], %swap3A_741 {strides = array<i32>} : memref<64x512xf32, #tpu.memory_space<vmem>>, vector<1x16xf32>,
          %get3A_742 = arith.index_cast %scan3A_433 : i32 to index
          %get3A_743 = arith.constant 352 : index
          %get3A_744 = tpu.vector_load %arg10[%get3A_742, %get3A_743] {strides = array<i32>} : memref<64x512xf32, #tpu.memory_space<vmem>>, vector<1x16xf32>,
          %get3A_745 = vector.shape_cast %get3A_744 : vector<1x16xf32> to vector<16xf32>
          %get3A_746 = arith.index_cast %scan3A_433 : i32 to index
          %get3A_747 = arith.constant 352 : index
          %get3A_748 = tpu.vector_load %arg9[%get3A_746, %get3A_747] {strides = array<i32>} : memref<64x512xf32, #tpu.memory_space<vmem>>, vector<1x16xf32>,
          %get3A_749 = vector.shape_cast %get3A_748 : vector<1x16xf32> to vector<16xf32>
          %add3A_750 = arith.addf %get3A_745, %get3A_749 : vector<16xf32>
          %swap3A_751 = arith.index_cast %scan3A_433 : i32 to index
          %swap3A_752 = arith.constant 352 : index
          %swap3A_753 = tpu.vector_load %arg10[%swap3A_751, %swap3A_752] {strides = array<i32>} : memref<64x512xf32, #tpu.memory_space<vmem>>, vector<1x16xf32>,
          %swap3A_754 = vector.shape_cast %swap3A_753 : vector<1x16xf32> to vector<16xf32>
          %swap3A_755 = vector.shape_cast %add3A_750 : vector<16xf32> to vector<1x16xf32>
          tpu.vector_store %arg10[%swap3A_751, %swap3A_752], %swap3A_755 {strides = array<i32>} : memref<64x512xf32, #tpu.memory_space<vmem>>, vector<1x16xf32>,
          %get3A_756 = arith.index_cast %scan3A_433 : i32 to index
          %get3A_757 = arith.constant 368 : index
          %get3A_758 = tpu.vector_load %arg10[%get3A_756, %get3A_757] {strides = array<i32>} : memref<64x512xf32, #tpu.memory_space<vmem>>, vector<1x16xf32>,
          %get3A_759 = vector.shape_cast %get3A_758 : vector<1x16xf32> to vector<16xf32>
          %get3A_760 = arith.index_cast %scan3A_433 : i32 to index
          %get3A_761 = arith.constant 368 : index
          %get3A_762 = tpu.vector_load %arg9[%get3A_760, %get3A_761] {strides = array<i32>} : memref<64x512xf32, #tpu.memory_space<vmem>>, vector<1x16xf32>,
          %get3A_763 = vector.shape_cast %get3A_762 : vector<1x16xf32> to vector<16xf32>
          %add3A_764 = arith.addf %get3A_759, %get3A_763 : vector<16xf32>
          %swap3A_765 = arith.index_cast %scan3A_433 : i32 to index
          %swap3A_766 = arith.constant 368 : index
          %swap3A_767 = tpu.vector_load %arg10[%swap3A_765, %swap3A_766] {strides = array<i32>} : memref<64x512xf32, #tpu.memory_space<vmem>>, vector<1x16xf32>,
          %swap3A_768 = vector.shape_cast %swap3A_767 : vector<1x16xf32> to vector<16xf32>
          %swap3A_769 = vector.shape_cast %add3A_764 : vector<16xf32> to vector<1x16xf32>
          tpu.vector_store %arg10[%swap3A_765, %swap3A_766], %swap3A_769 {strides = array<i32>} : memref<64x512xf32, #tpu.memory_space<vmem>>, vector<1x16xf32>,
          %get3A_770 = arith.index_cast %scan3A_433 : i32 to index
          %get3A_771 = arith.constant 384 : index
          %get3A_772 = tpu.vector_load %arg10[%get3A_770, %get3A_771] {strides = array<i32>} : memref<64x512xf32, #tpu.memory_space<vmem>>, vector<1x16xf32>,
          %get3A_773 = vector.shape_cast %get3A_772 : vector<1x16xf32> to vector<16xf32>
          %get3A_774 = arith.index_cast %scan3A_433 : i32 to index
          %get3A_775 = arith.constant 384 : index
          %get3A_776 = tpu.vector_load %arg9[%get3A_774, %get3A_775] {strides = array<i32>} : memref<64x512xf32, #tpu.memory_space<vmem>>, vector<1x16xf32>,
          %get3A_777 = vector.shape_cast %get3A_776 : vector<1x16xf32> to vector<16xf32>
          %add3A_778 = arith.addf %get3A_773, %get3A_777 : vector<16xf32>
          %swap3A_779 = arith.index_cast %scan3A_433 : i32 to index
          %swap3A_780 = arith.constant 384 : index
          %swap3A_781 = tpu.vector_load %arg10[%swap3A_779, %swap3A_780] {strides = array<i32>} : memref<64x512xf32, #tpu.memory_space<vmem>>, vector<1x16xf32>,
          %swap3A_782 = vector.shape_cast %swap3A_781 : vector<1x16xf32> to vector<16xf32>
          %swap3A_783 = vector.shape_cast %add3A_778 : vector<16xf32> to vector<1x16xf32>
          tpu.vector_store %arg10[%swap3A_779, %swap3A_780], %swap3A_783 {strides = array<i32>} : memref<64x512xf32, #tpu.memory_space<vmem>>, vector<1x16xf32>,
          %get3A_784 = arith.index_cast %scan3A_433 : i32 to index
          %get3A_785 = arith.constant 400 : index
          %get3A_786 = tpu.vector_load %arg10[%get3A_784, %get3A_785] {strides = array<i32>} : memref<64x512xf32, #tpu.memory_space<vmem>>, vector<1x16xf32>,
          %get3A_787 = vector.shape_cast %get3A_786 : vector<1x16xf32> to vector<16xf32>
          %get3A_788 = arith.index_cast %scan3A_433 : i32 to index
          %get3A_789 = arith.constant 400 : index
          %get3A_790 = tpu.vector_load %arg9[%get3A_788, %get3A_789] {strides = array<i32>} : memref<64x512xf32, #tpu.memory_space<vmem>>, vector<1x16xf32>,
          %get3A_791 = vector.shape_cast %get3A_790 : vector<1x16xf32> to vector<16xf32>
          %add3A_792 = arith.addf %get3A_787, %get3A_791 : vector<16xf32>
          %swap3A_793 = arith.index_cast %scan3A_433 : i32 to index
          %swap3A_794 = arith.constant 400 : index
          %swap3A_795 = tpu.vector_load %arg10[%swap3A_793, %swap3A_794] {strides = array<i32>} : memref<64x512xf32, #tpu.memory_space<vmem>>, vector<1x16xf32>,
          %swap3A_796 = vector.shape_cast %swap3A_795 : vector<1x16xf32> to vector<16xf32>
          %swap3A_797 = vector.shape_cast %add3A_792 : vector<16xf32> to vector<1x16xf32>
          tpu.vector_store %arg10[%swap3A_793, %swap3A_794], %swap3A_797 {strides = array<i32>} : memref<64x512xf32, #tpu.memory_space<vmem>>, vector<1x16xf32>,
          %get3A_798 = arith.index_cast %scan3A_433 : i32 to index
          %get3A_799 = arith.constant 416 : index
          %get3A_800 = tpu.vector_load %arg10[%get3A_798, %get3A_799] {strides = array<i32>} : memref<64x512xf32, #tpu.memory_space<vmem>>, vector<1x16xf32>,
          %get3A_801 = vector.shape_cast %get3A_800 : vector<1x16xf32> to vector<16xf32>
          %get3A_802 = arith.index_cast %scan3A_433 : i32 to index
          %get3A_803 = arith.constant 416 : index
          %get3A_804 = tpu.vector_load %arg9[%get3A_802, %get3A_803] {strides = array<i32>} : memref<64x512xf32, #tpu.memory_space<vmem>>, vector<1x16xf32>,
          %get3A_805 = vector.shape_cast %get3A_804 : vector<1x16xf32> to vector<16xf32>
          %add3A_806 = arith.addf %get3A_801, %get3A_805 : vector<16xf32>
          %swap3A_807 = arith.index_cast %scan3A_433 : i32 to index
          %swap3A_808 = arith.constant 416 : index
          %swap3A_809 = tpu.vector_load %arg10[%swap3A_807, %swap3A_808] {strides = array<i32>} : memref<64x512xf32, #tpu.memory_space<vmem>>, vector<1x16xf32>,
          %swap3A_810 = vector.shape_cast %swap3A_809 : vector<1x16xf32> to vector<16xf32>
          %swap3A_811 = vector.shape_cast %add3A_806 : vector<16xf32> to vector<1x16xf32>
          tpu.vector_store %arg10[%swap3A_807, %swap3A_808], %swap3A_811 {strides = array<i32>} : memref<64x512xf32, #tpu.memory_space<vmem>>, vector<1x16xf32>,
          %get3A_812 = arith.index_cast %scan3A_433 : i32 to index
          %get3A_813 = arith.constant 432 : index
          %get3A_814 = tpu.vector_load %arg10[%get3A_812, %get3A_813] {strides = array<i32>} : memref<64x512xf32, #tpu.memory_space<vmem>>, vector<1x16xf32>,
          %get3A_815 = vector.shape_cast %get3A_814 : vector<1x16xf32> to vector<16xf32>
          %get3A_816 = arith.index_cast %scan3A_433 : i32 to index
          %get3A_817 = arith.constant 432 : index
          %get3A_818 = tpu.vector_load %arg9[%get3A_816, %get3A_817] {strides = array<i32>} : memref<64x512xf32, #tpu.memory_space<vmem>>, vector<1x16xf32>,
          %get3A_819 = vector.shape_cast %get3A_818 : vector<1x16xf32> to vector<16xf32>
          %add3A_820 = arith.addf %get3A_815, %get3A_819 : vector<16xf32>
          %swap3A_821 = arith.index_cast %scan3A_433 : i32 to index
          %swap3A_822 = arith.constant 432 : index
          %swap3A_823 = tpu.vector_load %arg10[%swap3A_821, %swap3A_822] {strides = array<i32>} : memref<64x512xf32, #tpu.memory_space<vmem>>, vector<1x16xf32>,
          %swap3A_824 = vector.shape_cast %swap3A_823 : vector<1x16xf32> to vector<16xf32>
          %swap3A_825 = vector.shape_cast %add3A_820 : vector<16xf32> to vector<1x16xf32>
          tpu.vector_store %arg10[%swap3A_821, %swap3A_822], %swap3A_825 {strides = array<i32>} : memref<64x512xf32, #tpu.memory_space<vmem>>, vector<1x16xf32>,
          %get3A_826 = arith.index_cast %scan3A_433 : i32 to index
          %get3A_827 = arith.constant 448 : index
          %get3A_828 = tpu.vector_load %arg10[%get3A_826, %get3A_827] {strides = array<i32>} : memref<64x512xf32, #tpu.memory_space<vmem>>, vector<1x16xf32>,
          %get3A_829 = vector.shape_cast %get3A_828 : vector<1x16xf32> to vector<16xf32>
          %get3A_830 = arith.index_cast %scan3A_433 : i32 to index
          %get3A_831 = arith.constant 448 : index
          %get3A_832 = tpu.vector_load %arg9[%get3A_830, %get3A_831] {strides = array<i32>} : memref<64x512xf32, #tpu.memory_space<vmem>>, vector<1x16xf32>,
          %get3A_833 = vector.shape_cast %get3A_832 : vector<1x16xf32> to vector<16xf32>
          %add3A_834 = arith.addf %get3A_829, %get3A_833 : vector<16xf32>
          %swap3A_835 = arith.index_cast %scan3A_433 : i32 to index
          %swap3A_836 = arith.constant 448 : index
          %swap3A_837 = tpu.vector_load %arg10[%swap3A_835, %swap3A_836] {strides = array<i32>} : memref<64x512xf32, #tpu.memory_space<vmem>>, vector<1x16xf32>,
          %swap3A_838 = vector.shape_cast %swap3A_837 : vector<1x16xf32> to vector<16xf32>
          %swap3A_839 = vector.shape_cast %add3A_834 : vector<16xf32> to vector<1x16xf32>
          tpu.vector_store %arg10[%swap3A_835, %swap3A_836], %swap3A_839 {strides = array<i32>} : memref<64x512xf32, #tpu.memory_space<vmem>>, vector<1x16xf32>,
          %get3A_840 = arith.index_cast %scan3A_433 : i32 to index
          %get3A_841 = arith.constant 464 : index
          %get3A_842 = tpu.vector_load %arg10[%get3A_840, %get3A_841] {strides = array<i32>} : memref<64x512xf32, #tpu.memory_space<vmem>>, vector<1x16xf32>,
          %get3A_843 = vector.shape_cast %get3A_842 : vector<1x16xf32> to vector<16xf32>
          %get3A_844 = arith.index_cast %scan3A_433 : i32 to index
          %get3A_845 = arith.constant 464 : index
          %get3A_846 = tpu.vector_load %arg9[%get3A_844, %get3A_845] {strides = array<i32>} : memref<64x512xf32, #tpu.memory_space<vmem>>, vector<1x16xf32>,
          %get3A_847 = vector.shape_cast %get3A_846 : vector<1x16xf32> to vector<16xf32>
          %add3A_848 = arith.addf %get3A_843, %get3A_847 : vector<16xf32>
          %swap3A_849 = arith.index_cast %scan3A_433 : i32 to index
          %swap3A_850 = arith.constant 464 : index
          %swap3A_851 = tpu.vector_load %arg10[%swap3A_849, %swap3A_850] {strides = array<i32>} : memref<64x512xf32, #tpu.memory_space<vmem>>, vector<1x16xf32>,
          %swap3A_852 = vector.shape_cast %swap3A_851 : vector<1x16xf32> to vector<16xf32>
          %swap3A_853 = vector.shape_cast %add3A_848 : vector<16xf32> to vector<1x16xf32>
          tpu.vector_store %arg10[%swap3A_849, %swap3A_850], %swap3A_853 {strides = array<i32>} : memref<64x512xf32, #tpu.memory_space<vmem>>, vector<1x16xf32>,
          %get3A_854 = arith.index_cast %scan3A_433 : i32 to index
          %get3A_855 = arith.constant 480 : index
          %get3A_856 = tpu.vector_load %arg10[%get3A_854, %get3A_855] {strides = array<i32>} : memref<64x512xf32, #tpu.memory_space<vmem>>, vector<1x16xf32>,
          %get3A_857 = vector.shape_cast %get3A_856 : vector<1x16xf32> to vector<16xf32>
          %get3A_858 = arith.index_cast %scan3A_433 : i32 to index
          %get3A_859 = arith.constant 480 : index
          %get3A_860 = tpu.vector_load %arg9[%get3A_858, %get3A_859] {strides = array<i32>} : memref<64x512xf32, #tpu.memory_space<vmem>>, vector<1x16xf32>,
          %get3A_861 = vector.shape_cast %get3A_860 : vector<1x16xf32> to vector<16xf32>
          %add3A_862 = arith.addf %get3A_857, %get3A_861 : vector<16xf32>
          %swap3A_863 = arith.index_cast %scan3A_433 : i32 to index
          %swap3A_864 = arith.constant 480 : index
          %swap3A_865 = tpu.vector_load %arg10[%swap3A_863, %swap3A_864] {strides = array<i32>} : memref<64x512xf32, #tpu.memory_space<vmem>>, vector<1x16xf32>,
          %swap3A_866 = vector.shape_cast %swap3A_865 : vector<1x16xf32> to vector<16xf32>
          %swap3A_867 = vector.shape_cast %add3A_862 : vector<16xf32> to vector<1x16xf32>
          tpu.vector_store %arg10[%swap3A_863, %swap3A_864], %swap3A_867 {strides = array<i32>} : memref<64x512xf32, #tpu.memory_space<vmem>>, vector<1x16xf32>,
          %get3A_868 = arith.index_cast %scan3A_433 : i32 to index
          %get3A_869 = arith.constant 496 : index
          %get3A_870 = tpu.vector_load %arg10[%get3A_868, %get3A_869] {strides = array<i32>} : memref<64x512xf32, #tpu.memory_space<vmem>>, vector<1x16xf32>,
          %get3A_871 = vector.shape_cast %get3A_870 : vector<1x16xf32> to vector<16xf32>
          %get3A_872 = arith.index_cast %scan3A_433 : i32 to index
          %get3A_873 = arith.constant 496 : index
          %get3A_874 = tpu.vector_load %arg9[%get3A_872, %get3A_873] {strides = array<i32>} : memref<64x512xf32, #tpu.memory_space<vmem>>, vector<1x16xf32>,
          %get3A_875 = vector.shape_cast %get3A_874 : vector<1x16xf32> to vector<16xf32>
          %add3A_876 = arith.addf %get3A_871, %get3A_875 : vector<16xf32>
          %swap3A_877 = arith.index_cast %scan3A_433 : i32 to index
          %swap3A_878 = arith.constant 496 : index
          %swap3A_879 = tpu.vector_load %arg10[%swap3A_877, %swap3A_878] {strides = array<i32>} : memref<64x512xf32, #tpu.memory_space<vmem>>, vector<1x16xf32>,
          %swap3A_880 = vector.shape_cast %swap3A_879 : vector<1x16xf32> to vector<16xf32>
          %swap3A_881 = vector.shape_cast %add3A_876 : vector<16xf32> to vector<1x16xf32>
          tpu.vector_store %arg10[%swap3A_877, %swap3A_878], %swap3A_881 {strides = array<i32>} : memref<64x512xf32, #tpu.memory_space<vmem>>, vector<1x16xf32>,
          %scan3A_882 = arith.constant 0 : i32
          scf.yield %scan3A_882 : i32
        }
        %scan3A_432 = arith.constant 64 : i32
      } else {
      }
      %dma_start3A_376 = arith.constant 0 : i32
      %dma_start3A_377 = tpu.memref_slice %arg6[%add3A_340, %dma_start3A_376, %mul3A_11] : memref<256x64x4096xf32, #tpu.memory_space<hbm>> -> memref<1x64x512xf32, #tpu.memory_space<hbm>>
      %dma_start3A_378 = tpu.memref_squeeze %dma_start3A_377 : memref<1x64x512xf32, #tpu.memory_space<hbm>> -> memref<64x512xf32, #tpu.memory_space<hbm>>
      %dma_start3A_379 = arith.constant 0 : i32
      %dma_start3A_380 = tpu.memref_slice %arg6[%add3A_340, %dma_start3A_379, %mul3A_11] : memref<256x64x4096xf32, #tpu.memory_space<hbm>> -> memref<1x64x512xf32, #tpu.memory_space<hbm>>
      %dma_start3A_381 = tpu.memref_squeeze %dma_start3A_380 : memref<1x64x512xf32, #tpu.memory_space<hbm>> -> memref<64x512xf32, #tpu.memory_space<hbm>>
      tpu.enqueue_dma source(%arg10 : memref<64x512xf32, #tpu.memory_space<vmem>>) target(%dma_start3A_381 : memref<64x512xf32, #tpu.memory_space<hbm>>) target_semaphore(%arg16 : memref<!tpu.dma_semaphore, #tpu.memory_space<semaphore_mem>>)
      %dma_wait3A_382 = arith.constant 0 : i32
      %dma_wait3A_383 = tpu.memref_slice %arg2[%add3A_342, %dma_wait3A_382, %mul3A_11] : memref<256x64x4096xf32, #tpu.memory_space<hbm>> -> memref<1x64x512xf32, #tpu.memory_space<hbm>>
      %dma_wait3A_384 = tpu.memref_squeeze %dma_wait3A_383 : memref<1x64x512xf32, #tpu.memory_space<hbm>> -> memref<64x512xf32, #tpu.memory_space<hbm>>
      %dma_wait3A_385 = arith.constant 0 : i32
      %dma_wait3A_386 = tpu.memref_slice %arg2[%add3A_342, %dma_wait3A_385, %mul3A_11] : memref<256x64x4096xf32, #tpu.memory_space<hbm>> -> memref<1x64x512xf32, #tpu.memory_space<hbm>>
      %dma_wait3A_387 = tpu.memref_squeeze %dma_wait3A_386 : memref<1x64x512xf32, #tpu.memory_space<hbm>> -> memref<64x512xf32, #tpu.memory_space<hbm>>
      tpu.wait_dma2 semaphore(%arg13 : memref<!tpu.dma_semaphore, #tpu.memory_space<semaphore_mem>>) src(%dma_wait3A_387 : memref<64x512xf32, #tpu.memory_space<hbm>>) dst(%arg11 : memref<64x512xf32, #tpu.memory_space<vmem>>)
      %dma_start3A_388 = arith.constant 0 : i32
      %dma_start3A_389 = tpu.memref_slice %arg5[%add3A_342, %dma_start3A_388, %mul3A_11] : memref<256x64x4096xf32, #tpu.memory_space<hbm>> -> memref<1x64x512xf32, #tpu.memory_space<hbm>>
      %dma_start3A_390 = tpu.memref_squeeze %dma_start3A_389 : memref<1x64x512xf32, #tpu.memory_space<hbm>> -> memref<64x512xf32, #tpu.memory_space<hbm>>
      %dma_start3A_391 = arith.constant 0 : i32
      %dma_start3A_392 = tpu.memref_slice %arg5[%add3A_342, %dma_start3A_391, %mul3A_11] : memref<256x64x4096xf32, #tpu.memory_space<hbm>> -> memref<1x64x512xf32, #tpu.memory_space<hbm>>
      %dma_start3A_393 = tpu.memref_squeeze %dma_start3A_392 : memref<1x64x512xf32, #tpu.memory_space<hbm>> -> memref<64x512xf32, #tpu.memory_space<hbm>>
      tpu.enqueue_dma source(%arg11 : memref<64x512xf32, #tpu.memory_space<vmem>>) target(%dma_start3A_393 : memref<64x512xf32, #tpu.memory_space<hbm>>) target_semaphore(%arg15 : memref<!tpu.dma_semaphore, #tpu.memory_space<semaphore_mem>>)
      %dma_wait3A_394 = arith.constant 0 : i32
      %dma_wait3A_395 = tpu.memref_slice %arg2[%add3A_340, %dma_wait3A_394, %mul3A_11] : memref<256x64x4096xf32, #tpu.memory_space<hbm>> -> memref<1x64x512xf32, #tpu.memory_space<hbm>>
      %dma_wait3A_396 = tpu.memref_squeeze %dma_wait3A_395 : memref<1x64x512xf32, #tpu.memory_space<hbm>> -> memref<64x512xf32, #tpu.memory_space<hbm>>
      %dma_wait3A_397 = arith.constant 0 : i32
      %dma_wait3A_398 = tpu.memref_slice %arg2[%add3A_340, %dma_wait3A_397, %mul3A_11] : memref<256x64x4096xf32, #tpu.memory_space<hbm>> -> memref<1x64x512xf32, #tpu.memory_space<hbm>>
      %dma_wait3A_399 = tpu.memref_squeeze %dma_wait3A_398 : memref<1x64x512xf32, #tpu.memory_space<hbm>> -> memref<64x512xf32, #tpu.memory_space<hbm>>
      tpu.wait_dma2 semaphore(%arg16 : memref<!tpu.dma_semaphore, #tpu.memory_space<semaphore_mem>>) src(%dma_wait3A_399 : memref<64x512xf32, #tpu.memory_space<hbm>>) dst(%arg10 : memref<64x512xf32, #tpu.memory_space<vmem>>)
      %lt3A_400 = arith.constant 31 : i32
      %lt3A_401 = arith.cmpi slt, %scan3A_336, %lt3A_400 : i32
      %convert_element_type3A_402 = arith.extui %lt3A_401 : i1 to i32
      %cond3A_403 = arith.constant 0 : i32
      %cond3A_404 = arith.cmpi ne, %convert_element_type3A_402, %cond3A_403 : i32
      scf.if %cond3A_404 {
        %add3A_426 = arith.constant 2 : i32
        %add3A_427 = arith.addi %add3A_340, %add3A_426 : i32
        %dma_start3A_428 = arith.constant 0 : i32
        %dma_start3A_429 = tpu.memref_slice %arg2[%add3A_427, %dma_start3A_428, %mul3A_11] : memref<256x64x4096xf32, #tpu.memory_space<hbm>> -> memref<1x64x512xf32, #tpu.memory_space<hbm>>
        %dma_start3A_430 = tpu.memref_squeeze %dma_start3A_429 : memref<1x64x512xf32, #tpu.memory_space<hbm>> -> memref<64x512xf32, #tpu.memory_space<hbm>>
        %dma_start3A_431 = arith.constant 0 : i32
        %dma_start3A_432 = tpu.memref_slice %arg2[%add3A_427, %dma_start3A_431, %mul3A_11] : memref<256x64x4096xf32, #tpu.memory_space<hbm>> -> memref<1x64x512xf32, #tpu.memory_space<hbm>>
        %dma_start3A_433 = tpu.memref_squeeze %dma_start3A_432 : memref<1x64x512xf32, #tpu.memory_space<hbm>> -> memref<64x512xf32, #tpu.memory_space<hbm>>
        tpu.enqueue_dma source(%dma_start3A_433 : memref<64x512xf32, #tpu.memory_space<hbm>>) target(%arg10 : memref<64x512xf32, #tpu.memory_space<vmem>>) target_semaphore(%arg12 : memref<!tpu.dma_semaphore, #tpu.memory_space<semaphore_mem>>)
      } else {
      }
      %dma_wait3A_405 = arith.constant 0 : i32
      %dma_wait3A_406 = tpu.memref_slice %arg5[%add3A_342, %dma_wait3A_405, %mul3A_11] : memref<256x64x4096xf32, #tpu.memory_space<hbm>> -> memref<1x64x512xf32, #tpu.memory_space<hbm>>
      %dma_wait3A_407 = tpu.memref_squeeze %dma_wait3A_406 : memref<1x64x512xf32, #tpu.memory_space<hbm>> -> memref<64x512xf32, #tpu.memory_space<hbm>>
      %dma_wait3A_408 = arith.constant 0 : i32
      %dma_wait3A_409 = tpu.memref_slice %arg5[%add3A_342, %dma_wait3A_408, %mul3A_11] : memref<256x64x4096xf32, #tpu.memory_space<hbm>> -> memref<1x64x512xf32, #tpu.memory_space<hbm>>
      %dma_wait3A_410 = tpu.memref_squeeze %dma_wait3A_409 : memref<1x64x512xf32, #tpu.memory_space<hbm>> -> memref<64x512xf32, #tpu.memory_space<hbm>>
      tpu.wait_dma2 semaphore(%arg15 : memref<!tpu.dma_semaphore, #tpu.memory_space<semaphore_mem>>) src(%arg11 : memref<64x512xf32, #tpu.memory_space<vmem>>) dst(%dma_wait3A_410 : memref<64x512xf32, #tpu.memory_space<hbm>>)
      %convert_element_type3A_411 = arith.extui %and3A_318 : i1 to i32
      %cond3A_412 = arith.constant 0 : i32
      %cond3A_413 = arith.cmpi ne, %convert_element_type3A_411, %cond3A_412 : i32
      scf.if %cond3A_413 {
        %scan3A_426 = arith.constant 0 : i32
        %scan3A_427 = arith.constant 0 : i32
        %scan3A_428 = arith.constant 64 : i32
        %scan3A_429 = arith.addi %scan3A_427, %scan3A_428 : i32
        %scan3A_430 = arith.constant 1 : i32
        %scan3A_431 = scf.for %scan3A_433 = %scan3A_427 to %scan3A_429 step %scan3A_430 iter_args(%scan3A_434 = %scan3A_426) -> (i32)  : i32 {
          %get3A_435 = arith.index_cast %scan3A_433 : i32 to index
          %get3A_436 = arith.constant 0 : index
          %get3A_437 = tpu.vector_load %arg9[%get3A_435, %get3A_436] {strides = array<i32>} : memref<64x512xf32, #tpu.memory_space<vmem>>, vector<1x16xf32>,
          %get3A_438 = vector.shape_cast %get3A_437 : vector<1x16xf32> to vector<16xf32>
          %get3A_439 = arith.index_cast %scan3A_433 : i32 to index
          %get3A_440 = arith.constant 0 : index
          %get3A_441 = tpu.vector_load %arg11[%get3A_439, %get3A_440] {strides = array<i32>} : memref<64x512xf32, #tpu.memory_space<vmem>>, vector<1x16xf32>,
          %get3A_442 = vector.shape_cast %get3A_441 : vector<1x16xf32> to vector<16xf32>
          %add3A_443 = arith.addf %get3A_442, %get3A_438 : vector<16xf32>
          %swap3A = arith.index_cast %scan3A_433 : i32 to index
          %swap3A_444 = arith.constant 0 : index
          %swap3A_445 = tpu.vector_load %arg11[%swap3A, %swap3A_444] {strides = array<i32>} : memref<64x512xf32, #tpu.memory_space<vmem>>, vector<1x16xf32>,
          %swap3A_446 = vector.shape_cast %swap3A_445 : vector<1x16xf32> to vector<16xf32>
          %swap3A_447 = vector.shape_cast %add3A_443 : vector<16xf32> to vector<1x16xf32>
          tpu.vector_store %arg11[%swap3A, %swap3A_444], %swap3A_447 {strides = array<i32>} : memref<64x512xf32, #tpu.memory_space<vmem>>, vector<1x16xf32>,
          %get3A_448 = arith.index_cast %scan3A_433 : i32 to index
          %get3A_449 = arith.constant 16 : index
          %get3A_450 = tpu.vector_load %arg11[%get3A_448, %get3A_449] {strides = array<i32>} : memref<64x512xf32, #tpu.memory_space<vmem>>, vector<1x16xf32>,
          %get3A_451 = vector.shape_cast %get3A_450 : vector<1x16xf32> to vector<16xf32>
          %add3A_452 = arith.addf %get3A_451, %get3A_438 : vector<16xf32>
          %swap3A_453 = arith.index_cast %scan3A_433 : i32 to index
          %swap3A_454 = arith.constant 16 : index
          %swap3A_455 = tpu.vector_load %arg11[%swap3A_453, %swap3A_454] {strides = array<i32>} : memref<64x512xf32, #tpu.memory_space<vmem>>, vector<1x16xf32>,
          %swap3A_456 = vector.shape_cast %swap3A_455 : vector<1x16xf32> to vector<16xf32>
          %swap3A_457 = vector.shape_cast %add3A_452 : vector<16xf32> to vector<1x16xf32>
          tpu.vector_store %arg11[%swap3A_453, %swap3A_454], %swap3A_457 {strides = array<i32>} : memref<64x512xf32, #tpu.memory_space<vmem>>, vector<1x16xf32>,
          %get3A_458 = arith.index_cast %scan3A_433 : i32 to index
          %get3A_459 = arith.constant 32 : index
          %get3A_460 = tpu.vector_load %arg11[%get3A_458, %get3A_459] {strides = array<i32>} : memref<64x512xf32, #tpu.memory_space<vmem>>, vector<1x16xf32>,
          %get3A_461 = vector.shape_cast %get3A_460 : vector<1x16xf32> to vector<16xf32>
          %add3A_462 = arith.addf %get3A_461, %get3A_438 : vector<16xf32>
          %swap3A_463 = arith.index_cast %scan3A_433 : i32 to index
          %swap3A_464 = arith.constant 32 : index
          %swap3A_465 = tpu.vector_load %arg11[%swap3A_463, %swap3A_464] {strides = array<i32>} : memref<64x512xf32, #tpu.memory_space<vmem>>, vector<1x16xf32>,
          %swap3A_466 = vector.shape_cast %swap3A_465 : vector<1x16xf32> to vector<16xf32>
          %swap3A_467 = vector.shape_cast %add3A_462 : vector<16xf32> to vector<1x16xf32>
          tpu.vector_store %arg11[%swap3A_463, %swap3A_464], %swap3A_467 {strides = array<i32>} : memref<64x512xf32, #tpu.memory_space<vmem>>, vector<1x16xf32>,
          %get3A_468 = arith.index_cast %scan3A_433 : i32 to index
          %get3A_469 = arith.constant 48 : index
          %get3A_470 = tpu.vector_load %arg11[%get3A_468, %get3A_469] {strides = array<i32>} : memref<64x512xf32, #tpu.memory_space<vmem>>, vector<1x16xf32>,
          %get3A_471 = vector.shape_cast %get3A_470 : vector<1x16xf32> to vector<16xf32>
          %add3A_472 = arith.addf %get3A_471, %get3A_438 : vector<16xf32>
          %swap3A_473 = arith.index_cast %scan3A_433 : i32 to index
          %swap3A_474 = arith.constant 48 : index
          %swap3A_475 = tpu.vector_load %arg11[%swap3A_473, %swap3A_474] {strides = array<i32>} : memref<64x512xf32, #tpu.memory_space<vmem>>, vector<1x16xf32>,
          %swap3A_476 = vector.shape_cast %swap3A_475 : vector<1x16xf32> to vector<16xf32>
          %swap3A_477 = vector.shape_cast %add3A_472 : vector<16xf32> to vector<1x16xf32>
          tpu.vector_store %arg11[%swap3A_473, %swap3A_474], %swap3A_477 {strides = array<i32>} : memref<64x512xf32, #tpu.memory_space<vmem>>, vector<1x16xf32>,
          %get3A_478 = arith.index_cast %scan3A_433 : i32 to index
          %get3A_479 = arith.constant 64 : index
          %get3A_480 = tpu.vector_load %arg11[%get3A_478, %get3A_479] {strides = array<i32>} : memref<64x512xf32, #tpu.memory_space<vmem>>, vector<1x16xf32>,
          %get3A_481 = vector.shape_cast %get3A_480 : vector<1x16xf32> to vector<16xf32>
          %add3A_482 = arith.addf %get3A_481, %get3A_438 : vector<16xf32>
          %swap3A_483 = arith.index_cast %scan3A_433 : i32 to index
          %swap3A_484 = arith.constant 64 : index
          %swap3A_485 = tpu.vector_load %arg11[%swap3A_483, %swap3A_484] {strides = array<i32>} : memref<64x512xf32, #tpu.memory_space<vmem>>, vector<1x16xf32>,
          %swap3A_486 = vector.shape_cast %swap3A_485 : vector<1x16xf32> to vector<16xf32>
          %swap3A_487 = vector.shape_cast %add3A_482 : vector<16xf32> to vector<1x16xf32>
          tpu.vector_store %arg11[%swap3A_483, %swap3A_484], %swap3A_487 {strides = array<i32>} : memref<64x512xf32, #tpu.memory_space<vmem>>, vector<1x16xf32>,
          %get3A_488 = arith.index_cast %scan3A_433 : i32 to index
          %get3A_489 = arith.constant 80 : index
          %get3A_490 = tpu.vector_load %arg11[%get3A_488, %get3A_489] {strides = array<i32>} : memref<64x512xf32, #tpu.memory_space<vmem>>, vector<1x16xf32>,
          %get3A_491 = vector.shape_cast %get3A_490 : vector<1x16xf32> to vector<16xf32>
          %add3A_492 = arith.addf %get3A_491, %get3A_438 : vector<16xf32>
          %swap3A_493 = arith.index_cast %scan3A_433 : i32 to index
          %swap3A_494 = arith.constant 80 : index
          %swap3A_495 = tpu.vector_load %arg11[%swap3A_493, %swap3A_494] {strides = array<i32>} : memref<64x512xf32, #tpu.memory_space<vmem>>, vector<1x16xf32>,
          %swap3A_496 = vector.shape_cast %swap3A_495 : vector<1x16xf32> to vector<16xf32>
          %swap3A_497 = vector.shape_cast %add3A_492 : vector<16xf32> to vector<1x16xf32>
          tpu.vector_store %arg11[%swap3A_493, %swap3A_494], %swap3A_497 {strides = array<i32>} : memref<64x512xf32, #tpu.memory_space<vmem>>, vector<1x16xf32>,
          %get3A_498 = arith.index_cast %scan3A_433 : i32 to index
          %get3A_499 = arith.constant 96 : index
          %get3A_500 = tpu.vector_load %arg11[%get3A_498, %get3A_499] {strides = array<i32>} : memref<64x512xf32, #tpu.memory_space<vmem>>, vector<1x16xf32>,
          %get3A_501 = vector.shape_cast %get3A_500 : vector<1x16xf32> to vector<16xf32>
          %add3A_502 = arith.addf %get3A_501, %get3A_438 : vector<16xf32>
          %swap3A_503 = arith.index_cast %scan3A_433 : i32 to index
          %swap3A_504 = arith.constant 96 : index
          %swap3A_505 = tpu.vector_load %arg11[%swap3A_503, %swap3A_504] {strides = array<i32>} : memref<64x512xf32, #tpu.memory_space<vmem>>, vector<1x16xf32>,
          %swap3A_506 = vector.shape_cast %swap3A_505 : vector<1x16xf32> to vector<16xf32>
          %swap3A_507 = vector.shape_cast %add3A_502 : vector<16xf32> to vector<1x16xf32>
          tpu.vector_store %arg11[%swap3A_503, %swap3A_504], %swap3A_507 {strides = array<i32>} : memref<64x512xf32, #tpu.memory_space<vmem>>, vector<1x16xf32>,
          %get3A_508 = arith.index_cast %scan3A_433 : i32 to index
          %get3A_509 = arith.constant 112 : index
          %get3A_510 = tpu.vector_load %arg11[%get3A_508, %get3A_509] {strides = array<i32>} : memref<64x512xf32, #tpu.memory_space<vmem>>, vector<1x16xf32>,
          %get3A_511 = vector.shape_cast %get3A_510 : vector<1x16xf32> to vector<16xf32>
          %add3A_512 = arith.addf %get3A_511, %get3A_438 : vector<16xf32>
          %swap3A_513 = arith.index_cast %scan3A_433 : i32 to index
          %swap3A_514 = arith.constant 112 : index
          %swap3A_515 = tpu.vector_load %arg11[%swap3A_513, %swap3A_514] {strides = array<i32>} : memref<64x512xf32, #tpu.memory_space<vmem>>, vector<1x16xf32>,
          %swap3A_516 = vector.shape_cast %swap3A_515 : vector<1x16xf32> to vector<16xf32>
          %swap3A_517 = vector.shape_cast %add3A_512 : vector<16xf32> to vector<1x16xf32>
          tpu.vector_store %arg11[%swap3A_513, %swap3A_514], %swap3A_517 {strides = array<i32>} : memref<64x512xf32, #tpu.memory_space<vmem>>, vector<1x16xf32>,
          %get3A_518 = arith.index_cast %scan3A_433 : i32 to index
          %get3A_519 = arith.constant 128 : index
          %get3A_520 = tpu.vector_load %arg11[%get3A_518, %get3A_519] {strides = array<i32>} : memref<64x512xf32, #tpu.memory_space<vmem>>, vector<1x16xf32>,
          %get3A_521 = vector.shape_cast %get3A_520 : vector<1x16xf32> to vector<16xf32>
          %add3A_522 = arith.addf %get3A_521, %get3A_438 : vector<16xf32>
          %swap3A_523 = arith.index_cast %scan3A_433 : i32 to index
          %swap3A_524 = arith.constant 128 : index
          %swap3A_525 = tpu.vector_load %arg11[%swap3A_523, %swap3A_524] {strides = array<i32>} : memref<64x512xf32, #tpu.memory_space<vmem>>, vector<1x16xf32>,
          %swap3A_526 = vector.shape_cast %swap3A_525 : vector<1x16xf32> to vector<16xf32>
          %swap3A_527 = vector.shape_cast %add3A_522 : vector<16xf32> to vector<1x16xf32>
          tpu.vector_store %arg11[%swap3A_523, %swap3A_524], %swap3A_527 {strides = array<i32>} : memref<64x512xf32, #tpu.memory_space<vmem>>, vector<1x16xf32>,
          %get3A_528 = arith.index_cast %scan3A_433 : i32 to index
          %get3A_529 = arith.constant 144 : index
          %get3A_530 = tpu.vector_load %arg11[%get3A_528, %get3A_529] {strides = array<i32>} : memref<64x512xf32, #tpu.memory_space<vmem>>, vector<1x16xf32>,
          %get3A_531 = vector.shape_cast %get3A_530 : vector<1x16xf32> to vector<16xf32>
          %add3A_532 = arith.addf %get3A_531, %get3A_438 : vector<16xf32>
          %swap3A_533 = arith.index_cast %scan3A_433 : i32 to index
          %swap3A_534 = arith.constant 144 : index
          %swap3A_535 = tpu.vector_load %arg11[%swap3A_533, %swap3A_534] {strides = array<i32>} : memref<64x512xf32, #tpu.memory_space<vmem>>, vector<1x16xf32>,
          %swap3A_536 = vector.shape_cast %swap3A_535 : vector<1x16xf32> to vector<16xf32>
          %swap3A_537 = vector.shape_cast %add3A_532 : vector<16xf32> to vector<1x16xf32>
          tpu.vector_store %arg11[%swap3A_533, %swap3A_534], %swap3A_537 {strides = array<i32>} : memref<64x512xf32, #tpu.memory_space<vmem>>, vector<1x16xf32>,
          %get3A_538 = arith.index_cast %scan3A_433 : i32 to index
          %get3A_539 = arith.constant 160 : index
          %get3A_540 = tpu.vector_load %arg11[%get3A_538, %get3A_539] {strides = array<i32>} : memref<64x512xf32, #tpu.memory_space<vmem>>, vector<1x16xf32>,
          %get3A_541 = vector.shape_cast %get3A_540 : vector<1x16xf32> to vector<16xf32>
          %add3A_542 = arith.addf %get3A_541, %get3A_438 : vector<16xf32>
          %swap3A_543 = arith.index_cast %scan3A_433 : i32 to index
          %swap3A_544 = arith.constant 160 : index
          %swap3A_545 = tpu.vector_load %arg11[%swap3A_543, %swap3A_544] {strides = array<i32>} : memref<64x512xf32, #tpu.memory_space<vmem>>, vector<1x16xf32>,
          %swap3A_546 = vector.shape_cast %swap3A_545 : vector<1x16xf32> to vector<16xf32>
          %swap3A_547 = vector.shape_cast %add3A_542 : vector<16xf32> to vector<1x16xf32>
          tpu.vector_store %arg11[%swap3A_543, %swap3A_544], %swap3A_547 {strides = array<i32>} : memref<64x512xf32, #tpu.memory_space<vmem>>, vector<1x16xf32>,
          %get3A_548 = arith.index_cast %scan3A_433 : i32 to index
          %get3A_549 = arith.constant 176 : index
          %get3A_550 = tpu.vector_load %arg11[%get3A_548, %get3A_549] {strides = array<i32>} : memref<64x512xf32, #tpu.memory_space<vmem>>, vector<1x16xf32>,
          %get3A_551 = vector.shape_cast %get3A_550 : vector<1x16xf32> to vector<16xf32>
          %add3A_552 = arith.addf %get3A_551, %get3A_438 : vector<16xf32>
          %swap3A_553 = arith.index_cast %scan3A_433 : i32 to index
          %swap3A_554 = arith.constant 176 : index
          %swap3A_555 = tpu.vector_load %arg11[%swap3A_553, %swap3A_554] {strides = array<i32>} : memref<64x512xf32, #tpu.memory_space<vmem>>, vector<1x16xf32>,
          %swap3A_556 = vector.shape_cast %swap3A_555 : vector<1x16xf32> to vector<16xf32>
          %swap3A_557 = vector.shape_cast %add3A_552 : vector<16xf32> to vector<1x16xf32>
          tpu.vector_store %arg11[%swap3A_553, %swap3A_554], %swap3A_557 {strides = array<i32>} : memref<64x512xf32, #tpu.memory_space<vmem>>, vector<1x16xf32>,
          %get3A_558 = arith.index_cast %scan3A_433 : i32 to index
          %get3A_559 = arith.constant 192 : index
          %get3A_560 = tpu.vector_load %arg11[%get3A_558, %get3A_559] {strides = array<i32>} : memref<64x512xf32, #tpu.memory_space<vmem>>, vector<1x16xf32>,
          %get3A_561 = vector.shape_cast %get3A_560 : vector<1x16xf32> to vector<16xf32>
          %add3A_562 = arith.addf %get3A_561, %get3A_438 : vector<16xf32>
          %swap3A_563 = arith.index_cast %scan3A_433 : i32 to index
          %swap3A_564 = arith.constant 192 : index
          %swap3A_565 = tpu.vector_load %arg11[%swap3A_563, %swap3A_564] {strides = array<i32>} : memref<64x512xf32, #tpu.memory_space<vmem>>, vector<1x16xf32>,
          %swap3A_566 = vector.shape_cast %swap3A_565 : vector<1x16xf32> to vector<16xf32>
          %swap3A_567 = vector.shape_cast %add3A_562 : vector<16xf32> to vector<1x16xf32>
          tpu.vector_store %arg11[%swap3A_563, %swap3A_564], %swap3A_567 {strides = array<i32>} : memref<64x512xf32, #tpu.memory_space<vmem>>, vector<1x16xf32>,
          %get3A_568 = arith.index_cast %scan3A_433 : i32 to index
          %get3A_569 = arith.constant 208 : index
          %get3A_570 = tpu.vector_load %arg11[%get3A_568, %get3A_569] {strides = array<i32>} : memref<64x512xf32, #tpu.memory_space<vmem>>, vector<1x16xf32>,
          %get3A_571 = vector.shape_cast %get3A_570 : vector<1x16xf32> to vector<16xf32>
          %add3A_572 = arith.addf %get3A_571, %get3A_438 : vector<16xf32>
          %swap3A_573 = arith.index_cast %scan3A_433 : i32 to index
          %swap3A_574 = arith.constant 208 : index
          %swap3A_575 = tpu.vector_load %arg11[%swap3A_573, %swap3A_574] {strides = array<i32>} : memref<64x512xf32, #tpu.memory_space<vmem>>, vector<1x16xf32>,
          %swap3A_576 = vector.shape_cast %swap3A_575 : vector<1x16xf32> to vector<16xf32>
          %swap3A_577 = vector.shape_cast %add3A_572 : vector<16xf32> to vector<1x16xf32>
          tpu.vector_store %arg11[%swap3A_573, %swap3A_574], %swap3A_577 {strides = array<i32>} : memref<64x512xf32, #tpu.memory_space<vmem>>, vector<1x16xf32>,
          %get3A_578 = arith.index_cast %scan3A_433 : i32 to index
          %get3A_579 = arith.constant 224 : index
          %get3A_580 = tpu.vector_load %arg11[%get3A_578, %get3A_579] {strides = array<i32>} : memref<64x512xf32, #tpu.memory_space<vmem>>, vector<1x16xf32>,
          %get3A_581 = vector.shape_cast %get3A_580 : vector<1x16xf32> to vector<16xf32>
          %add3A_582 = arith.addf %get3A_581, %get3A_438 : vector<16xf32>
          %swap3A_583 = arith.index_cast %scan3A_433 : i32 to index
          %swap3A_584 = arith.constant 224 : index
          %swap3A_585 = tpu.vector_load %arg11[%swap3A_583, %swap3A_584] {strides = array<i32>} : memref<64x512xf32, #tpu.memory_space<vmem>>, vector<1x16xf32>,
          %swap3A_586 = vector.shape_cast %swap3A_585 : vector<1x16xf32> to vector<16xf32>
          %swap3A_587 = vector.shape_cast %add3A_582 : vector<16xf32> to vector<1x16xf32>
          tpu.vector_store %arg11[%swap3A_583, %swap3A_584], %swap3A_587 {strides = array<i32>} : memref<64x512xf32, #tpu.memory_space<vmem>>, vector<1x16xf32>,
          %get3A_588 = arith.index_cast %scan3A_433 : i32 to index
          %get3A_589 = arith.constant 240 : index
          %get3A_590 = tpu.vector_load %arg11[%get3A_588, %get3A_589] {strides = array<i32>} : memref<64x512xf32, #tpu.memory_space<vmem>>, vector<1x16xf32>,
          %get3A_591 = vector.shape_cast %get3A_590 : vector<1x16xf32> to vector<16xf32>
          %add3A_592 = arith.addf %get3A_591, %get3A_438 : vector<16xf32>
          %swap3A_593 = arith.index_cast %scan3A_433 : i32 to index
          %swap3A_594 = arith.constant 240 : index
          %swap3A_595 = tpu.vector_load %arg11[%swap3A_593, %swap3A_594] {strides = array<i32>} : memref<64x512xf32, #tpu.memory_space<vmem>>, vector<1x16xf32>,
          %swap3A_596 = vector.shape_cast %swap3A_595 : vector<1x16xf32> to vector<16xf32>
          %swap3A_597 = vector.shape_cast %add3A_592 : vector<16xf32> to vector<1x16xf32>
          tpu.vector_store %arg11[%swap3A_593, %swap3A_594], %swap3A_597 {strides = array<i32>} : memref<64x512xf32, #tpu.memory_space<vmem>>, vector<1x16xf32>,
          %get3A_598 = arith.index_cast %scan3A_433 : i32 to index
          %get3A_599 = arith.constant 256 : index
          %get3A_600 = tpu.vector_load %arg11[%get3A_598, %get3A_599] {strides = array<i32>} : memref<64x512xf32, #tpu.memory_space<vmem>>, vector<1x16xf32>,
          %get3A_601 = vector.shape_cast %get3A_600 : vector<1x16xf32> to vector<16xf32>
          %add3A_602 = arith.addf %get3A_601, %get3A_438 : vector<16xf32>
          %swap3A_603 = arith.index_cast %scan3A_433 : i32 to index
          %swap3A_604 = arith.constant 256 : index
          %swap3A_605 = tpu.vector_load %arg11[%swap3A_603, %swap3A_604] {strides = array<i32>} : memref<64x512xf32, #tpu.memory_space<vmem>>, vector<1x16xf32>,
          %swap3A_606 = vector.shape_cast %swap3A_605 : vector<1x16xf32> to vector<16xf32>
          %swap3A_607 = vector.shape_cast %add3A_602 : vector<16xf32> to vector<1x16xf32>
          tpu.vector_store %arg11[%swap3A_603, %swap3A_604], %swap3A_607 {strides = array<i32>} : memref<64x512xf32, #tpu.memory_space<vmem>>, vector<1x16xf32>,
          %get3A_608 = arith.index_cast %scan3A_433 : i32 to index
          %get3A_609 = arith.constant 272 : index
          %get3A_610 = tpu.vector_load %arg11[%get3A_608, %get3A_609] {strides = array<i32>} : memref<64x512xf32, #tpu.memory_space<vmem>>, vector<1x16xf32>,
          %get3A_611 = vector.shape_cast %get3A_610 : vector<1x16xf32> to vector<16xf32>
          %add3A_612 = arith.addf %get3A_611, %get3A_438 : vector<16xf32>
          %swap3A_613 = arith.index_cast %scan3A_433 : i32 to index
          %swap3A_614 = arith.constant 272 : index
          %swap3A_615 = tpu.vector_load %arg11[%swap3A_613, %swap3A_614] {strides = array<i32>} : memref<64x512xf32, #tpu.memory_space<vmem>>, vector<1x16xf32>,
          %swap3A_616 = vector.shape_cast %swap3A_615 : vector<1x16xf32> to vector<16xf32>
          %swap3A_617 = vector.shape_cast %add3A_612 : vector<16xf32> to vector<1x16xf32>
          tpu.vector_store %arg11[%swap3A_613, %swap3A_614], %swap3A_617 {strides = array<i32>} : memref<64x512xf32, #tpu.memory_space<vmem>>, vector<1x16xf32>,
          %get3A_618 = arith.index_cast %scan3A_433 : i32 to index
          %get3A_619 = arith.constant 288 : index
          %get3A_620 = tpu.vector_load %arg11[%get3A_618, %get3A_619] {strides = array<i32>} : memref<64x512xf32, #tpu.memory_space<vmem>>, vector<1x16xf32>,
          %get3A_621 = vector.shape_cast %get3A_620 : vector<1x16xf32> to vector<16xf32>
          %add3A_622 = arith.addf %get3A_621, %get3A_438 : vector<16xf32>
          %swap3A_623 = arith.index_cast %scan3A_433 : i32 to index
          %swap3A_624 = arith.constant 288 : index
          %swap3A_625 = tpu.vector_load %arg11[%swap3A_623, %swap3A_624] {strides = array<i32>} : memref<64x512xf32, #tpu.memory_space<vmem>>, vector<1x16xf32>,
          %swap3A_626 = vector.shape_cast %swap3A_625 : vector<1x16xf32> to vector<16xf32>
          %swap3A_627 = vector.shape_cast %add3A_622 : vector<16xf32> to vector<1x16xf32>
          tpu.vector_store %arg11[%swap3A_623, %swap3A_624], %swap3A_627 {strides = array<i32>} : memref<64x512xf32, #tpu.memory_space<vmem>>, vector<1x16xf32>,
          %get3A_628 = arith.index_cast %scan3A_433 : i32 to index
          %get3A_629 = arith.constant 304 : index
          %get3A_630 = tpu.vector_load %arg11[%get3A_628, %get3A_629] {strides = array<i32>} : memref<64x512xf32, #tpu.memory_space<vmem>>, vector<1x16xf32>,
          %get3A_631 = vector.shape_cast %get3A_630 : vector<1x16xf32> to vector<16xf32>
          %add3A_632 = arith.addf %get3A_631, %get3A_438 : vector<16xf32>
          %swap3A_633 = arith.index_cast %scan3A_433 : i32 to index
          %swap3A_634 = arith.constant 304 : index
          %swap3A_635 = tpu.vector_load %arg11[%swap3A_633, %swap3A_634] {strides = array<i32>} : memref<64x512xf32, #tpu.memory_space<vmem>>, vector<1x16xf32>,
          %swap3A_636 = vector.shape_cast %swap3A_635 : vector<1x16xf32> to vector<16xf32>
          %swap3A_637 = vector.shape_cast %add3A_632 : vector<16xf32> to vector<1x16xf32>
          tpu.vector_store %arg11[%swap3A_633, %swap3A_634], %swap3A_637 {strides = array<i32>} : memref<64x512xf32, #tpu.memory_space<vmem>>, vector<1x16xf32>,
          %get3A_638 = arith.index_cast %scan3A_433 : i32 to index
          %get3A_639 = arith.constant 320 : index
          %get3A_640 = tpu.vector_load %arg11[%get3A_638, %get3A_639] {strides = array<i32>} : memref<64x512xf32, #tpu.memory_space<vmem>>, vector<1x16xf32>,
          %get3A_641 = vector.shape_cast %get3A_640 : vector<1x16xf32> to vector<16xf32>
          %add3A_642 = arith.addf %get3A_641, %get3A_438 : vector<16xf32>
          %swap3A_643 = arith.index_cast %scan3A_433 : i32 to index
          %swap3A_644 = arith.constant 320 : index
          %swap3A_645 = tpu.vector_load %arg11[%swap3A_643, %swap3A_644] {strides = array<i32>} : memref<64x512xf32, #tpu.memory_space<vmem>>, vector<1x16xf32>,
          %swap3A_646 = vector.shape_cast %swap3A_645 : vector<1x16xf32> to vector<16xf32>
          %swap3A_647 = vector.shape_cast %add3A_642 : vector<16xf32> to vector<1x16xf32>
          tpu.vector_store %arg11[%swap3A_643, %swap3A_644], %swap3A_647 {strides = array<i32>} : memref<64x512xf32, #tpu.memory_space<vmem>>, vector<1x16xf32>,
          %get3A_648 = arith.index_cast %scan3A_433 : i32 to index
          %get3A_649 = arith.constant 336 : index
          %get3A_650 = tpu.vector_load %arg11[%get3A_648, %get3A_649] {strides = array<i32>} : memref<64x512xf32, #tpu.memory_space<vmem>>, vector<1x16xf32>,
          %get3A_651 = vector.shape_cast %get3A_650 : vector<1x16xf32> to vector<16xf32>
          %add3A_652 = arith.addf %get3A_651, %get3A_438 : vector<16xf32>
          %swap3A_653 = arith.index_cast %scan3A_433 : i32 to index
          %swap3A_654 = arith.constant 336 : index
          %swap3A_655 = tpu.vector_load %arg11[%swap3A_653, %swap3A_654] {strides = array<i32>} : memref<64x512xf32, #tpu.memory_space<vmem>>, vector<1x16xf32>,
          %swap3A_656 = vector.shape_cast %swap3A_655 : vector<1x16xf32> to vector<16xf32>
          %swap3A_657 = vector.shape_cast %add3A_652 : vector<16xf32> to vector<1x16xf32>
          tpu.vector_store %arg11[%swap3A_653, %swap3A_654], %swap3A_657 {strides = array<i32>} : memref<64x512xf32, #tpu.memory_space<vmem>>, vector<1x16xf32>,
          %get3A_658 = arith.index_cast %scan3A_433 : i32 to index
          %get3A_659 = arith.constant 352 : index
          %get3A_660 = tpu.vector_load %arg11[%get3A_658, %get3A_659] {strides = array<i32>} : memref<64x512xf32, #tpu.memory_space<vmem>>, vector<1x16xf32>,
          %get3A_661 = vector.shape_cast %get3A_660 : vector<1x16xf32> to vector<16xf32>
          %add3A_662 = arith.addf %get3A_661, %get3A_438 : vector<16xf32>
          %swap3A_663 = arith.index_cast %scan3A_433 : i32 to index
          %swap3A_664 = arith.constant 352 : index
          %swap3A_665 = tpu.vector_load %arg11[%swap3A_663, %swap3A_664] {strides = array<i32>} : memref<64x512xf32, #tpu.memory_space<vmem>>, vector<1x16xf32>,
          %swap3A_666 = vector.shape_cast %swap3A_665 : vector<1x16xf32> to vector<16xf32>
          %swap3A_667 = vector.shape_cast %add3A_662 : vector<16xf32> to vector<1x16xf32>
          tpu.vector_store %arg11[%swap3A_663, %swap3A_664], %swap3A_667 {strides = array<i32>} : memref<64x512xf32, #tpu.memory_space<vmem>>, vector<1x16xf32>,
          %get3A_668 = arith.index_cast %scan3A_433 : i32 to index
          %get3A_669 = arith.constant 368 : index
          %get3A_670 = tpu.vector_load %arg11[%get3A_668, %get3A_669] {strides = array<i32>} : memref<64x512xf32, #tpu.memory_space<vmem>>, vector<1x16xf32>,
          %get3A_671 = vector.shape_cast %get3A_670 : vector<1x16xf32> to vector<16xf32>
          %add3A_672 = arith.addf %get3A_671, %get3A_438 : vector<16xf32>
          %swap3A_673 = arith.index_cast %scan3A_433 : i32 to index
          %swap3A_674 = arith.constant 368 : index
          %swap3A_675 = tpu.vector_load %arg11[%swap3A_673, %swap3A_674] {strides = array<i32>} : memref<64x512xf32, #tpu.memory_space<vmem>>, vector<1x16xf32>,
          %swap3A_676 = vector.shape_cast %swap3A_675 : vector<1x16xf32> to vector<16xf32>
          %swap3A_677 = vector.shape_cast %add3A_672 : vector<16xf32> to vector<1x16xf32>
          tpu.vector_store %arg11[%swap3A_673, %swap3A_674], %swap3A_677 {strides = array<i32>} : memref<64x512xf32, #tpu.memory_space<vmem>>, vector<1x16xf32>,
          %get3A_678 = arith.index_cast %scan3A_433 : i32 to index
          %get3A_679 = arith.constant 384 : index
          %get3A_680 = tpu.vector_load %arg11[%get3A_678, %get3A_679] {strides = array<i32>} : memref<64x512xf32, #tpu.memory_space<vmem>>, vector<1x16xf32>,
          %get3A_681 = vector.shape_cast %get3A_680 : vector<1x16xf32> to vector<16xf32>
          %add3A_682 = arith.addf %get3A_681, %get3A_438 : vector<16xf32>
          %swap3A_683 = arith.index_cast %scan3A_433 : i32 to index
          %swap3A_684 = arith.constant 384 : index
          %swap3A_685 = tpu.vector_load %arg11[%swap3A_683, %swap3A_684] {strides = array<i32>} : memref<64x512xf32, #tpu.memory_space<vmem>>, vector<1x16xf32>,
          %swap3A_686 = vector.shape_cast %swap3A_685 : vector<1x16xf32> to vector<16xf32>
          %swap3A_687 = vector.shape_cast %add3A_682 : vector<16xf32> to vector<1x16xf32>
          tpu.vector_store %arg11[%swap3A_683, %swap3A_684], %swap3A_687 {strides = array<i32>} : memref<64x512xf32, #tpu.memory_space<vmem>>, vector<1x16xf32>,
          %get3A_688 = arith.index_cast %scan3A_433 : i32 to index
          %get3A_689 = arith.constant 400 : index
          %get3A_690 = tpu.vector_load %arg11[%get3A_688, %get3A_689] {strides = array<i32>} : memref<64x512xf32, #tpu.memory_space<vmem>>, vector<1x16xf32>,
          %get3A_691 = vector.shape_cast %get3A_690 : vector<1x16xf32> to vector<16xf32>
          %add3A_692 = arith.addf %get3A_691, %get3A_438 : vector<16xf32>
          %swap3A_693 = arith.index_cast %scan3A_433 : i32 to index
          %swap3A_694 = arith.constant 400 : index
          %swap3A_695 = tpu.vector_load %arg11[%swap3A_693, %swap3A_694] {strides = array<i32>} : memref<64x512xf32, #tpu.memory_space<vmem>>, vector<1x16xf32>,
          %swap3A_696 = vector.shape_cast %swap3A_695 : vector<1x16xf32> to vector<16xf32>
          %swap3A_697 = vector.shape_cast %add3A_692 : vector<16xf32> to vector<1x16xf32>
          tpu.vector_store %arg11[%swap3A_693, %swap3A_694], %swap3A_697 {strides = array<i32>} : memref<64x512xf32, #tpu.memory_space<vmem>>, vector<1x16xf32>,
          %get3A_698 = arith.index_cast %scan3A_433 : i32 to index
          %get3A_699 = arith.constant 416 : index
          %get3A_700 = tpu.vector_load %arg11[%get3A_698, %get3A_699] {strides = array<i32>} : memref<64x512xf32, #tpu.memory_space<vmem>>, vector<1x16xf32>,
          %get3A_701 = vector.shape_cast %get3A_700 : vector<1x16xf32> to vector<16xf32>
          %add3A_702 = arith.addf %get3A_701, %get3A_438 : vector<16xf32>
          %swap3A_703 = arith.index_cast %scan3A_433 : i32 to index
          %swap3A_704 = arith.constant 416 : index
          %swap3A_705 = tpu.vector_load %arg11[%swap3A_703, %swap3A_704] {strides = array<i32>} : memref<64x512xf32, #tpu.memory_space<vmem>>, vector<1x16xf32>,
          %swap3A_706 = vector.shape_cast %swap3A_705 : vector<1x16xf32> to vector<16xf32>
          %swap3A_707 = vector.shape_cast %add3A_702 : vector<16xf32> to vector<1x16xf32>
          tpu.vector_store %arg11[%swap3A_703, %swap3A_704], %swap3A_707 {strides = array<i32>} : memref<64x512xf32, #tpu.memory_space<vmem>>, vector<1x16xf32>,
          %get3A_708 = arith.index_cast %scan3A_433 : i32 to index
          %get3A_709 = arith.constant 432 : index
          %get3A_710 = tpu.vector_load %arg11[%get3A_708, %get3A_709] {strides = array<i32>} : memref<64x512xf32, #tpu.memory_space<vmem>>, vector<1x16xf32>,
          %get3A_711 = vector.shape_cast %get3A_710 : vector<1x16xf32> to vector<16xf32>
          %add3A_712 = arith.addf %get3A_711, %get3A_438 : vector<16xf32>
          %swap3A_713 = arith.index_cast %scan3A_433 : i32 to index
          %swap3A_714 = arith.constant 432 : index
          %swap3A_715 = tpu.vector_load %arg11[%swap3A_713, %swap3A_714] {strides = array<i32>} : memref<64x512xf32, #tpu.memory_space<vmem>>, vector<1x16xf32>,
          %swap3A_716 = vector.shape_cast %swap3A_715 : vector<1x16xf32> to vector<16xf32>
          %swap3A_717 = vector.shape_cast %add3A_712 : vector<16xf32> to vector<1x16xf32>
          tpu.vector_store %arg11[%swap3A_713, %swap3A_714], %swap3A_717 {strides = array<i32>} : memref<64x512xf32, #tpu.memory_space<vmem>>, vector<1x16xf32>,
          %get3A_718 = arith.index_cast %scan3A_433 : i32 to index
          %get3A_719 = arith.constant 448 : index
          %get3A_720 = tpu.vector_load %arg11[%get3A_718, %get3A_719] {strides = array<i32>} : memref<64x512xf32, #tpu.memory_space<vmem>>, vector<1x16xf32>,
          %get3A_721 = vector.shape_cast %get3A_720 : vector<1x16xf32> to vector<16xf32>
          %add3A_722 = arith.addf %get3A_721, %get3A_438 : vector<16xf32>
          %swap3A_723 = arith.index_cast %scan3A_433 : i32 to index
          %swap3A_724 = arith.constant 448 : index
          %swap3A_725 = tpu.vector_load %arg11[%swap3A_723, %swap3A_724] {strides = array<i32>} : memref<64x512xf32, #tpu.memory_space<vmem>>, vector<1x16xf32>,
          %swap3A_726 = vector.shape_cast %swap3A_725 : vector<1x16xf32> to vector<16xf32>
          %swap3A_727 = vector.shape_cast %add3A_722 : vector<16xf32> to vector<1x16xf32>
          tpu.vector_store %arg11[%swap3A_723, %swap3A_724], %swap3A_727 {strides = array<i32>} : memref<64x512xf32, #tpu.memory_space<vmem>>, vector<1x16xf32>,
          %get3A_728 = arith.index_cast %scan3A_433 : i32 to index
          %get3A_729 = arith.constant 464 : index
          %get3A_730 = tpu.vector_load %arg11[%get3A_728, %get3A_729] {strides = array<i32>} : memref<64x512xf32, #tpu.memory_space<vmem>>, vector<1x16xf32>,
          %get3A_731 = vector.shape_cast %get3A_730 : vector<1x16xf32> to vector<16xf32>
          %add3A_732 = arith.addf %get3A_731, %get3A_438 : vector<16xf32>
          %swap3A_733 = arith.index_cast %scan3A_433 : i32 to index
          %swap3A_734 = arith.constant 464 : index
          %swap3A_735 = tpu.vector_load %arg11[%swap3A_733, %swap3A_734] {strides = array<i32>} : memref<64x512xf32, #tpu.memory_space<vmem>>, vector<1x16xf32>,
          %swap3A_736 = vector.shape_cast %swap3A_735 : vector<1x16xf32> to vector<16xf32>
          %swap3A_737 = vector.shape_cast %add3A_732 : vector<16xf32> to vector<1x16xf32>
          tpu.vector_store %arg11[%swap3A_733, %swap3A_734], %swap3A_737 {strides = array<i32>} : memref<64x512xf32, #tpu.memory_space<vmem>>, vector<1x16xf32>,
          %get3A_738 = arith.index_cast %scan3A_433 : i32 to index
          %get3A_739 = arith.constant 480 : index
          %get3A_740 = tpu.vector_load %arg11[%get3A_738, %get3A_739] {strides = array<i32>} : memref<64x512xf32, #tpu.memory_space<vmem>>, vector<1x16xf32>,
          %get3A_741 = vector.shape_cast %get3A_740 : vector<1x16xf32> to vector<16xf32>
          %add3A_742 = arith.addf %get3A_741, %get3A_438 : vector<16xf32>
          %swap3A_743 = arith.index_cast %scan3A_433 : i32 to index
          %swap3A_744 = arith.constant 480 : index
          %swap3A_745 = tpu.vector_load %arg11[%swap3A_743, %swap3A_744] {strides = array<i32>} : memref<64x512xf32, #tpu.memory_space<vmem>>, vector<1x16xf32>,
          %swap3A_746 = vector.shape_cast %swap3A_745 : vector<1x16xf32> to vector<16xf32>
          %swap3A_747 = vector.shape_cast %add3A_742 : vector<16xf32> to vector<1x16xf32>
          tpu.vector_store %arg11[%swap3A_743, %swap3A_744], %swap3A_747 {strides = array<i32>} : memref<64x512xf32, #tpu.memory_space<vmem>>, vector<1x16xf32>,
          %get3A_748 = arith.index_cast %scan3A_433 : i32 to index
          %get3A_749 = arith.constant 496 : index
          %get3A_750 = tpu.vector_load %arg11[%get3A_748, %get3A_749] {strides = array<i32>} : memref<64x512xf32, #tpu.memory_space<vmem>>, vector<1x16xf32>,
          %get3A_751 = vector.shape_cast %get3A_750 : vector<1x16xf32> to vector<16xf32>
          %add3A_752 = arith.addf %get3A_751, %get3A_438 : vector<16xf32>
          %swap3A_753 = arith.index_cast %scan3A_433 : i32 to index
          %swap3A_754 = arith.constant 496 : index
          %swap3A_755 = tpu.vector_load %arg11[%swap3A_753, %swap3A_754] {strides = array<i32>} : memref<64x512xf32, #tpu.memory_space<vmem>>, vector<1x16xf32>,
          %swap3A_756 = vector.shape_cast %swap3A_755 : vector<1x16xf32> to vector<16xf32>
          %swap3A_757 = vector.shape_cast %add3A_752 : vector<16xf32> to vector<1x16xf32>
          tpu.vector_store %arg11[%swap3A_753, %swap3A_754], %swap3A_757 {strides = array<i32>} : memref<64x512xf32, #tpu.memory_space<vmem>>, vector<1x16xf32>,
          %scan3A_758 = arith.constant 0 : i32
          scf.yield %scan3A_758 : i32
        }
        %scan3A_432 = arith.constant 64 : i32
      } else {
      }
      %not3A_414 = arith.constant true
      %not3A_415 = arith.xori %and3A_318, %not3A_414 : i1
      %convert_element_type3A_416 = arith.extui %not3A_415 : i1 to i32
      %cond3A_417 = arith.constant 0 : i32
      %cond3A_418 = arith.cmpi ne, %convert_element_type3A_416, %cond3A_417 : i32
      scf.if %cond3A_418 {
        %scan3A_426 = arith.constant 0 : i32
        %scan3A_427 = arith.constant 0 : i32
        %scan3A_428 = arith.constant 64 : i32
        %scan3A_429 = arith.addi %scan3A_427, %scan3A_428 : i32
        %scan3A_430 = arith.constant 1 : i32
        %scan3A_431 = scf.for %scan3A_433 = %scan3A_427 to %scan3A_429 step %scan3A_430 iter_args(%scan3A_434 = %scan3A_426) -> (i32)  : i32 {
          %get3A_435 = arith.index_cast %scan3A_433 : i32 to index
          %get3A_436 = arith.constant 0 : index
          %get3A_437 = tpu.vector_load %arg11[%get3A_435, %get3A_436] {strides = array<i32>} : memref<64x512xf32, #tpu.memory_space<vmem>>, vector<1x16xf32>,
          %get3A_438 = vector.shape_cast %get3A_437 : vector<1x16xf32> to vector<16xf32>
          %get3A_439 = arith.index_cast %scan3A_433 : i32 to index
          %get3A_440 = arith.constant 0 : index
          %get3A_441 = tpu.vector_load %arg9[%get3A_439, %get3A_440] {strides = array<i32>} : memref<64x512xf32, #tpu.memory_space<vmem>>, vector<1x16xf32>,
          %get3A_442 = vector.shape_cast %get3A_441 : vector<1x16xf32> to vector<16xf32>
          %add3A_443 = arith.addf %get3A_438, %get3A_442 : vector<16xf32>
          %swap3A = arith.index_cast %scan3A_433 : i32 to index
          %swap3A_444 = arith.constant 0 : index
          %swap3A_445 = tpu.vector_load %arg11[%swap3A, %swap3A_444] {strides = array<i32>} : memref<64x512xf32, #tpu.memory_space<vmem>>, vector<1x16xf32>,
          %swap3A_446 = vector.shape_cast %swap3A_445 : vector<1x16xf32> to vector<16xf32>
          %swap3A_447 = vector.shape_cast %add3A_443 : vector<16xf32> to vector<1x16xf32>
          tpu.vector_store %arg11[%swap3A, %swap3A_444], %swap3A_447 {strides = array<i32>} : memref<64x512xf32, #tpu.memory_space<vmem>>, vector<1x16xf32>,
          %get3A_448 = arith.index_cast %scan3A_433 : i32 to index
          %get3A_449 = arith.constant 16 : index
          %get3A_450 = tpu.vector_load %arg11[%get3A_448, %get3A_449] {strides = array<i32>} : memref<64x512xf32, #tpu.memory_space<vmem>>, vector<1x16xf32>,
          %get3A_451 = vector.shape_cast %get3A_450 : vector<1x16xf32> to vector<16xf32>
          %get3A_452 = arith.index_cast %scan3A_433 : i32 to index
          %get3A_453 = arith.constant 16 : index
          %get3A_454 = tpu.vector_load %arg9[%get3A_452, %get3A_453] {strides = array<i32>} : memref<64x512xf32, #tpu.memory_space<vmem>>, vector<1x16xf32>,
          %get3A_455 = vector.shape_cast %get3A_454 : vector<1x16xf32> to vector<16xf32>
          %add3A_456 = arith.addf %get3A_451, %get3A_455 : vector<16xf32>
          %swap3A_457 = arith.index_cast %scan3A_433 : i32 to index
          %swap3A_458 = arith.constant 16 : index
          %swap3A_459 = tpu.vector_load %arg11[%swap3A_457, %swap3A_458] {strides = array<i32>} : memref<64x512xf32, #tpu.memory_space<vmem>>, vector<1x16xf32>,
          %swap3A_460 = vector.shape_cast %swap3A_459 : vector<1x16xf32> to vector<16xf32>
          %swap3A_461 = vector.shape_cast %add3A_456 : vector<16xf32> to vector<1x16xf32>
          tpu.vector_store %arg11[%swap3A_457, %swap3A_458], %swap3A_461 {strides = array<i32>} : memref<64x512xf32, #tpu.memory_space<vmem>>, vector<1x16xf32>,
          %get3A_462 = arith.index_cast %scan3A_433 : i32 to index
          %get3A_463 = arith.constant 32 : index
          %get3A_464 = tpu.vector_load %arg11[%get3A_462, %get3A_463] {strides = array<i32>} : memref<64x512xf32, #tpu.memory_space<vmem>>, vector<1x16xf32>,
          %get3A_465 = vector.shape_cast %get3A_464 : vector<1x16xf32> to vector<16xf32>
          %get3A_466 = arith.index_cast %scan3A_433 : i32 to index
          %get3A_467 = arith.constant 32 : index
          %get3A_468 = tpu.vector_load %arg9[%get3A_466, %get3A_467] {strides = array<i32>} : memref<64x512xf32, #tpu.memory_space<vmem>>, vector<1x16xf32>,
          %get3A_469 = vector.shape_cast %get3A_468 : vector<1x16xf32> to vector<16xf32>
          %add3A_470 = arith.addf %get3A_465, %get3A_469 : vector<16xf32>
          %swap3A_471 = arith.index_cast %scan3A_433 : i32 to index
          %swap3A_472 = arith.constant 32 : index
          %swap3A_473 = tpu.vector_load %arg11[%swap3A_471, %swap3A_472] {strides = array<i32>} : memref<64x512xf32, #tpu.memory_space<vmem>>, vector<1x16xf32>,
          %swap3A_474 = vector.shape_cast %swap3A_473 : vector<1x16xf32> to vector<16xf32>
          %swap3A_475 = vector.shape_cast %add3A_470 : vector<16xf32> to vector<1x16xf32>
          tpu.vector_store %arg11[%swap3A_471, %swap3A_472], %swap3A_475 {strides = array<i32>} : memref<64x512xf32, #tpu.memory_space<vmem>>, vector<1x16xf32>,
          %get3A_476 = arith.index_cast %scan3A_433 : i32 to index
          %get3A_477 = arith.constant 48 : index
          %get3A_478 = tpu.vector_load %arg11[%get3A_476, %get3A_477] {strides = array<i32>} : memref<64x512xf32, #tpu.memory_space<vmem>>, vector<1x16xf32>,
          %get3A_479 = vector.shape_cast %get3A_478 : vector<1x16xf32> to vector<16xf32>
          %get3A_480 = arith.index_cast %scan3A_433 : i32 to index
          %get3A_481 = arith.constant 48 : index
          %get3A_482 = tpu.vector_load %arg9[%get3A_480, %get3A_481] {strides = array<i32>} : memref<64x512xf32, #tpu.memory_space<vmem>>, vector<1x16xf32>,
          %get3A_483 = vector.shape_cast %get3A_482 : vector<1x16xf32> to vector<16xf32>
          %add3A_484 = arith.addf %get3A_479, %get3A_483 : vector<16xf32>
          %swap3A_485 = arith.index_cast %scan3A_433 : i32 to index
          %swap3A_486 = arith.constant 48 : index
          %swap3A_487 = tpu.vector_load %arg11[%swap3A_485, %swap3A_486] {strides = array<i32>} : memref<64x512xf32, #tpu.memory_space<vmem>>, vector<1x16xf32>,
          %swap3A_488 = vector.shape_cast %swap3A_487 : vector<1x16xf32> to vector<16xf32>
          %swap3A_489 = vector.shape_cast %add3A_484 : vector<16xf32> to vector<1x16xf32>
          tpu.vector_store %arg11[%swap3A_485, %swap3A_486], %swap3A_489 {strides = array<i32>} : memref<64x512xf32, #tpu.memory_space<vmem>>, vector<1x16xf32>,
          %get3A_490 = arith.index_cast %scan3A_433 : i32 to index
          %get3A_491 = arith.constant 64 : index
          %get3A_492 = tpu.vector_load %arg11[%get3A_490, %get3A_491] {strides = array<i32>} : memref<64x512xf32, #tpu.memory_space<vmem>>, vector<1x16xf32>,
          %get3A_493 = vector.shape_cast %get3A_492 : vector<1x16xf32> to vector<16xf32>
          %get3A_494 = arith.index_cast %scan3A_433 : i32 to index
          %get3A_495 = arith.constant 64 : index
          %get3A_496 = tpu.vector_load %arg9[%get3A_494, %get3A_495] {strides = array<i32>} : memref<64x512xf32, #tpu.memory_space<vmem>>, vector<1x16xf32>,
          %get3A_497 = vector.shape_cast %get3A_496 : vector<1x16xf32> to vector<16xf32>
          %add3A_498 = arith.addf %get3A_493, %get3A_497 : vector<16xf32>
          %swap3A_499 = arith.index_cast %scan3A_433 : i32 to index
          %swap3A_500 = arith.constant 64 : index
          %swap3A_501 = tpu.vector_load %arg11[%swap3A_499, %swap3A_500] {strides = array<i32>} : memref<64x512xf32, #tpu.memory_space<vmem>>, vector<1x16xf32>,
          %swap3A_502 = vector.shape_cast %swap3A_501 : vector<1x16xf32> to vector<16xf32>
          %swap3A_503 = vector.shape_cast %add3A_498 : vector<16xf32> to vector<1x16xf32>
          tpu.vector_store %arg11[%swap3A_499, %swap3A_500], %swap3A_503 {strides = array<i32>} : memref<64x512xf32, #tpu.memory_space<vmem>>, vector<1x16xf32>,
          %get3A_504 = arith.index_cast %scan3A_433 : i32 to index
          %get3A_505 = arith.constant 80 : index
          %get3A_506 = tpu.vector_load %arg11[%get3A_504, %get3A_505] {strides = array<i32>} : memref<64x512xf32, #tpu.memory_space<vmem>>, vector<1x16xf32>,
          %get3A_507 = vector.shape_cast %get3A_506 : vector<1x16xf32> to vector<16xf32>
          %get3A_508 = arith.index_cast %scan3A_433 : i32 to index
          %get3A_509 = arith.constant 80 : index
          %get3A_510 = tpu.vector_load %arg9[%get3A_508, %get3A_509] {strides = array<i32>} : memref<64x512xf32, #tpu.memory_space<vmem>>, vector<1x16xf32>,
          %get3A_511 = vector.shape_cast %get3A_510 : vector<1x16xf32> to vector<16xf32>
          %add3A_512 = arith.addf %get3A_507, %get3A_511 : vector<16xf32>
          %swap3A_513 = arith.index_cast %scan3A_433 : i32 to index
          %swap3A_514 = arith.constant 80 : index
          %swap3A_515 = tpu.vector_load %arg11[%swap3A_513, %swap3A_514] {strides = array<i32>} : memref<64x512xf32, #tpu.memory_space<vmem>>, vector<1x16xf32>,
          %swap3A_516 = vector.shape_cast %swap3A_515 : vector<1x16xf32> to vector<16xf32>
          %swap3A_517 = vector.shape_cast %add3A_512 : vector<16xf32> to vector<1x16xf32>
          tpu.vector_store %arg11[%swap3A_513, %swap3A_514], %swap3A_517 {strides = array<i32>} : memref<64x512xf32, #tpu.memory_space<vmem>>, vector<1x16xf32>,
          %get3A_518 = arith.index_cast %scan3A_433 : i32 to index
          %get3A_519 = arith.constant 96 : index
          %get3A_520 = tpu.vector_load %arg11[%get3A_518, %get3A_519] {strides = array<i32>} : memref<64x512xf32, #tpu.memory_space<vmem>>, vector<1x16xf32>,
          %get3A_521 = vector.shape_cast %get3A_520 : vector<1x16xf32> to vector<16xf32>
          %get3A_522 = arith.index_cast %scan3A_433 : i32 to index
          %get3A_523 = arith.constant 96 : index
          %get3A_524 = tpu.vector_load %arg9[%get3A_522, %get3A_523] {strides = array<i32>} : memref<64x512xf32, #tpu.memory_space<vmem>>, vector<1x16xf32>,
          %get3A_525 = vector.shape_cast %get3A_524 : vector<1x16xf32> to vector<16xf32>
          %add3A_526 = arith.addf %get3A_521, %get3A_525 : vector<16xf32>
          %swap3A_527 = arith.index_cast %scan3A_433 : i32 to index
          %swap3A_528 = arith.constant 96 : index
          %swap3A_529 = tpu.vector_load %arg11[%swap3A_527, %swap3A_528] {strides = array<i32>} : memref<64x512xf32, #tpu.memory_space<vmem>>, vector<1x16xf32>,
          %swap3A_530 = vector.shape_cast %swap3A_529 : vector<1x16xf32> to vector<16xf32>
          %swap3A_531 = vector.shape_cast %add3A_526 : vector<16xf32> to vector<1x16xf32>
          tpu.vector_store %arg11[%swap3A_527, %swap3A_528], %swap3A_531 {strides = array<i32>} : memref<64x512xf32, #tpu.memory_space<vmem>>, vector<1x16xf32>,
          %get3A_532 = arith.index_cast %scan3A_433 : i32 to index
          %get3A_533 = arith.constant 112 : index
          %get3A_534 = tpu.vector_load %arg11[%get3A_532, %get3A_533] {strides = array<i32>} : memref<64x512xf32, #tpu.memory_space<vmem>>, vector<1x16xf32>,
          %get3A_535 = vector.shape_cast %get3A_534 : vector<1x16xf32> to vector<16xf32>
          %get3A_536 = arith.index_cast %scan3A_433 : i32 to index
          %get3A_537 = arith.constant 112 : index
          %get3A_538 = tpu.vector_load %arg9[%get3A_536, %get3A_537] {strides = array<i32>} : memref<64x512xf32, #tpu.memory_space<vmem>>, vector<1x16xf32>,
          %get3A_539 = vector.shape_cast %get3A_538 : vector<1x16xf32> to vector<16xf32>
          %add3A_540 = arith.addf %get3A_535, %get3A_539 : vector<16xf32>
          %swap3A_541 = arith.index_cast %scan3A_433 : i32 to index
          %swap3A_542 = arith.constant 112 : index
          %swap3A_543 = tpu.vector_load %arg11[%swap3A_541, %swap3A_542] {strides = array<i32>} : memref<64x512xf32, #tpu.memory_space<vmem>>, vector<1x16xf32>,
          %swap3A_544 = vector.shape_cast %swap3A_543 : vector<1x16xf32> to vector<16xf32>
          %swap3A_545 = vector.shape_cast %add3A_540 : vector<16xf32> to vector<1x16xf32>
          tpu.vector_store %arg11[%swap3A_541, %swap3A_542], %swap3A_545 {strides = array<i32>} : memref<64x512xf32, #tpu.memory_space<vmem>>, vector<1x16xf32>,
          %get3A_546 = arith.index_cast %scan3A_433 : i32 to index
          %get3A_547 = arith.constant 128 : index
          %get3A_548 = tpu.vector_load %arg11[%get3A_546, %get3A_547] {strides = array<i32>} : memref<64x512xf32, #tpu.memory_space<vmem>>, vector<1x16xf32>,
          %get3A_549 = vector.shape_cast %get3A_548 : vector<1x16xf32> to vector<16xf32>
          %get3A_550 = arith.index_cast %scan3A_433 : i32 to index
          %get3A_551 = arith.constant 128 : index
          %get3A_552 = tpu.vector_load %arg9[%get3A_550, %get3A_551] {strides = array<i32>} : memref<64x512xf32, #tpu.memory_space<vmem>>, vector<1x16xf32>,
          %get3A_553 = vector.shape_cast %get3A_552 : vector<1x16xf32> to vector<16xf32>
          %add3A_554 = arith.addf %get3A_549, %get3A_553 : vector<16xf32>
          %swap3A_555 = arith.index_cast %scan3A_433 : i32 to index
          %swap3A_556 = arith.constant 128 : index
          %swap3A_557 = tpu.vector_load %arg11[%swap3A_555, %swap3A_556] {strides = array<i32>} : memref<64x512xf32, #tpu.memory_space<vmem>>, vector<1x16xf32>,
          %swap3A_558 = vector.shape_cast %swap3A_557 : vector<1x16xf32> to vector<16xf32>
          %swap3A_559 = vector.shape_cast %add3A_554 : vector<16xf32> to vector<1x16xf32>
          tpu.vector_store %arg11[%swap3A_555, %swap3A_556], %swap3A_559 {strides = array<i32>} : memref<64x512xf32, #tpu.memory_space<vmem>>, vector<1x16xf32>,
          %get3A_560 = arith.index_cast %scan3A_433 : i32 to index
          %get3A_561 = arith.constant 144 : index
          %get3A_562 = tpu.vector_load %arg11[%get3A_560, %get3A_561] {strides = array<i32>} : memref<64x512xf32, #tpu.memory_space<vmem>>, vector<1x16xf32>,
          %get3A_563 = vector.shape_cast %get3A_562 : vector<1x16xf32> to vector<16xf32>
          %get3A_564 = arith.index_cast %scan3A_433 : i32 to index
          %get3A_565 = arith.constant 144 : index
          %get3A_566 = tpu.vector_load %arg9[%get3A_564, %get3A_565] {strides = array<i32>} : memref<64x512xf32, #tpu.memory_space<vmem>>, vector<1x16xf32>,
          %get3A_567 = vector.shape_cast %get3A_566 : vector<1x16xf32> to vector<16xf32>
          %add3A_568 = arith.addf %get3A_563, %get3A_567 : vector<16xf32>
          %swap3A_569 = arith.index_cast %scan3A_433 : i32 to index
          %swap3A_570 = arith.constant 144 : index
          %swap3A_571 = tpu.vector_load %arg11[%swap3A_569, %swap3A_570] {strides = array<i32>} : memref<64x512xf32, #tpu.memory_space<vmem>>, vector<1x16xf32>,
          %swap3A_572 = vector.shape_cast %swap3A_571 : vector<1x16xf32> to vector<16xf32>
          %swap3A_573 = vector.shape_cast %add3A_568 : vector<16xf32> to vector<1x16xf32>
          tpu.vector_store %arg11[%swap3A_569, %swap3A_570], %swap3A_573 {strides = array<i32>} : memref<64x512xf32, #tpu.memory_space<vmem>>, vector<1x16xf32>,
          %get3A_574 = arith.index_cast %scan3A_433 : i32 to index
          %get3A_575 = arith.constant 160 : index
          %get3A_576 = tpu.vector_load %arg11[%get3A_574, %get3A_575] {strides = array<i32>} : memref<64x512xf32, #tpu.memory_space<vmem>>, vector<1x16xf32>,
          %get3A_577 = vector.shape_cast %get3A_576 : vector<1x16xf32> to vector<16xf32>
          %get3A_578 = arith.index_cast %scan3A_433 : i32 to index
          %get3A_579 = arith.constant 160 : index
          %get3A_580 = tpu.vector_load %arg9[%get3A_578, %get3A_579] {strides = array<i32>} : memref<64x512xf32, #tpu.memory_space<vmem>>, vector<1x16xf32>,
          %get3A_581 = vector.shape_cast %get3A_580 : vector<1x16xf32> to vector<16xf32>
          %add3A_582 = arith.addf %get3A_577, %get3A_581 : vector<16xf32>
          %swap3A_583 = arith.index_cast %scan3A_433 : i32 to index
          %swap3A_584 = arith.constant 160 : index
          %swap3A_585 = tpu.vector_load %arg11[%swap3A_583, %swap3A_584] {strides = array<i32>} : memref<64x512xf32, #tpu.memory_space<vmem>>, vector<1x16xf32>,
          %swap3A_586 = vector.shape_cast %swap3A_585 : vector<1x16xf32> to vector<16xf32>
          %swap3A_587 = vector.shape_cast %add3A_582 : vector<16xf32> to vector<1x16xf32>
          tpu.vector_store %arg11[%swap3A_583, %swap3A_584], %swap3A_587 {strides = array<i32>} : memref<64x512xf32, #tpu.memory_space<vmem>>, vector<1x16xf32>,
          %get3A_588 = arith.index_cast %scan3A_433 : i32 to index
          %get3A_589 = arith.constant 176 : index
          %get3A_590 = tpu.vector_load %arg11[%get3A_588, %get3A_589] {strides = array<i32>} : memref<64x512xf32, #tpu.memory_space<vmem>>, vector<1x16xf32>,
          %get3A_591 = vector.shape_cast %get3A_590 : vector<1x16xf32> to vector<16xf32>
          %get3A_592 = arith.index_cast %scan3A_433 : i32 to index
          %get3A_593 = arith.constant 176 : index
          %get3A_594 = tpu.vector_load %arg9[%get3A_592, %get3A_593] {strides = array<i32>} : memref<64x512xf32, #tpu.memory_space<vmem>>, vector<1x16xf32>,
          %get3A_595 = vector.shape_cast %get3A_594 : vector<1x16xf32> to vector<16xf32>
          %add3A_596 = arith.addf %get3A_591, %get3A_595 : vector<16xf32>
          %swap3A_597 = arith.index_cast %scan3A_433 : i32 to index
          %swap3A_598 = arith.constant 176 : index
          %swap3A_599 = tpu.vector_load %arg11[%swap3A_597, %swap3A_598] {strides = array<i32>} : memref<64x512xf32, #tpu.memory_space<vmem>>, vector<1x16xf32>,
          %swap3A_600 = vector.shape_cast %swap3A_599 : vector<1x16xf32> to vector<16xf32>
          %swap3A_601 = vector.shape_cast %add3A_596 : vector<16xf32> to vector<1x16xf32>
          tpu.vector_store %arg11[%swap3A_597, %swap3A_598], %swap3A_601 {strides = array<i32>} : memref<64x512xf32, #tpu.memory_space<vmem>>, vector<1x16xf32>,
          %get3A_602 = arith.index_cast %scan3A_433 : i32 to index
          %get3A_603 = arith.constant 192 : index
          %get3A_604 = tpu.vector_load %arg11[%get3A_602, %get3A_603] {strides = array<i32>} : memref<64x512xf32, #tpu.memory_space<vmem>>, vector<1x16xf32>,
          %get3A_605 = vector.shape_cast %get3A_604 : vector<1x16xf32> to vector<16xf32>
          %get3A_606 = arith.index_cast %scan3A_433 : i32 to index
          %get3A_607 = arith.constant 192 : index
          %get3A_608 = tpu.vector_load %arg9[%get3A_606, %get3A_607] {strides = array<i32>} : memref<64x512xf32, #tpu.memory_space<vmem>>, vector<1x16xf32>,
          %get3A_609 = vector.shape_cast %get3A_608 : vector<1x16xf32> to vector<16xf32>
          %add3A_610 = arith.addf %get3A_605, %get3A_609 : vector<16xf32>
          %swap3A_611 = arith.index_cast %scan3A_433 : i32 to index
          %swap3A_612 = arith.constant 192 : index
          %swap3A_613 = tpu.vector_load %arg11[%swap3A_611, %swap3A_612] {strides = array<i32>} : memref<64x512xf32, #tpu.memory_space<vmem>>, vector<1x16xf32>,
          %swap3A_614 = vector.shape_cast %swap3A_613 : vector<1x16xf32> to vector<16xf32>
          %swap3A_615 = vector.shape_cast %add3A_610 : vector<16xf32> to vector<1x16xf32>
          tpu.vector_store %arg11[%swap3A_611, %swap3A_612], %swap3A_615 {strides = array<i32>} : memref<64x512xf32, #tpu.memory_space<vmem>>, vector<1x16xf32>,
          %get3A_616 = arith.index_cast %scan3A_433 : i32 to index
          %get3A_617 = arith.constant 208 : index
          %get3A_618 = tpu.vector_load %arg11[%get3A_616, %get3A_617] {strides = array<i32>} : memref<64x512xf32, #tpu.memory_space<vmem>>, vector<1x16xf32>,
          %get3A_619 = vector.shape_cast %get3A_618 : vector<1x16xf32> to vector<16xf32>
          %get3A_620 = arith.index_cast %scan3A_433 : i32 to index
          %get3A_621 = arith.constant 208 : index
          %get3A_622 = tpu.vector_load %arg9[%get3A_620, %get3A_621] {strides = array<i32>} : memref<64x512xf32, #tpu.memory_space<vmem>>, vector<1x16xf32>,
          %get3A_623 = vector.shape_cast %get3A_622 : vector<1x16xf32> to vector<16xf32>
          %add3A_624 = arith.addf %get3A_619, %get3A_623 : vector<16xf32>
          %swap3A_625 = arith.index_cast %scan3A_433 : i32 to index
          %swap3A_626 = arith.constant 208 : index
          %swap3A_627 = tpu.vector_load %arg11[%swap3A_625, %swap3A_626] {strides = array<i32>} : memref<64x512xf32, #tpu.memory_space<vmem>>, vector<1x16xf32>,
          %swap3A_628 = vector.shape_cast %swap3A_627 : vector<1x16xf32> to vector<16xf32>
          %swap3A_629 = vector.shape_cast %add3A_624 : vector<16xf32> to vector<1x16xf32>
          tpu.vector_store %arg11[%swap3A_625, %swap3A_626], %swap3A_629 {strides = array<i32>} : memref<64x512xf32, #tpu.memory_space<vmem>>, vector<1x16xf32>,
          %get3A_630 = arith.index_cast %scan3A_433 : i32 to index
          %get3A_631 = arith.constant 224 : index
          %get3A_632 = tpu.vector_load %arg11[%get3A_630, %get3A_631] {strides = array<i32>} : memref<64x512xf32, #tpu.memory_space<vmem>>, vector<1x16xf32>,
          %get3A_633 = vector.shape_cast %get3A_632 : vector<1x16xf32> to vector<16xf32>
          %get3A_634 = arith.index_cast %scan3A_433 : i32 to index
          %get3A_635 = arith.constant 224 : index
          %get3A_636 = tpu.vector_load %arg9[%get3A_634, %get3A_635] {strides = array<i32>} : memref<64x512xf32, #tpu.memory_space<vmem>>, vector<1x16xf32>,
          %get3A_637 = vector.shape_cast %get3A_636 : vector<1x16xf32> to vector<16xf32>
          %add3A_638 = arith.addf %get3A_633, %get3A_637 : vector<16xf32>
          %swap3A_639 = arith.index_cast %scan3A_433 : i32 to index
          %swap3A_640 = arith.constant 224 : index
          %swap3A_641 = tpu.vector_load %arg11[%swap3A_639, %swap3A_640] {strides = array<i32>} : memref<64x512xf32, #tpu.memory_space<vmem>>, vector<1x16xf32>,
          %swap3A_642 = vector.shape_cast %swap3A_641 : vector<1x16xf32> to vector<16xf32>
          %swap3A_643 = vector.shape_cast %add3A_638 : vector<16xf32> to vector<1x16xf32>
          tpu.vector_store %arg11[%swap3A_639, %swap3A_640], %swap3A_643 {strides = array<i32>} : memref<64x512xf32, #tpu.memory_space<vmem>>, vector<1x16xf32>,
          %get3A_644 = arith.index_cast %scan3A_433 : i32 to index
          %get3A_645 = arith.constant 240 : index
          %get3A_646 = tpu.vector_load %arg11[%get3A_644, %get3A_645] {strides = array<i32>} : memref<64x512xf32, #tpu.memory_space<vmem>>, vector<1x16xf32>,
          %get3A_647 = vector.shape_cast %get3A_646 : vector<1x16xf32> to vector<16xf32>
          %get3A_648 = arith.index_cast %scan3A_433 : i32 to index
          %get3A_649 = arith.constant 240 : index
          %get3A_650 = tpu.vector_load %arg9[%get3A_648, %get3A_649] {strides = array<i32>} : memref<64x512xf32, #tpu.memory_space<vmem>>, vector<1x16xf32>,
          %get3A_651 = vector.shape_cast %get3A_650 : vector<1x16xf32> to vector<16xf32>
          %add3A_652 = arith.addf %get3A_647, %get3A_651 : vector<16xf32>
          %swap3A_653 = arith.index_cast %scan3A_433 : i32 to index
          %swap3A_654 = arith.constant 240 : index
          %swap3A_655 = tpu.vector_load %arg11[%swap3A_653, %swap3A_654] {strides = array<i32>} : memref<64x512xf32, #tpu.memory_space<vmem>>, vector<1x16xf32>,
          %swap3A_656 = vector.shape_cast %swap3A_655 : vector<1x16xf32> to vector<16xf32>
          %swap3A_657 = vector.shape_cast %add3A_652 : vector<16xf32> to vector<1x16xf32>
          tpu.vector_store %arg11[%swap3A_653, %swap3A_654], %swap3A_657 {strides = array<i32>} : memref<64x512xf32, #tpu.memory_space<vmem>>, vector<1x16xf32>,
          %get3A_658 = arith.index_cast %scan3A_433 : i32 to index
          %get3A_659 = arith.constant 256 : index
          %get3A_660 = tpu.vector_load %arg11[%get3A_658, %get3A_659] {strides = array<i32>} : memref<64x512xf32, #tpu.memory_space<vmem>>, vector<1x16xf32>,
          %get3A_661 = vector.shape_cast %get3A_660 : vector<1x16xf32> to vector<16xf32>
          %get3A_662 = arith.index_cast %scan3A_433 : i32 to index
          %get3A_663 = arith.constant 256 : index
          %get3A_664 = tpu.vector_load %arg9[%get3A_662, %get3A_663] {strides = array<i32>} : memref<64x512xf32, #tpu.memory_space<vmem>>, vector<1x16xf32>,
          %get3A_665 = vector.shape_cast %get3A_664 : vector<1x16xf32> to vector<16xf32>
          %add3A_666 = arith.addf %get3A_661, %get3A_665 : vector<16xf32>
          %swap3A_667 = arith.index_cast %scan3A_433 : i32 to index
          %swap3A_668 = arith.constant 256 : index
          %swap3A_669 = tpu.vector_load %arg11[%swap3A_667, %swap3A_668] {strides = array<i32>} : memref<64x512xf32, #tpu.memory_space<vmem>>, vector<1x16xf32>,
          %swap3A_670 = vector.shape_cast %swap3A_669 : vector<1x16xf32> to vector<16xf32>
          %swap3A_671 = vector.shape_cast %add3A_666 : vector<16xf32> to vector<1x16xf32>
          tpu.vector_store %arg11[%swap3A_667, %swap3A_668], %swap3A_671 {strides = array<i32>} : memref<64x512xf32, #tpu.memory_space<vmem>>, vector<1x16xf32>,
          %get3A_672 = arith.index_cast %scan3A_433 : i32 to index
          %get3A_673 = arith.constant 272 : index
          %get3A_674 = tpu.vector_load %arg11[%get3A_672, %get3A_673] {strides = array<i32>} : memref<64x512xf32, #tpu.memory_space<vmem>>, vector<1x16xf32>,
          %get3A_675 = vector.shape_cast %get3A_674 : vector<1x16xf32> to vector<16xf32>
          %get3A_676 = arith.index_cast %scan3A_433 : i32 to index
          %get3A_677 = arith.constant 272 : index
          %get3A_678 = tpu.vector_load %arg9[%get3A_676, %get3A_677] {strides = array<i32>} : memref<64x512xf32, #tpu.memory_space<vmem>>, vector<1x16xf32>,
          %get3A_679 = vector.shape_cast %get3A_678 : vector<1x16xf32> to vector<16xf32>
          %add3A_680 = arith.addf %get3A_675, %get3A_679 : vector<16xf32>
          %swap3A_681 = arith.index_cast %scan3A_433 : i32 to index
          %swap3A_682 = arith.constant 272 : index
          %swap3A_683 = tpu.vector_load %arg11[%swap3A_681, %swap3A_682] {strides = array<i32>} : memref<64x512xf32, #tpu.memory_space<vmem>>, vector<1x16xf32>,
          %swap3A_684 = vector.shape_cast %swap3A_683 : vector<1x16xf32> to vector<16xf32>
          %swap3A_685 = vector.shape_cast %add3A_680 : vector<16xf32> to vector<1x16xf32>
          tpu.vector_store %arg11[%swap3A_681, %swap3A_682], %swap3A_685 {strides = array<i32>} : memref<64x512xf32, #tpu.memory_space<vmem>>, vector<1x16xf32>,
          %get3A_686 = arith.index_cast %scan3A_433 : i32 to index
          %get3A_687 = arith.constant 288 : index
          %get3A_688 = tpu.vector_load %arg11[%get3A_686, %get3A_687] {strides = array<i32>} : memref<64x512xf32, #tpu.memory_space<vmem>>, vector<1x16xf32>,
          %get3A_689 = vector.shape_cast %get3A_688 : vector<1x16xf32> to vector<16xf32>
          %get3A_690 = arith.index_cast %scan3A_433 : i32 to index
          %get3A_691 = arith.constant 288 : index
          %get3A_692 = tpu.vector_load %arg9[%get3A_690, %get3A_691] {strides = array<i32>} : memref<64x512xf32, #tpu.memory_space<vmem>>, vector<1x16xf32>,
          %get3A_693 = vector.shape_cast %get3A_692 : vector<1x16xf32> to vector<16xf32>
          %add3A_694 = arith.addf %get3A_689, %get3A_693 : vector<16xf32>
          %swap3A_695 = arith.index_cast %scan3A_433 : i32 to index
          %swap3A_696 = arith.constant 288 : index
          %swap3A_697 = tpu.vector_load %arg11[%swap3A_695, %swap3A_696] {strides = array<i32>} : memref<64x512xf32, #tpu.memory_space<vmem>>, vector<1x16xf32>,
          %swap3A_698 = vector.shape_cast %swap3A_697 : vector<1x16xf32> to vector<16xf32>
          %swap3A_699 = vector.shape_cast %add3A_694 : vector<16xf32> to vector<1x16xf32>
          tpu.vector_store %arg11[%swap3A_695, %swap3A_696], %swap3A_699 {strides = array<i32>} : memref<64x512xf32, #tpu.memory_space<vmem>>, vector<1x16xf32>,
          %get3A_700 = arith.index_cast %scan3A_433 : i32 to index
          %get3A_701 = arith.constant 304 : index
          %get3A_702 = tpu.vector_load %arg11[%get3A_700, %get3A_701] {strides = array<i32>} : memref<64x512xf32, #tpu.memory_space<vmem>>, vector<1x16xf32>,
          %get3A_703 = vector.shape_cast %get3A_702 : vector<1x16xf32> to vector<16xf32>
          %get3A_704 = arith.index_cast %scan3A_433 : i32 to index
          %get3A_705 = arith.constant 304 : index
          %get3A_706 = tpu.vector_load %arg9[%get3A_704, %get3A_705] {strides = array<i32>} : memref<64x512xf32, #tpu.memory_space<vmem>>, vector<1x16xf32>,
          %get3A_707 = vector.shape_cast %get3A_706 : vector<1x16xf32> to vector<16xf32>
          %add3A_708 = arith.addf %get3A_703, %get3A_707 : vector<16xf32>
          %swap3A_709 = arith.index_cast %scan3A_433 : i32 to index
          %swap3A_710 = arith.constant 304 : index
          %swap3A_711 = tpu.vector_load %arg11[%swap3A_709, %swap3A_710] {strides = array<i32>} : memref<64x512xf32, #tpu.memory_space<vmem>>, vector<1x16xf32>,
          %swap3A_712 = vector.shape_cast %swap3A_711 : vector<1x16xf32> to vector<16xf32>
          %swap3A_713 = vector.shape_cast %add3A_708 : vector<16xf32> to vector<1x16xf32>
          tpu.vector_store %arg11[%swap3A_709, %swap3A_710], %swap3A_713 {strides = array<i32>} : memref<64x512xf32, #tpu.memory_space<vmem>>, vector<1x16xf32>,
          %get3A_714 = arith.index_cast %scan3A_433 : i32 to index
          %get3A_715 = arith.constant 320 : index
          %get3A_716 = tpu.vector_load %arg11[%get3A_714, %get3A_715] {strides = array<i32>} : memref<64x512xf32, #tpu.memory_space<vmem>>, vector<1x16xf32>,
          %get3A_717 = vector.shape_cast %get3A_716 : vector<1x16xf32> to vector<16xf32>
          %get3A_718 = arith.index_cast %scan3A_433 : i32 to index
          %get3A_719 = arith.constant 320 : index
          %get3A_720 = tpu.vector_load %arg9[%get3A_718, %get3A_719] {strides = array<i32>} : memref<64x512xf32, #tpu.memory_space<vmem>>, vector<1x16xf32>,
          %get3A_721 = vector.shape_cast %get3A_720 : vector<1x16xf32> to vector<16xf32>
          %add3A_722 = arith.addf %get3A_717, %get3A_721 : vector<16xf32>
          %swap3A_723 = arith.index_cast %scan3A_433 : i32 to index
          %swap3A_724 = arith.constant 320 : index
          %swap3A_725 = tpu.vector_load %arg11[%swap3A_723, %swap3A_724] {strides = array<i32>} : memref<64x512xf32, #tpu.memory_space<vmem>>, vector<1x16xf32>,
          %swap3A_726 = vector.shape_cast %swap3A_725 : vector<1x16xf32> to vector<16xf32>
          %swap3A_727 = vector.shape_cast %add3A_722 : vector<16xf32> to vector<1x16xf32>
          tpu.vector_store %arg11[%swap3A_723, %swap3A_724], %swap3A_727 {strides = array<i32>} : memref<64x512xf32, #tpu.memory_space<vmem>>, vector<1x16xf32>,
          %get3A_728 = arith.index_cast %scan3A_433 : i32 to index
          %get3A_729 = arith.constant 336 : index
          %get3A_730 = tpu.vector_load %arg11[%get3A_728, %get3A_729] {strides = array<i32>} : memref<64x512xf32, #tpu.memory_space<vmem>>, vector<1x16xf32>,
          %get3A_731 = vector.shape_cast %get3A_730 : vector<1x16xf32> to vector<16xf32>
          %get3A_732 = arith.index_cast %scan3A_433 : i32 to index
          %get3A_733 = arith.constant 336 : index
          %get3A_734 = tpu.vector_load %arg9[%get3A_732, %get3A_733] {strides = array<i32>} : memref<64x512xf32, #tpu.memory_space<vmem>>, vector<1x16xf32>,
          %get3A_735 = vector.shape_cast %get3A_734 : vector<1x16xf32> to vector<16xf32>
          %add3A_736 = arith.addf %get3A_731, %get3A_735 : vector<16xf32>
          %swap3A_737 = arith.index_cast %scan3A_433 : i32 to index
          %swap3A_738 = arith.constant 336 : index
          %swap3A_739 = tpu.vector_load %arg11[%swap3A_737, %swap3A_738] {strides = array<i32>} : memref<64x512xf32, #tpu.memory_space<vmem>>, vector<1x16xf32>,
          %swap3A_740 = vector.shape_cast %swap3A_739 : vector<1x16xf32> to vector<16xf32>
          %swap3A_741 = vector.shape_cast %add3A_736 : vector<16xf32> to vector<1x16xf32>
          tpu.vector_store %arg11[%swap3A_737, %swap3A_738], %swap3A_741 {strides = array<i32>} : memref<64x512xf32, #tpu.memory_space<vmem>>, vector<1x16xf32>,
          %get3A_742 = arith.index_cast %scan3A_433 : i32 to index
          %get3A_743 = arith.constant 352 : index
          %get3A_744 = tpu.vector_load %arg11[%get3A_742, %get3A_743] {strides = array<i32>} : memref<64x512xf32, #tpu.memory_space<vmem>>, vector<1x16xf32>,
          %get3A_745 = vector.shape_cast %get3A_744 : vector<1x16xf32> to vector<16xf32>
          %get3A_746 = arith.index_cast %scan3A_433 : i32 to index
          %get3A_747 = arith.constant 352 : index
          %get3A_748 = tpu.vector_load %arg9[%get3A_746, %get3A_747] {strides = array<i32>} : memref<64x512xf32, #tpu.memory_space<vmem>>, vector<1x16xf32>,
          %get3A_749 = vector.shape_cast %get3A_748 : vector<1x16xf32> to vector<16xf32>
          %add3A_750 = arith.addf %get3A_745, %get3A_749 : vector<16xf32>
          %swap3A_751 = arith.index_cast %scan3A_433 : i32 to index
          %swap3A_752 = arith.constant 352 : index
          %swap3A_753 = tpu.vector_load %arg11[%swap3A_751, %swap3A_752] {strides = array<i32>} : memref<64x512xf32, #tpu.memory_space<vmem>>, vector<1x16xf32>,
          %swap3A_754 = vector.shape_cast %swap3A_753 : vector<1x16xf32> to vector<16xf32>
          %swap3A_755 = vector.shape_cast %add3A_750 : vector<16xf32> to vector<1x16xf32>
          tpu.vector_store %arg11[%swap3A_751, %swap3A_752], %swap3A_755 {strides = array<i32>} : memref<64x512xf32, #tpu.memory_space<vmem>>, vector<1x16xf32>,
          %get3A_756 = arith.index_cast %scan3A_433 : i32 to index
          %get3A_757 = arith.constant 368 : index
          %get3A_758 = tpu.vector_load %arg11[%get3A_756, %get3A_757] {strides = array<i32>} : memref<64x512xf32, #tpu.memory_space<vmem>>, vector<1x16xf32>,
          %get3A_759 = vector.shape_cast %get3A_758 : vector<1x16xf32> to vector<16xf32>
          %get3A_760 = arith.index_cast %scan3A_433 : i32 to index
          %get3A_761 = arith.constant 368 : index
          %get3A_762 = tpu.vector_load %arg9[%get3A_760, %get3A_761] {strides = array<i32>} : memref<64x512xf32, #tpu.memory_space<vmem>>, vector<1x16xf32>,
          %get3A_763 = vector.shape_cast %get3A_762 : vector<1x16xf32> to vector<16xf32>
          %add3A_764 = arith.addf %get3A_759, %get3A_763 : vector<16xf32>
          %swap3A_765 = arith.index_cast %scan3A_433 : i32 to index
          %swap3A_766 = arith.constant 368 : index
          %swap3A_767 = tpu.vector_load %arg11[%swap3A_765, %swap3A_766] {strides = array<i32>} : memref<64x512xf32, #tpu.memory_space<vmem>>, vector<1x16xf32>,
          %swap3A_768 = vector.shape_cast %swap3A_767 : vector<1x16xf32> to vector<16xf32>
          %swap3A_769 = vector.shape_cast %add3A_764 : vector<16xf32> to vector<1x16xf32>
          tpu.vector_store %arg11[%swap3A_765, %swap3A_766], %swap3A_769 {strides = array<i32>} : memref<64x512xf32, #tpu.memory_space<vmem>>, vector<1x16xf32>,
          %get3A_770 = arith.index_cast %scan3A_433 : i32 to index
          %get3A_771 = arith.constant 384 : index
          %get3A_772 = tpu.vector_load %arg11[%get3A_770, %get3A_771] {strides = array<i32>} : memref<64x512xf32, #tpu.memory_space<vmem>>, vector<1x16xf32>,
          %get3A_773 = vector.shape_cast %get3A_772 : vector<1x16xf32> to vector<16xf32>
          %get3A_774 = arith.index_cast %scan3A_433 : i32 to index
          %get3A_775 = arith.constant 384 : index
          %get3A_776 = tpu.vector_load %arg9[%get3A_774, %get3A_775] {strides = array<i32>} : memref<64x512xf32, #tpu.memory_space<vmem>>, vector<1x16xf32>,
          %get3A_777 = vector.shape_cast %get3A_776 : vector<1x16xf32> to vector<16xf32>
          %add3A_778 = arith.addf %get3A_773, %get3A_777 : vector<16xf32>
          %swap3A_779 = arith.index_cast %scan3A_433 : i32 to index
          %swap3A_780 = arith.constant 384 : index
          %swap3A_781 = tpu.vector_load %arg11[%swap3A_779, %swap3A_780] {strides = array<i32>} : memref<64x512xf32, #tpu.memory_space<vmem>>, vector<1x16xf32>,
          %swap3A_782 = vector.shape_cast %swap3A_781 : vector<1x16xf32> to vector<16xf32>
          %swap3A_783 = vector.shape_cast %add3A_778 : vector<16xf32> to vector<1x16xf32>
          tpu.vector_store %arg11[%swap3A_779, %swap3A_780], %swap3A_783 {strides = array<i32>} : memref<64x512xf32, #tpu.memory_space<vmem>>, vector<1x16xf32>,
          %get3A_784 = arith.index_cast %scan3A_433 : i32 to index
          %get3A_785 = arith.constant 400 : index
          %get3A_786 = tpu.vector_load %arg11[%get3A_784, %get3A_785] {strides = array<i32>} : memref<64x512xf32, #tpu.memory_space<vmem>>, vector<1x16xf32>,
          %get3A_787 = vector.shape_cast %get3A_786 : vector<1x16xf32> to vector<16xf32>
          %get3A_788 = arith.index_cast %scan3A_433 : i32 to index
          %get3A_789 = arith.constant 400 : index
          %get3A_790 = tpu.vector_load %arg9[%get3A_788, %get3A_789] {strides = array<i32>} : memref<64x512xf32, #tpu.memory_space<vmem>>, vector<1x16xf32>,
          %get3A_791 = vector.shape_cast %get3A_790 : vector<1x16xf32> to vector<16xf32>
          %add3A_792 = arith.addf %get3A_787, %get3A_791 : vector<16xf32>
          %swap3A_793 = arith.index_cast %scan3A_433 : i32 to index
          %swap3A_794 = arith.constant 400 : index
          %swap3A_795 = tpu.vector_load %arg11[%swap3A_793, %swap3A_794] {strides = array<i32>} : memref<64x512xf32, #tpu.memory_space<vmem>>, vector<1x16xf32>,
          %swap3A_796 = vector.shape_cast %swap3A_795 : vector<1x16xf32> to vector<16xf32>
          %swap3A_797 = vector.shape_cast %add3A_792 : vector<16xf32> to vector<1x16xf32>
          tpu.vector_store %arg11[%swap3A_793, %swap3A_794], %swap3A_797 {strides = array<i32>} : memref<64x512xf32, #tpu.memory_space<vmem>>, vector<1x16xf32>,
          %get3A_798 = arith.index_cast %scan3A_433 : i32 to index
          %get3A_799 = arith.constant 416 : index
          %get3A_800 = tpu.vector_load %arg11[%get3A_798, %get3A_799] {strides = array<i32>} : memref<64x512xf32, #tpu.memory_space<vmem>>, vector<1x16xf32>,
          %get3A_801 = vector.shape_cast %get3A_800 : vector<1x16xf32> to vector<16xf32>
          %get3A_802 = arith.index_cast %scan3A_433 : i32 to index
          %get3A_803 = arith.constant 416 : index
          %get3A_804 = tpu.vector_load %arg9[%get3A_802, %get3A_803] {strides = array<i32>} : memref<64x512xf32, #tpu.memory_space<vmem>>, vector<1x16xf32>,
          %get3A_805 = vector.shape_cast %get3A_804 : vector<1x16xf32> to vector<16xf32>
          %add3A_806 = arith.addf %get3A_801, %get3A_805 : vector<16xf32>
          %swap3A_807 = arith.index_cast %scan3A_433 : i32 to index
          %swap3A_808 = arith.constant 416 : index
          %swap3A_809 = tpu.vector_load %arg11[%swap3A_807, %swap3A_808] {strides = array<i32>} : memref<64x512xf32, #tpu.memory_space<vmem>>, vector<1x16xf32>,
          %swap3A_810 = vector.shape_cast %swap3A_809 : vector<1x16xf32> to vector<16xf32>
          %swap3A_811 = vector.shape_cast %add3A_806 : vector<16xf32> to vector<1x16xf32>
          tpu.vector_store %arg11[%swap3A_807, %swap3A_808], %swap3A_811 {strides = array<i32>} : memref<64x512xf32, #tpu.memory_space<vmem>>, vector<1x16xf32>,
          %get3A_812 = arith.index_cast %scan3A_433 : i32 to index
          %get3A_813 = arith.constant 432 : index
          %get3A_814 = tpu.vector_load %arg11[%get3A_812, %get3A_813] {strides = array<i32>} : memref<64x512xf32, #tpu.memory_space<vmem>>, vector<1x16xf32>,
          %get3A_815 = vector.shape_cast %get3A_814 : vector<1x16xf32> to vector<16xf32>
          %get3A_816 = arith.index_cast %scan3A_433 : i32 to index
          %get3A_817 = arith.constant 432 : index
          %get3A_818 = tpu.vector_load %arg9[%get3A_816, %get3A_817] {strides = array<i32>} : memref<64x512xf32, #tpu.memory_space<vmem>>, vector<1x16xf32>,
          %get3A_819 = vector.shape_cast %get3A_818 : vector<1x16xf32> to vector<16xf32>
          %add3A_820 = arith.addf %get3A_815, %get3A_819 : vector<16xf32>
          %swap3A_821 = arith.index_cast %scan3A_433 : i32 to index
          %swap3A_822 = arith.constant 432 : index
          %swap3A_823 = tpu.vector_load %arg11[%swap3A_821, %swap3A_822] {strides = array<i32>} : memref<64x512xf32, #tpu.memory_space<vmem>>, vector<1x16xf32>,
          %swap3A_824 = vector.shape_cast %swap3A_823 : vector<1x16xf32> to vector<16xf32>
          %swap3A_825 = vector.shape_cast %add3A_820 : vector<16xf32> to vector<1x16xf32>
          tpu.vector_store %arg11[%swap3A_821, %swap3A_822], %swap3A_825 {strides = array<i32>} : memref<64x512xf32, #tpu.memory_space<vmem>>, vector<1x16xf32>,
          %get3A_826 = arith.index_cast %scan3A_433 : i32 to index
          %get3A_827 = arith.constant 448 : index
          %get3A_828 = tpu.vector_load %arg11[%get3A_826, %get3A_827] {strides = array<i32>} : memref<64x512xf32, #tpu.memory_space<vmem>>, vector<1x16xf32>,
          %get3A_829 = vector.shape_cast %get3A_828 : vector<1x16xf32> to vector<16xf32>
          %get3A_830 = arith.index_cast %scan3A_433 : i32 to index
          %get3A_831 = arith.constant 448 : index
          %get3A_832 = tpu.vector_load %arg9[%get3A_830, %get3A_831] {strides = array<i32>} : memref<64x512xf32, #tpu.memory_space<vmem>>, vector<1x16xf32>,
          %get3A_833 = vector.shape_cast %get3A_832 : vector<1x16xf32> to vector<16xf32>
          %add3A_834 = arith.addf %get3A_829, %get3A_833 : vector<16xf32>
          %swap3A_835 = arith.index_cast %scan3A_433 : i32 to index
          %swap3A_836 = arith.constant 448 : index
          %swap3A_837 = tpu.vector_load %arg11[%swap3A_835, %swap3A_836] {strides = array<i32>} : memref<64x512xf32, #tpu.memory_space<vmem>>, vector<1x16xf32>,
          %swap3A_838 = vector.shape_cast %swap3A_837 : vector<1x16xf32> to vector<16xf32>
          %swap3A_839 = vector.shape_cast %add3A_834 : vector<16xf32> to vector<1x16xf32>
          tpu.vector_store %arg11[%swap3A_835, %swap3A_836], %swap3A_839 {strides = array<i32>} : memref<64x512xf32, #tpu.memory_space<vmem>>, vector<1x16xf32>,
          %get3A_840 = arith.index_cast %scan3A_433 : i32 to index
          %get3A_841 = arith.constant 464 : index
          %get3A_842 = tpu.vector_load %arg11[%get3A_840, %get3A_841] {strides = array<i32>} : memref<64x512xf32, #tpu.memory_space<vmem>>, vector<1x16xf32>,
          %get3A_843 = vector.shape_cast %get3A_842 : vector<1x16xf32> to vector<16xf32>
          %get3A_844 = arith.index_cast %scan3A_433 : i32 to index
          %get3A_845 = arith.constant 464 : index
          %get3A_846 = tpu.vector_load %arg9[%get3A_844, %get3A_845] {strides = array<i32>} : memref<64x512xf32, #tpu.memory_space<vmem>>, vector<1x16xf32>,
          %get3A_847 = vector.shape_cast %get3A_846 : vector<1x16xf32> to vector<16xf32>
          %add3A_848 = arith.addf %get3A_843, %get3A_847 : vector<16xf32>
          %swap3A_849 = arith.index_cast %scan3A_433 : i32 to index
          %swap3A_850 = arith.constant 464 : index
          %swap3A_851 = tpu.vector_load %arg11[%swap3A_849, %swap3A_850] {strides = array<i32>} : memref<64x512xf32, #tpu.memory_space<vmem>>, vector<1x16xf32>,
          %swap3A_852 = vector.shape_cast %swap3A_851 : vector<1x16xf32> to vector<16xf32>
          %swap3A_853 = vector.shape_cast %add3A_848 : vector<16xf32> to vector<1x16xf32>
          tpu.vector_store %arg11[%swap3A_849, %swap3A_850], %swap3A_853 {strides = array<i32>} : memref<64x512xf32, #tpu.memory_space<vmem>>, vector<1x16xf32>,
          %get3A_854 = arith.index_cast %scan3A_433 : i32 to index
          %get3A_855 = arith.constant 480 : index
          %get3A_856 = tpu.vector_load %arg11[%get3A_854, %get3A_855] {strides = array<i32>} : memref<64x512xf32, #tpu.memory_space<vmem>>, vector<1x16xf32>,
          %get3A_857 = vector.shape_cast %get3A_856 : vector<1x16xf32> to vector<16xf32>
          %get3A_858 = arith.index_cast %scan3A_433 : i32 to index
          %get3A_859 = arith.constant 480 : index
          %get3A_860 = tpu.vector_load %arg9[%get3A_858, %get3A_859] {strides = array<i32>} : memref<64x512xf32, #tpu.memory_space<vmem>>, vector<1x16xf32>,
          %get3A_861 = vector.shape_cast %get3A_860 : vector<1x16xf32> to vector<16xf32>
          %add3A_862 = arith.addf %get3A_857, %get3A_861 : vector<16xf32>
          %swap3A_863 = arith.index_cast %scan3A_433 : i32 to index
          %swap3A_864 = arith.constant 480 : index
          %swap3A_865 = tpu.vector_load %arg11[%swap3A_863, %swap3A_864] {strides = array<i32>} : memref<64x512xf32, #tpu.memory_space<vmem>>, vector<1x16xf32>,
          %swap3A_866 = vector.shape_cast %swap3A_865 : vector<1x16xf32> to vector<16xf32>
          %swap3A_867 = vector.shape_cast %add3A_862 : vector<16xf32> to vector<1x16xf32>
          tpu.vector_store %arg11[%swap3A_863, %swap3A_864], %swap3A_867 {strides = array<i32>} : memref<64x512xf32, #tpu.memory_space<vmem>>, vector<1x16xf32>,
          %get3A_868 = arith.index_cast %scan3A_433 : i32 to index
          %get3A_869 = arith.constant 496 : index
          %get3A_870 = tpu.vector_load %arg11[%get3A_868, %get3A_869] {strides = array<i32>} : memref<64x512xf32, #tpu.memory_space<vmem>>, vector<1x16xf32>,
          %get3A_871 = vector.shape_cast %get3A_870 : vector<1x16xf32> to vector<16xf32>
          %get3A_872 = arith.index_cast %scan3A_433 : i32 to index
          %get3A_873 = arith.constant 496 : index
          %get3A_874 = tpu.vector_load %arg9[%get3A_872, %get3A_873] {strides = array<i32>} : memref<64x512xf32, #tpu.memory_space<vmem>>, vector<1x16xf32>,
          %get3A_875 = vector.shape_cast %get3A_874 : vector<1x16xf32> to vector<16xf32>
          %add3A_876 = arith.addf %get3A_871, %get3A_875 : vector<16xf32>
          %swap3A_877 = arith.index_cast %scan3A_433 : i32 to index
          %swap3A_878 = arith.constant 496 : index
          %swap3A_879 = tpu.vector_load %arg11[%swap3A_877, %swap3A_878] {strides = array<i32>} : memref<64x512xf32, #tpu.memory_space<vmem>>, vector<1x16xf32>,
          %swap3A_880 = vector.shape_cast %swap3A_879 : vector<1x16xf32> to vector<16xf32>
          %swap3A_881 = vector.shape_cast %add3A_876 : vector<16xf32> to vector<1x16xf32>
          tpu.vector_store %arg11[%swap3A_877, %swap3A_878], %swap3A_881 {strides = array<i32>} : memref<64x512xf32, #tpu.memory_space<vmem>>, vector<1x16xf32>,
          %scan3A_882 = arith.constant 0 : i32
          scf.yield %scan3A_882 : i32
        }
        %scan3A_432 = arith.constant 64 : i32
      } else {
      }
      %dma_start3A_419 = arith.constant 0 : i32
      %dma_start3A_420 = tpu.memref_slice %arg6[%add3A_342, %dma_start3A_419, %mul3A_11] : memref<256x64x4096xf32, #tpu.memory_space<hbm>> -> memref<1x64x512xf32, #tpu.memory_space<hbm>>
      %dma_start3A_421 = tpu.memref_squeeze %dma_start3A_420 : memref<1x64x512xf32, #tpu.memory_space<hbm>> -> memref<64x512xf32, #tpu.memory_space<hbm>>
      %dma_start3A_422 = arith.constant 0 : i32
      %dma_start3A_423 = tpu.memref_slice %arg6[%add3A_342, %dma_start3A_422, %mul3A_11] : memref<256x64x4096xf32, #tpu.memory_space<hbm>> -> memref<1x64x512xf32, #tpu.memory_space<hbm>>
      %dma_start3A_424 = tpu.memref_squeeze %dma_start3A_423 : memref<1x64x512xf32, #tpu.memory_space<hbm>> -> memref<64x512xf32, #tpu.memory_space<hbm>>
      tpu.enqueue_dma source(%arg11 : memref<64x512xf32, #tpu.memory_space<vmem>>) target(%dma_start3A_424 : memref<64x512xf32, #tpu.memory_space<hbm>>) target_semaphore(%arg17 : memref<!tpu.dma_semaphore, #tpu.memory_space<semaphore_mem>>)
      %scan3A_425 = arith.constant 0 : i32
      scf.yield %scan3A_425 : i32
    }
    %scan3A_330 = arith.constant 32 : i32
    %dma_wait3A = arith.constant 0 : i32
    %dma_wait3A_331 = tpu.memref_slice %arg2[%mul3A_34, %dma_wait3A, %mul3A_11] : memref<256x64x4096xf32, #tpu.memory_space<hbm>> -> memref<1x64x512xf32, #tpu.memory_space<hbm>>
    %dma_wait3A_332 = tpu.memref_squeeze %dma_wait3A_331 : memref<1x64x512xf32, #tpu.memory_space<hbm>> -> memref<64x512xf32, #tpu.memory_space<hbm>>
    %dma_wait3A_333 = arith.constant 0 : i32
    %dma_wait3A_334 = tpu.memref_slice %arg2[%mul3A_34, %dma_wait3A_333, %mul3A_11] : memref<256x64x4096xf32, #tpu.memory_space<hbm>> -> memref<1x64x512xf32, #tpu.memory_space<hbm>>
    %dma_wait3A_335 = tpu.memref_squeeze %dma_wait3A_334 : memref<1x64x512xf32, #tpu.memory_space<hbm>> -> memref<64x512xf32, #tpu.memory_space<hbm>>
    tpu.wait_dma2 semaphore(%arg17 : memref<!tpu.dma_semaphore, #tpu.memory_space<semaphore_mem>>) src(%dma_wait3A_335 : memref<64x512xf32, #tpu.memory_space<hbm>>) dst(%arg11 : memref<64x512xf32, #tpu.memory_space<vmem>>)
    return
  }
}

module attributes {stable_mosaic.version = 14 : i64} {
  func.func @_tc_feat_body(%arg0: i32, %arg1: memref<1x4096xi32, #tpu.memory_space<vmem>>, %arg2: memref<64x8xf32, #tpu.memory_space<vmem>>, %arg3: memref<1x64x4096xf32, #tpu.memory_space<vmem>>, %arg4: memref<64x4096xf32, #tpu.memory_space<vmem>>) attributes {dimension_semantics = [#tpu.dimension_semantics<arbitrary>], iteration_bounds = array<i64: 256>, scalar_prefetch = 0 : i64, scratch_operands = 1 : i64, tpu.core_type = #tpu.core_type<tc>, window_params = [{pipeline_mode = #tpu.pipeline_mode<synchronous>, transform_indices = @transform_0, window_bounds = array<i64: 1, 4096>}, {pipeline_mode = #tpu.pipeline_mode<synchronous>, transform_indices = @transform_1, window_bounds = array<i64: 64, 8>}, {transform_indices = @transform_2, window_bounds = array<i64: 1, 64, 4096>}]} {
    %eq3A = arith.constant 0 : i32
    %eq3A_0 = arith.cmpi eq, %arg0, %eq3A : i32
    %convert_element_type3A = arith.extui %eq3A_0 : i1 to i32
    %cond3A = arith.constant 0 : i32
    %cond3A_1 = arith.cmpi ne, %convert_element_type3A, %cond3A : i32
    scf.if %cond3A_1 {
      %get3A_9 = arith.constant 0 : index
      %get3A_10 = arith.constant 0 : index
      %get3A_11 = vector.load %arg1[%get3A_9, %get3A_10] : memref<1x4096xi32, #tpu.memory_space<vmem>>, vector<1x4096xi32>
      %broadcast_in_dim3A = vector.shape_cast %get3A_11 : vector<1x4096xi32> to vector<1x4096xi32>
      %broadcast_in_dim3A_12 = vector.broadcast %broadcast_in_dim3A : vector<1x4096xi32> to vector<64x4096xi32>
      %get3A_13 = arith.constant 0 : index
      %get3A_14 = arith.constant 2 : index
      %get3A_15 = vector.load %arg2[%get3A_13, %get3A_14] : memref<64x8xf32, #tpu.memory_space<vmem>>, vector<64x1xf32>
      %broadcast_in_dim3A_16 = vector.shape_cast %get3A_15 : vector<64x1xf32> to vector<64x1xf32>
      %broadcast_in_dim3A_17 = vector.broadcast %broadcast_in_dim3A_16 : vector<64x1xf32> to vector<64x4096xf32>
      %eq3A_18 = arith.constant 1 : i32
      %eq3A_19 = vector.broadcast %eq3A_18 : i32 to vector<64x4096xi32>
      %eq3A_20 = arith.cmpi eq, %broadcast_in_dim3A_12, %eq3A_19 : vector<64x4096xi32>
      %get3A_21 = arith.constant 0 : index
      %get3A_22 = arith.constant 1 : index
      %get3A_23 = vector.load %arg2[%get3A_21, %get3A_22] : memref<64x8xf32, #tpu.memory_space<vmem>>, vector<64x1xf32>
      %broadcast_in_dim3A_24 = vector.shape_cast %get3A_23 : vector<64x1xf32> to vector<64x1xf32>
      %broadcast_in_dim3A_25 = vector.broadcast %broadcast_in_dim3A_24 : vector<64x1xf32> to vector<64x4096xf32>
      %select_n3A = arith.select %eq3A_20, %broadcast_in_dim3A_25, %broadcast_in_dim3A_17 : vector<64x4096xi1>, vector<64x4096xf32>
      %eq3A_26 = arith.constant 0 : i32
      %eq3A_27 = vector.broadcast %eq3A_26 : i32 to vector<64x4096xi32>
      %eq3A_28 = arith.cmpi eq, %broadcast_in_dim3A_12, %eq3A_27 : vector<64x4096xi32>
      %get3A_29 = arith.constant 0 : index
      %get3A_30 = arith.constant 0 : index
      %get3A_31 = vector.load %arg2[%get3A_29, %get3A_30] : memref<64x8xf32, #tpu.memory_space<vmem>>, vector<64x1xf32>
      %broadcast_in_dim3A_32 = vector.shape_cast %get3A_31 : vector<64x1xf32> to vector<64x1xf32>
      %broadcast_in_dim3A_33 = vector.broadcast %broadcast_in_dim3A_32 : vector<64x1xf32> to vector<64x4096xf32>
      %select_n3A_34 = arith.select %eq3A_28, %broadcast_in_dim3A_33, %select_n3A : vector<64x4096xi1>, vector<64x4096xf32>
      %swap3A_35 = arith.constant 0 : index
      %swap3A_36 = arith.constant 0 : index
      %swap3A_37 = vector.load %arg4[%swap3A_35, %swap3A_36] : memref<64x4096xf32, #tpu.memory_space<vmem>>, vector<64x4096xf32>
      tpu.vector_store %arg4[%swap3A_35, %swap3A_36], %select_n3A_34 {strides = array<i32>} : memref<64x4096xf32, #tpu.memory_space<vmem>>, vector<64x4096xf32>,
    } else {
    }
    %get3A = arith.constant 0 : index
    %get3A_2 = arith.constant 0 : index
    %get3A_3 = vector.load %arg4[%get3A, %get3A_2] : memref<64x4096xf32, #tpu.memory_space<vmem>>, vector<64x4096xf32>
    %swap3A = arith.constant 0 : index
    %swap3A_4 = arith.constant 0 : index
    %swap3A_5 = arith.constant 0 : index
    %swap3A_6 = vector.load %arg3[%swap3A, %swap3A_4, %swap3A_5] : memref<1x64x4096xf32, #tpu.memory_space<vmem>>, vector<1x64x4096xf32>
    %swap3A_7 = vector.shape_cast %swap3A_6 : vector<1x64x4096xf32> to vector<64x4096xf32>
    %swap3A_8 = vector.shape_cast %get3A_3 : vector<64x4096xf32> to vector<1x64x4096xf32>
    tpu.vector_store %arg3[%swap3A, %swap3A_4, %swap3A_5], %swap3A_8 {strides = array<i32>} : memref<1x64x4096xf32, #tpu.memory_space<vmem>>, vector<1x64x4096xf32>,
    return
  }
  func.func @transform_0(%arg0: i32) -> (i32, i32) {
    %c0_i32 = arith.constant 0 : i32
    %c0_i32_0 = arith.constant 0 : i32
    %c0_i32_1 = arith.constant 0 : i32
    return %c0_i32, %c0_i32_0 : i32, i32
  }
  func.func @transform_1(%arg0: i32) -> (i32, i32) {
    %c0_i32 = arith.constant 0 : i32
    %c0_i32_0 = arith.constant 0 : i32
    %c0_i32_1 = arith.constant 0 : i32
    return %c0_i32, %c0_i32_0 : i32, i32
  }
  func.func @transform_2(%arg0: i32) -> (i32, i32, i32) {
    %c0_i32 = arith.constant 0 : i32
    %c0_i32_0 = arith.constant 0 : i32
    %c0_i32_1 = arith.constant 0 : i32
    return %arg0, %c0_i32, %c0_i32_0 : i32, i32, i32
  }
}

</mosaic_0001>

<sc_bundles>
// kernel: kernel.4.cloned.1.call-start
scs
__scs_entry_jumppad:
0x0: {  	(pc) =	sbr.rel $0x88, $3  }
0x1: {  	(tag) =	ssettag $0x0;
	lr =	simm.s32 $0x1  }
0x2: {  	[smem:$0x3F9E] =	sst lr;
	_ =	strace $0xD0000000  }
0x3: {  	_ = 	snop  }
0x4: {  	_ = 	snop  }
0x5: {  	_ = 	snop  }
0x6: {  	_ = 	snop  }
0x7: {  	_ = 	snop  }
__scs_overlays_trampoline_lowered:
0x8: {  	[smem:$0x3FAD] =	sst s0  }
0x9: {  	[smem:$0x3FAE] =	sst s1  }
0xa: {  	[smem:$0x3FAF] =	sst s2  }
0xb: {  	[smem:$0x3FB0] =	sst s3  }
0xc: {  	[smem:$0x3FB1] =	sst s4  }
0xd: {  	[smem:$0x3FB2] =	sst s5  }
0xe: {  	[smem:$0x3FB3] =	sst s6  }
0xf: {  	[smem:$0x3FB4] =	sst s7  }
0x10: {  	[smem:$0x3FB5] =	sst s8  }
0x11: {  	[smem:$0x3FB6] =	sst s9;
	s0 =	simm.s32 @!p0 $0x0  }
0x12: {  	s1 =	sld [smem:$0x3F9C];
	s0 =	simm.s32 @p0 $0x1  }
0x13: {  	[smem:$0x3FB7] =	sst s0;
	s0 =	simm.s32 @!p1 $0x0  }
0x14: {  	s2 =	sld [smem:$0x3F9B];
	s0 =	simm.s32 @p1 $0x1  }
0x15: {  	[smem:$0x3FB8] =	sst s0;
	s0 =	simm.s32 @!p2 $0x0  }
0x16: {  	s3 =	sld [smem:$0x3FDB];
	s0 =	simm.s32 @p2 $0x1  }
0x17: {  	s4 =	simm.s32 $0x1BF5;
	[smem:$0x3FBA] =	sst s0  }
0x18: {  	s0 =	sld [smem:$0x3F9D];
	_ =	swait.ge [sflag:s4], $0x0  }
0x19: {  	s7 =	sld [smem:$0x3F9E]  }
0x1a: {  	s8 =	sadd.s32 $0xFFFFE003, lr  }
0x1b: {  	s9 =	sadd.s32 $0xFFFFFEF7, lr;
	s5 =	simm.s32 $0xFFFFFFFF;
	p2 =	slt.u32 s8, $0xFFFFF086  }
0x1c: {  	p1 =	slt.u32 s9, $0xF7A;
	s5 =	simm.s32 @!p2 $0x0  }
0x1d: {  	s5 =	simm.s32 @p1 $0x1;
	p0 =	seq.s32 s7, s2  }
0x1e: {  	s7 =	smul.u32 @!p0 $0xF7A, s2;
	p2 =	seq.s32 @!p0 s5, $0x0  }
0x1f: {  	s9 =	smul.u32 $0xF7A, s1;
	s8 =	simm.s32 @!p0 $0x1BF5;
	p2 =	por !p2, p0  }
0x20: {  	[sflag:s8] =	ssyncset.s32 @!p0 $0xFFFFF086;
	s6 =	sadd.s32 @!p0 s3, s7;
	s7 =	simm.s32 @!p0 $0x108  }
0x21: {  	s3 =	sadd.s32 s3, s9;
	s6 =	sadd.s32 @!p0 $0x88, s6;
	s7 =	simm.s32 @p2 $0x1082  }
0x22: {  	[simem:s7], [sflag:s8] =	dma.local @!p0 [hbm:s6], $0xF7A  }
0x23: {  	s9 =	sor.u32 $0xD0000000, s2;
	s6 =	simm.s32 $0x108;
	_ =	swait.ge @!p0 [sflag:s8], $0x0  }
0x24: {  	s3 =	sadd.s32 $0x88, s3;
	s6 =	simm.s32 @!p1 $0x1082;
	[sflag:s4] =	ssyncset.s32 $0xFFFFF086  }
0x25: {  	[simem:s6], [sflag:s4] =	dma.local [hbm:s3], $0xF7A  }
0x26: {  	[smem:$0x3F9E] =	sst s1;
	(tag) =	ssettag s2;
	_ =	strace s9  }
0x27: {  	s1 =	sld [smem:$0x3FAE]  }
0x28: {  	s2 =	sld [smem:$0x3FAF]  }
0x29: {  	s4 =	sld [smem:$0x3FB1]  }
0x2a: {  	p0 =	seq.s32 s5, $0x0;
	s5 =	sld [smem:$0x3FB2]  }
0x2b: {  	s6 =	sld [smem:$0x3FB3]  }
0x2c: {  	s7 =	sld [smem:$0x3FB4]  }
0x2d: {  	s3 =	simm.s32 $0x108;
	s8 =	sld [smem:$0x3FB5]  }
0x2e: {  	s3 =	simm.s32 @!p0 $0x1082;
	s9 =	sld [smem:$0x3FB6]  }
0x2f: {  	lr =	sadd.s32 s0, s3;
	s0 =	sld [smem:$0x3FAD]  }
0x30: {  	s3 =	sld [smem:$0x3FB0]  }
0x31: {  	[smem:$0x3FB9] =	sst s10  }
0x32: {  	s10 =	sld [smem:$0x3FB7];
	_ =	sdelay $0x3  }
0x33: {  	p0 =	seq.s32 s10, $0x1;
	s10 =	sld [smem:$0x3FB9];
	_ =	sdelay $0x3  }
0x34: {  	[smem:$0x3FB9] =	sst s10  }
0x35: {  	s10 =	sld [smem:$0x3FB8];
	_ =	sdelay $0x3  }
0x36: {  	p1 =	seq.s32 s10, $0x1;
	s10 =	sld [smem:$0x3FB9];
	_ =	sdelay $0x3  }
0x37: {  	[smem:$0x3FB9] =	sst s10  }
0x38: {  	s10 =	sld [smem:$0x3FBA]  }
0x39: {  	_ = 	snop;
	(pc) =	sbr.ind lr, $3  }
0x3a: {  	_ = 	snop  }
0x3b: {  	_ = 	snop  }
0x3c: {  	p2 =	seq.s32 s10, $0x1;
	s10 =	sld [smem:$0x3FB9]  }
0x3d: {  	_ =	shalt  }
0x3e: {  	_ =	shalt  }
0x3f: {  	_ =	shalt  }
0x40: {  	_ =	shalt  }
0x41: {  	_ =	shalt  }
0x42: {  	_ =	shalt  }
0x43: {  	_ =	shalt  }
0x44: {  	_ =	shalt  }
0x45: {  	_ =	shalt  }
0x46: {  	_ =	shalt  }
0x47: {  	_ =	shalt  }
0x48: {  	_ =	shalt  }
0x49: {  	_ =	shalt  }
0x4a: {  	_ =	shalt  }
0x4b: {  	_ =	shalt  }
0x4c: {  	_ =	shalt  }
0x4d: {  	_ =	shalt  }
0x4e: {  	_ =	shalt  }
0x4f: {  	_ =	shalt  }
0x50: {  	_ =	shalt  }
0x51: {  	_ =	shalt  }
0x52: {  	_ =	shalt  }
0x53: {  	_ =	shalt  }
0x54: {  	_ =	shalt  }
0x55: {  	_ =	shalt  }
0x56: {  	_ =	shalt  }
0x57: {  	_ =	shalt  }
0x58: {  	_ =	shalt  }
0x59: {  	_ =	shalt  }
0x5a: {  	_ =	shalt  }
0x5b: {  	_ =	shalt  }
0x5c: {  	_ =	shalt  }
0x5d: {  	_ =	shalt  }
0x5e: {  	_ =	shalt  }
0x5f: {  	_ =	shalt  }
0x60: {  	_ =	shalt  }
0x61: {  	_ =	shalt  }
0x62: {  	_ =	shalt  }
0x63: {  	_ =	shalt  }
0x64: {  	_ =	shalt  }
0x65: {  	_ =	shalt  }
0x66: {  	_ =	shalt  }
0x67: {  	_ =	shalt  }
0x68: {  	_ =	shalt  }
0x69: {  	_ =	shalt  }
0x6a: {  	_ =	shalt  }
0x6b: {  	_ =	shalt  }
0x6c: {  	_ =	shalt  }
0x6d: {  	_ =	shalt  }
0x6e: {  	_ =	shalt  }
0x6f: {  	_ =	shalt  }
0x70: {  	_ =	shalt  }
0x71: {  	_ =	shalt  }
0x72: {  	_ =	shalt  }
0x73: {  	_ =	shalt  }
0x74: {  	_ =	shalt  }
0x75: {  	_ =	shalt  }
0x76: {  	_ =	shalt  }
0x77: {  	_ =	shalt  }
0x78: {  	_ =	shalt  }
0x79: {  	_ =	shalt  }
0x7a: {  	_ =	shalt  }
0x7b: {  	_ =	shalt  }
0x7c: {  	_ =	shalt  }
0x7d: {  	_ =	shalt  }
0x7e: {  	_ =	shalt  }
0x7f: {  	_ =	shalt  }
0x80: {  	_ =	shalt  }
0x81: {  	_ =	shalt  }
0x82: {  	_ =	shalt  }
0x83: {  	_ =	shalt  }
0x84: {  	_ =	shalt  }
0x85: {  	_ =	shalt  }
0x86: {  	_ =	shalt  }
0x87: {  	_ =	shalt  }
.Lfunc_end0:
.L_simem_size_0:
called_computation_lowered:
.L_overlay_start_0:
0x88: {  	s2 =	sld [smem:$0x3FD9]  }
0x89: {  	s3 =	sld [smem:$0x3FFE];
	_ =	sdelay $0x1  }
0x8a: {  	s1 =	srdreg.scid  }
0x8b: {  	s0 =	sand.u32 $0x1, s1  }
0x8c: {  	s15 =	sshll.u32 s0, $0xA;
	s2 =	sadd.s32 s3, s2  }
0x8d: {  	s2 =	sadd.s32 s2, s15  }
0x8e: {  	[smem:$0x3FC5] =	sst s2  }
0x8f: {  	_ = 	snop  }
0x90: {  	s2 =	sld [smem:$0x3FD0];
	_ =	sdelay $0x1  }
0x91: {  	s16 =	sld [smem:$0x3FC9]  }
0x92: {  	s5 =	simm.s32 $0xA;
	s6 =	simm.s32 $0x10;
	s4 =	sld [smem:$0x3FC7]  }
0x93: {  	[smem:s6], [sflag:s5] =	dma.local [hbm:s2], $0x1  }
0x94: {  	_ =	swait.eq [sflag:s5], $0x1  }
0x95: {  	s17 =	sld [smem:$0x10];
	[sflag:s5] =	ssyncset.done $0x0  }
0x96: {  	s18 =	sld [smem:$0x11];
	[sflag:s5] =	ssyncadd.s32 $0xFFFFFFFF  }
0x97: {  	s19 =	sld [smem:$0x14];
	(tm) =	ssettm $0x1  }
0x98: {  	s7 =	sld [smem:$0x3FFB];
	_ =	sdelay $0x3  }
0x99: {  	_ =	strace s7  }
0x9a: {  	s7 =	sld [smem:$0x3FFC];
	_ =	sdelay $0x3  }
0x9b: {  	_ =	strace s7  }
0x9c: {  	s7 =	sld [smem:$0x3FFD];
	_ =	sdelay $0x3  }
0x9d: {  	_ =	strace s7  }
0x9e: {  	_ =	strace $0x8FFFFFFF  }
0x9f: {  	s20 =	sld [smem:$0x3FDB];
	_ =	sdelay $0x1  }
0xa0: {  	s8 =	simm.s32 $_scs_section_size  }
0xa1: {  	s9 =	simm.s32 $_size__tile_overlayer_lowered;
	s10 =	simm.s32 $_tile_overlayer_lowered  }
0xa2: {  	s23 =	simm.s32 $0x1BFF;
	s22 =	sshll.u32 s10, $0x1;
	s7 =	sadd.s32 s8, s20  }
0xa3: {  	s11 =	simm.s32 $0x0;
	s21 =	sshll.u32 s9, $0x1;
	s9 =	sadd.s32 s22, s7  }
0xa4: {  	[timem:s11], [sflag:s23] =	dma.local [hbm:s9], s21  }
0xa5: {  	_ =	swait.ge [sflag:s23], s21  }
0xa6: {  	s8 =	ssub.s32 $0x0, s21;
	[sflag:s23] =	ssyncset.done $0x0  }
0xa7: {  	[sflag:s23] =	ssyncadd.s32 s8;
	_ =	sdelay $0x1  }
0xa8: {  	s24 =	simm.s32 $0x1B8B  }
0xa9: {  	_ =	swait.ge [sflag:s24], $0x1  }
0xaa: {  	[sflag:s24] =	ssyncset.done $0x0  }
0xab: {  	s25 =	simm.s32 $0x1B8E;
	[sflag:s24] =	ssyncadd.s32 $0xFFFFFFFF  }
0xac: {  	s26 =	simm.s32 $execute0_lowered;
	[smem:$0x3FD2] =	sst s25  }
0xad: {  	s8 =	sshll.u32 s26, $0x1;
	_ =	strace $0x80000046;
	[dreg:$0x1] =	wrdreg $0xFFFFFFFF  }
0xae: {  	s28 =	simm.s32 $_size_execute0_lowered;
	s7 =	sadd.s32 s7, s8;
	[dreg:$0x0] =	wrdreg $0x0  }
0xaf: {  	s8 =	sshll.u32 s28, $0x1;
	[dreg:$0x2] =	wrdreg s7  }
0xb0: {  	[dreg:$0x3] =	wrdreg s8  }
0xb1: {  	[dreg:$0x4] =	wrdreg $0xC0  }
0xb2: {  	_ =	task [dreg:s11], $0x5FFFF  }
0xb3: {  	[dreg:$0x1] =	wrdreg $0xFFFFFFFF  }
0xb4: {  	[dreg:$0x0] =	wrdreg $0x60  }
0xb5: {  	[dreg:$0x2] =	wrdreg s16  }
0xb6: {  	[dreg:$0x3] =	wrdreg s19  }
0xb7: {  	[dreg:$0x4] =	wrdreg s4  }
0xb8: {  	[dreg:$0x5] =	wrdreg s17  }
0xb9: {  	[dreg:$0x6] =	wrdreg s18  }
0xba: {  	[dreg:$0x7] =	wrdreg $0x9  }
0xbb: {  	_ =	task.clear_ibuf [dreg:s11], $0x8FFFF;
	_ =	strace $0x90000046  }
0xbc: {  	s29 =	simm.s32 $0x9;
	_ =	strace $0x80000048  }
0xbd: {  	_ =	swait.ge [sflag:s29], $0x1  }
0xbe: {  	[sflag:s29] =	ssyncadd.s32 $0xFFFFFFFF  }
0xbf: {  	_ =	strace $0x90000048  }
0xc0: {  	_ =	sfence  }
0xc1: {  	s30 =	sld [smem:$0x0];
	_ =	sdelay $0x2  }
0xc2: {  	s31 =	sshll.u32 s1, $0xD;
	s1 =	sshrl.u32 s1, $0x2  }
0xc3: {  	s3 =	sand.u32 $0x4000, s31;
	s1 =	sadd.s32 s1, s30  }
0xc4: {  	s0 =	sor.u32 s3, s0;
	s1 =	sshll.u32 s1, $0x11  }
0xc5: {  	s0 =	sor.u32 s1, s0  }
0xc6: {  	s0 =	sadd.s32 $0x8F2B, s0  }
0xc7: {  	[sflag:s0] =	ssyncadd.remote.s32 $0x1  }
0xc8: {  	_ =	sfence.sel $0xFFFF  }
0xc9: {  	[dreg:$0x0] =	wrdreg $0xFFFFFFFF;
	(pc) =	sbr.abs _section_cstart, $3  }
0xca: {  	[dreg:$0x1] =	wrdreg $0xFFFFFFFF  }
0xcb: {  	_ =	task.clear_ibuf [dreg:s11], $0x2FFFF;
	_ =	strace $0x9FFFFFFF  }
0xcc: {  	(tm) =	ssettm $0x7FFFFFFF  }
0xcd: {  	_ =	shalt  }
tec
execute0_lowered:
.L_overlay_start_1:
0x0: {  	(tag) =	ssettag $0x1  }
0x1: {  	s1 =	rddreg [dreg:$0x0]  }
0x2: {  	s0 =	rddreg [dreg:$0x2]  }
0x3: {  	s4 =	rddreg [dreg:$0x3];
	s7 =	stileid.u32  }
0x4: {  	s5 =	rddreg [dreg:$0x4];
	s2 =	srdreg.scid;
	s6 =	simm.s32 $0x0  }
0x5: {  	s13 =	simm.s32 $0x7;
	s15 =	simm.s32 $0x1000;
	s16 =	simm.s32 $0x8000  }
0x6: {  	s17 =	simm.s32 $0xA200;
	s18 =	simm.s32 $0x12200;
	s19 =	simm.s32 $0x1  }
0x7: {  	s20 =	simm.s32 $0x3;
	s21 =	simm.s32 $0x2;
	s22 =	simm.s32 $0x5  }
0x8: {  	s23 =	simm.s32 $0x4;
	s24 =	simm.s32 $0x6;
	s25 =	simm.s32 $0x0  }
0x9: {  	s3 =	sshll.u32 s7, $0x1;
	s2 =	sand.u32 $0x1, s2;
	s7 =	sshll.u32 s7, $0x16  }
0xa: {  	[smem:$0x7FF] =	sst s6;
	s3 =	sand.u32 $0x6, s3;
	s7 =	sand.u32 $0x3000000, s7  }
.Ltmp0:
0xb: {  	_ =	strace $0x80000047;
	s3 =	sor.u32 s2, s3;
	(pc) =	sbr.rel .LBB2_1-.Ltmp0, $4  }
0xc: {  	s2 =	ssub.s32 $0x2, s2;
	s8 =	sshll.u32 s3, $0xC;
	s3 =	sshll.u32 s3, $0x6  }
0xd: {  	s10 =	sshrl.u32 s2, $0x1;
	s9 =	sor.u32 s7, s8;
	s0 =	sadd.s32 s0, s3  }
0xe: {  	s2 =	ssub.s32 s2, s10;
	s11 =	sshrl.u32 s9, $0x3;
	[dreg:$0x6] =	wrdreg s0  }
0xf: {  	s12 =	smax.u32 s2, $0x1;
	s10 =	sadd.s32 s1, s11;
	s11 =	sor.u32 $0x80000, s8  }
.LBB2_19:
0x10: {  	s25 =	sadd.s32 $0x1, s25  }
0x11: {  	p0 =	sne.s32 s25, s12  }
.Ltmp1:
0x12: {  	_ = 	snop;
	(pc) =	sbr.rel @!p0 .LBB2_20-.Ltmp1, $4  }
0x13: {  	_ = 	snop  }
0x14: {  	_ =	swait.ge [sflag:s24], $0x8000  }
0x15: {  	[sflag:s24] =	ssyncset.done $0x0  }
0x16: {  	[sflag:s24] =	ssyncadd.s32 $0xFFFF8000  }
.LBB2_1:
0x17: {  	s0 =	rddreg [dreg:$0x6]  }
0x18: {  	[tilespmem:s6], [sflag:$0x7] =	stream.linear.gather [hbm4b:s0+s6], $0x200, $0x38;
	[tilespmem:$0x1A200] =	vst v63  }
0x19: {  	_ =	swait.ge [sflag:s13], $0x200  }
0x1a: {  	[sflag:s13] =	ssyncset.done $0x0  }
0x1b: {  	[sflag:s13] =	ssyncadd.s32 $0xFFFFFE00  }
0x1c: {  	s2 =	simm.s32 $0x200;
	s9 =	rddreg [dreg:$0x1]  }
0x1d: {  	[tilespmem:s2], [sflag:$0x7] =	stream.linear.gather [hbm4b:s9+s6], $0x2000, $0x38;
	[tilespmem:$0x1A200] =	vst v63  }
0x1e: {  	_ =	swait.ge [sflag:s13], $0x2000  }
0x1f: {  	[sflag:s13] =	ssyncset.done $0x0  }
0x20: {  	[sflag:s13] =	ssyncadd.s32 $0xFFFFE000  }
0x21: {  	s26 =	simm.s32 $0x0;
	v0 =	vld [tilespmem:$0x0]  }
0x22: {  	v1 =	vld [tilespmem:s26+$0x210]  }
0x23: {  	v2 =	vld [tilespmem:s26+$0x220]  }
0x24: {  	v3 =	vld [tilespmem:s26+$0x200];
	_ =	sdelay $0x2  }
0x25: {  	vm0 =	veq.s32 v0, $0x1  }
0x26: {  	s14 =	sand.u32 $0x7000, s6;
	s31 =	sand.u32 $0x380, s6;
	vm1 =	veq.s32 v0, $0x0;
	v0 =	vsel vm0, v1, v2  }
0x27: {  	s28 =	sor.u32 s31, s14;
	v0 =	vsel vm1, v3, v0  }
0x28: {  	[tilespmem:s28+$0x2200] =	vst v0  }
0x29: {  	v0 =	vld [tilespmem:s26+$0x220]  }
0x2a: {  	v1 =	vld [tilespmem:$0x10]  }
0x2b: {  	v2 =	vld [tilespmem:s26+$0x210]  }
0x2c: {  	v3 =	vld [tilespmem:s26+$0x200];
	_ =	sdelay $0x2  }
0x2d: {  	vm10 =	veq.s32 v1, $0x1  }
0x2e: {  	vm11 =	veq.s32 v1, $0x0;
	v0 =	vsel vm10, v2, v0  }
0x2f: {  	v0 =	vsel vm11, v3, v0  }
0x30: {  	[tilespmem:s28+$0x2210] =	vst v0  }
0x31: {  	v0 =	vld [tilespmem:s26+$0x220]  }
0x32: {  	v1 =	vld [tilespmem:$0x20]  }
0x33: {  	v2 =	vld [tilespmem:s26+$0x210]  }
0x34: {  	v3 =	vld [tilespmem:s26+$0x200];
	_ =	sdelay $0x2  }
0x35: {  	vm12 =	veq.s32 v1, $0x1  }
0x36: {  	vm13 =	veq.s32 v1, $0x0;
	v0 =	vsel vm12, v2, v0  }
0x37: {  	v0 =	vsel vm13, v3, v0  }
0x38: {  	[tilespmem:s28+$0x2220] =	vst v0  }
0x39: {  	v0 =	vld [tilespmem:s26+$0x220]  }
0x3a: {  	v1 =	vld [tilespmem:$0x30]  }
0x3b: {  	v2 =	vld [tilespmem:s26+$0x210]  }
0x3c: {  	v3 =	vld [tilespmem:s26+$0x200];
	_ =	sdelay $0x2  }
0x3d: {  	vm14 =	veq.s32 v1, $0x1  }
0x3e: {  	vm15 =	veq.s32 v1, $0x0;
	v0 =	vsel vm14, v2, v0  }
0x3f: {  	v0 =	vsel vm15, v3, v0  }
0x40: {  	[tilespmem:s28+$0x2230] =	vst v0  }
0x41: {  	v0 =	vld [tilespmem:s26+$0x220]  }
0x42: {  	v1 =	vld [tilespmem:$0x40]  }
0x43: {  	v2 =	vld [tilespmem:s26+$0x210]  }
0x44: {  	v3 =	vld [tilespmem:s26+$0x200];
	_ =	sdelay $0x2  }
0x45: {  	vm4 =	veq.s32 v1, $0x1  }
0x46: {  	vm5 =	veq.s32 v1, $0x0;
	v0 =	vsel vm4, v2, v0  }
0x47: {  	v0 =	vsel vm5, v3, v0  }
0x48: {  	[tilespmem:s28+$0x2240] =	vst v0  }
0x49: {  	v0 =	vld [tilespmem:s26+$0x210]  }
0x4a: {  	v1 =	vld [tilespmem:$0x50]  }
0x4b: {  	v2 =	vld [tilespmem:s26+$0x220]  }
0x4c: {  	v3 =	vld [tilespmem:s26+$0x200];
	_ =	sdelay $0x2  }
0x4d: {  	vm6 =	veq.s32 v1, $0x1  }
0x4e: {  	vm7 =	veq.s32 v1, $0x0;
	v0 =	vsel vm6, v0, v2  }
0x4f: {  	v0 =	vsel vm7, v3, v0  }
0x50: {  	[tilespmem:s28+$0x2250] =	vst v0  }
0x51: {  	v0 =	vld [tilespmem:s26+$0x210]  }
0x52: {  	v1 =	vld [tilespmem:$0x60]  }
0x53: {  	v2 =	vld [tilespmem:s26+$0x220]  }
0x54: {  	v3 =	vld [tilespmem:s26+$0x200];
	_ =	sdelay $0x2  }
0x55: {  	vm8 =	veq.s32 v1, $0x1  }
0x56: {  	vm9 =	veq.s32 v1, $0x0;
	v0 =	vsel vm8, v0, v2  }
0x57: {  	v0 =	vsel vm9, v3, v0  }
0x58: {  	[tilespmem:s28+$0x2260] =	vst v0  }
0x59: {  	v0 =	vld [tilespmem:s26+$0x210]  }
0x5a: {  	v1 =	vld [tilespmem:$0x70]  }
0x5b: {  	v2 =	vld [tilespmem:s26+$0x220]  }
0x5c: {  	v3 =	vld [tilespmem:s26+$0x200];
	_ =	sdelay $0x2  }
0x5d: {  	vm10 =	veq.s32 v1, $0x1  }
0x5e: {  	vm11 =	veq.s32 v1, $0x0;
	v0 =	vsel vm10, v0, v2  }
0x5f: {  	v0 =	vsel vm11, v3, v0  }
0x60: {  	[tilespmem:s28+$0x2270] =	vst v0  }
0x61: {  	v0 =	vld [tilespmem:s26+$0x220]  }
0x62: {  	v1 =	vld [tilespmem:$0x80]  }
0x63: {  	v2 =	vld [tilespmem:s26+$0x210]  }
0x64: {  	v3 =	vld [tilespmem:s26+$0x200];
	_ =	sdelay $0x2  }
0x65: {  	vm12 =	veq.s32 v1, $0x1  }
0x66: {  	vm13 =	veq.s32 v1, $0x0;
	v0 =	vsel vm12, v2, v0  }
0x67: {  	v0 =	vsel vm13, v3, v0  }
0x68: {  	[tilespmem:s28+$0x2600] =	vst v0  }
0x69: {  	v0 =	vld [tilespmem:s26+$0x210]  }
0x6a: {  	v1 =	vld [tilespmem:$0x90]  }
0x6b: {  	v2 =	vld [tilespmem:s26+$0x220]  }
0x6c: {  	v3 =	vld [tilespmem:s26+$0x200];
	_ =	sdelay $0x2  }
0x6d: {  	vm14 =	veq.s32 v1, $0x1  }
0x6e: {  	vm15 =	veq.s32 v1, $0x0;
	v0 =	vsel vm14, v0, v2  }
0x6f: {  	v0 =	vsel vm15, v3, v0  }
0x70: {  	[tilespmem:s28+$0x2610] =	vst v0  }
0x71: {  	v0 =	vld [tilespmem:s26+$0x220]  }
0x72: {  	v1 =	vld [tilespmem:$0xA0]  }
0x73: {  	v2 =	vld [tilespmem:s26+$0x210]  }
0x74: {  	v3 =	vld [tilespmem:s26+$0x200];
	_ =	sdelay $0x2  }
0x75: {  	vm4 =	veq.s32 v1, $0x1  }
0x76: {  	vm5 =	veq.s32 v1, $0x0;
	v0 =	vsel vm4, v2, v0  }
0x77: {  	v0 =	vsel vm5, v3, v0  }
0x78: {  	[tilespmem:s28+$0x2620] =	vst v0  }
0x79: {  	v0 =	vld [tilespmem:s26+$0x220]  }
0x7a: {  	v1 =	vld [tilespmem:$0xB0]  }
0x7b: {  	v2 =	vld [tilespmem:s26+$0x210]  }
0x7c: {  	v3 =	vld [tilespmem:s26+$0x200];
	_ =	sdelay $0x2  }
0x7d: {  	vm6 =	veq.s32 v1, $0x1  }
0x7e: {  	vm7 =	veq.s32 v1, $0x0;
	v0 =	vsel vm6, v2, v0  }
0x7f: {  	v0 =	vsel vm7, v3, v0  }
0x80: {  	[tilespmem:s28+$0x2630] =	vst v0  }
0x81: {  	v0 =	vld [tilespmem:s26+$0x220]  }
0x82: {  	v1 =	vld [tilespmem:$0xC0]  }
0x83: {  	v2 =	vld [tilespmem:s26+$0x210]  }
0x84: {  	v3 =	vld [tilespmem:s26+$0x200];
	_ =	sdelay $0x2  }
0x85: {  	vm8 =	veq.s32 v1, $0x1  }
0x86: {  	vm9 =	veq.s32 v1, $0x0;
	v0 =	vsel vm8, v2, v0  }
0x87: {  	v0 =	vsel vm9, v3, v0  }
0x88: {  	[tilespmem:s28+$0x2640] =	vst v0  }
0x89: {  	v0 =	vld [tilespmem:s26+$0x220]  }
0x8a: {  	v1 =	vld [tilespmem:$0xD0]  }
0x8b: {  	v2 =	vld [tilespmem:s26+$0x210]  }
0x8c: {  	v3 =	vld [tilespmem:s26+$0x200];
	_ =	sdelay $0x2  }
0x8d: {  	vm10 =	veq.s32 v1, $0x1  }
0x8e: {  	vm11 =	veq.s32 v1, $0x0;
	v0 =	vsel vm10, v2, v0  }
0x8f: {  	v0 =	vsel vm11, v3, v0  }
0x90: {  	[tilespmem:s28+$0x2650] =	vst v0  }
0x91: {  	v0 =	vld [tilespmem:s26+$0x220]  }
0x92: {  	v1 =	vld [tilespmem:$0xE0]  }
0x93: {  	v2 =	vld [tilespmem:s26+$0x210]  }
0x94: {  	v3 =	vld [tilespmem:s26+$0x200];
	_ =	sdelay $0x2  }
0x95: {  	vm12 =	veq.s32 v1, $0x1  }
0x96: {  	vm13 =	veq.s32 v1, $0x0;
	v0 =	vsel vm12, v2, v0  }
0x97: {  	v0 =	vsel vm13, v3, v0  }
0x98: {  	[tilespmem:s28+$0x2660] =	vst v0  }
0x99: {  	v0 =	vld [tilespmem:s26+$0x210]  }
0x9a: {  	v1 =	vld [tilespmem:$0xF0]  }
0x9b: {  	v2 =	vld [tilespmem:s26+$0x220]  }
0x9c: {  	v3 =	vld [tilespmem:s26+$0x200];
	_ =	sdelay $0x2  }
0x9d: {  	vm14 =	veq.s32 v1, $0x1  }
0x9e: {  	vm15 =	veq.s32 v1, $0x0;
	v0 =	vsel vm14, v0, v2  }
0x9f: {  	v0 =	vsel vm15, v3, v0  }
0xa0: {  	[tilespmem:s28+$0x2670] =	vst v0  }
0xa1: {  	v0 =	vld [tilespmem:s26+$0x210]  }
0xa2: {  	v1 =	vld [tilespmem:$0x100]  }
0xa3: {  	v2 =	vld [tilespmem:s26+$0x220]  }
0xa4: {  	v3 =	vld [tilespmem:s26+$0x200];
	_ =	sdelay $0x2  }
0xa5: {  	vm4 =	veq.s32 v1, $0x1  }
0xa6: {  	vm5 =	veq.s32 v1, $0x0;
	v0 =	vsel vm4, v0, v2  }
0xa7: {  	v0 =	vsel vm5, v3, v0  }
0xa8: {  	[tilespmem:s28+$0x2A00] =	vst v0  }
0xa9: {  	v0 =	vld [tilespmem:s26+$0x210]  }
0xaa: {  	v1 =	vld [tilespmem:$0x110]  }
0xab: {  	v2 =	vld [tilespmem:s26+$0x220]  }
0xac: {  	v3 =	vld [tilespmem:s26+$0x200];
	_ =	sdelay $0x2  }
0xad: {  	vm6 =	veq.s32 v1, $0x1  }
0xae: {  	vm7 =	veq.s32 v1, $0x0;
	v0 =	vsel vm6, v0, v2  }
0xaf: {  	v0 =	vsel vm7, v3, v0  }
0xb0: {  	[tilespmem:s28+$0x2A10] =	vst v0  }
0xb1: {  	v0 =	vld [tilespmem:s26+$0x210]  }
0xb2: {  	v1 =	vld [tilespmem:$0x120]  }
0xb3: {  	v2 =	vld [tilespmem:s26+$0x220]  }
0xb4: {  	v3 =	vld [tilespmem:s26+$0x200];
	_ =	sdelay $0x2  }
0xb5: {  	vm8 =	veq.s32 v1, $0x1  }
0xb6: {  	vm9 =	veq.s32 v1, $0x0;
	v0 =	vsel vm8, v0, v2  }
0xb7: {  	v0 =	vsel vm9, v3, v0  }
0xb8: {  	[tilespmem:s28+$0x2A20] =	vst v0  }
0xb9: {  	v0 =	vld [tilespmem:s26+$0x210]  }
0xba: {  	v1 =	vld [tilespmem:$0x130]  }
0xbb: {  	v2 =	vld [tilespmem:s26+$0x220]  }
0xbc: {  	v3 =	vld [tilespmem:s26+$0x200];
	_ =	sdelay $0x2  }
0xbd: {  	vm10 =	veq.s32 v1, $0x1  }
0xbe: {  	vm11 =	veq.s32 v1, $0x0;
	v0 =	vsel vm10, v0, v2  }
0xbf: {  	v0 =	vsel vm11, v3, v0  }
0xc0: {  	[tilespmem:s28+$0x2A30] =	vst v0  }
0xc1: {  	v0 =	vld [tilespmem:s26+$0x220]  }
0xc2: {  	v1 =	vld [tilespmem:$0x140]  }
0xc3: {  	v2 =	vld [tilespmem:s26+$0x210]  }
0xc4: {  	v3 =	vld [tilespmem:s26+$0x200];
	_ =	sdelay $0x2  }
0xc5: {  	vm12 =	veq.s32 v1, $0x1  }
0xc6: {  	vm13 =	veq.s32 v1, $0x0;
	v0 =	vsel vm12, v2, v0  }
0xc7: {  	v0 =	vsel vm13, v3, v0  }
0xc8: {  	[tilespmem:s28+$0x2A40] =	vst v0  }
0xc9: {  	v0 =	vld [tilespmem:s26+$0x220]  }
0xca: {  	v1 =	vld [tilespmem:$0x150]  }
0xcb: {  	v2 =	vld [tilespmem:s26+$0x210]  }
0xcc: {  	v3 =	vld [tilespmem:s26+$0x200];
	_ =	sdelay $0x2  }
0xcd: {  	vm14 =	veq.s32 v1, $0x1  }
0xce: {  	vm15 =	veq.s32 v1, $0x0;
	v0 =	vsel vm14, v2, v0  }
0xcf: {  	v0 =	vsel vm15, v3, v0  }
0xd0: {  	[tilespmem:s28+$0x2A50] =	vst v0  }
0xd1: {  	v0 =	vld [tilespmem:s26+$0x210]  }
0xd2: {  	v1 =	vld [tilespmem:$0x160]  }
0xd3: {  	v2 =	vld [tilespmem:s26+$0x220]  }
0xd4: {  	v3 =	vld [tilespmem:s26+$0x200];
	_ =	sdelay $0x2  }
0xd5: {  	vm4 =	veq.s32 v1, $0x1  }
0xd6: {  	vm5 =	veq.s32 v1, $0x0;
	v0 =	vsel vm4, v0, v2  }
0xd7: {  	v0 =	vsel vm5, v3, v0  }
0xd8: {  	[tilespmem:s28+$0x2A60] =	vst v0  }
0xd9: {  	v0 =	vld [tilespmem:s26+$0x210]  }
0xda: {  	v1 =	vld [tilespmem:$0x170]  }
0xdb: {  	v2 =	vld [tilespmem:s26+$0x220]  }
0xdc: {  	v3 =	vld [tilespmem:s26+$0x200];
	_ =	sdelay $0x2  }
0xdd: {  	vm6 =	veq.s32 v1, $0x1  }
0xde: {  	vm7 =	veq.s32 v1, $0x0;
	v0 =	vsel vm6, v0, v2  }
0xdf: {  	v0 =	vsel vm7, v3, v0  }
0xe0: {  	[tilespmem:s28+$0x2A70] =	vst v0  }
0xe1: {  	v0 =	vld [tilespmem:s26+$0x220]  }
0xe2: {  	v1 =	vld [tilespmem:$0x180]  }
0xe3: {  	v2 =	vld [tilespmem:s26+$0x210]  }
0xe4: {  	v3 =	vld [tilespmem:s26+$0x200];
	_ =	sdelay $0x2  }
0xe5: {  	vm8 =	veq.s32 v1, $0x1  }
0xe6: {  	vm9 =	veq.s32 v1, $0x0;
	v0 =	vsel vm8, v2, v0  }
0xe7: {  	v0 =	vsel vm9, v3, v0  }
0xe8: {  	[tilespmem:s28+$0x2E00] =	vst v0  }
0xe9: {  	v0 =	vld [tilespmem:s26+$0x220]  }
0xea: {  	v1 =	vld [tilespmem:$0x190]  }
0xeb: {  	v2 =	vld [tilespmem:s26+$0x210]  }
0xec: {  	v3 =	vld [tilespmem:s26+$0x200];
	_ =	sdelay $0x2  }
0xed: {  	vm10 =	veq.s32 v1, $0x1  }
0xee: {  	vm11 =	veq.s32 v1, $0x0;
	v0 =	vsel vm10, v2, v0  }
0xef: {  	v0 =	vsel vm11, v3, v0  }
0xf0: {  	[tilespmem:s28+$0x2E10] =	vst v0  }
0xf1: {  	v0 =	vld [tilespmem:s26+$0x210]  }
0xf2: {  	v1 =	vld [tilespmem:$0x1A0]  }
0xf3: {  	v2 =	vld [tilespmem:s26+$0x220]  }
0xf4: {  	v3 =	vld [tilespmem:s26+$0x200];
	_ =	sdelay $0x2  }
0xf5: {  	vm12 =	veq.s32 v1, $0x1  }
0xf6: {  	vm13 =	veq.s32 v1, $0x0;
	v0 =	vsel vm12, v0, v2  }
0xf7: {  	v0 =	vsel vm13, v3, v0  }
0xf8: {  	[tilespmem:s28+$0x2E20] =	vst v0  }
0xf9: {  	v0 =	vld [tilespmem:s26+$0x210]  }
0xfa: {  	v1 =	vld [tilespmem:$0x1B0]  }
0xfb: {  	v2 =	vld [tilespmem:s26+$0x220]  }
0xfc: {  	v3 =	vld [tilespmem:s26+$0x200];
	_ =	sdelay $0x2  }
0xfd: {  	vm14 =	veq.s32 v1, $0x1  }
0xfe: {  	vm15 =	veq.s32 v1, $0x0;
	v0 =	vsel vm14, v0, v2  }
0xff: {  	v0 =	vsel vm15, v3, v0  }
0x100: {  	[tilespmem:s28+$0x2E30] =	vst v0  }
0x101: {  	v0 =	vld [tilespmem:$0x1C0]  }
0x102: {  	s29 =	simm.s32 $0x80;
	s30 =	simm.s32 $0x0;
	v1 =	vld [tilespmem:s26+$0x220]  }
.LBB2_2:
0x103: {  	p0 =	sne.s32 s29, $0x1F80  }
0x104: {  	v2 =	vld [tilespmem:s26+$0x210];
	s30 =	sadd.s32 $0x200, s30;
	s0 =	smov.u32 s29;
	s29 =	sadd.s32 $0x80, s29  }
0x105: {  	v3 =	vld [tilespmem:s26+$0x200];
	_ =	sdelay $0x1  }
0x106: {  	vm0 =	veq.s32 v0, $0x1  }
0x107: {  	vm1 =	veq.s32 v0, $0x0  }
0x108: {  	v0 =	vsel vm0, v2, v1  }
0x109: {  	v0 =	vsel vm1, v3, v0  }
0x10a: {  	[tilespmem:s28+$0x2E40] =	vst v0  }
0x10b: {  	v0 =	vld [tilespmem:$0x1D0]  }
0x10c: {  	v1 =	vld [tilespmem:s26+$0x210]  }
0x10d: {  	v2 =	vld [tilespmem:s26+$0x220]  }
0x10e: {  	v3 =	vld [tilespmem:s26+$0x200];
	_ =	sdelay $0x1  }
0x10f: {  	vm0 =	veq.s32 v0, $0x1  }
0x110: {  	vm1 =	veq.s32 v0, $0x0  }
0x111: {  	v0 =	vsel vm0, v1, v2  }
0x112: {  	v0 =	vsel vm1, v3, v0  }
0x113: {  	[tilespmem:s28+$0x2E50] =	vst v0  }
0x114: {  	v0 =	vld [tilespmem:$0x1E0]  }
0x115: {  	v1 =	vld [tilespmem:s26+$0x210]  }
0x116: {  	v2 =	vld [tilespmem:s26+$0x220]  }
0x117: {  	v3 =	vld [tilespmem:s26+$0x200];
	_ =	sdelay $0x1  }
0x118: {  	vm0 =	veq.s32 v0, $0x1  }
0x119: {  	vm1 =	veq.s32 v0, $0x0  }
0x11a: {  	v0 =	vsel vm0, v1, v2  }
0x11b: {  	v0 =	vsel vm1, v3, v0  }
0x11c: {  	[tilespmem:s28+$0x2E60] =	vst v0  }
0x11d: {  	v0 =	vld [tilespmem:$0x1F0]  }
0x11e: {  	v1 =	vld [tilespmem:s26+$0x210]  }
0x11f: {  	v2 =	vld [tilespmem:s26+$0x220]  }
0x120: {  	v3 =	vld [tilespmem:s26+$0x200];
	_ =	sdelay $0x1  }
0x121: {  	vm0 =	veq.s32 v0, $0x1;
	_ =	sdelay $0x1  }
0x122: {  	vm1 =	veq.s32 v0, $0x0;
	v0 =	vsel vm0, v1, v2  }
0x123: {  	v0 =	vsel vm1, v3, v0  }
0x124: {  	s26 =	sshra.s32 s30, $0x2;
	[tilespmem:s28+$0x2E70] =	vst v0  }
0x125: {  	v0 =	vld [tilespmem:$0x0]  }
0x126: {  	v1 =	vld [tilespmem:s26+$0x210]  }
0x127: {  	v2 =	vld [tilespmem:s26+$0x220]  }
0x128: {  	v3 =	vld [tilespmem:s26+$0x200];
	_ =	sdelay $0x2  }
0x129: {  	vm0 =	veq.s32 v0, $0x1  }
0x12a: {  	s2 =	sand.u32 $0x7000, s30;
	s0 =	sand.u32 $0x380, s0;
	vm1 =	veq.s32 v0, $0x0;
	v0 =	vsel vm0, v1, v2  }
0x12b: {  	s28 =	sor.u32 s0, s2;
	v0 =	vsel vm1, v3, v0  }
0x12c: {  	[tilespmem:s28+$0x2200] =	vst v0  }
0x12d: {  	v0 =	vld [tilespmem:s26+$0x220]  }
0x12e: {  	v1 =	vld [tilespmem:$0x10]  }
0x12f: {  	v2 =	vld [tilespmem:s26+$0x210]  }
0x130: {  	v3 =	vld [tilespmem:s26+$0x200];
	_ =	sdelay $0x2  }
0x131: {  	vm0 =	veq.s32 v1, $0x1  }
0x132: {  	vm1 =	veq.s32 v1, $0x0;
	v0 =	vsel vm0, v2, v0  }
0x133: {  	v0 =	vsel vm1, v3, v0  }
0x134: {  	[tilespmem:s28+$0x2210] =	vst v0  }
0x135: {  	v0 =	vld [tilespmem:s26+$0x220]  }
0x136: {  	v1 =	vld [tilespmem:$0x20]  }
0x137: {  	v2 =	vld [tilespmem:s26+$0x210]  }
0x138: {  	v3 =	vld [tilespmem:s26+$0x200];
	_ =	sdelay $0x2  }
0x139: {  	vm0 =	veq.s32 v1, $0x1  }
0x13a: {  	vm1 =	veq.s32 v1, $0x0;
	v0 =	vsel vm0, v2, v0  }
0x13b: {  	v0 =	vsel vm1, v3, v0  }
0x13c: {  	[tilespmem:s28+$0x2220] =	vst v0  }
0x13d: {  	v0 =	vld [tilespmem:s26+$0x220]  }
0x13e: {  	v1 =	vld [tilespmem:$0x30]  }
0x13f: {  	v2 =	vld [tilespmem:s26+$0x210]  }
0x140: {  	v3 =	vld [tilespmem:s26+$0x200];
	_ =	sdelay $0x2  }
0x141: {  	vm0 =	veq.s32 v1, $0x1  }
0x142: {  	vm1 =	veq.s32 v1, $0x0;
	v0 =	vsel vm0, v2, v0  }
0x143: {  	v0 =	vsel vm1, v3, v0  }
0x144: {  	[tilespmem:s28+$0x2230] =	vst v0  }
0x145: {  	v0 =	vld [tilespmem:s26+$0x220]  }
0x146: {  	v1 =	vld [tilespmem:$0x40]  }
0x147: {  	v2 =	vld [tilespmem:s26+$0x210]  }
0x148: {  	v3 =	vld [tilespmem:s26+$0x200];
	_ =	sdelay $0x2  }
0x149: {  	vm0 =	veq.s32 v1, $0x1  }
0x14a: {  	vm1 =	veq.s32 v1, $0x0;
	v0 =	vsel vm0, v2, v0  }
0x14b: {  	v0 =	vsel vm1, v3, v0  }
0x14c: {  	[tilespmem:s28+$0x2240] =	vst v0  }
0x14d: {  	v0 =	vld [tilespmem:s26+$0x210]  }
0x14e: {  	v1 =	vld [tilespmem:s26+$0x220]  }
0x14f: {  	v2 =	vld [tilespmem:$0x50]  }
0x150: {  	v3 =	vld [tilespmem:s26+$0x200];
	_ =	sdelay $0x3  }
0x151: {  	vm0 =	veq.s32 v2, $0x1  }
0x152: {  	vm1 =	veq.s32 v2, $0x0;
	v0 =	vsel vm0, v0, v1  }
0x153: {  	v0 =	vsel vm1, v3, v0  }
0x154: {  	[tilespmem:s28+$0x2250] =	vst v0  }
0x155: {  	v0 =	vld [tilespmem:s26+$0x210]  }
0x156: {  	v1 =	vld [tilespmem:s26+$0x220]  }
0x157: {  	v2 =	vld [tilespmem:$0x60]  }
0x158: {  	v3 =	vld [tilespmem:s26+$0x200];
	_ =	sdelay $0x3  }
0x159: {  	vm0 =	veq.s32 v2, $0x1  }
0x15a: {  	vm1 =	veq.s32 v2, $0x0;
	v0 =	vsel vm0, v0, v1  }
0x15b: {  	v0 =	vsel vm1, v3, v0  }
0x15c: {  	[tilespmem:s28+$0x2260] =	vst v0  }
0x15d: {  	v0 =	vld [tilespmem:s26+$0x210]  }
0x15e: {  	v1 =	vld [tilespmem:$0x70]  }
0x15f: {  	v2 =	vld [tilespmem:s26+$0x220]  }
0x160: {  	v3 =	vld [tilespmem:s26+$0x200];
	_ =	sdelay $0x2  }
0x161: {  	vm0 =	veq.s32 v1, $0x1  }
0x162: {  	vm1 =	veq.s32 v1, $0x0;
	v0 =	vsel vm0, v0, v2  }
0x163: {  	v0 =	vsel vm1, v3, v0  }
0x164: {  	[tilespmem:s28+$0x2270] =	vst v0  }
0x165: {  	v0 =	vld [tilespmem:s26+$0x220]  }
0x166: {  	v1 =	vld [tilespmem:$0x80]  }
0x167: {  	v2 =	vld [tilespmem:s26+$0x210]  }
0x168: {  	v3 =	vld [tilespmem:s26+$0x200];
	_ =	sdelay $0x2  }
0x169: {  	vm0 =	veq.s32 v1, $0x1  }
0x16a: {  	vm1 =	veq.s32 v1, $0x0;
	v0 =	vsel vm0, v2, v0  }
0x16b: {  	v0 =	vsel vm1, v3, v0  }
0x16c: {  	[tilespmem:s28+$0x2600] =	vst v0  }
0x16d: {  	v0 =	vld [tilespmem:s26+$0x210]  }
0x16e: {  	v1 =	vld [tilespmem:$0x90]  }
0x16f: {  	v2 =	vld [tilespmem:s26+$0x220]  }
0x170: {  	v3 =	vld [tilespmem:s26+$0x200];
	_ =	sdelay $0x2  }
0x171: {  	vm0 =	veq.s32 v1, $0x1  }
0x172: {  	vm1 =	veq.s32 v1, $0x0;
	v0 =	vsel vm0, v0, v2  }
0x173: {  	v0 =	vsel vm1, v3, v0  }
0x174: {  	[tilespmem:s28+$0x2610] =	vst v0  }
0x175: {  	v0 =	vld [tilespmem:s26+$0x220]  }
0x176: {  	v1 =	vld [tilespmem:$0xA0]  }
0x177: {  	v2 =	vld [tilespmem:s26+$0x210]  }
0x178: {  	v3 =	vld [tilespmem:s26+$0x200];
	_ =	sdelay $0x2  }
0x179: {  	vm0 =	veq.s32 v1, $0x1  }
0x17a: {  	vm1 =	veq.s32 v1, $0x0;
	v0 =	vsel vm0, v2, v0  }
0x17b: {  	v0 =	vsel vm1, v3, v0  }
0x17c: {  	[tilespmem:s28+$0x2620] =	vst v0  }
0x17d: {  	v0 =	vld [tilespmem:s26+$0x220]  }
0x17e: {  	v1 =	vld [tilespmem:$0xB0]  }
0x17f: {  	v2 =	vld [tilespmem:s26+$0x210]  }
0x180: {  	v3 =	vld [tilespmem:s26+$0x200];
	_ =	sdelay $0x2  }
0x181: {  	vm0 =	veq.s32 v1, $0x1  }
0x182: {  	vm1 =	veq.s32 v1, $0x0;
	v0 =	vsel vm0, v2, v0  }
0x183: {  	v0 =	vsel vm1, v3, v0  }
0x184: {  	[tilespmem:s28+$0x2630] =	vst v0  }
0x185: {  	v0 =	vld [tilespmem:s26+$0x220]  }
0x186: {  	v1 =	vld [tilespmem:$0xC0]  }
0x187: {  	v2 =	vld [tilespmem:s26+$0x210]  }
0x188: {  	v3 =	vld [tilespmem:s26+$0x200];
	_ =	sdelay $0x2  }
0x189: {  	vm0 =	veq.s32 v1, $0x1  }
0x18a: {  	vm1 =	veq.s32 v1, $0x0;
	v0 =	vsel vm0, v2, v0  }
0x18b: {  	v0 =	vsel vm1, v3, v0  }
0x18c: {  	[tilespmem:s28+$0x2640] =	vst v0  }
0x18d: {  	v0 =	vld [tilespmem:s26+$0x220]  }
0x18e: {  	v1 =	vld [tilespmem:$0xD0]  }
0x18f: {  	v2 =	vld [tilespmem:s26+$0x210]  }
0x190: {  	v3 =	vld [tilespmem:s26+$0x200];
	_ =	sdelay $0x2  }
0x191: {  	vm0 =	veq.s32 v1, $0x1  }
0x192: {  	vm1 =	veq.s32 v1, $0x0;
	v0 =	vsel vm0, v2, v0  }
0x193: {  	v0 =	vsel vm1, v3, v0  }
0x194: {  	[tilespmem:s28+$0x2650] =	vst v0  }
0x195: {  	v0 =	vld [tilespmem:s26+$0x220]  }
0x196: {  	v1 =	vld [tilespmem:$0xE0]  }
0x197: {  	v2 =	vld [tilespmem:s26+$0x210]  }
0x198: {  	v3 =	vld [tilespmem:s26+$0x200];
	_ =	sdelay $0x2  }
0x199: {  	vm0 =	veq.s32 v1, $0x1  }
0x19a: {  	vm1 =	veq.s32 v1, $0x0;
	v0 =	vsel vm0, v2, v0  }
0x19b: {  	v0 =	vsel vm1, v3, v0  }
0x19c: {  	[tilespmem:s28+$0x2660] =	vst v0  }
0x19d: {  	v0 =	vld [tilespmem:s26+$0x210]  }
0x19e: {  	v1 =	vld [tilespmem:$0xF0]  }
0x19f: {  	v2 =	vld [tilespmem:s26+$0x220]  }
0x1a0: {  	v3 =	vld [tilespmem:s26+$0x200];
	_ =	sdelay $0x2  }
0x1a1: {  	vm0 =	veq.s32 v1, $0x1  }
0x1a2: {  	vm1 =	veq.s32 v1, $0x0;
	v0 =	vsel vm0, v0, v2  }
0x1a3: {  	v0 =	vsel vm1, v3, v0  }
0x1a4: {  	[tilespmem:s28+$0x2670] =	vst v0  }
0x1a5: {  	v0 =	vld [tilespmem:s26+$0x210]  }
0x1a6: {  	v1 =	vld [tilespmem:$0x100]  }
0x1a7: {  	v2 =	vld [tilespmem:s26+$0x220]  }
0x1a8: {  	v3 =	vld [tilespmem:s26+$0x200];
	_ =	sdelay $0x2  }
0x1a9: {  	vm0 =	veq.s32 v1, $0x1  }
0x1aa: {  	vm1 =	veq.s32 v1, $0x0;
	v0 =	vsel vm0, v0, v2  }
0x1ab: {  	v0 =	vsel vm1, v3, v0  }
0x1ac: {  	[tilespmem:s28+$0x2A00] =	vst v0  }
0x1ad: {  	v0 =	vld [tilespmem:s26+$0x210]  }
0x1ae: {  	v1 =	vld [tilespmem:$0x110]  }
0x1af: {  	v2 =	vld [tilespmem:s26+$0x220]  }
0x1b0: {  	v3 =	vld [tilespmem:s26+$0x200];
	_ =	sdelay $0x2  }
0x1b1: {  	vm0 =	veq.s32 v1, $0x1  }
0x1b2: {  	vm1 =	veq.s32 v1, $0x0;
	v0 =	vsel vm0, v0, v2  }
0x1b3: {  	v0 =	vsel vm1, v3, v0  }
0x1b4: {  	[tilespmem:s28+$0x2A10] =	vst v0  }
0x1b5: {  	v0 =	vld [tilespmem:s26+$0x210]  }
0x1b6: {  	v1 =	vld [tilespmem:$0x120]  }
0x1b7: {  	v2 =	vld [tilespmem:s26+$0x220]  }
0x1b8: {  	v3 =	vld [tilespmem:s26+$0x200];
	_ =	sdelay $0x2  }
0x1b9: {  	vm0 =	veq.s32 v1, $0x1  }
0x1ba: {  	vm1 =	veq.s32 v1, $0x0;
	v0 =	vsel vm0, v0, v2  }
0x1bb: {  	v0 =	vsel vm1, v3, v0  }
0x1bc: {  	[tilespmem:s28+$0x2A20] =	vst v0  }
0x1bd: {  	v0 =	vld [tilespmem:s26+$0x210]  }
0x1be: {  	v1 =	vld [tilespmem:s26+$0x220]  }
0x1bf: {  	v2 =	vld [tilespmem:$0x130]  }
0x1c0: {  	v3 =	vld [tilespmem:s26+$0x200];
	_ =	sdelay $0x3  }
0x1c1: {  	vm0 =	veq.s32 v2, $0x1  }
0x1c2: {  	vm1 =	veq.s32 v2, $0x0;
	v0 =	vsel vm0, v0, v1  }
0x1c3: {  	v0 =	vsel vm1, v3, v0  }
0x1c4: {  	[tilespmem:s28+$0x2A30] =	vst v0  }
0x1c5: {  	v0 =	vld [tilespmem:s26+$0x220]  }
0x1c6: {  	v1 =	vld [tilespmem:s26+$0x210]  }
0x1c7: {  	v2 =	vld [tilespmem:$0x140]  }
0x1c8: {  	v3 =	vld [tilespmem:s26+$0x200];
	_ =	sdelay $0x3  }
0x1c9: {  	vm0 =	veq.s32 v2, $0x1  }
0x1ca: {  	vm1 =	veq.s32 v2, $0x0;
	v0 =	vsel vm0, v1, v0  }
0x1cb: {  	v0 =	vsel vm1, v3, v0  }
0x1cc: {  	[tilespmem:s28+$0x2A40] =	vst v0  }
0x1cd: {  	v0 =	vld [tilespmem:s26+$0x220]  }
0x1ce: {  	v1 =	vld [tilespmem:$0x150]  }
0x1cf: {  	v2 =	vld [tilespmem:s26+$0x210]  }
0x1d0: {  	v3 =	vld [tilespmem:s26+$0x200];
	_ =	sdelay $0x2  }
0x1d1: {  	vm0 =	veq.s32 v1, $0x1  }
0x1d2: {  	vm1 =	veq.s32 v1, $0x0;
	v0 =	vsel vm0, v2, v0  }
0x1d3: {  	v0 =	vsel vm1, v3, v0  }
0x1d4: {  	[tilespmem:s28+$0x2A50] =	vst v0  }
0x1d5: {  	v0 =	vld [tilespmem:s26+$0x210]  }
0x1d6: {  	v1 =	vld [tilespmem:$0x160]  }
0x1d7: {  	v2 =	vld [tilespmem:s26+$0x220]  }
0x1d8: {  	v3 =	vld [tilespmem:s26+$0x200];
	_ =	sdelay $0x2  }
0x1d9: {  	vm0 =	veq.s32 v1, $0x1  }
0x1da: {  	vm1 =	veq.s32 v1, $0x0;
	v0 =	vsel vm0, v0, v2  }
0x1db: {  	v0 =	vsel vm1, v3, v0  }
0x1dc: {  	[tilespmem:s28+$0x2A60] =	vst v0  }
0x1dd: {  	v0 =	vld [tilespmem:s26+$0x210]  }
0x1de: {  	v1 =	vld [tilespmem:$0x170]  }
0x1df: {  	v2 =	vld [tilespmem:s26+$0x220]  }
0x1e0: {  	v3 =	vld [tilespmem:s26+$0x200];
	_ =	sdelay $0x2  }
0x1e1: {  	vm0 =	veq.s32 v1, $0x1  }
0x1e2: {  	vm1 =	veq.s32 v1, $0x0;
	v0 =	vsel vm0, v0, v2  }
0x1e3: {  	v0 =	vsel vm1, v3, v0  }
0x1e4: {  	[tilespmem:s28+$0x2A70] =	vst v0  }
0x1e5: {  	v0 =	vld [tilespmem:s26+$0x220]  }
0x1e6: {  	v1 =	vld [tilespmem:$0x180]  }
0x1e7: {  	v2 =	vld [tilespmem:s26+$0x210]  }
0x1e8: {  	v3 =	vld [tilespmem:s26+$0x200];
	_ =	sdelay $0x2  }
0x1e9: {  	vm0 =	veq.s32 v1, $0x1  }
0x1ea: {  	vm1 =	veq.s32 v1, $0x0;
	v0 =	vsel vm0, v2, v0  }
0x1eb: {  	v0 =	vsel vm1, v3, v0  }
0x1ec: {  	[tilespmem:s28+$0x2E00] =	vst v0  }
0x1ed: {  	v0 =	vld [tilespmem:s26+$0x220]  }
0x1ee: {  	v1 =	vld [tilespmem:$0x190]  }
0x1ef: {  	v2 =	vld [tilespmem:s26+$0x210]  }
0x1f0: {  	v3 =	vld [tilespmem:s26+$0x200];
	_ =	sdelay $0x2  }
0x1f1: {  	vm0 =	veq.s32 v1, $0x1  }
0x1f2: {  	vm1 =	veq.s32 v1, $0x0;
	v0 =	vsel vm0, v2, v0  }
0x1f3: {  	v0 =	vsel vm1, v3, v0  }
0x1f4: {  	[tilespmem:s28+$0x2E10] =	vst v0  }
0x1f5: {  	v0 =	vld [tilespmem:s26+$0x210]  }
0x1f6: {  	v1 =	vld [tilespmem:$0x1A0]  }
0x1f7: {  	v2 =	vld [tilespmem:s26+$0x220]  }
0x1f8: {  	v3 =	vld [tilespmem:s26+$0x200];
	_ =	sdelay $0x2  }
0x1f9: {  	vm0 =	veq.s32 v1, $0x1  }
0x1fa: {  	vm1 =	veq.s32 v1, $0x0;
	v0 =	vsel vm0, v0, v2  }
0x1fb: {  	v0 =	vsel vm1, v3, v0  }
0x1fc: {  	[tilespmem:s28+$0x2E20] =	vst v0  }
0x1fd: {  	v0 =	vld [tilespmem:s26+$0x210]  }
0x1fe: {  	v1 =	vld [tilespmem:$0x1B0]  }
0x1ff: {  	v2 =	vld [tilespmem:s26+$0x220]  }
0x200: {  	v3 =	vld [tilespmem:s26+$0x200];
	_ =	sdelay $0x2  }
0x201: {  	vm0 =	veq.s32 v1, $0x0;
	vm1 =	veq.s32 v1, $0x1  }
.Ltmp2:
0x202: {  	v0 =	vsel vm1, v0, v2;
	(pc) =	sbr.rel @p0 .LBB2_2-.Ltmp2, $4  }
0x203: {  	v0 =	vsel vm0, v3, v0  }
0x204: {  	[tilespmem:s28+$0x2E30] =	vst v0  }
0x205: {  	v0 =	vld [tilespmem:$0x1C0]  }
0x206: {  	v1 =	vld [tilespmem:s26+$0x220]  }
0x207: {  	v2 =	vld [tilespmem:s26+$0x210]  }
0x208: {  	v3 =	vld [tilespmem:s26+$0x200];
	_ =	sdelay $0x2  }
0x209: {  	vm0 =	veq.s32 v0, $0x1  }
0x20a: {  	vm1 =	veq.s32 v0, $0x0;
	v20 =	vsel vm0, v2, v1  }
0x20b: {  	v0 =	vsel vm1, v3, v20  }
0x20c: {  	[tilespmem:s28+$0x2E40] =	vst v0  }
0x20d: {  	v0 =	vld [tilespmem:$0x1D0]  }
0x20e: {  	v21 =	vld [tilespmem:s26+$0x210]  }
0x20f: {  	v22 =	vld [tilespmem:s26+$0x220]  }
0x210: {  	v23 =	vld [tilespmem:s26+$0x200];
	_ =	sdelay $0x2  }
0x211: {  	vm9 =	veq.s32 v0, $0x1  }
0x212: {  	vm10 =	veq.s32 v0, $0x0;
	v24 =	vsel vm9, v21, v22  }
0x213: {  	v0 =	vsel vm10, v23, v24  }
0x214: {  	[tilespmem:s28+$0x2E50] =	vst v0  }
0x215: {  	v0 =	vld [tilespmem:$0x1E0]  }
0x216: {  	v25 =	vld [tilespmem:s26+$0x210]  }
0x217: {  	v26 =	vld [tilespmem:s26+$0x220]  }
0x218: {  	v27 =	vld [tilespmem:s26+$0x200];
	_ =	sdelay $0x2  }
0x219: {  	vm11 =	veq.s32 v0, $0x1  }
0x21a: {  	vm12 =	veq.s32 v0, $0x0;
	v28 =	vsel vm11, v25, v26  }
0x21b: {  	v0 =	vsel vm12, v27, v28  }
0x21c: {  	[tilespmem:s28+$0x2E60] =	vst v0  }
0x21d: {  	v0 =	vld [tilespmem:$0x1F0]  }
0x21e: {  	v29 =	vld [tilespmem:s26+$0x210]  }
0x21f: {  	v30 =	vld [tilespmem:s26+$0x220]  }
0x220: {  	v31 =	vld [tilespmem:s26+$0x200];
	_ =	sdelay $0x2  }
0x221: {  	vm13 =	veq.s32 v0, $0x1  }
0x222: {  	vm14 =	veq.s32 v0, $0x0;
	v32 =	vsel vm13, v29, v30  }
0x223: {  	v0 =	vsel vm14, v31, v32  }
0x224: {  	[tilespmem:s28+$0x2E70] =	vst v0  }
0x225: {  	v0 =	vld [tilespmem:$0x0]  }
0x226: {  	v33 =	vld [tilespmem:$0x10];
	_ =	sdelay $0x1  }
0x227: {  	v34 =	vld [tilespmem:$0x20];
	_ =	sdelay $0x1  }
0x228: {  	v35 =	vld [tilespmem:$0x30]  }
0x229: {  	vm15 =	vgt.s32 v0, v33  }
0x22a: {  	v5 =	vld [tilespmem:$0x40];
	v4 =	vsel vm15, v33, v0  }
0x22b: {  	v0 =	vsel vm15, v0, v33;
	vm4 =	vlt.s32 v4, v34  }
0x22c: {  	v37 =	vld [tilespmem:$0x50];
	vm5 =	vgt.s32 v0, v34;
	v36 =	vsel vm4, v4, v34  }
0x22d: {  	v0 =	vsel vm5, v0, v34;
	vm6 =	vlt.s32 v36, v35  }
0x22e: {  	v38 =	vld [tilespmem:$0x60];
	vm7 =	vgt.s32 v0, v35;
	v1 =	vsel vm6, v36, v35  }
0x22f: {  	v0 =	vsel vm7, v0, v35;
	vm8 =	vlt.s32 v1, v5  }
0x230: {  	v39 =	vld [tilespmem:$0x70];
	vm9 =	vgt.s32 v0, v5;
	v1 =	vsel vm8, v1, v5  }
0x231: {  	v0 =	vsel vm9, v0, v5;
	vm10 =	vlt.s32 v1, v37  }
0x232: {  	v40 =	vld [tilespmem:$0x80];
	vm11 =	vgt.s32 v0, v37;
	v1 =	vsel vm10, v1, v37  }
0x233: {  	v0 =	vsel vm11, v0, v37;
	vm12 =	vlt.s32 v1, v38  }
0x234: {  	v41 =	vld [tilespmem:$0x90];
	vm13 =	vgt.s32 v0, v38;
	v1 =	vsel vm12, v1, v38  }
0x235: {  	v0 =	vsel vm13, v0, v38;
	vm14 =	vlt.s32 v1, v39  }
0x236: {  	v42 =	vld [tilespmem:$0xA0];
	vm15 =	vgt.s32 v0, v39;
	v1 =	vsel vm14, v1, v39  }
0x237: {  	v0 =	vsel vm15, v0, v39;
	vm4 =	vlt.s32 v1, v40  }
0x238: {  	v43 =	vld [tilespmem:$0xB0];
	vm5 =	vgt.s32 v0, v40;
	v1 =	vsel vm4, v1, v40  }
0x239: {  	v0 =	vsel vm5, v0, v40;
	vm6 =	vlt.s32 v1, v41  }
0x23a: {  	v44 =	vld [tilespmem:$0xC0];
	vm7 =	vgt.s32 v0, v41;
	v1 =	vsel vm6, v1, v41  }
0x23b: {  	v0 =	vsel vm7, v0, v41;
	vm8 =	vlt.s32 v1, v42  }
0x23c: {  	v45 =	vld [tilespmem:$0xD0];
	vm9 =	vgt.s32 v0, v42;
	v1 =	vsel vm8, v1, v42  }
0x23d: {  	v0 =	vsel vm9, v0, v42;
	vm10 =	vlt.s32 v1, v43  }
0x23e: {  	v46 =	vld [tilespmem:$0xE0];
	vm11 =	vgt.s32 v0, v43;
	v1 =	vsel vm10, v1, v43  }
0x23f: {  	v0 =	vsel vm11, v0, v43;
	vm12 =	vlt.s32 v1, v44  }
0x240: {  	v47 =	vld [tilespmem:$0xF0];
	vm13 =	vgt.s32 v0, v44;
	v1 =	vsel vm12, v1, v44  }
0x241: {  	v0 =	vsel vm13, v0, v44;
	vm14 =	vlt.s32 v1, v45  }
0x242: {  	v48 =	vld [tilespmem:$0x100];
	vm15 =	vgt.s32 v0, v45;
	v1 =	vsel vm14, v1, v45  }
0x243: {  	v0 =	vsel vm15, v0, v45;
	vm4 =	vlt.s32 v1, v46  }
0x244: {  	v49 =	vld [tilespmem:$0x110];
	vm5 =	vgt.s32 v0, v46;
	v1 =	vsel vm4, v1, v46  }
0x245: {  	v0 =	vsel vm5, v0, v46;
	vm6 =	vlt.s32 v1, v47  }
0x246: {  	v50 =	vld [tilespmem:$0x120];
	vm7 =	vgt.s32 v0, v47;
	v1 =	vsel vm6, v1, v47  }
0x247: {  	v0 =	vsel vm7, v0, v47;
	vm8 =	vlt.s32 v1, v48  }
0x248: {  	v51 =	vld [tilespmem:$0x130];
	vm9 =	vgt.s32 v0, v48;
	v1 =	vsel vm8, v1, v48  }
0x249: {  	v0 =	vsel vm9, v0, v48;
	vm10 =	vlt.s32 v1, v49  }
0x24a: {  	v52 =	vld [tilespmem:$0x140];
	vm11 =	vgt.s32 v0, v49;
	v1 =	vsel vm10, v1, v49  }
0x24b: {  	v0 =	vsel vm11, v0, v49;
	vm12 =	vlt.s32 v1, v50  }
0x24c: {  	v53 =	vld [tilespmem:$0x150];
	vm13 =	vgt.s32 v0, v50;
	v1 =	vsel vm12, v1, v50  }
0x24d: {  	v0 =	vsel vm13, v0, v50;
	vm14 =	vlt.s32 v1, v51  }
0x24e: {  	v54 =	vld [tilespmem:$0x160];
	vm15 =	vgt.s32 v0, v51;
	v1 =	vsel vm14, v1, v51  }
0x24f: {  	v0 =	vsel vm15, v0, v51;
	vm4 =	vlt.s32 v1, v52  }
0x250: {  	v55 =	vld [tilespmem:$0x170];
	vm5 =	vgt.s32 v0, v52;
	v1 =	vsel vm4, v1, v52  }
0x251: {  	v0 =	vsel vm5, v0, v52;
	vm6 =	vlt.s32 v1, v53  }
0x252: {  	v56 =	vld [tilespmem:$0x180];
	vm7 =	vgt.s32 v0, v53;
	v1 =	vsel vm6, v1, v53  }
0x253: {  	v0 =	vsel vm7, v0, v53;
	vm8 =	vlt.s32 v1, v54  }
0x254: {  	v57 =	vld [tilespmem:$0x190];
	vm9 =	vgt.s32 v0, v54;
	v1 =	vsel vm8, v1, v54  }
0x255: {  	v0 =	vsel vm9, v0, v54;
	vm10 =	vlt.s32 v1, v55  }
0x256: {  	v58 =	vld [tilespmem:$0x1A0];
	vm11 =	vgt.s32 v0, v55;
	v1 =	vsel vm10, v1, v55  }
0x257: {  	v0 =	vsel vm11, v0, v55;
	vm12 =	vlt.s32 v1, v56  }
0x258: {  	v59 =	vld [tilespmem:$0x1B0];
	vm13 =	vgt.s32 v0, v56;
	v1 =	vsel vm12, v1, v56  }
0x259: {  	v0 =	vsel vm13, v0, v56;
	vm14 =	vlt.s32 v1, v57  }
0x25a: {  	v60 =	vld [tilespmem:$0x1C0];
	vm15 =	vgt.s32 v0, v57;
	v1 =	vsel vm14, v1, v57  }
0x25b: {  	v0 =	vsel vm15, v0, v57;
	vm4 =	vlt.s32 v1, v58  }
0x25c: {  	v61 =	vld [tilespmem:$0x1D0];
	vm5 =	vgt.s32 v0, v58;
	v1 =	vsel vm4, v1, v58  }
0x25d: {  	v0 =	vsel vm5, v0, v58;
	vm6 =	vlt.s32 v1, v59  }
0x25e: {  	v62 =	vld [tilespmem:$0x1E0];
	vm7 =	vgt.s32 v0, v59;
	v1 =	vsel vm6, v1, v59  }
0x25f: {  	v0 =	vsel vm7, v0, v59;
	vm8 =	vlt.s32 v1, v60  }
0x260: {  	v63 =	vld [tilespmem:$0x1F0];
	vm9 =	vgt.s32 v0, v60;
	v1 =	vsel vm8, v1, v60  }
0x261: {  	v0 =	vsel vm9, v0, v60;
	vm10 =	vlt.s32 v1, v61  }
0x262: {  	vm11 =	vgt.s32 v0, v61;
	v1 =	vsel vm10, v1, v61  }
0x263: {  	v0 =	vsel vm11, v0, v61;
	vm12 =	vlt.s32 v1, v62  }
0x264: {  	vm13 =	vgt.s32 v0, v62;
	v1 =	vsel vm12, v1, v62  }
0x265: {  	v0 =	vsel vm13, v0, v62;
	vm14 =	vlt.s32 v1, v63  }
0x266: {  	vm15 =	vgt.s32 v0, v63;
	v1 =	vsel vm14, v1, v63  }
0x267: {  	v0 =	vsel vm15, v0, v63;
	(v2sf) =	vpush v1, $0x0  }
0x268: {  	(v2sf) =	vpush v0, $0x0  }
0x269: {  	(v2sf) =	vpush v1, $0x1  }
0x26a: {  	(v2sf) =	vpush v0, $0x1  }
0x26b: {  	(v2sf) =	vpush v1, $0x2  }
0x26c: {  	(v2sf) =	vpush v0, $0x2;
	_ =	sdelay $0x1  }
0x26d: {  	(v2sf) =	vpush v1, $0x3  }
0x26e: {  	(v2sf) =	vpush v0, $0x3;
	_ =	sdelay $0x1  }
0x26f: {  	(v2sf) =	vpush v1, $0x4  }
0x270: {  	(v2sf) =	vpush v0, $0x4;
	_ =	sdelay $0x2  }
0x271: {  	[tilespmem:s17], [sflag:$0x1] =	stream.strided.gather [hbm4b:s10+s15], $0x8000, s16, s15, $0x38;
	(v2sf) =	vpush v1, $0x5;
	[tilespmem:$0x1A200] =	vst v63  }
0x272: {  	s0 =	spop (v2sf);
	(v2sf) =	vpush v0, $0x5  }
0x273: {  	s2 =	spop (v2sf);
	(v2sf) =	vpush v1, $0x6  }
0x274: {  	s3 =	spop (v2sf);
	(v2sf) =	vpush v0, $0x6  }
0x275: {  	s29 =	spop (v2sf);
	(v2sf) =	vpush v1, $0x7  }
0x276: {  	s30 =	spop (v2sf);
	(v2sf) =	vpush v0, $0x7  }
0x277: {  	p0 =	seq.s32 s3, s0;
	p1 =	seq.s32 s29, s0;
	s31 =	spop (v2sf);
	(v2sf) =	vpush v1, $0x8  }
0x278: {  	p2 =	seq.s32 s2, s0;
	p0 =	por !p0, !p1;
	p6 =	seq.s32 s30, s0;
	(v2sf) =	vpush v0, $0x8  }
0x279: {  	p0 =	por !p0, !p0;
	p3 =	seq.s32 s31, s0;
	s9 =	spop (v2sf)  }
0x27a: {  	p0 =	por !p2, !p0;
	p1 =	por !p6, !p3;
	(v2sf) =	vpush v1, $0x9;
	s14 =	spop (v2sf)  }
0x27b: {  	p3 =	seq.s32 s9, s0;
	p0 =	por !p0, !p0;
	p1 =	por !p1, !p1;
	(v2sf) =	vpush v0, $0x9  }
0x27c: {  	p4 =	seq.s32 s14, s0;
	s26 =	spop (v2sf);
	p0 =	por !p1, !p0;
	(v2sf) =	vpush v1, $0xA  }
0x27d: {  	p1 =	por !p3, !p4;
	s29 =	spop (v2sf);
	p5 =	seq.s32 s26, s0  }
0x27e: {  	(v2sf) =	vpush v0, $0xA;
	p0 =	por !p0, !p0;
	p1 =	por !p1, !p1;
	p6 =	seq.s32 s29, s0  }
0x27f: {  	(v2sf) =	vpush v1, $0xB;
	p0 =	por !p1, !p0;
	p4 =	por !p5, !p6  }
0x280: {  	s30 =	spop (v2sf);
	(v2sf) =	vpush v0, $0xB;
	p0 =	por !p0, !p0;
	p1 =	por !p4, !p4  }
0x281: {  	p5 =	seq.s32 s30, s0;
	p0 =	por !p1, !p0;
	s31 =	spop (v2sf)  }
0x282: {  	(v2sf) =	vpush v1, $0xC;
	p0 =	por !p0, !p0;
	p6 =	seq.s32 s31, s0;
	s3 =	spop (v2sf)  }
0x283: {  	s9 =	spop (v2sf);
	p1 =	por !p5, !p6;
	p4 =	seq.s32 s3, s0  }
0x284: {  	(v2sf) =	vpush v0, $0xC;
	p1 =	por !p1, !p1;
	s14 =	spop (v2sf);
	p5 =	seq.s32 s9, s0  }
0x285: {  	(v2sf) =	vpush v1, $0xD;
	s26 =	spop (v2sf);
	p0 =	por !p1, !p0;
	p3 =	seq.s32 s14, s0  }
0x286: {  	p4 =	por !p4, !p5;
	p6 =	seq.s32 s26, s0;
	s29 =	spop (v2sf)  }
0x287: {  	(v2sf) =	vpush v0, $0xD;
	p0 =	por !p0, !p0;
	p5 =	por !p4, !p4;
	s30 =	spop (v2sf)  }
0x288: {  	(v2sf) =	vpush v1, $0xE;
	p1 =	seq.s32 s29, s0;
	p0 =	por !p5, !p0;
	p2 =	por !p3, !p6  }
0x289: {  	(v2sf) =	vpush v0, $0xE;
	s31 =	spop (v2sf);
	p4 =	seq.s32 s30, s0;
	p5 =	por !p0, !p0  }
0x28a: {  	p6 =	por !p2, !p2;
	s9 =	spop (v2sf);
	p0 =	seq.s32 s31, s0  }
0x28b: {  	(v2sf) =	vpush v1, $0xF;
	p5 =	por !p6, !p5;
	p1 =	por !p1, !p4;
	s14 =	spop (v2sf)  }
0x28c: {  	(v2sf) =	vpush v0, $0xF;
	p3 =	seq.s32 s9, s0;
	p5 =	por !p5, !p5;
	p6 =	por !p1, !p1  }
0x28d: {  	s26 =	spop (v2sf);
	p2 =	seq.s32 s14, s0;
	p5 =	por !p6, !p5  }
0x28e: {  	p3 =	por !p0, !p3;
	s29 =	spop (v2sf);
	p4 =	seq.s32 s26, s0  }
0x28f: {  	p5 =	por !p5, !p5;
	p3 =	por !p3, !p3;
	s30 =	spop (v2sf)  }
0x290: {  	p1 =	seq.s32 s29, s0;
	p3 =	por !p3, !p5;
	p2 =	por !p2, !p4  }
0x291: {  	s31 =	spop (v2sf);
	p3 =	por !p3, !p3;
	p2 =	por !p2, !p2  }
0x292: {  	p6 =	seq.s32 s30, s0;
	p0 =	seq.s32 s31, s0;
	p2 =	por !p2, !p3  }
0x293: {  	p1 =	por !p1, !p6;
	s3 =	spop (v2sf);
	p2 =	por !p2, !p2  }
0x294: {  	p1 =	por !p1, !p1;
	p4 =	seq.s32 s3, s0;
	s9 =	spop (v2sf)  }
0x295: {  	p1 =	por !p1, !p2;
	p5 =	seq.s32 s9, s0;
	p0 =	por !p0, !p4  }
0x296: {  	s14 =	spop (v2sf);
	p1 =	por !p1, !p1;
	p0 =	por !p0, !p0  }
0x297: {  	p6 =	seq.s32 s14, s0;
	s26 =	spop (v2sf);
	p0 =	por !p0, !p1  }
0x298: {  	p4 =	por !p5, !p6;
	p5 =	seq.s32 s26, s0;
	s29 =	spop (v2sf)  }
0x299: {  	p0 =	por !p0, !p0;
	p1 =	por !p4, !p4;
	p6 =	seq.s32 s29, s0  }
0x29a: {  	s30 =	spop (v2sf);
	p0 =	por !p1, !p0;
	p3 =	por !p5, !p6  }
0x29b: {  	p4 =	seq.s32 s30, s0;
	p0 =	por !p0, !p0;
	s31 =	spop (v2sf)  }
.Ltmp3:
0x29c: {  	p1 =	por !p3, !p3;
	p5 =	seq.s32 s31, s0;
	(pc) =	sbr.rel .LBB2_4-.Ltmp3, $4  }
0x29d: {  	p0 =	por !p1, !p0;
	p6 =	por !p4, !p5  }
0x29e: {  	p0 =	por !p0, !p0;
	p1 =	por !p6, !p6  }
0x29f: {  	p0 =	por !p1, !p0  }
0x2a0: {  	s28 =	simm.s32 $0x0;
	s26 =	simm.s32 $0x0;
	p0 =	por !p0, !p0  }
.LBB2_17:
0x2a1: {  	[tilespmem:s3+$0x12A70] =	vst v13;
	v6 =	vadd.f32 v6, v10;
	v62 =	vld [tilespmem:s3+$0x12E60]  }
0x2a2: {  	[tilespmem:s3+$0x12E00] =	vst v12;
	v5 =	vadd.f32 v5, v9;
	v63 =	vld [tilespmem:s3+$0x12E70]  }
0x2a3: {  	v4 =	vadd.f32 v4, v7;
	[tilespmem:s3+$0x12E10] =	vst v6  }
0x2a4: {  	v3 =	vadd.f32 v3, v8;
	[tilespmem:s3+$0x12E20] =	vst v5  }
0x2a5: {  	v2 =	vadd.f32 v2, v11;
	[tilespmem:s3+$0x12E30] =	vst v4  }
0x2a6: {  	[tilespmem:s3+$0x12E40] =	vst v3;
	v1 =	vadd.f32 v1, v62  }
0x2a7: {  	[tilespmem:s3+$0x12E50] =	vst v2;
	v0 =	vadd.f32 v0, v63  }
0x2a8: {  	[tilespmem:s3+$0x12E60] =	vst v1  }
0x2a9: {  	[tilespmem:s3+$0x12E70] =	vst v0  }
.LBB2_18:
0x2aa: {  	s28 =	sadd.s32 $0x1, s28  }
0x2ab: {  	p1 =	sne.s32 s28, $0x20  }
.Ltmp4:
0x2ac: {  	_ = 	snop;
	(pc) =	sbr.rel @!p1 .LBB2_19-.Ltmp4, $3  }
0x2ad: {  	_ =	sdelay $0x1  }
0x2ae: {  	s0 =	sadd.s32 s5, s29  }
0x2af: {  	[hbm4b:s0+s15] =	stream.strided.scatter [tilespmem:s18], [sflag:$0x6], $0x8000, s16, s15, $0x38;
	[tilespmem:$0x1A200] =	vst v63  }
.LBB2_4:
0x2b0: {  	s0 =	sshll.u32 s28, $0x13  }
0x2b1: {  	p1 =	seq.s32 s28, $0x0;
	s30 =	sadd.s32 s7, s0  }
0x2b2: {  	s0 =	simm.s32 @!p1 $0x6;
	s2 =	sor.u32 s8, s30  }
0x2b3: {  	_ =	swait.ge @!p1 [sflag:s0], $0x8000;
	s31 =	sshrl.u32 s2, $0x3  }
0x2b4: {  	[sflag:s0] =	ssyncset.done @!p1 $0x0;
	s29 =	sor.u32 $0x8000, s31  }
0x2b5: {  	[sflag:s0] =	ssyncadd.s32 @!p1 $0xFFFF8000;
	s2 =	sadd.s32 s1, s29  }
0x2b6: {  	[tilespmem:s18], [sflag:$0x2] =	stream.strided.gather [hbm4b:s2+s15], $0x8000, s16, s15, $0x38;
	[tilespmem:$0x1A200] =	vst v63  }
0x2b7: {  	_ =	swait.ge [sflag:s19], $0x8000  }
0x2b8: {  	[sflag:s19] =	ssyncset.done $0x0  }
.Ltmp5:
0x2b9: {  	s3 =	sadd.s32 s4, s31;
	[sflag:s19] =	ssyncadd.s32 $0xFFFF8000;
	(pc) =	sbr.rel @!p0 .LBB2_8-.Ltmp5, $4  }
0x2ba: {  	[hbm4b:s3+s15] =	stream.strided.scatter [tilespmem:s17], [sflag:$0x3], $0x8000, s16, s15, $0x38;
	[tilespmem:$0x1A200] =	vst v63  }
0x2bb: {  	_ =	swait.ge [sflag:s20], $0x8000  }
0x2bc: {  	s9 =	sand.u32 $0x7000, s26;
	s14 =	sand.u32 $0x380, s26;
	[sflag:s20] =	ssyncset.done $0x0  }
0x2bd: {  	s3 =	sor.u32 s14, s9;
	[sflag:s20] =	ssyncadd.s32 $0xFFFF8000  }
0x2be: {  	v0 =	vld [tilespmem:s3+$0x2200]  }
0x2bf: {  	v1 =	vld [tilespmem:s3+$0xA200]  }
0x2c0: {  	v2 =	vld [tilespmem:s3+$0xA210]  }
0x2c1: {  	v3 =	vld [tilespmem:s3+$0xA220]  }
0x2c2: {  	v4 =	vld [tilespmem:s3+$0xA230]  }
0x2c3: {  	v5 =	vld [tilespmem:s3+$0xA240]  }
0x2c4: {  	v6 =	vld [tilespmem:s3+$0xA250];
	v1 =	vadd.f32 v1, v0  }
0x2c5: {  	v7 =	vld [tilespmem:s3+$0xA260];
	v2 =	vadd.f32 v2, v0  }
0x2c6: {  	v3 =	vadd.f32 v3, v0;
	[tilespmem:s3+$0xA200] =	vst v1;
	v1 =	vld [tilespmem:s3+$0xA270]  }
0x2c7: {  	v4 =	vadd.f32 v4, v0;
	[tilespmem:s3+$0xA210] =	vst v2;
	v2 =	vld [tilespmem:s3+$0xA600]  }
0x2c8: {  	v5 =	vadd.f32 v5, v0;
	[tilespmem:s3+$0xA220] =	vst v3;
	v3 =	vld [tilespmem:s3+$0xA610]  }
0x2c9: {  	v6 =	vadd.f32 v6, v0;
	[tilespmem:s3+$0xA230] =	vst v4;
	v4 =	vld [tilespmem:s3+$0xA620]  }
0x2ca: {  	v7 =	vadd.f32 v7, v0;
	[tilespmem:s3+$0xA240] =	vst v5;
	v5 =	vld [tilespmem:s3+$0xA630]  }
0x2cb: {  	[tilespmem:s3+$0xA250] =	vst v6;
	v6 =	vld [tilespmem:s3+$0xA640];
	v1 =	vadd.f32 v1, v0  }
0x2cc: {  	[tilespmem:s3+$0xA260] =	vst v7;
	v7 =	vld [tilespmem:s3+$0xA650];
	v2 =	vadd.f32 v2, v0  }
0x2cd: {  	v3 =	vadd.f32 v3, v0;
	[tilespmem:s3+$0xA270] =	vst v1;
	v1 =	vld [tilespmem:s3+$0xA660]  }
0x2ce: {  	v4 =	vadd.f32 v4, v0;
	[tilespmem:s3+$0xA600] =	vst v2;
	v2 =	vld [tilespmem:s3+$0xA670]  }
0x2cf: {  	v5 =	vadd.f32 v5, v0;
	[tilespmem:s3+$0xA610] =	vst v3;
	v3 =	vld [tilespmem:s3+$0xAA00]  }
0x2d0: {  	v6 =	vadd.f32 v6, v0;
	[tilespmem:s3+$0xA620] =	vst v4;
	v4 =	vld [tilespmem:s3+$0xAA10]  }
0x2d1: {  	v7 =	vadd.f32 v7, v0;
	[tilespmem:s3+$0xA630] =	vst v5;
	v5 =	vld [tilespmem:s3+$0xAA20]  }
0x2d2: {  	[tilespmem:s3+$0xA640] =	vst v6;
	v6 =	vld [tilespmem:s3+$0xAA30];
	v1 =	vadd.f32 v1, v0  }
0x2d3: {  	[tilespmem:s3+$0xA650] =	vst v7;
	v7 =	vld [tilespmem:s3+$0xAA40];
	v2 =	vadd.f32 v2, v0  }
0x2d4: {  	v3 =	vadd.f32 v3, v0;
	[tilespmem:s3+$0xA660] =	vst v1;
	v1 =	vld [tilespmem:s3+$0xAA50]  }
0x2d5: {  	v8 =	vld [tilespmem:s3+$0xAA60];
	[tilespmem:s3+$0xA670] =	vst v2;
	v2 =	vadd.f32 v4, v0  }
0x2d6: {  	v9 =	vld [tilespmem:s3+$0xAA70];
	[tilespmem:s3+$0xAA00] =	vst v3;
	v3 =	vadd.f32 v5, v0  }
0x2d7: {  	v5 =	vld [tilespmem:s3+$0xAE00];
	v4 =	vadd.f32 v6, v0;
	[tilespmem:s3+$0xAA10] =	vst v2  }
0x2d8: {  	v6 =	vadd.f32 v7, v0;
	[tilespmem:s3+$0xAA20] =	vst v3;
	v2 =	vld [tilespmem:s3+$0xAE10]  }
0x2d9: {  	[tilespmem:s3+$0xAA30] =	vst v4;
	v3 =	vld [tilespmem:s3+$0xAE20];
	v4 =	vadd.f32 v1, v0  }
0x2da: {  	[tilespmem:s3+$0xAA40] =	vst v6;
	v6 =	vadd.f32 v8, v0;
	v1 =	vld [tilespmem:s3+$0xAE30]  }
0x2db: {  	v7 =	vadd.f32 v9, v0;
	[tilespmem:s3+$0xAA50] =	vst v4;
	v4 =	vld [tilespmem:s3+$0xAE40]  }
0x2dc: {  	s0 =	simm.s32 $0x80;
	s2 =	simm.s32 $0x200;
	[tilespmem:s3+$0xAA60] =	vst v6;
	v6 =	vadd.f32 v5, v0;
	v5 =	vld [tilespmem:s3+$0xAE50]  }
.LBB2_6:
0x2dd: {  	s14 =	sand.u32 $0x7000, s2;
	s9 =	sand.u32 $0x380, s0;
	p1 =	seq.s32 s2, $0x7E00;
	[tilespmem:s3+$0xAA70] =	vst v7;
	v2 =	vadd.f32 v2, v0;
	v7 =	vld [tilespmem:s3+$0xAE60]  }
0x2de: {  	s9 =	sor.u32 s9, s14;
	[tilespmem:s3+$0xAE00] =	vst v6;
	v3 =	vadd.f32 v3, v0;
	v6 =	vld [tilespmem:s3+$0xAE70]  }
0x2df: {  	v8 =	vld [tilespmem:s9+$0x2200];
	[tilespmem:s3+$0xAE10] =	vst v2;
	v1 =	vadd.f32 v1, v0  }
0x2e0: {  	v2 =	vld [tilespmem:s9+$0xA200];
	[tilespmem:s3+$0xAE20] =	vst v3;
	v3 =	vadd.f32 v4, v0  }
0x2e1: {  	v4 =	vld [tilespmem:s9+$0xA210];
	[tilespmem:s3+$0xAE30] =	vst v1;
	v1 =	vadd.f32 v5, v0  }
0x2e2: {  	v5 =	vld [tilespmem:s9+$0xA220];
	[tilespmem:s3+$0xAE40] =	vst v3;
	v3 =	vadd.f32 v7, v0  }
0x2e3: {  	v7 =	vld [tilespmem:s9+$0xA230];
	[tilespmem:s3+$0xAE50] =	vst v1;
	v1 =	vadd.f32 v6, v0  }
0x2e4: {  	v6 =	vld [tilespmem:s9+$0xA240];
	[tilespmem:s3+$0xAE60] =	vst v3;
	v0 =	vmov v8  }
0x2e5: {  	v2 =	vadd.f32 v2, v0;
	v3 =	vld [tilespmem:s9+$0xA250];
	[tilespmem:s3+$0xAE70] =	vst v1;
	s3 =	smov.u32 s9  }
0x2e6: {  	v1 =	vadd.f32 v4, v0;
	v4 =	vld [tilespmem:s3+$0xA260]  }
0x2e7: {  	[tilespmem:s3+$0xA200] =	vst v2;
	v2 =	vadd.f32 v5, v0;
	v5 =	vld [tilespmem:s3+$0xA270]  }
0x2e8: {  	[tilespmem:s3+$0xA210] =	vst v1;
	v1 =	vadd.f32 v7, v0;
	v7 =	vld [tilespmem:s3+$0xA600]  }
0x2e9: {  	[tilespmem:s3+$0xA220] =	vst v2;
	v2 =	vadd.f32 v6, v0;
	v6 =	vld [tilespmem:s3+$0xA610]  }
0x2ea: {  	[tilespmem:s3+$0xA230] =	vst v1;
	v1 =	vadd.f32 v3, v0;
	v3 =	vld [tilespmem:s3+$0xA620]  }
0x2eb: {  	[tilespmem:s3+$0xA240] =	vst v2;
	v2 =	vadd.f32 v4, v0;
	v4 =	vld [tilespmem:s3+$0xA630]  }
0x2ec: {  	[tilespmem:s3+$0xA250] =	vst v1;
	v1 =	vadd.f32 v5, v0;
	v5 =	vld [tilespmem:s3+$0xA640]  }
0x2ed: {  	[tilespmem:s3+$0xA260] =	vst v2;
	v2 =	vadd.f32 v7, v0;
	v7 =	vld [tilespmem:s3+$0xA650]  }
0x2ee: {  	[tilespmem:s3+$0xA270] =	vst v1;
	v1 =	vadd.f32 v6, v0;
	v6 =	vld [tilespmem:s3+$0xA660]  }
0x2ef: {  	[tilespmem:s3+$0xA600] =	vst v2;
	v2 =	vadd.f32 v3, v0;
	v3 =	vld [tilespmem:s3+$0xA670]  }
0x2f0: {  	[tilespmem:s3+$0xA610] =	vst v1;
	v1 =	vadd.f32 v4, v0;
	v4 =	vld [tilespmem:s3+$0xAA00]  }
0x2f1: {  	[tilespmem:s3+$0xA620] =	vst v2;
	v2 =	vadd.f32 v5, v0;
	v5 =	vld [tilespmem:s3+$0xAA10]  }
0x2f2: {  	[tilespmem:s3+$0xA630] =	vst v1;
	v1 =	vadd.f32 v7, v0;
	v7 =	vld [tilespmem:s3+$0xAA20]  }
0x2f3: {  	[tilespmem:s3+$0xA640] =	vst v2;
	v2 =	vadd.f32 v6, v0;
	v6 =	vld [tilespmem:s3+$0xAA30]  }
0x2f4: {  	[tilespmem:s3+$0xA650] =	vst v1;
	v1 =	vadd.f32 v3, v0;
	v3 =	vld [tilespmem:s3+$0xAA40]  }
0x2f5: {  	[tilespmem:s3+$0xA660] =	vst v2;
	v2 =	vadd.f32 v4, v0;
	v4 =	vld [tilespmem:s3+$0xAA50]  }
0x2f6: {  	[tilespmem:s3+$0xA670] =	vst v1;
	v1 =	vadd.f32 v5, v0;
	v5 =	vld [tilespmem:s3+$0xAA60]  }
0x2f7: {  	[tilespmem:s3+$0xAA00] =	vst v2;
	v2 =	vadd.f32 v7, v0;
	v7 =	vld [tilespmem:s3+$0xAA70]  }
0x2f8: {  	[tilespmem:s3+$0xAA10] =	vst v1;
	v1 =	vadd.f32 v6, v0;
	v6 =	vld [tilespmem:s3+$0xAE00]  }
.Ltmp6:
0x2f9: {  	[tilespmem:s3+$0xAA20] =	vst v2;
	v8 =	vadd.f32 v3, v0;
	v2 =	vld [tilespmem:s3+$0xAE10];
	(pc) =	sbr.rel @!p1 .LBB2_6-.Ltmp6, $4  }
0x2fa: {  	[tilespmem:s3+$0xAA30] =	vst v1;
	v4 =	vadd.f32 v4, v0;
	v3 =	vld [tilespmem:s3+$0xAE20]  }
0x2fb: {  	[tilespmem:s3+$0xAA40] =	vst v8;
	v5 =	vadd.f32 v5, v0;
	v1 =	vld [tilespmem:s3+$0xAE30]  }
0x2fc: {  	[tilespmem:s3+$0xAA50] =	vst v4;
	v7 =	vadd.f32 v7, v0;
	v4 =	vld [tilespmem:s3+$0xAE40]  }
0x2fd: {  	s0 =	sadd.s32 $0x80, s0;
	s2 =	sadd.s32 $0x200, s2;
	[tilespmem:s3+$0xAA60] =	vst v5;
	v6 =	vadd.f32 v6, v0;
	v5 =	vld [tilespmem:s3+$0xAE50]  }
0x2fe: {  	[tilespmem:s3+$0xAA70] =	vst v7;
	v58 =	vld [tilespmem:s3+$0xAE60];
	v2 =	vadd.f32 v2, v0  }
0x2ff: {  	v59 =	vld [tilespmem:s3+$0xAE70];
	[tilespmem:s3+$0xAE00] =	vst v6;
	v3 =	vadd.f32 v3, v0  }
0x300: {  	[tilespmem:s3+$0xAE10] =	vst v2;
	v1 =	vadd.f32 v1, v0  }
0x301: {  	[tilespmem:s3+$0xAE20] =	vst v3;
	v60 =	vadd.f32 v4, v0  }
.Ltmp7:
0x302: {  	[tilespmem:s3+$0xAE30] =	vst v1;
	v61 =	vadd.f32 v5, v0;
	(pc) =	sbr.rel .LBB2_11-.Ltmp7, $4  }
0x303: {  	[tilespmem:s3+$0xAE40] =	vst v60;
	v62 =	vadd.f32 v58, v0  }
0x304: {  	v63 =	vadd.f32 v59, v0;
	[tilespmem:s3+$0xAE50] =	vst v61  }
0x305: {  	[tilespmem:s3+$0xAE60] =	vst v62  }
0x306: {  	[tilespmem:s3+$0xAE70] =	vst v63  }
.LBB2_8:
0x307: {  	v7 =	vld [tilespmem:s3+$0x2200]  }
0x308: {  	v8 =	vld [tilespmem:s3+$0x2210]  }
0x309: {  	v9 =	vld [tilespmem:s3+$0x2220]  }
0x30a: {  	v10 =	vld [tilespmem:s3+$0x2230]  }
0x30b: {  	v11 =	vld [tilespmem:s3+$0x2240]  }
0x30c: {  	v12 =	vld [tilespmem:s3+$0x2250]  }
0x30d: {  	v13 =	vld [tilespmem:s3+$0x2260]  }
0x30e: {  	v14 =	vld [tilespmem:s3+$0x2270]  }
0x30f: {  	v15 =	vld [tilespmem:s3+$0x2600]  }
0x310: {  	v16 =	vld [tilespmem:s3+$0x2610]  }
0x311: {  	v17 =	vld [tilespmem:s3+$0x2620]  }
0x312: {  	v18 =	vld [tilespmem:s3+$0x2630]  }
0x313: {  	v19 =	vld [tilespmem:s3+$0x2640]  }
0x314: {  	v20 =	vld [tilespmem:s3+$0x2650]  }
0x315: {  	v21 =	vld [tilespmem:s3+$0x2660]  }
0x316: {  	v22 =	vld [tilespmem:s3+$0x2670]  }
0x317: {  	v23 =	vld [tilespmem:s3+$0x2A00]  }
0x318: {  	v24 =	vld [tilespmem:s3+$0x2A10]  }
0x319: {  	v25 =	vld [tilespmem:s3+$0x2A20]  }
0x31a: {  	v26 =	vld [tilespmem:s3+$0x2A30]  }
0x31b: {  	v27 =	vld [tilespmem:s3+$0x2A40]  }
0x31c: {  	v28 =	vld [tilespmem:s3+$0x2A50]  }
0x31d: {  	v29 =	vld [tilespmem:s3+$0x2A60]  }
0x31e: {  	v30 =	vld [tilespmem:s3+$0x2A70]  }
0x31f: {  	v31 =	vld [tilespmem:s3+$0x2E00]  }
0x320: {  	v6 =	vld [tilespmem:s3+$0x2E10]  }
0x321: {  	v5 =	vld [tilespmem:s3+$0x2E20]  }
0x322: {  	v4 =	vld [tilespmem:s3+$0x2E30]  }
0x323: {  	v3 =	vld [tilespmem:s3+$0x2E40]  }
0x324: {  	v2 =	vld [tilespmem:s3+$0x2E50]  }
0x325: {  	v1 =	vld [tilespmem:s3+$0x2E60]  }
0x326: {  	v0 =	vld [tilespmem:s3+$0x2E70]  }
0x327: {  	v32 =	vld [tilespmem:s3+$0xA200]  }
0x328: {  	v33 =	vld [tilespmem:s3+$0xA210]  }
0x329: {  	v34 =	vld [tilespmem:s3+$0xA220]  }
0x32a: {  	v35 =	vld [tilespmem:s3+$0xA230]  }
0x32b: {  	v36 =	vld [tilespmem:s3+$0xA240]  }
0x32c: {  	v62 =	vld [tilespmem:s3+$0xA250];
	v7 =	vadd.f32 v7, v32  }
0x32d: {  	v63 =	vld [tilespmem:s3+$0xA260];
	v8 =	vadd.f32 v8, v33  }
0x32e: {  	[tilespmem:s3+$0xA200] =	vst v7;
	v7 =	vadd.f32 v9, v34;
	v9 =	vld [tilespmem:s3+$0xA270]  }
0x32f: {  	[tilespmem:s3+$0xA210] =	vst v8;
	v8 =	vadd.f32 v10, v35;
	v10 =	vld [tilespmem:s3+$0xA600]  }
0x330: {  	[tilespmem:s3+$0xA220] =	vst v7;
	v7 =	vadd.f32 v11, v36;
	v11 =	vld [tilespmem:s3+$0xA610]  }
0x331: {  	[tilespmem:s3+$0xA230] =	vst v8;
	v8 =	vadd.f32 v12, v62;
	v12 =	vld [tilespmem:s3+$0xA620]  }
0x332: {  	[tilespmem:s3+$0xA240] =	vst v7;
	v7 =	vadd.f32 v13, v63;
	v13 =	vld [tilespmem:s3+$0xA630]  }
0x333: {  	[tilespmem:s3+$0xA250] =	vst v8;
	v8 =	vadd.f32 v14, v9;
	v9 =	vld [tilespmem:s3+$0xA640]  }
0x334: {  	[tilespmem:s3+$0xA260] =	vst v7;
	v7 =	vadd.f32 v15, v10;
	v10 =	vld [tilespmem:s3+$0xA650]  }
0x335: {  	[tilespmem:s3+$0xA270] =	vst v8;
	v8 =	vadd.f32 v16, v11;
	v11 =	vld [tilespmem:s3+$0xA660]  }
0x336: {  	[tilespmem:s3+$0xA600] =	vst v7;
	v7 =	vadd.f32 v17, v12;
	v12 =	vld [tilespmem:s3+$0xA670]  }
0x337: {  	[tilespmem:s3+$0xA610] =	vst v8;
	v8 =	vadd.f32 v18, v13;
	v13 =	vld [tilespmem:s3+$0xAA00]  }
0x338: {  	[tilespmem:s3+$0xA620] =	vst v7;
	v7 =	vadd.f32 v19, v9;
	v9 =	vld [tilespmem:s3+$0xAA10]  }
0x339: {  	[tilespmem:s3+$0xA630] =	vst v8;
	v8 =	vadd.f32 v20, v10;
	v10 =	vld [tilespmem:s3+$0xAA20]  }
0x33a: {  	[tilespmem:s3+$0xA640] =	vst v7;
	v7 =	vadd.f32 v21, v11;
	v11 =	vld [tilespmem:s3+$0xAA30]  }
0x33b: {  	[tilespmem:s3+$0xA650] =	vst v8;
	v8 =	vadd.f32 v22, v12;
	v12 =	vld [tilespmem:s3+$0xAA40]  }
0x33c: {  	[tilespmem:s3+$0xA660] =	vst v7;
	v7 =	vadd.f32 v23, v13;
	v13 =	vld [tilespmem:s3+$0xAA50]  }
0x33d: {  	v14 =	vld [tilespmem:s3+$0xAA60];
	[tilespmem:s3+$0xA670] =	vst v8;
	v8 =	vadd.f32 v24, v9  }
0x33e: {  	v15 =	vld [tilespmem:s3+$0xAA70];
	[tilespmem:s3+$0xAA00] =	vst v7;
	v7 =	vadd.f32 v25, v10  }
0x33f: {  	[tilespmem:s3+$0xAA10] =	vst v8;
	v8 =	vadd.f32 v26, v11;
	v11 =	vld [tilespmem:s3+$0xAE00]  }
0x340: {  	v10 =	vld [tilespmem:s3+$0xAE10];
	[tilespmem:s3+$0xAA20] =	vst v7;
	v7 =	vadd.f32 v27, v12  }
0x341: {  	v9 =	vld [tilespmem:s3+$0xAE20];
	[tilespmem:s3+$0xAA30] =	vst v8;
	v8 =	vadd.f32 v28, v13  }
0x342: {  	v12 =	vadd.f32 v29, v14;
	[tilespmem:s3+$0xAA40] =	vst v7;
	v7 =	vld [tilespmem:s3+$0xAE30]  }
0x343: {  	v13 =	vadd.f32 v30, v15;
	[tilespmem:s3+$0xAA50] =	vst v8;
	v8 =	vld [tilespmem:s3+$0xAE40]  }
0x344: {  	s0 =	simm.s32 $0x80;
	s2 =	simm.s32 $0x200;
	[tilespmem:s3+$0xAA60] =	vst v12;
	v12 =	vadd.f32 v31, v11;
	v11 =	vld [tilespmem:s3+$0xAE50]  }
.LBB2_9:
0x345: {  	s9 =	sand.u32 $0x7000, s2;
	s14 =	sand.u32 $0x380, s0;
	p1 =	sne.s32 s2, $0x7E00;
	[tilespmem:s3+$0xAA70] =	vst v13;
	v6 =	vadd.f32 v6, v10;
	v10 =	vld [tilespmem:s3+$0xAE60]  }
0x346: {  	s9 =	sor.u32 s14, s9;
	[tilespmem:s3+$0xAE00] =	vst v12;
	v5 =	vadd.f32 v5, v9;
	v9 =	vld [tilespmem:s3+$0xAE70]  }
0x347: {  	v12 =	vld [tilespmem:s9+$0x2200];
	[tilespmem:s3+$0xAE10] =	vst v6;
	v4 =	vadd.f32 v4, v7  }
0x348: {  	v7 =	vld [tilespmem:s9+$0x2210];
	[tilespmem:s3+$0xAE20] =	vst v5;
	v3 =	vadd.f32 v3, v8  }
0x349: {  	v8 =	vld [tilespmem:s9+$0x2220];
	[tilespmem:s3+$0xAE30] =	vst v4;
	v2 =	vadd.f32 v2, v11  }
0x34a: {  	v11 =	vld [tilespmem:s9+$0x2230];
	[tilespmem:s3+$0xAE40] =	vst v3;
	v1 =	vadd.f32 v1, v10  }
0x34b: {  	v10 =	vld [tilespmem:s9+$0x2240];
	[tilespmem:s3+$0xAE50] =	vst v2;
	v0 =	vadd.f32 v0, v9  }
0x34c: {  	v9 =	vld [tilespmem:s9+$0x2250];
	[tilespmem:s3+$0xAE60] =	vst v1  }
0x34d: {  	v13 =	vld [tilespmem:s9+$0x2260];
	[tilespmem:s3+$0xAE70] =	vst v0;
	s3 =	smov.u32 s9  }
0x34e: {  	v14 =	vld [tilespmem:s3+$0x2270]  }
0x34f: {  	v15 =	vld [tilespmem:s3+$0x2600]  }
0x350: {  	v16 =	vld [tilespmem:s3+$0x2610]  }
0x351: {  	v17 =	vld [tilespmem:s3+$0x2620]  }
0x352: {  	v18 =	vld [tilespmem:s3+$0x2630]  }
0x353: {  	v19 =	vld [tilespmem:s3+$0x2640]  }
0x354: {  	v20 =	vld [tilespmem:s3+$0x2650]  }
0x355: {  	v21 =	vld [tilespmem:s3+$0x2660]  }
0x356: {  	v22 =	vld [tilespmem:s3+$0x2670]  }
0x357: {  	v23 =	vld [tilespmem:s3+$0x2A00]  }
0x358: {  	v24 =	vld [tilespmem:s3+$0x2A10]  }
0x359: {  	v25 =	vld [tilespmem:s3+$0x2A20]  }
0x35a: {  	v26 =	vld [tilespmem:s3+$0x2A30]  }
0x35b: {  	v27 =	vld [tilespmem:s3+$0x2A40]  }
0x35c: {  	v28 =	vld [tilespmem:s3+$0x2A50]  }
0x35d: {  	v29 =	vld [tilespmem:s3+$0x2A60]  }
0x35e: {  	v30 =	vld [tilespmem:s3+$0x2A70]  }
0x35f: {  	v31 =	vld [tilespmem:s3+$0x2E00]  }
0x360: {  	v6 =	vld [tilespmem:s3+$0x2E10]  }
0x361: {  	v5 =	vld [tilespmem:s3+$0x2E20]  }
0x362: {  	v4 =	vld [tilespmem:s3+$0x2E30]  }
0x363: {  	v3 =	vld [tilespmem:s3+$0x2E40]  }
0x364: {  	v2 =	vld [tilespmem:s3+$0x2E50]  }
0x365: {  	v1 =	vld [tilespmem:s3+$0x2E60]  }
0x366: {  	v0 =	vld [tilespmem:s3+$0x2E70]  }
0x367: {  	v32 =	vld [tilespmem:s3+$0xA200]  }
0x368: {  	v33 =	vld [tilespmem:s3+$0xA210]  }
0x369: {  	v34 =	vld [tilespmem:s3+$0xA220]  }
0x36a: {  	v35 =	vld [tilespmem:s3+$0xA230]  }
0x36b: {  	v36 =	vld [tilespmem:s3+$0xA240]  }
0x36c: {  	v12 =	vadd.f32 v12, v32;
	v32 =	vld [tilespmem:s3+$0xA250]  }
0x36d: {  	v7 =	vadd.f32 v7, v33;
	v33 =	vld [tilespmem:s3+$0xA260]  }
0x36e: {  	[tilespmem:s3+$0xA200] =	vst v12;
	v8 =	vadd.f32 v8, v34;
	v12 =	vld [tilespmem:s3+$0xA270]  }
0x36f: {  	[tilespmem:s3+$0xA210] =	vst v7;
	v7 =	vadd.f32 v11, v35;
	v11 =	vld [tilespmem:s3+$0xA600]  }
0x370: {  	[tilespmem:s3+$0xA220] =	vst v8;
	v8 =	vadd.f32 v10, v36;
	v10 =	vld [tilespmem:s3+$0xA610]  }
0x371: {  	[tilespmem:s3+$0xA230] =	vst v7;
	v7 =	vadd.f32 v9, v32;
	v9 =	vld [tilespmem:s3+$0xA620]  }
0x372: {  	[tilespmem:s3+$0xA240] =	vst v8;
	v8 =	vadd.f32 v13, v33;
	v13 =	vld [tilespmem:s3+$0xA630]  }
0x373: {  	[tilespmem:s3+$0xA250] =	vst v7;
	v7 =	vadd.f32 v14, v12;
	v12 =	vld [tilespmem:s3+$0xA640]  }
0x374: {  	[tilespmem:s3+$0xA260] =	vst v8;
	v8 =	vadd.f32 v15, v11;
	v11 =	vld [tilespmem:s3+$0xA650]  }
0x375: {  	[tilespmem:s3+$0xA270] =	vst v7;
	v7 =	vadd.f32 v16, v10;
	v10 =	vld [tilespmem:s3+$0xA660]  }
0x376: {  	[tilespmem:s3+$0xA600] =	vst v8;
	v8 =	vadd.f32 v17, v9;
	v9 =	vld [tilespmem:s3+$0xA670]  }
0x377: {  	[tilespmem:s3+$0xA610] =	vst v7;
	v7 =	vadd.f32 v18, v13;
	v13 =	vld [tilespmem:s3+$0xAA00]  }
0x378: {  	[tilespmem:s3+$0xA620] =	vst v8;
	v8 =	vadd.f32 v19, v12;
	v12 =	vld [tilespmem:s3+$0xAA10]  }
0x379: {  	[tilespmem:s3+$0xA630] =	vst v7;
	v7 =	vadd.f32 v20, v11;
	v11 =	vld [tilespmem:s3+$0xAA20]  }
0x37a: {  	[tilespmem:s3+$0xA640] =	vst v8;
	v8 =	vadd.f32 v21, v10;
	v10 =	vld [tilespmem:s3+$0xAA30]  }
0x37b: {  	[tilespmem:s3+$0xA650] =	vst v7;
	v7 =	vadd.f32 v22, v9;
	v9 =	vld [tilespmem:s3+$0xAA40]  }
0x37c: {  	[tilespmem:s3+$0xA660] =	vst v8;
	v8 =	vadd.f32 v23, v13;
	v13 =	vld [tilespmem:s3+$0xAA50]  }
0x37d: {  	[tilespmem:s3+$0xA670] =	vst v7;
	v7 =	vadd.f32 v24, v12;
	v12 =	vld [tilespmem:s3+$0xAA60]  }
0x37e: {  	[tilespmem:s3+$0xAA00] =	vst v8;
	v8 =	vadd.f32 v25, v11;
	v11 =	vld [tilespmem:s3+$0xAA70]  }
0x37f: {  	[tilespmem:s3+$0xAA10] =	vst v7;
	v7 =	vadd.f32 v26, v10;
	v14 =	vld [tilespmem:s3+$0xAE00]  }
.Ltmp8:
0x380: {  	[tilespmem:s3+$0xAA20] =	vst v8;
	v8 =	vadd.f32 v27, v9;
	v10 =	vld [tilespmem:s3+$0xAE10];
	(pc) =	sbr.rel @p1 .LBB2_9-.Ltmp8, $4  }
0x381: {  	[tilespmem:s3+$0xAA30] =	vst v7;
	v13 =	vadd.f32 v28, v13;
	v9 =	vld [tilespmem:s3+$0xAE20]  }
0x382: {  	[tilespmem:s3+$0xAA40] =	vst v8;
	v12 =	vadd.f32 v29, v12;
	v7 =	vld [tilespmem:s3+$0xAE30]  }
0x383: {  	[tilespmem:s3+$0xAA50] =	vst v13;
	v13 =	vadd.f32 v30, v11;
	v8 =	vld [tilespmem:s3+$0xAE40]  }
0x384: {  	s0 =	sadd.s32 $0x80, s0;
	s2 =	sadd.s32 $0x200, s2;
	[tilespmem:s3+$0xAA60] =	vst v12;
	v12 =	vadd.f32 v31, v14;
	v11 =	vld [tilespmem:s3+$0xAE50]  }
0x385: {  	[tilespmem:s3+$0xAA70] =	vst v13;
	v6 =	vadd.f32 v6, v10;
	v62 =	vld [tilespmem:s3+$0xAE60]  }
0x386: {  	v63 =	vld [tilespmem:s3+$0xAE70];
	[tilespmem:s3+$0xAE00] =	vst v12;
	v5 =	vadd.f32 v5, v9  }
0x387: {  	[tilespmem:s3+$0xAE10] =	vst v6;
	v4 =	vadd.f32 v4, v7  }
0x388: {  	[tilespmem:s3+$0xAE20] =	vst v5;
	v3 =	vadd.f32 v3, v8  }
0x389: {  	[tilespmem:s3+$0xAE30] =	vst v4;
	v2 =	vadd.f32 v2, v11  }
0x38a: {  	[tilespmem:s3+$0xAE40] =	vst v3;
	v1 =	vadd.f32 v1, v62  }
0x38b: {  	v0 =	vadd.f32 v0, v63;
	[tilespmem:s3+$0xAE50] =	vst v2  }
0x38c: {  	[tilespmem:s3+$0xAE60] =	vst v1  }
0x38d: {  	[tilespmem:s3+$0xAE70] =	vst v0  }
.LBB2_11:
0x38e: {  	s0 =	sadd.s32 s5, s31  }
0x38f: {  	[hbm4b:s0+s15] =	stream.strided.scatter [tilespmem:s17], [sflag:$0x5], $0x8000, s16, s15, $0x38;
	[tilespmem:$0x1A200] =	vst v63  }
0x390: {  	_ =	swait.ge [sflag:s21], $0x8000  }
0x391: {  	p1 =	seq.s32 s28, $0x1F;
	[sflag:s21] =	ssyncset.done $0x0  }
0x392: {  	s14 =	sadd.s32 s4, s29;
	s0 =	sadd.s32 @!p1 s11, s30;
	[sflag:s21] =	ssyncadd.s32 $0xFFFF8000  }
0x393: {  	[hbm4b:s14+s15] =	stream.strided.scatter [tilespmem:s18], [sflag:$0x4], $0x8000, s16, s15, $0x38;
	[tilespmem:$0x1A200] =	vst v63  }
0x394: {  	s2 =	simm.s32 @!p1 $0x1000;
	s3 =	simm.s32 @!p1 $0x8000;
	_ =	swait.ge [sflag:s22], $0x8000  }
0x395: {  	s9 =	simm.s32 @!p1 $0xA200;
	s0 =	sshrl.u32 @!p1 s0, $0x3;
	[sflag:s22] =	ssyncset.done $0x0  }
.Ltmp9:
0x396: {  	s0 =	sadd.s32 @!p1 s1, s0;
	[sflag:s22] =	ssyncadd.s32 $0xFFFF8000;
	(pc) =	sbr.rel @!p0 .LBB2_15-.Ltmp9, $4  }
0x397: {  	[tilespmem:s9], [sflag:$0x1] =	stream.strided.gather @!p1 [hbm4b:s0+s2], $0x8000, s3, s2, $0x38;
	[tilespmem:$0x1A200] =	vst v63  }
0x398: {  	s30 =	simm.s32 $0x0;
	_ =	swait.ge [sflag:s23], $0x8000  }
0x399: {  	s31 =	sand.u32 $0x7000, s30;
	s0 =	sand.u32 $0x380, s30;
	[sflag:s23] =	ssyncset.done $0x0  }
0x39a: {  	s3 =	sor.u32 s0, s31;
	[sflag:s23] =	ssyncadd.s32 $0xFFFF8000  }
0x39b: {  	v0 =	vld [tilespmem:s3+$0x2200]  }
0x39c: {  	v1 =	vld [tilespmem:s3+$0x12200]  }
0x39d: {  	v2 =	vld [tilespmem:s3+$0x12210]  }
0x39e: {  	v3 =	vld [tilespmem:s3+$0x12220]  }
0x39f: {  	v4 =	vld [tilespmem:s3+$0x12230]  }
0x3a0: {  	v5 =	vld [tilespmem:s3+$0x12240]  }
0x3a1: {  	v6 =	vld [tilespmem:s3+$0x12250];
	v1 =	vadd.f32 v1, v0  }
0x3a2: {  	v7 =	vld [tilespmem:s3+$0x12260];
	v2 =	vadd.f32 v2, v0  }
0x3a3: {  	v3 =	vadd.f32 v3, v0;
	[tilespmem:s3+$0x12200] =	vst v1;
	v1 =	vld [tilespmem:s3+$0x12270]  }
0x3a4: {  	v4 =	vadd.f32 v4, v0;
	[tilespmem:s3+$0x12210] =	vst v2;
	v2 =	vld [tilespmem:s3+$0x12600]  }
0x3a5: {  	v5 =	vadd.f32 v5, v0;
	[tilespmem:s3+$0x12220] =	vst v3;
	v3 =	vld [tilespmem:s3+$0x12610]  }
0x3a6: {  	v6 =	vadd.f32 v6, v0;
	[tilespmem:s3+$0x12230] =	vst v4;
	v4 =	vld [tilespmem:s3+$0x12620]  }
0x3a7: {  	v7 =	vadd.f32 v7, v0;
	[tilespmem:s3+$0x12240] =	vst v5;
	v5 =	vld [tilespmem:s3+$0x12630]  }
0x3a8: {  	[tilespmem:s3+$0x12250] =	vst v6;
	v6 =	vld [tilespmem:s3+$0x12640];
	v1 =	vadd.f32 v1, v0  }
0x3a9: {  	[tilespmem:s3+$0x12260] =	vst v7;
	v7 =	vld [tilespmem:s3+$0x12650];
	v2 =	vadd.f32 v2, v0  }
0x3aa: {  	v3 =	vadd.f32 v3, v0;
	[tilespmem:s3+$0x12270] =	vst v1;
	v1 =	vld [tilespmem:s3+$0x12660]  }
0x3ab: {  	v4 =	vadd.f32 v4, v0;
	[tilespmem:s3+$0x12600] =	vst v2;
	v2 =	vld [tilespmem:s3+$0x12670]  }
0x3ac: {  	v5 =	vadd.f32 v5, v0;
	[tilespmem:s3+$0x12610] =	vst v3;
	v3 =	vld [tilespmem:s3+$0x12A00]  }
0x3ad: {  	v6 =	vadd.f32 v6, v0;
	[tilespmem:s3+$0x12620] =	vst v4;
	v4 =	vld [tilespmem:s3+$0x12A10]  }
0x3ae: {  	v7 =	vadd.f32 v7, v0;
	[tilespmem:s3+$0x12630] =	vst v5;
	v5 =	vld [tilespmem:s3+$0x12A20]  }
0x3af: {  	[tilespmem:s3+$0x12640] =	vst v6;
	v6 =	vld [tilespmem:s3+$0x12A30];
	v1 =	vadd.f32 v1, v0  }
0x3b0: {  	[tilespmem:s3+$0x12650] =	vst v7;
	v7 =	vld [tilespmem:s3+$0x12A40];
	v2 =	vadd.f32 v2, v0  }
0x3b1: {  	v3 =	vadd.f32 v3, v0;
	[tilespmem:s3+$0x12660] =	vst v1;
	v1 =	vld [tilespmem:s3+$0x12A50]  }
0x3b2: {  	v8 =	vld [tilespmem:s3+$0x12A60];
	[tilespmem:s3+$0x12670] =	vst v2;
	v2 =	vadd.f32 v4, v0  }
0x3b3: {  	v9 =	vld [tilespmem:s3+$0x12A70];
	[tilespmem:s3+$0x12A00] =	vst v3;
	v3 =	vadd.f32 v5, v0  }
0x3b4: {  	v5 =	vld [tilespmem:s3+$0x12E00];
	v4 =	vadd.f32 v6, v0;
	[tilespmem:s3+$0x12A10] =	vst v2  }
0x3b5: {  	v6 =	vadd.f32 v7, v0;
	[tilespmem:s3+$0x12A20] =	vst v3;
	v2 =	vld [tilespmem:s3+$0x12E10]  }
0x3b6: {  	[tilespmem:s3+$0x12A30] =	vst v4;
	v3 =	vld [tilespmem:s3+$0x12E20];
	v4 =	vadd.f32 v1, v0  }
0x3b7: {  	[tilespmem:s3+$0x12A40] =	vst v6;
	v6 =	vadd.f32 v8, v0;
	v1 =	vld [tilespmem:s3+$0x12E30]  }
0x3b8: {  	v7 =	vadd.f32 v9, v0;
	[tilespmem:s3+$0x12A50] =	vst v4;
	v4 =	vld [tilespmem:s3+$0x12E40]  }
0x3b9: {  	s0 =	simm.s32 $0x80;
	s2 =	simm.s32 $0x200;
	[tilespmem:s3+$0x12A60] =	vst v6;
	v6 =	vadd.f32 v5, v0;
	v5 =	vld [tilespmem:s3+$0x12E50]  }
.LBB2_13:
0x3ba: {  	s9 =	sand.u32 $0x7000, s2;
	s14 =	sand.u32 $0x380, s0;
	p1 =	seq.s32 s2, $0x7E00;
	[tilespmem:s3+$0x12A70] =	vst v7;
	v2 =	vadd.f32 v2, v0;
	v7 =	vld [tilespmem:s3+$0x12E60]  }
0x3bb: {  	s9 =	sor.u32 s14, s9;
	[tilespmem:s3+$0x12E00] =	vst v6;
	v3 =	vadd.f32 v3, v0;
	v6 =	vld [tilespmem:s3+$0x12E70]  }
0x3bc: {  	v8 =	vld [tilespmem:s9+$0x2200];
	[tilespmem:s3+$0x12E10] =	vst v2;
	v1 =	vadd.f32 v1, v0  }
0x3bd: {  	v2 =	vld [tilespmem:s9+$0x12200];
	[tilespmem:s3+$0x12E20] =	vst v3;
	v3 =	vadd.f32 v4, v0  }
0x3be: {  	v4 =	vld [tilespmem:s9+$0x12210];
	[tilespmem:s3+$0x12E30] =	vst v1;
	v1 =	vadd.f32 v5, v0  }
0x3bf: {  	v5 =	vld [tilespmem:s9+$0x12220];
	[tilespmem:s3+$0x12E40] =	vst v3;
	v3 =	vadd.f32 v7, v0  }
0x3c0: {  	v7 =	vld [tilespmem:s9+$0x12230];
	[tilespmem:s3+$0x12E50] =	vst v1;
	v1 =	vadd.f32 v6, v0  }
0x3c1: {  	v6 =	vld [tilespmem:s9+$0x12240];
	[tilespmem:s3+$0x12E60] =	vst v3;
	v0 =	vmov v8  }
0x3c2: {  	v2 =	vadd.f32 v2, v0;
	v3 =	vld [tilespmem:s9+$0x12250];
	[tilespmem:s3+$0x12E70] =	vst v1;
	s3 =	smov.u32 s9  }
0x3c3: {  	v1 =	vadd.f32 v4, v0;
	v4 =	vld [tilespmem:s3+$0x12260]  }
0x3c4: {  	[tilespmem:s3+$0x12200] =	vst v2;
	v2 =	vadd.f32 v5, v0;
	v5 =	vld [tilespmem:s3+$0x12270]  }
0x3c5: {  	[tilespmem:s3+$0x12210] =	vst v1;
	v1 =	vadd.f32 v7, v0;
	v7 =	vld [tilespmem:s3+$0x12600]  }
0x3c6: {  	[tilespmem:s3+$0x12220] =	vst v2;
	v2 =	vadd.f32 v6, v0;
	v6 =	vld [tilespmem:s3+$0x12610]  }
0x3c7: {  	[tilespmem:s3+$0x12230] =	vst v1;
	v1 =	vadd.f32 v3, v0;
	v3 =	vld [tilespmem:s3+$0x12620]  }
0x3c8: {  	[tilespmem:s3+$0x12240] =	vst v2;
	v2 =	vadd.f32 v4, v0;
	v4 =	vld [tilespmem:s3+$0x12630]  }
0x3c9: {  	[tilespmem:s3+$0x12250] =	vst v1;
	v1 =	vadd.f32 v5, v0;
	v5 =	vld [tilespmem:s3+$0x12640]  }
0x3ca: {  	[tilespmem:s3+$0x12260] =	vst v2;
	v2 =	vadd.f32 v7, v0;
	v7 =	vld [tilespmem:s3+$0x12650]  }
0x3cb: {  	[tilespmem:s3+$0x12270] =	vst v1;
	v1 =	vadd.f32 v6, v0;
	v6 =	vld [tilespmem:s3+$0x12660]  }
0x3cc: {  	[tilespmem:s3+$0x12600] =	vst v2;
	v2 =	vadd.f32 v3, v0;
	v3 =	vld [tilespmem:s3+$0x12670]  }
0x3cd: {  	[tilespmem:s3+$0x12610] =	vst v1;
	v1 =	vadd.f32 v4, v0;
	v4 =	vld [tilespmem:s3+$0x12A00]  }
0x3ce: {  	[tilespmem:s3+$0x12620] =	vst v2;
	v2 =	vadd.f32 v5, v0;
	v5 =	vld [tilespmem:s3+$0x12A10]  }
0x3cf: {  	[tilespmem:s3+$0x12630] =	vst v1;
	v1 =	vadd.f32 v7, v0;
	v7 =	vld [tilespmem:s3+$0x12A20]  }
0x3d0: {  	[tilespmem:s3+$0x12640] =	vst v2;
	v2 =	vadd.f32 v6, v0;
	v6 =	vld [tilespmem:s3+$0x12A30]  }
0x3d1: {  	[tilespmem:s3+$0x12650] =	vst v1;
	v1 =	vadd.f32 v3, v0;
	v3 =	vld [tilespmem:s3+$0x12A40]  }
0x3d2: {  	[tilespmem:s3+$0x12660] =	vst v2;
	v2 =	vadd.f32 v4, v0;
	v4 =	vld [tilespmem:s3+$0x12A50]  }
0x3d3: {  	[tilespmem:s3+$0x12670] =	vst v1;
	v1 =	vadd.f32 v5, v0;
	v5 =	vld [tilespmem:s3+$0x12A60]  }
0x3d4: {  	[tilespmem:s3+$0x12A00] =	vst v2;
	v2 =	vadd.f32 v7, v0;
	v7 =	vld [tilespmem:s3+$0x12A70]  }
0x3d5: {  	[tilespmem:s3+$0x12A10] =	vst v1;
	v1 =	vadd.f32 v6, v0;
	v6 =	vld [tilespmem:s3+$0x12E00]  }
.Ltmp10:
0x3d6: {  	[tilespmem:s3+$0x12A20] =	vst v2;
	v8 =	vadd.f32 v3, v0;
	v2 =	vld [tilespmem:s3+$0x12E10];
	(pc) =	sbr.rel @!p1 .LBB2_13-.Ltmp10, $4  }
0x3d7: {  	[tilespmem:s3+$0x12A30] =	vst v1;
	v4 =	vadd.f32 v4, v0;
	v3 =	vld [tilespmem:s3+$0x12E20]  }
0x3d8: {  	[tilespmem:s3+$0x12A40] =	vst v8;
	v5 =	vadd.f32 v5, v0;
	v1 =	vld [tilespmem:s3+$0x12E30]  }
0x3d9: {  	[tilespmem:s3+$0x12A50] =	vst v4;
	v7 =	vadd.f32 v7, v0;
	v4 =	vld [tilespmem:s3+$0x12E40]  }
0x3da: {  	s0 =	sadd.s32 $0x80, s0;
	s2 =	sadd.s32 $0x200, s2;
	[tilespmem:s3+$0x12A60] =	vst v5;
	v6 =	vadd.f32 v6, v0;
	v5 =	vld [tilespmem:s3+$0x12E50]  }
0x3db: {  	[tilespmem:s3+$0x12A70] =	vst v7;
	v58 =	vld [tilespmem:s3+$0x12E60];
	v2 =	vadd.f32 v2, v0  }
0x3dc: {  	v59 =	vld [tilespmem:s3+$0x12E70];
	[tilespmem:s3+$0x12E00] =	vst v6;
	v3 =	vadd.f32 v3, v0  }
0x3dd: {  	[tilespmem:s3+$0x12E10] =	vst v2;
	v1 =	vadd.f32 v1, v0  }
0x3de: {  	[tilespmem:s3+$0x12E20] =	vst v3;
	v60 =	vadd.f32 v4, v0  }
.Ltmp11:
0x3df: {  	[tilespmem:s3+$0x12E30] =	vst v1;
	v61 =	vadd.f32 v5, v0;
	(pc) =	sbr.rel .LBB2_18-.Ltmp11, $4  }
0x3e0: {  	[tilespmem:s3+$0x12E40] =	vst v60;
	v62 =	vadd.f32 v58, v0  }
0x3e1: {  	v63 =	vadd.f32 v59, v0;
	[tilespmem:s3+$0x12E50] =	vst v61  }
0x3e2: {  	[tilespmem:s3+$0x12E60] =	vst v62  }
0x3e3: {  	[tilespmem:s3+$0x12E70] =	vst v63  }
.LBB2_15:
0x3e4: {  	v7 =	vld [tilespmem:s3+$0x2200]  }
0x3e5: {  	v8 =	vld [tilespmem:s3+$0x2210]  }
0x3e6: {  	v9 =	vld [tilespmem:s3+$0x2220]  }
0x3e7: {  	v10 =	vld [tilespmem:s3+$0x2230]  }
0x3e8: {  	v11 =	vld [tilespmem:s3+$0x2240]  }
0x3e9: {  	v12 =	vld [tilespmem:s3+$0x2250]  }
0x3ea: {  	v13 =	vld [tilespmem:s3+$0x2260]  }
0x3eb: {  	v14 =	vld [tilespmem:s3+$0x2270]  }
0x3ec: {  	v15 =	vld [tilespmem:s3+$0x2600]  }
0x3ed: {  	v16 =	vld [tilespmem:s3+$0x2610]  }
0x3ee: {  	v17 =	vld [tilespmem:s3+$0x2620]  }
0x3ef: {  	v18 =	vld [tilespmem:s3+$0x2630]  }
0x3f0: {  	v19 =	vld [tilespmem:s3+$0x2640]  }
0x3f1: {  	v20 =	vld [tilespmem:s3+$0x2650]  }
0x3f2: {  	v21 =	vld [tilespmem:s3+$0x2660]  }
0x3f3: {  	v22 =	vld [tilespmem:s3+$0x2670]  }
0x3f4: {  	v23 =	vld [tilespmem:s3+$0x2A00]  }
0x3f5: {  	v24 =	vld [tilespmem:s3+$0x2A10]  }
0x3f6: {  	v25 =	vld [tilespmem:s3+$0x2A20]  }
0x3f7: {  	v26 =	vld [tilespmem:s3+$0x2A30]  }
0x3f8: {  	v27 =	vld [tilespmem:s3+$0x2A40]  }
0x3f9: {  	v28 =	vld [tilespmem:s3+$0x2A50]  }
0x3fa: {  	v29 =	vld [tilespmem:s3+$0x2A60]  }
0x3fb: {  	v30 =	vld [tilespmem:s3+$0x2A70]  }
0x3fc: {  	v31 =	vld [tilespmem:s3+$0x2E00]  }
0x3fd: {  	v6 =	vld [tilespmem:s3+$0x2E10]  }
0x3fe: {  	v5 =	vld [tilespmem:s3+$0x2E20]  }
0x3ff: {  	v4 =	vld [tilespmem:s3+$0x2E30]  }
0x400: {  	v3 =	vld [tilespmem:s3+$0x2E40]  }
0x401: {  	v2 =	vld [tilespmem:s3+$0x2E50]  }
0x402: {  	v1 =	vld [tilespmem:s3+$0x2E60]  }
0x403: {  	v0 =	vld [tilespmem:s3+$0x2E70]  }
0x404: {  	v32 =	vld [tilespmem:s3+$0x12200]  }
0x405: {  	v33 =	vld [tilespmem:s3+$0x12210]  }
0x406: {  	v34 =	vld [tilespmem:s3+$0x12220]  }
0x407: {  	v35 =	vld [tilespmem:s3+$0x12230]  }
0x408: {  	v36 =	vld [tilespmem:s3+$0x12240]  }
0x409: {  	v62 =	vld [tilespmem:s3+$0x12250];
	v7 =	vadd.f32 v7, v32  }
0x40a: {  	v63 =	vld [tilespmem:s3+$0x12260];
	v8 =	vadd.f32 v8, v33  }
0x40b: {  	[tilespmem:s3+$0x12200] =	vst v7;
	v7 =	vadd.f32 v9, v34;
	v9 =	vld [tilespmem:s3+$0x12270]  }
0x40c: {  	[tilespmem:s3+$0x12210] =	vst v8;
	v8 =	vadd.f32 v10, v35;
	v10 =	vld [tilespmem:s3+$0x12600]  }
0x40d: {  	[tilespmem:s3+$0x12220] =	vst v7;
	v7 =	vadd.f32 v11, v36;
	v11 =	vld [tilespmem:s3+$0x12610]  }
0x40e: {  	[tilespmem:s3+$0x12230] =	vst v8;
	v8 =	vadd.f32 v12, v62;
	v12 =	vld [tilespmem:s3+$0x12620]  }
0x40f: {  	[tilespmem:s3+$0x12240] =	vst v7;
	v7 =	vadd.f32 v13, v63;
	v13 =	vld [tilespmem:s3+$0x12630]  }
0x410: {  	[tilespmem:s3+$0x12250] =	vst v8;
	v8 =	vadd.f32 v14, v9;
	v9 =	vld [tilespmem:s3+$0x12640]  }
0x411: {  	[tilespmem:s3+$0x12260] =	vst v7;
	v7 =	vadd.f32 v15, v10;
	v10 =	vld [tilespmem:s3+$0x12650]  }
0x412: {  	[tilespmem:s3+$0x12270] =	vst v8;
	v8 =	vadd.f32 v16, v11;
	v11 =	vld [tilespmem:s3+$0x12660]  }
0x413: {  	[tilespmem:s3+$0x12600] =	vst v7;
	v7 =	vadd.f32 v17, v12;
	v12 =	vld [tilespmem:s3+$0x12670]  }
0x414: {  	[tilespmem:s3+$0x12610] =	vst v8;
	v8 =	vadd.f32 v18, v13;
	v13 =	vld [tilespmem:s3+$0x12A00]  }
0x415: {  	[tilespmem:s3+$0x12620] =	vst v7;
	v7 =	vadd.f32 v19, v9;
	v9 =	vld [tilespmem:s3+$0x12A10]  }
0x416: {  	[tilespmem:s3+$0x12630] =	vst v8;
	v8 =	vadd.f32 v20, v10;
	v10 =	vld [tilespmem:s3+$0x12A20]  }
0x417: {  	[tilespmem:s3+$0x12640] =	vst v7;
	v7 =	vadd.f32 v21, v11;
	v11 =	vld [tilespmem:s3+$0x12A30]  }
0x418: {  	[tilespmem:s3+$0x12650] =	vst v8;
	v8 =	vadd.f32 v22, v12;
	v12 =	vld [tilespmem:s3+$0x12A40]  }
0x419: {  	[tilespmem:s3+$0x12660] =	vst v7;
	v7 =	vadd.f32 v23, v13;
	v13 =	vld [tilespmem:s3+$0x12A50]  }
0x41a: {  	v14 =	vld [tilespmem:s3+$0x12A60];
	[tilespmem:s3+$0x12670] =	vst v8;
	v8 =	vadd.f32 v24, v9  }
0x41b: {  	v15 =	vld [tilespmem:s3+$0x12A70];
	[tilespmem:s3+$0x12A00] =	vst v7;
	v7 =	vadd.f32 v25, v10  }
0x41c: {  	[tilespmem:s3+$0x12A10] =	vst v8;
	v8 =	vadd.f32 v26, v11;
	v11 =	vld [tilespmem:s3+$0x12E00]  }
0x41d: {  	v10 =	vld [tilespmem:s3+$0x12E10];
	[tilespmem:s3+$0x12A20] =	vst v7;
	v7 =	vadd.f32 v27, v12  }
0x41e: {  	v9 =	vld [tilespmem:s3+$0x12E20];
	[tilespmem:s3+$0x12A30] =	vst v8;
	v8 =	vadd.f32 v28, v13  }
0x41f: {  	v12 =	vadd.f32 v29, v14;
	[tilespmem:s3+$0x12A40] =	vst v7;
	v7 =	vld [tilespmem:s3+$0x12E30]  }
0x420: {  	v13 =	vadd.f32 v30, v15;
	[tilespmem:s3+$0x12A50] =	vst v8;
	v8 =	vld [tilespmem:s3+$0x12E40]  }
0x421: {  	s0 =	simm.s32 $0x80;
	s2 =	simm.s32 $0x200;
	[tilespmem:s3+$0x12A60] =	vst v12;
	v12 =	vadd.f32 v31, v11;
	v11 =	vld [tilespmem:s3+$0x12E50]  }
.LBB2_16:
0x422: {  	s9 =	sand.u32 $0x7000, s2;
	s14 =	sand.u32 $0x380, s0;
	p1 =	sne.s32 s2, $0x7E00;
	[tilespmem:s3+$0x12A70] =	vst v13;
	v6 =	vadd.f32 v6, v10;
	v10 =	vld [tilespmem:s3+$0x12E60]  }
0x423: {  	v5 =	vadd.f32 v5, v9;
	s9 =	sor.u32 s14, s9;
	[tilespmem:s3+$0x12E00] =	vst v12;
	v9 =	vld [tilespmem:s3+$0x12E70]  }
0x424: {  	v4 =	vadd.f32 v4, v7;
	v12 =	vld [tilespmem:s9+$0x2200];
	[tilespmem:s3+$0x12E10] =	vst v6  }
0x425: {  	v3 =	vadd.f32 v3, v8;
	v7 =	vld [tilespmem:s9+$0x2210];
	[tilespmem:s3+$0x12E20] =	vst v5  }
0x426: {  	v2 =	vadd.f32 v2, v11;
	v8 =	vld [tilespmem:s9+$0x2220];
	[tilespmem:s3+$0x12E30] =	vst v4  }
0x427: {  	v11 =	vld [tilespmem:s9+$0x2230];
	[tilespmem:s3+$0x12E40] =	vst v3;
	v1 =	vadd.f32 v1, v10  }
0x428: {  	v10 =	vld [tilespmem:s9+$0x2240];
	[tilespmem:s3+$0x12E50] =	vst v2;
	v0 =	vadd.f32 v0, v9  }
0x429: {  	v9 =	vld [tilespmem:s9+$0x2250];
	[tilespmem:s3+$0x12E60] =	vst v1  }
0x42a: {  	v13 =	vld [tilespmem:s9+$0x2260];
	[tilespmem:s3+$0x12E70] =	vst v0;
	s3 =	smov.u32 s9  }
0x42b: {  	v14 =	vld [tilespmem:s3+$0x2270]  }
0x42c: {  	v15 =	vld [tilespmem:s3+$0x2600]  }
0x42d: {  	v16 =	vld [tilespmem:s3+$0x2610]  }
0x42e: {  	v17 =	vld [tilespmem:s3+$0x2620]  }
0x42f: {  	v18 =	vld [tilespmem:s3+$0x2630]  }
0x430: {  	v19 =	vld [tilespmem:s3+$0x2640]  }
0x431: {  	v20 =	vld [tilespmem:s3+$0x2650]  }
0x432: {  	v21 =	vld [tilespmem:s3+$0x2660]  }
0x433: {  	v22 =	vld [tilespmem:s3+$0x2670]  }
0x434: {  	v23 =	vld [tilespmem:s3+$0x2A00]  }
0x435: {  	v24 =	vld [tilespmem:s3+$0x2A10]  }
0x436: {  	v25 =	vld [tilespmem:s3+$0x2A20]  }
0x437: {  	v26 =	vld [tilespmem:s3+$0x2A30]  }
0x438: {  	v27 =	vld [tilespmem:s3+$0x2A40]  }
0x439: {  	v28 =	vld [tilespmem:s3+$0x2A50]  }
0x43a: {  	v29 =	vld [tilespmem:s3+$0x2A60]  }
0x43b: {  	v30 =	vld [tilespmem:s3+$0x2A70]  }
0x43c: {  	v31 =	vld [tilespmem:s3+$0x2E00]  }
0x43d: {  	v6 =	vld [tilespmem:s3+$0x2E10]  }
0x43e: {  	v5 =	vld [tilespmem:s3+$0x2E20]  }
0x43f: {  	v4 =	vld [tilespmem:s3+$0x2E30]  }
0x440: {  	v3 =	vld [tilespmem:s3+$0x2E40]  }
0x441: {  	v2 =	vld [tilespmem:s3+$0x2E50]  }
0x442: {  	v1 =	vld [tilespmem:s3+$0x2E60]  }
0x443: {  	v0 =	vld [tilespmem:s3+$0x2E70]  }
0x444: {  	v32 =	vld [tilespmem:s3+$0x12200]  }
0x445: {  	v33 =	vld [tilespmem:s3+$0x12210]  }
0x446: {  	v34 =	vld [tilespmem:s3+$0x12220]  }
0x447: {  	v35 =	vld [tilespmem:s3+$0x12230]  }
0x448: {  	v36 =	vld [tilespmem:s3+$0x12240]  }
0x449: {  	v12 =	vadd.f32 v12, v32;
	v32 =	vld [tilespmem:s3+$0x12250]  }
0x44a: {  	v7 =	vadd.f32 v7, v33;
	v33 =	vld [tilespmem:s3+$0x12260]  }
0x44b: {  	[tilespmem:s3+$0x12200] =	vst v12;
	v8 =	vadd.f32 v8, v34;
	v12 =	vld [tilespmem:s3+$0x12270]  }
0x44c: {  	[tilespmem:s3+$0x12210] =	vst v7;
	v7 =	vadd.f32 v11, v35;
	v11 =	vld [tilespmem:s3+$0x12600]  }
0x44d: {  	[tilespmem:s3+$0x12220] =	vst v8;
	v8 =	vadd.f32 v10, v36;
	v10 =	vld [tilespmem:s3+$0x12610]  }
0x44e: {  	[tilespmem:s3+$0x12230] =	vst v7;
	v7 =	vadd.f32 v9, v32;
	v9 =	vld [tilespmem:s3+$0x12620]  }
0x44f: {  	[tilespmem:s3+$0x12240] =	vst v8;
	v8 =	vadd.f32 v13, v33;
	v13 =	vld [tilespmem:s3+$0x12630]  }
0x450: {  	[tilespmem:s3+$0x12250] =	vst v7;
	v7 =	vadd.f32 v14, v12;
	v12 =	vld [tilespmem:s3+$0x12640]  }
0x451: {  	[tilespmem:s3+$0x12260] =	vst v8;
	v8 =	vadd.f32 v15, v11;
	v11 =	vld [tilespmem:s3+$0x12650]  }
0x452: {  	[tilespmem:s3+$0x12270] =	vst v7;
	v7 =	vadd.f32 v16, v10;
	v10 =	vld [tilespmem:s3+$0x12660]  }
0x453: {  	[tilespmem:s3+$0x12600] =	vst v8;
	v8 =	vadd.f32 v17, v9;
	v9 =	vld [tilespmem:s3+$0x12670]  }
0x454: {  	[tilespmem:s3+$0x12610] =	vst v7;
	v7 =	vadd.f32 v18, v13;
	v13 =	vld [tilespmem:s3+$0x12A00]  }
0x455: {  	[tilespmem:s3+$0x12620] =	vst v8;
	v8 =	vadd.f32 v19, v12;
	v12 =	vld [tilespmem:s3+$0x12A10]  }
0x456: {  	[tilespmem:s3+$0x12630] =	vst v7;
	v7 =	vadd.f32 v20, v11;
	v11 =	vld [tilespmem:s3+$0x12A20]  }
0x457: {  	[tilespmem:s3+$0x12640] =	vst v8;
	v8 =	vadd.f32 v21, v10;
	v10 =	vld [tilespmem:s3+$0x12A30]  }
0x458: {  	[tilespmem:s3+$0x12650] =	vst v7;
	v7 =	vadd.f32 v22, v9;
	v9 =	vld [tilespmem:s3+$0x12A40]  }
0x459: {  	[tilespmem:s3+$0x12660] =	vst v8;
	v8 =	vadd.f32 v23, v13;
	v13 =	vld [tilespmem:s3+$0x12A50]  }
0x45a: {  	[tilespmem:s3+$0x12670] =	vst v7;
	v7 =	vadd.f32 v24, v12;
	v12 =	vld [tilespmem:s3+$0x12A60]  }
0x45b: {  	[tilespmem:s3+$0x12A00] =	vst v8;
	v8 =	vadd.f32 v25, v11;
	v11 =	vld [tilespmem:s3+$0x12A70]  }
0x45c: {  	[tilespmem:s3+$0x12A10] =	vst v7;
	v7 =	vadd.f32 v26, v10;
	v14 =	vld [tilespmem:s3+$0x12E00]  }
.Ltmp12:
0x45d: {  	[tilespmem:s3+$0x12A20] =	vst v8;
	v8 =	vadd.f32 v27, v9;
	v10 =	vld [tilespmem:s3+$0x12E10];
	(pc) =	sbr.rel @p1 .LBB2_16-.Ltmp12, $4  }
0x45e: {  	[tilespmem:s3+$0x12A30] =	vst v7;
	v13 =	vadd.f32 v28, v13;
	v9 =	vld [tilespmem:s3+$0x12E20]  }
0x45f: {  	[tilespmem:s3+$0x12A40] =	vst v8;
	v12 =	vadd.f32 v29, v12;
	v7 =	vld [tilespmem:s3+$0x12E30]  }
0x460: {  	[tilespmem:s3+$0x12A50] =	vst v13;
	v13 =	vadd.f32 v30, v11;
	v8 =	vld [tilespmem:s3+$0x12E40]  }
0x461: {  	s0 =	sadd.s32 $0x80, s0;
	s2 =	sadd.s32 $0x200, s2;
	[tilespmem:s3+$0x12A60] =	vst v12;
	v12 =	vadd.f32 v31, v14;
	v11 =	vld [tilespmem:s3+$0x12E50]  }
.Ltmp13:
0x462: {  	_ = 	snop;
	(pc) =	sbr.rel .LBB2_17-.Ltmp13, $1  }
0x463: {  	_ =	sdelay $0x3  }
.LBB2_20:
0x464: {  	_ =	sfence.sel $0x180000  }
0x465: {  	[bflag:$0x0] =	sbarrier.arrive $0xFFFF  }
0x466: {  	_ =	strace $0x90000047  }
0x467: {  	s0 =	stileid.u32;
	[bflag:$0x2] =	sbarrier.arrive $0xFFFF  }
0x468: {  	p0 =	sne.s32 s0, $0x0;
	s0 =	rddreg [dreg:$0x5]  }
0x469: {  	s0 =	sadd.s32 @!p0 $0x100000, s0  }
0x46a: {  	[sflag:s0] =	ssyncadd.tile.s32 @!p0 $0x1;
	_ =	shalt  }
.Lfunc_end2:
_tile_overlayer_lowered:
.L_overlay_start_2:
0x46b: {  	(tag) =	ssettag $0x2  }
0x46c: {  	s0 =	rddreg [dreg:$0x0];
	s2 =	stileid.u32  }
0x46d: {  	s1 =	rddreg [dreg:$0x1];
	p0 =	sne.s32 s2, $0x0  }
0x46e: {  	s3 =	rddreg [dreg:$0x2];
	[bflag:$0x3] =	sbarrier.arrive $0xFFFF;
	s2 =	simm.s32 @!p0 $0x1C07  }
0x46f: {  	[timem:s3], [sflag:s2] =	dma.local @!p0 [hbm:s0], s1  }
0x470: {  	s0 =	simm.s32 @!p0 $0x7  }
0x471: {  	_ =	swait.ge @!p0 [sflag:s0], s1  }
0x472: {  	s1 =	ssub.s32 @!p0 $0x0, s1;
	[sflag:s0] =	ssyncset.done @!p0 $0x0  }
0x473: {  	[sflag:s0] =	ssyncadd.s32 @!p0 s1  }
0x474: {  	[bflag:$0x3] =	sbarrier.arrive $0xFFFF  }
0x475: {  	_ =	shalt  }

</sc_bundles>
